<compile_context>
chip_gen: v7x
topology: tpu7x:2x2x1
jax: 0.10.2.dev20260603
libtpu: 0.0.44.dev20260713+nightly
codegen_flags: <defaults>
</compile_context>

<pallas_src>
import functools

import jax
import jax.numpy as jnp
from jax import lax
from jax.experimental import pallas as pl
from jax.experimental.pallas import tpu as pltpu
from jax.experimental.pallas import tpu_sc as plsc

_N = 10000
_E = 320000
_D = 128
_B = 64
_K = 3
_NC = 10

_NPAD = 10240
_NW = 32
_CHUNK = 128
_CH = 80
_EPW = _CH * _CHUNK
_EPAD = _NW * _EPW
_DUMMY_ROW = _N + 8
_RPT = _NPAD // 16
_ST = 16
_NST = _CH // _ST
_BLK = 512
_NBLK = _NPAD // _BLK

_mesh = plsc.VectorSubcoreMesh(core_axis_name="c", subcore_axis_name="s")



def _sc_degree(dst3, ones128, zfull):
    @functools.partial(
        pl.kernel, mesh=_mesh,
        out_type=jax.ShapeDtypeStruct((2, _NPAD, _D), jnp.float32),
        scratch_types=[
            pltpu.VMEM((_CH, _CHUNK), jnp.int32),
            pltpu.VMEM((_CHUNK, _D), jnp.float32),
            pltpu.VMEM_SHARED((_NPAD, _D), jnp.float32),
        ],
    )
    def k(dst_hbm, ones_hbm, z_hbm, out_hbm, idx_v, ones_v, deg_sp):
        c = lax.axis_index("c")
        s = lax.axis_index("s")
        wid = s * 2 + c
        pltpu.sync_copy(dst_hbm.at[wid], idx_v)
        pltpu.sync_copy(ones_hbm, ones_v)
        r0 = s * _RPT
        pltpu.sync_copy(z_hbm.at[pl.ds(r0, _RPT)], deg_sp.at[pl.ds(r0, _RPT)])
        plsc.subcore_barrier()

        @pl.loop(0, _CH)
        def _(j):
            pltpu.sync_copy(ones_v, deg_sp.at[idx_v.at[j]], add=True)

        plsc.subcore_barrier()
        pltpu.sync_copy(deg_sp.at[pl.ds(r0, _RPT)],
                        out_hbm.at[c, pl.ds(r0, _RPT)])

    return k(dst3, ones128, zfull)


def _sc_propagate(g, src3, dst3, zfull):
    @functools.partial(
        pl.kernel, mesh=_mesh,
        out_type=jax.ShapeDtypeStruct((2, _NPAD, _D), jnp.float32),
        scratch_types=[
            pltpu.VMEM((_ST, _CHUNK), jnp.int32),
            pltpu.VMEM((_ST, _CHUNK), jnp.int32),
            pltpu.VMEM((_CHUNK, _D), jnp.float32),
            pltpu.VMEM((_CHUNK, _D), jnp.float32),
            pltpu.VMEM_SHARED((_NPAD, _D), jnp.float32),
            pltpu.SemaphoreType.DMA,
            pltpu.SemaphoreType.DMA,
        ],
    )
    def k(g_hbm, s_hbm, d_hbm, z_hbm, out_hbm, si_v, di_v, buf0, buf1,
          agg_sp, gsem0, gsem1):
        c = lax.axis_index("c")
        s = lax.axis_index("s")
        wid = s * 2 + c
        r0 = s * _RPT
        pltpu.sync_copy(z_hbm.at[pl.ds(r0, _RPT)], agg_sp.at[pl.ds(r0, _RPT)])
        plsc.subcore_barrier()

        bufs = (buf0, buf1)
        sems = (gsem0, gsem1)

        @pl.loop(0, _NST)
        def _(st):
            pltpu.sync_copy(s_hbm.at[wid, pl.ds(st * _ST, _ST)], si_v)
            pltpu.sync_copy(d_hbm.at[wid, pl.ds(st * _ST, _ST)], di_v)
            h = pltpu.async_copy(g_hbm.at[si_v.at[0]], bufs[0], sems[0])
            for j in range(_ST):
                h.wait()
                if j + 1 < _ST:
                    h = pltpu.async_copy(g_hbm.at[si_v.at[j + 1]],
                                         bufs[(j + 1) % 2], sems[(j + 1) % 2])
                pltpu.sync_copy(bufs[j % 2], agg_sp.at[di_v.at[j]], add=True)

        plsc.subcore_barrier()
        pltpu.sync_copy(agg_sp.at[pl.ds(r0, _RPT)],
                        out_hbm.at[c, pl.ds(r0, _RPT)])

    return k(g, src3, dst3, zfull)



def _prep_body(degp_ref, x_ref, dis_ref, g_ref):
    dp = degp_ref[...]
    deg = dp[0, :, 0:1] + dp[1, :, 0:1] + 1.0
    dis = lax.rsqrt(deg)
    dis_ref[...] = dis
    g_ref[...] = x_ref[...] * dis


def _tc_prep(degp, xp):
    return pl.pallas_call(
        _prep_body,
        grid=(_NBLK,),
        in_specs=[
            pl.BlockSpec((2, _BLK, _D), lambda i: (0, i, 0)),
            pl.BlockSpec((_BLK, _D), lambda i: (i, 0)),
        ],
        out_specs=[
            pl.BlockSpec((_BLK, 1), lambda i: (i, 0)),
            pl.BlockSpec((_BLK, _D), lambda i: (i, 0)),
        ],
        out_shape=[
            jax.ShapeDtypeStruct((_NPAD, 1), jnp.float32),
            jax.ShapeDtypeStruct((_NPAD, _D), jnp.float32),
        ],
    )(degp, xp)


def _mix_body(t_ref, g_ref, h_ref, dis_ref, h1_ref, g1_ref):
    t = t_ref[...]
    dis = dis_ref[...]
    ssum = t[0] + t[1] + g_ref[...]
    h1 = 0.5 * (dis * ssum) + 0.5 * h_ref[...]
    h1_ref[...] = h1
    g1_ref[...] = dis * h1


def _tc_mix(t, g, h, dis):
    return pl.pallas_call(
        _mix_body,
        grid=(_NBLK,),
        in_specs=[
            pl.BlockSpec((2, _BLK, _D), lambda i: (0, i, 0)),
            pl.BlockSpec((_BLK, _D), lambda i: (i, 0)),
            pl.BlockSpec((_BLK, _D), lambda i: (i, 0)),
            pl.BlockSpec((_BLK, 1), lambda i: (i, 0)),
        ],
        out_specs=[
            pl.BlockSpec((_BLK, _D), lambda i: (i, 0)),
            pl.BlockSpec((_BLK, _D), lambda i: (i, 0)),
        ],
        out_shape=[
            jax.ShapeDtypeStruct((_NPAD, _D), jnp.float32),
            jax.ShapeDtypeStruct((_NPAD, _D), jnp.float32),
        ],
    )(t, g, h, dis)


def _pool_body(h_ref, b_ref, wc_ref, bc_ref, wro_ref, bro_ref,
               denom_ref, gsp_ref, gmp_ref):
    i = pl.program_id(0)

    @pl.when(i == 0)
    def _():
        denom_ref[...] = jnp.zeros_like(denom_ref)
        gsp_ref[...] = jnp.zeros_like(gsp_ref)
        gmp_ref[...] = jnp.full_like(gmp_ref, -1e30)

    h = h_ref[...]
    hc = jnp.dot(h, wc_ref[...], preferred_element_type=jnp.float32)
    hc = jnp.maximum(hc + bc_ref[...], 0.0)
    z = jnp.dot(hc, wro_ref[...], preferred_element_type=jnp.float32)
    z = z + bro_ref[...]
    v = 1.0 / (1.0 + jnp.exp(-z))
    vexp = jnp.exp(v)

    b = b_ref[...]
    seg = lax.broadcasted_iota(jnp.int32, (_BLK, _B), 1)
    msk = b == seg
    oh = msk.astype(jnp.float32)

    dims = (((0,), (0,)), ((), ()))
    denom_ref[...] += lax.dot_general(oh, vexp, dims,
                                      preferred_element_type=jnp.float32)
    gsp_ref[...] += lax.dot_general(oh, vexp * hc, dims,
                                    preferred_element_type=jnp.float32)

    def seg_body(s_i, _):
        m = b == s_i
        row = jnp.max(jnp.where(m, hc, -1e30), axis=0, keepdims=True)
        gmp_ref[pl.ds(s_i, 1), :] = jnp.maximum(gmp_ref[pl.ds(s_i, 1), :], row)
        return 0

    lax.fori_loop(0, _B, seg_body, 0)


def _tc_pool(hp, bp, W_conv, b_conv, w_ro, b_ro):
    return pl.pallas_call(
        _pool_body,
        grid=(_NBLK,),
        in_specs=[
            pl.BlockSpec((_BLK, _D), lambda i: (i, 0)),
            pl.BlockSpec((_BLK, 1), lambda i: (i, 0)),
            pl.BlockSpec((_D, _D), lambda i: (0, 0)),
            pl.BlockSpec((1, _D), lambda i: (0, 0)),
            pl.BlockSpec((_D, 1), lambda i: (0, 0)),
            pl.BlockSpec((1, 1), lambda i: (0, 0)),
        ],
        out_specs=[
            pl.BlockSpec((_B, 1), lambda i: (0, 0)),
            pl.BlockSpec((_B, _D), lambda i: (0, 0)),
            pl.BlockSpec((_B, _D), lambda i: (0, 0)),
        ],
        out_shape=[
            jax.ShapeDtypeStruct((_B, 1), jnp.float32),
            jax.ShapeDtypeStruct((_B, _D), jnp.float32),
            jax.ShapeDtypeStruct((_B, _D), jnp.float32),
        ],
    )(hp, bp, W_conv, b_conv, w_ro, b_ro)


def _head_body(denom_ref, gsp_ref, gmp_ref, w1a_ref, w1b_ref, b1_ref,
               w2_ref, b2_ref, w3_ref, b3_ref, out_ref):
    gsp = gsp_ref[...] / (denom_ref[...] + 1e-16)
    gmp = gmp_ref[...]
    o = jnp.dot(gmp, w1a_ref[...], preferred_element_type=jnp.float32)
    o = o + jnp.dot(gsp, w1b_ref[...], preferred_element_type=jnp.float32)
    o = jnp.maximum(o + b1_ref[...], 0.0)
    o = jnp.dot(o, w2_ref[...], preferred_element_type=jnp.float32)
    o = jnp.maximum(o + b2_ref[...], 0.0)
    o = jnp.dot(o, w3_ref[...], preferred_element_type=jnp.float32)
    o = o + b3_ref[...]
    m = jnp.max(o, axis=1, keepdims=True)
    e = jnp.exp(o - m)
    out_ref[...] = (o - m) - jnp.log(jnp.sum(e, axis=1, keepdims=True))


def _tc_head(denom, gsp_un, gmp, W1, b1, W2, b2, W3, b3):
    return pl.pallas_call(
        _head_body,
        out_shape=jax.ShapeDtypeStruct((_B, _NC), jnp.float32),
    )(denom, gsp_un, gmp, W1[:_D], W1[_D:], b1.reshape(1, -1),
      W2, b2.reshape(1, -1), W3, b3.reshape(1, -1))



@jax.jit
def _run(x, edge_index, batch, W_conv, b_conv, w_ro, b_ro,
         W1, b1, W2, b2, W3, b3):
    src = edge_index[0].astype(jnp.int32)
    dst = edge_index[1].astype(jnp.int32)
    epad_n = _EPAD - _E
    pad_rows = _N + (jnp.arange(epad_n, dtype=jnp.int32) % (_NPAD - _N))
    src3 = jnp.concatenate([src, pad_rows]).reshape(_NW, _CH, _CHUNK)
    dst3 = jnp.concatenate([dst, pad_rows]).reshape(_NW, _CH, _CHUNK)

    xp = jnp.pad(x, ((0, _NPAD - _N), (0, 0)))
    bp = jnp.pad(batch.astype(jnp.int32), (0, _NPAD - _N),
                 constant_values=_B).reshape(_NPAD, 1)

    ones128 = jnp.ones((_CHUNK, _D), jnp.float32)
    zfull = jnp.zeros((_NPAD, _D), jnp.float32)

    degp = _sc_degree(dst3, ones128, zfull)
    dis, g = _tc_prep(degp, xp)

    h = xp
    for _ in range(_K):
        t = _sc_propagate(g, src3, dst3, zfull)
        h, g = _tc_mix(t, g, h, dis)

    denom, gsp_un, gmp = _tc_pool(h, bp, W_conv, b_conv.reshape(1, _D),
                                  w_ro, b_ro.reshape(1, 1))
    return _tc_head(denom, gsp_un, gmp, W1, b1, W2, b2, W3, b3)


def kernel(x, edge_index, batch, W_conv, b_conv, w_ro, b_ro,
           W1, b1, W2, b2, W3, b3):
    return _run(x, edge_index, batch, W_conv, b_conv, w_ro, b_ro,
                W1, b1, W2, b2, W3, b3)

# --- scband reference (transcript-rebuilt; emitter-appended) ---
"""Pipeline reference for scband-scalble-dat-net-57604101374251 (READ-ONLY COPY).

The authoritative reference and input builder live on the scoring server;
editing this copy changes nothing except your own understanding.
"""

import jax, jax.numpy as jnp
import numpy as np

N = 10000
E = 320000
D = 128
NH = 128
B = 64
K = 3
NC = 10
ALPHA = 0.5


def setup_inputs(seed: int = 0) -> dict:
    key = jax.random.key(seed)
    ks = jax.random.split(key, 16)
    x = jax.random.normal(ks[0], (N, D), dtype=jnp.float32)
    edge_index = jax.random.randint(ks[1], (2, E), 0, N)
    batch = jnp.sort(jax.random.randint(ks[2], (N,), 0, B))
    W_conv = jax.random.normal(ks[3], (D, NH), dtype=jnp.float32) * (1.0 / np.sqrt(D))
    b_conv = jnp.zeros((NH,), dtype=jnp.float32)
    w_ro = jax.random.normal(ks[4], (NH, 1), dtype=jnp.float32) * (1.0 / np.sqrt(NH))
    b_ro = jnp.zeros((1,), dtype=jnp.float32)
    W1 = jax.random.normal(ks[5], (2 * NH, NH), dtype=jnp.float32) * (1.0 / np.sqrt(2 * NH))
    b1 = jnp.zeros((NH,), dtype=jnp.float32)
    W2 = jax.random.normal(ks[6], (NH, NH // 2), dtype=jnp.float32) * (1.0 / np.sqrt(NH))
    b2 = jnp.zeros((NH // 2,), dtype=jnp.float32)
    W3 = jax.random.normal(ks[7], (NH // 2, NC), dtype=jnp.float32) * (1.0 / np.sqrt(NH // 2))
    b3 = jnp.zeros((NC,), dtype=jnp.float32)
    return {"x": x, "edge_index": edge_index, "batch": batch,
            "W_conv": W_conv, "b_conv": b_conv, "w_ro": w_ro, "b_ro": b_ro,
            "W1": W1, "b1": b1, "W2": W2, "b2": b2, "W3": W3, "b3": b3}


def reference(x, edge_index, batch, W_conv, b_conv, w_ro, b_ro, W1, b1, W2, b2, W3, b3):
    n = x.shape[0]
    loop = jnp.arange(n)
    src = jnp.concatenate([edge_index[0], loop])
    dst = jnp.concatenate([edge_index[1], loop])
    deg = jax.ops.segment_sum(jnp.ones_like(dst, dtype=jnp.float32), dst, num_segments=n)
    dis = jnp.where(deg > 0, 1.0 / jnp.sqrt(deg), 0.0)
    norm = dis[src] * dis[dst]
    # SGC-style K-step propagation with residual mixing alpha=0.5 (SGC_DAT2 approximation)
    h = x
    for _ in range(K):
        msg = h[src] * norm[:, None]
        agg = jax.ops.segment_sum(msg, dst, num_segments=n)
        h = ALPHA * agg + (1.0 - ALPHA) * h
    h = h @ W_conv + b_conv
    h = jax.nn.relu(h)
    # new_readout3: scatter-softmax attention readout + global max pool
    v = jax.nn.sigmoid(h @ w_ro + b_ro)  # [N, 1]
    seg_max = jax.ops.segment_max(v, batch, num_segments=B)
    v_exp = jnp.exp(v - seg_max[batch])
    denom = jax.ops.segment_sum(v_exp, batch, num_segments=B)
    v = v_exp / (denom[batch] + 1e-16)
    sv = v * h
    gmp = jax.ops.segment_max(h, batch, num_segments=B)
    gsp = jax.ops.segment_sum(sv, batch, num_segments=B)
    x3 = jnp.concatenate([gmp, gsp], axis=1)  # [B, 2*NH]
    out = jax.nn.relu(x3 @ W1 + b1)
    out = jax.nn.relu(out @ W2 + b2)
    out = jax.nn.log_softmax(out @ W3 + b3, axis=-1)
    return out

if __name__ == "__main__":
    import jax
    _d = setup_inputs()
    print(jax.jit(kernel)(*tuple(_d.values())))

</pallas_src>

<mosaic_0001>
#map = affine_map<(d0, d1) -> (0, 0)>
#map1 = affine_map<(d0, d1) -> (0, 0, 0)>
module attributes {stable_mosaic.version = 14 : i64} {
  func.func @k(%arg0: i32, %arg1: i32, %arg2: memref<10240x128xf32, #tpu.memory_space<hbm>>, %arg3: memref<32x80x128xi32, #tpu.memory_space<hbm>>, %arg4: memref<32x80x128xi32, #tpu.memory_space<hbm>>, %arg5: memref<10240x128xf32, #tpu.memory_space<hbm>>, %arg6: memref<2x10240x128xf32, #tpu.memory_space<hbm>>, %arg7: memref<16x128xi32, #tpu.memory_space<vmem>>, %arg8: memref<16x128xi32, #tpu.memory_space<vmem>>, %arg9: memref<128x128xf32, #tpu.memory_space<vmem>>, %arg10: memref<128x128xf32, #tpu.memory_space<vmem>>, %arg11: memref<10240x128xf32, #tpu.memory_space<vmem_shared>>, %arg12: memref<!tpu.dma_semaphore, #tpu.memory_space<semaphore_mem>>, %arg13: memref<!tpu.dma_semaphore, #tpu.memory_space<semaphore_mem>>) attributes {dimension_semantics = [#tpu.dimension_semantics<core_parallel>, #tpu.dimension_semantics<subcore_parallel>], iteration_bounds = array<i64: 2, 16>, scalar_prefetch = 0 : i64, scratch_operands = 7 : i64, tpu.core_type = #tpu.core_type<sc_vector_subcore>, window_params = [{transform_indices = #map}, {transform_indices = #map1}, {transform_indices = #map1}, {transform_indices = #map}, {transform_indices = #map1}]} {
    %mul3A = arith.constant 2 : i32
    %mul3A_0 = arith.muli %arg1, %mul3A : i32
    %add3A = arith.addi %mul3A_0, %arg0 : i32
    %mul3A_1 = arith.constant 640 : i32
    %mul3A_2 = arith.muli %arg1, %mul3A_1 : i32
    "tpu.region"() ({
      %run_scoped3A = tpu.sem_alloc : memref<!tpu.dma_semaphore, #tpu.memory_space<semaphore_mem>>
      %dma_start3A = arith.constant 0 : i32
      %dma_start3A_8 = tpu.memref_slice %arg11[%mul3A_2, %dma_start3A] : memref<10240x128xf32, #tpu.memory_space<vmem_shared>> -> memref<640x128xf32, #tpu.memory_space<vmem_shared>>
      %dma_start3A_9 = arith.constant 0 : i32
      %dma_start3A_10 = tpu.memref_slice %arg5[%mul3A_2, %dma_start3A_9] : memref<10240x128xf32, #tpu.memory_space<hbm>> -> memref<640x128xf32, #tpu.memory_space<hbm>>
      tpu.enqueue_dma source(%dma_start3A_10 : memref<640x128xf32, #tpu.memory_space<hbm>>) target(%dma_start3A_8 : memref<640x128xf32, #tpu.memory_space<vmem_shared>>) target_semaphore(%run_scoped3A : memref<!tpu.dma_semaphore, #tpu.memory_space<semaphore_mem>>)
      %dma_wait3A = arith.constant 0 : i32
      %dma_wait3A_11 = tpu.memref_slice %arg11[%mul3A_2, %dma_wait3A] : memref<10240x128xf32, #tpu.memory_space<vmem_shared>> -> memref<640x128xf32, #tpu.memory_space<vmem_shared>>
      %dma_wait3A_12 = arith.constant 0 : i32
      %dma_wait3A_13 = tpu.memref_slice %arg5[%mul3A_2, %dma_wait3A_12] : memref<10240x128xf32, #tpu.memory_space<hbm>> -> memref<640x128xf32, #tpu.memory_space<hbm>>
      tpu.wait_dma2 semaphore(%run_scoped3A : memref<!tpu.dma_semaphore, #tpu.memory_space<semaphore_mem>>) src(%dma_wait3A_13 : memref<640x128xf32, #tpu.memory_space<hbm>>) dst(%dma_wait3A_11 : memref<640x128xf32, #tpu.memory_space<vmem_shared>>)
      tpu.yield
    }) : () -> ()
    %barrier3A = arith.constant 0 : index
    tpu.barrier barrier_id(%barrier3A)
    %scan3A = arith.constant 0 : i32
    %scan3A_3 = arith.constant 5 : i32
    %scan3A_4 = arith.addi %scan3A, %scan3A_3 : i32
    %scan3A_5 = arith.constant 1 : i32
    scf.for %scan3A_8 = %scan3A to %scan3A_4 step %scan3A_5  : i32 {
      %mul3A_9 = arith.constant 1 : i32
      %mul3A_10 = arith.muli %scan3A_8, %mul3A_9 : i32
      %add3A_11 = arith.constant 0 : i32
      %add3A_12 = arith.addi %add3A_11, %mul3A_10 : i32
      %mul3A_13 = arith.constant 16 : i32
      %mul3A_14 = arith.muli %add3A_12, %mul3A_13 : i32
      "tpu.region"() ({
        %run_scoped3A_254 = tpu.sem_alloc : memref<!tpu.dma_semaphore, #tpu.memory_space<semaphore_mem>>
        %dma_start3A_255 = arith.constant 0 : i32
        %dma_start3A_256 = tpu.memref_slice %arg3[%add3A, %mul3A_14, %dma_start3A_255] : memref<32x80x128xi32, #tpu.memory_space<hbm>> -> memref<1x16x128xi32, #tpu.memory_space<hbm>>
        %dma_start3A_257 = tpu.memref_squeeze %dma_start3A_256 : memref<1x16x128xi32, #tpu.memory_space<hbm>> -> memref<16x128xi32, #tpu.memory_space<hbm>>
        %dma_start3A_258 = arith.constant 0 : i32
        %dma_start3A_259 = tpu.memref_slice %arg3[%add3A, %mul3A_14, %dma_start3A_258] : memref<32x80x128xi32, #tpu.memory_space<hbm>> -> memref<1x16x128xi32, #tpu.memory_space<hbm>>
        %dma_start3A_260 = tpu.memref_squeeze %dma_start3A_259 : memref<1x16x128xi32, #tpu.memory_space<hbm>> -> memref<16x128xi32, #tpu.memory_space<hbm>>
        tpu.enqueue_dma source(%dma_start3A_260 : memref<16x128xi32, #tpu.memory_space<hbm>>) target(%arg7 : memref<16x128xi32, #tpu.memory_space<vmem>>) target_semaphore(%run_scoped3A_254 : memref<!tpu.dma_semaphore, #tpu.memory_space<semaphore_mem>>)
        %dma_wait3A_261 = arith.constant 0 : i32
        %dma_wait3A_262 = tpu.memref_slice %arg3[%add3A, %mul3A_14, %dma_wait3A_261] : memref<32x80x128xi32, #tpu.memory_space<hbm>> -> memref<1x16x128xi32, #tpu.memory_space<hbm>>
        %dma_wait3A_263 = tpu.memref_squeeze %dma_wait3A_262 : memref<1x16x128xi32, #tpu.memory_space<hbm>> -> memref<16x128xi32, #tpu.memory_space<hbm>>
        %dma_wait3A_264 = arith.constant 0 : i32
        %dma_wait3A_265 = tpu.memref_slice %arg3[%add3A, %mul3A_14, %dma_wait3A_264] : memref<32x80x128xi32, #tpu.memory_space<hbm>> -> memref<1x16x128xi32, #tpu.memory_space<hbm>>
        %dma_wait3A_266 = tpu.memref_squeeze %dma_wait3A_265 : memref<1x16x128xi32, #tpu.memory_space<hbm>> -> memref<16x128xi32, #tpu.memory_space<hbm>>
        tpu.wait_dma2 semaphore(%run_scoped3A_254 : memref<!tpu.dma_semaphore, #tpu.memory_space<semaphore_mem>>) src(%dma_wait3A_266 : memref<16x128xi32, #tpu.memory_space<hbm>>) dst(%arg7 : memref<16x128xi32, #tpu.memory_space<vmem>>)
        tpu.yield
      }) : () -> ()
      %mul3A_15 = arith.constant 16 : i32
      %mul3A_16 = arith.muli %add3A_12, %mul3A_15 : i32
      "tpu.region"() ({
        %run_scoped3A_254 = tpu.sem_alloc : memref<!tpu.dma_semaphore, #tpu.memory_space<semaphore_mem>>
        %dma_start3A_255 = arith.constant 0 : i32
        %dma_start3A_256 = tpu.memref_slice %arg4[%add3A, %mul3A_16, %dma_start3A_255] : memref<32x80x128xi32, #tpu.memory_space<hbm>> -> memref<1x16x128xi32, #tpu.memory_space<hbm>>
        %dma_start3A_257 = tpu.memref_squeeze %dma_start3A_256 : memref<1x16x128xi32, #tpu.memory_space<hbm>> -> memref<16x128xi32, #tpu.memory_space<hbm>>
        %dma_start3A_258 = arith.constant 0 : i32
        %dma_start3A_259 = tpu.memref_slice %arg4[%add3A, %mul3A_16, %dma_start3A_258] : memref<32x80x128xi32, #tpu.memory_space<hbm>> -> memref<1x16x128xi32, #tpu.memory_space<hbm>>
        %dma_start3A_260 = tpu.memref_squeeze %dma_start3A_259 : memref<1x16x128xi32, #tpu.memory_space<hbm>> -> memref<16x128xi32, #tpu.memory_space<hbm>>
        tpu.enqueue_dma source(%dma_start3A_260 : memref<16x128xi32, #tpu.memory_space<hbm>>) target(%arg8 : memref<16x128xi32, #tpu.memory_space<vmem>>) target_semaphore(%run_scoped3A_254 : memref<!tpu.dma_semaphore, #tpu.memory_space<semaphore_mem>>)
        %dma_wait3A_261 = arith.constant 0 : i32
        %dma_wait3A_262 = tpu.memref_slice %arg4[%add3A, %mul3A_16, %dma_wait3A_261] : memref<32x80x128xi32, #tpu.memory_space<hbm>> -> memref<1x16x128xi32, #tpu.memory_space<hbm>>
        %dma_wait3A_263 = tpu.memref_squeeze %dma_wait3A_262 : memref<1x16x128xi32, #tpu.memory_space<hbm>> -> memref<16x128xi32, #tpu.memory_space<hbm>>
        %dma_wait3A_264 = arith.constant 0 : i32
        %dma_wait3A_265 = tpu.memref_slice %arg4[%add3A, %mul3A_16, %dma_wait3A_264] : memref<32x80x128xi32, #tpu.memory_space<hbm>> -> memref<1x16x128xi32, #tpu.memory_space<hbm>>
        %dma_wait3A_266 = tpu.memref_squeeze %dma_wait3A_265 : memref<1x16x128xi32, #tpu.memory_space<hbm>> -> memref<16x128xi32, #tpu.memory_space<hbm>>
        tpu.wait_dma2 semaphore(%run_scoped3A_254 : memref<!tpu.dma_semaphore, #tpu.memory_space<semaphore_mem>>) src(%dma_wait3A_266 : memref<16x128xi32, #tpu.memory_space<hbm>>) dst(%arg8 : memref<16x128xi32, #tpu.memory_space<vmem>>)
        tpu.yield
      }) : () -> ()
      %dma_start3A = arith.constant 0 : i32
      %dma_start3A_17 = arith.constant 0 : i32
      %dma_start3A_18 = tpu.memref_slice %arg7[%dma_start3A, %dma_start3A_17] : memref<16x128xi32, #tpu.memory_space<vmem>> -> memref<1x128xi32, #tpu.memory_space<vmem>>
      %dma_start3A_19 = tpu.memref_squeeze %dma_start3A_18 : memref<1x128xi32, #tpu.memory_space<vmem>> -> memref<128xi32, #tpu.memory_space<vmem>>
      %dma_start3A_20 = arith.constant 0 : i32
      %dma_start3A_21 = arith.constant 0 : i32
      %dma_start3A_22 = tpu.memref_slice %arg2[%dma_start3A_20, %dma_start3A_21] : memref<10240x128xf32, #tpu.memory_space<hbm>> -> memref<10240x128xf32, #tpu.memory_space<hbm>>
      tpu.enqueue_indirect_dma source(%dma_start3A_22 : memref<10240x128xf32, #tpu.memory_space<hbm>>) target(%arg9 : memref<128x128xf32, #tpu.memory_space<vmem>>) offsets(%dma_start3A_19 : memref<128xi32, #tpu.memory_space<vmem>>) semaphore(%arg12 : memref<!tpu.dma_semaphore, #tpu.memory_space<semaphore_mem>>)
      %dma_wait3A = arith.constant 0 : i32
      %dma_wait3A_23 = arith.constant 0 : i32
      %dma_wait3A_24 = tpu.memref_slice %arg7[%dma_wait3A, %dma_wait3A_23] : memref<16x128xi32, #tpu.memory_space<vmem>> -> memref<1x128xi32, #tpu.memory_space<vmem>>
      %dma_wait3A_25 = tpu.memref_squeeze %dma_wait3A_24 : memref<1x128xi32, #tpu.memory_space<vmem>> -> memref<128xi32, #tpu.memory_space<vmem>>
      %dma_wait3A_26 = arith.constant 0 : i32
      %dma_wait3A_27 = arith.constant 0 : i32
      %dma_wait3A_28 = tpu.memref_slice %arg2[%dma_wait3A_26, %dma_wait3A_27] : memref<10240x128xf32, #tpu.memory_space<hbm>> -> memref<10240x128xf32, #tpu.memory_space<hbm>>
      tpu.wait_indirect_dma semaphore(%arg12 : memref<!tpu.dma_semaphore, #tpu.memory_space<semaphore_mem>>) src(%dma_wait3A_28 : memref<10240x128xf32, #tpu.memory_space<hbm>>) dst(%arg9 : memref<128x128xf32, #tpu.memory_space<vmem>>)
      %dma_start3A_29 = arith.constant 1 : i32
      %dma_start3A_30 = arith.constant 0 : i32
      %dma_start3A_31 = tpu.memref_slice %arg7[%dma_start3A_29, %dma_start3A_30] : memref<16x128xi32, #tpu.memory_space<vmem>> -> memref<1x128xi32, #tpu.memory_space<vmem>>
      %dma_start3A_32 = tpu.memref_squeeze %dma_start3A_31 : memref<1x128xi32, #tpu.memory_space<vmem>> -> memref<128xi32, #tpu.memory_space<vmem>>
      %dma_start3A_33 = arith.constant 0 : i32
      %dma_start3A_34 = arith.constant 0 : i32
      %dma_start3A_35 = tpu.memref_slice %arg2[%dma_start3A_33, %dma_start3A_34] : memref<10240x128xf32, #tpu.memory_space<hbm>> -> memref<10240x128xf32, #tpu.memory_space<hbm>>
      tpu.enqueue_indirect_dma source(%dma_start3A_35 : memref<10240x128xf32, #tpu.memory_space<hbm>>) target(%arg10 : memref<128x128xf32, #tpu.memory_space<vmem>>) offsets(%dma_start3A_32 : memref<128xi32, #tpu.memory_space<vmem>>) semaphore(%arg13 : memref<!tpu.dma_semaphore, #tpu.memory_space<semaphore_mem>>)
      %run_scoped3A = arith.constant 0 : i32
      "tpu.region"() ({
        %run_scoped3A_254 = tpu.sem_alloc : memref<!tpu.dma_semaphore, #tpu.memory_space<semaphore_mem>>
        %dma_start3A_255 = arith.constant 0 : i32
        %dma_start3A_256 = tpu.memref_slice %arg8[%run_scoped3A, %dma_start3A_255] : memref<16x128xi32, #tpu.memory_space<vmem>> -> memref<1x128xi32, #tpu.memory_space<vmem>>
        %dma_start3A_257 = tpu.memref_squeeze %dma_start3A_256 : memref<1x128xi32, #tpu.memory_space<vmem>> -> memref<128xi32, #tpu.memory_space<vmem>>
        %dma_start3A_258 = arith.constant 0 : i32
        %dma_start3A_259 = arith.constant 0 : i32
        %dma_start3A_260 = tpu.memref_slice %arg11[%dma_start3A_258, %dma_start3A_259] : memref<10240x128xf32, #tpu.memory_space<vmem_shared>> -> memref<10240x128xf32, #tpu.memory_space<vmem_shared>>
        tpu.enqueue_indirect_dma source(%arg9 : memref<128x128xf32, #tpu.memory_space<vmem>>) target(%dma_start3A_260 : memref<10240x128xf32, #tpu.memory_space<vmem_shared>>) offsets(%dma_start3A_257 : memref<128xi32, #tpu.memory_space<vmem>>) semaphore(%run_scoped3A_254 : memref<!tpu.dma_semaphore, #tpu.memory_space<semaphore_mem>>) {add = true}
        %dma_wait3A_261 = arith.constant 0 : i32
        %dma_wait3A_262 = tpu.memref_slice %arg8[%run_scoped3A, %dma_wait3A_261] : memref<16x128xi32, #tpu.memory_space<vmem>> -> memref<1x128xi32, #tpu.memory_space<vmem>>
        %dma_wait3A_263 = tpu.memref_squeeze %dma_wait3A_262 : memref<1x128xi32, #tpu.memory_space<vmem>> -> memref<128xi32, #tpu.memory_space<vmem>>
        %dma_wait3A_264 = arith.constant 0 : i32
        %dma_wait3A_265 = arith.constant 0 : i32
        %dma_wait3A_266 = tpu.memref_slice %arg11[%dma_wait3A_264, %dma_wait3A_265] : memref<10240x128xf32, #tpu.memory_space<vmem_shared>> -> memref<10240x128xf32, #tpu.memory_space<vmem_shared>>
        tpu.wait_indirect_dma semaphore(%run_scoped3A_254 : memref<!tpu.dma_semaphore, #tpu.memory_space<semaphore_mem>>) src(%arg9 : memref<128x128xf32, #tpu.memory_space<vmem>>) dst(%dma_wait3A_266 : memref<10240x128xf32, #tpu.memory_space<vmem_shared>>)
        tpu.yield
      }) : () -> ()
      %dma_wait3A_36 = arith.constant 1 : i32
      %dma_wait3A_37 = arith.constant 0 : i32
      %dma_wait3A_38 = tpu.memref_slice %arg7[%dma_wait3A_36, %dma_wait3A_37] : memref<16x128xi32, #tpu.memory_space<vmem>> -> memref<1x128xi32, #tpu.memory_space<vmem>>
      %dma_wait3A_39 = tpu.memref_squeeze %dma_wait3A_38 : memref<1x128xi32, #tpu.memory_space<vmem>> -> memref<128xi32, #tpu.memory_space<vmem>>
      %dma_wait3A_40 = arith.constant 0 : i32
      %dma_wait3A_41 = arith.constant 0 : i32
      %dma_wait3A_42 = tpu.memref_slice %arg2[%dma_wait3A_40, %dma_wait3A_41] : memref<10240x128xf32, #tpu.memory_space<hbm>> -> memref<10240x128xf32, #tpu.memory_space<hbm>>
      tpu.wait_indirect_dma semaphore(%arg13 : memref<!tpu.dma_semaphore, #tpu.memory_space<semaphore_mem>>) src(%dma_wait3A_42 : memref<10240x128xf32, #tpu.memory_space<hbm>>) dst(%arg10 : memref<128x128xf32, #tpu.memory_space<vmem>>)
      %dma_start3A_43 = arith.constant 2 : i32
      %dma_start3A_44 = arith.constant 0 : i32
      %dma_start3A_45 = tpu.memref_slice %arg7[%dma_start3A_43, %dma_start3A_44] : memref<16x128xi32, #tpu.memory_space<vmem>> -> memref<1x128xi32, #tpu.memory_space<vmem>>
      %dma_start3A_46 = tpu.memref_squeeze %dma_start3A_45 : memref<1x128xi32, #tpu.memory_space<vmem>> -> memref<128xi32, #tpu.memory_space<vmem>>
      %dma_start3A_47 = arith.constant 0 : i32
      %dma_start3A_48 = arith.constant 0 : i32
      %dma_start3A_49 = tpu.memref_slice %arg2[%dma_start3A_47, %dma_start3A_48] : memref<10240x128xf32, #tpu.memory_space<hbm>> -> memref<10240x128xf32, #tpu.memory_space<hbm>>
      tpu.enqueue_indirect_dma source(%dma_start3A_49 : memref<10240x128xf32, #tpu.memory_space<hbm>>) target(%arg9 : memref<128x128xf32, #tpu.memory_space<vmem>>) offsets(%dma_start3A_46 : memref<128xi32, #tpu.memory_space<vmem>>) semaphore(%arg12 : memref<!tpu.dma_semaphore, #tpu.memory_space<semaphore_mem>>)
      %run_scoped3A_50 = arith.constant 1 : i32
      "tpu.region"() ({
        %run_scoped3A_254 = tpu.sem_alloc : memref<!tpu.dma_semaphore, #tpu.memory_space<semaphore_mem>>
        %dma_start3A_255 = arith.constant 0 : i32
        %dma_start3A_256 = tpu.memref_slice %arg8[%run_scoped3A_50, %dma_start3A_255] : memref<16x128xi32, #tpu.memory_space<vmem>> -> memref<1x128xi32, #tpu.memory_space<vmem>>
        %dma_start3A_257 = tpu.memref_squeeze %dma_start3A_256 : memref<1x128xi32, #tpu.memory_space<vmem>> -> memref<128xi32, #tpu.memory_space<vmem>>
        %dma_start3A_258 = arith.constant 0 : i32
        %dma_start3A_259 = arith.constant 0 : i32
        %dma_start3A_260 = tpu.memref_slice %arg11[%dma_start3A_258, %dma_start3A_259] : memref<10240x128xf32, #tpu.memory_space<vmem_shared>> -> memref<10240x128xf32, #tpu.memory_space<vmem_shared>>
        tpu.enqueue_indirect_dma source(%arg10 : memref<128x128xf32, #tpu.memory_space<vmem>>) target(%dma_start3A_260 : memref<10240x128xf32, #tpu.memory_space<vmem_shared>>) offsets(%dma_start3A_257 : memref<128xi32, #tpu.memory_space<vmem>>) semaphore(%run_scoped3A_254 : memref<!tpu.dma_semaphore, #tpu.memory_space<semaphore_mem>>) {add = true}
        %dma_wait3A_261 = arith.constant 0 : i32
        %dma_wait3A_262 = tpu.memref_slice %arg8[%run_scoped3A_50, %dma_wait3A_261] : memref<16x128xi32, #tpu.memory_space<vmem>> -> memref<1x128xi32, #tpu.memory_space<vmem>>
        %dma_wait3A_263 = tpu.memref_squeeze %dma_wait3A_262 : memref<1x128xi32, #tpu.memory_space<vmem>> -> memref<128xi32, #tpu.memory_space<vmem>>
        %dma_wait3A_264 = arith.constant 0 : i32
        %dma_wait3A_265 = arith.constant 0 : i32
        %dma_wait3A_266 = tpu.memref_slice %arg11[%dma_wait3A_264, %dma_wait3A_265] : memref<10240x128xf32, #tpu.memory_space<vmem_shared>> -> memref<10240x128xf32, #tpu.memory_space<vmem_shared>>
        tpu.wait_indirect_dma semaphore(%run_scoped3A_254 : memref<!tpu.dma_semaphore, #tpu.memory_space<semaphore_mem>>) src(%arg10 : memref<128x128xf32, #tpu.memory_space<vmem>>) dst(%dma_wait3A_266 : memref<10240x128xf32, #tpu.memory_space<vmem_shared>>)
        tpu.yield
      }) : () -> ()
      %dma_wait3A_51 = arith.constant 2 : i32
      %dma_wait3A_52 = arith.constant 0 : i32
      %dma_wait3A_53 = tpu.memref_slice %arg7[%dma_wait3A_51, %dma_wait3A_52] : memref<16x128xi32, #tpu.memory_space<vmem>> -> memref<1x128xi32, #tpu.memory_space<vmem>>
      %dma_wait3A_54 = tpu.memref_squeeze %dma_wait3A_53 : memref<1x128xi32, #tpu.memory_space<vmem>> -> memref<128xi32, #tpu.memory_space<vmem>>
      %dma_wait3A_55 = arith.constant 0 : i32
      %dma_wait3A_56 = arith.constant 0 : i32
      %dma_wait3A_57 = tpu.memref_slice %arg2[%dma_wait3A_55, %dma_wait3A_56] : memref<10240x128xf32, #tpu.memory_space<hbm>> -> memref<10240x128xf32, #tpu.memory_space<hbm>>
      tpu.wait_indirect_dma semaphore(%arg12 : memref<!tpu.dma_semaphore, #tpu.memory_space<semaphore_mem>>) src(%dma_wait3A_57 : memref<10240x128xf32, #tpu.memory_space<hbm>>) dst(%arg9 : memref<128x128xf32, #tpu.memory_space<vmem>>)
      %dma_start3A_58 = arith.constant 3 : i32
      %dma_start3A_59 = arith.constant 0 : i32
      %dma_start3A_60 = tpu.memref_slice %arg7[%dma_start3A_58, %dma_start3A_59] : memref<16x128xi32, #tpu.memory_space<vmem>> -> memref<1x128xi32, #tpu.memory_space<vmem>>
      %dma_start3A_61 = tpu.memref_squeeze %dma_start3A_60 : memref<1x128xi32, #tpu.memory_space<vmem>> -> memref<128xi32, #tpu.memory_space<vmem>>
      %dma_start3A_62 = arith.constant 0 : i32
      %dma_start3A_63 = arith.constant 0 : i32
      %dma_start3A_64 = tpu.memref_slice %arg2[%dma_start3A_62, %dma_start3A_63] : memref<10240x128xf32, #tpu.memory_space<hbm>> -> memref<10240x128xf32, #tpu.memory_space<hbm>>
      tpu.enqueue_indirect_dma source(%dma_start3A_64 : memref<10240x128xf32, #tpu.memory_space<hbm>>) target(%arg10 : memref<128x128xf32, #tpu.memory_space<vmem>>) offsets(%dma_start3A_61 : memref<128xi32, #tpu.memory_space<vmem>>) semaphore(%arg13 : memref<!tpu.dma_semaphore, #tpu.memory_space<semaphore_mem>>)
      %run_scoped3A_65 = arith.constant 2 : i32
      "tpu.region"() ({
        %run_scoped3A_254 = tpu.sem_alloc : memref<!tpu.dma_semaphore, #tpu.memory_space<semaphore_mem>>
        %dma_start3A_255 = arith.constant 0 : i32
        %dma_start3A_256 = tpu.memref_slice %arg8[%run_scoped3A_65, %dma_start3A_255] : memref<16x128xi32, #tpu.memory_space<vmem>> -> memref<1x128xi32, #tpu.memory_space<vmem>>
        %dma_start3A_257 = tpu.memref_squeeze %dma_start3A_256 : memref<1x128xi32, #tpu.memory_space<vmem>> -> memref<128xi32, #tpu.memory_space<vmem>>
        %dma_start3A_258 = arith.constant 0 : i32
        %dma_start3A_259 = arith.constant 0 : i32
        %dma_start3A_260 = tpu.memref_slice %arg11[%dma_start3A_258, %dma_start3A_259] : memref<10240x128xf32, #tpu.memory_space<vmem_shared>> -> memref<10240x128xf32, #tpu.memory_space<vmem_shared>>
        tpu.enqueue_indirect_dma source(%arg9 : memref<128x128xf32, #tpu.memory_space<vmem>>) target(%dma_start3A_260 : memref<10240x128xf32, #tpu.memory_space<vmem_shared>>) offsets(%dma_start3A_257 : memref<128xi32, #tpu.memory_space<vmem>>) semaphore(%run_scoped3A_254 : memref<!tpu.dma_semaphore, #tpu.memory_space<semaphore_mem>>) {add = true}
        %dma_wait3A_261 = arith.constant 0 : i32
        %dma_wait3A_262 = tpu.memref_slice %arg8[%run_scoped3A_65, %dma_wait3A_261] : memref<16x128xi32, #tpu.memory_space<vmem>> -> memref<1x128xi32, #tpu.memory_space<vmem>>
        %dma_wait3A_263 = tpu.memref_squeeze %dma_wait3A_262 : memref<1x128xi32, #tpu.memory_space<vmem>> -> memref<128xi32, #tpu.memory_space<vmem>>
        %dma_wait3A_264 = arith.constant 0 : i32
        %dma_wait3A_265 = arith.constant 0 : i32
        %dma_wait3A_266 = tpu.memref_slice %arg11[%dma_wait3A_264, %dma_wait3A_265] : memref<10240x128xf32, #tpu.memory_space<vmem_shared>> -> memref<10240x128xf32, #tpu.memory_space<vmem_shared>>
        tpu.wait_indirect_dma semaphore(%run_scoped3A_254 : memref<!tpu.dma_semaphore, #tpu.memory_space<semaphore_mem>>) src(%arg9 : memref<128x128xf32, #tpu.memory_space<vmem>>) dst(%dma_wait3A_266 : memref<10240x128xf32, #tpu.memory_space<vmem_shared>>)
        tpu.yield
      }) : () -> ()
      %dma_wait3A_66 = arith.constant 3 : i32
      %dma_wait3A_67 = arith.constant 0 : i32
      %dma_wait3A_68 = tpu.memref_slice %arg7[%dma_wait3A_66, %dma_wait3A_67] : memref<16x128xi32, #tpu.memory_space<vmem>> -> memref<1x128xi32, #tpu.memory_space<vmem>>
      %dma_wait3A_69 = tpu.memref_squeeze %dma_wait3A_68 : memref<1x128xi32, #tpu.memory_space<vmem>> -> memref<128xi32, #tpu.memory_space<vmem>>
      %dma_wait3A_70 = arith.constant 0 : i32
      %dma_wait3A_71 = arith.constant 0 : i32
      %dma_wait3A_72 = tpu.memref_slice %arg2[%dma_wait3A_70, %dma_wait3A_71] : memref<10240x128xf32, #tpu.memory_space<hbm>> -> memref<10240x128xf32, #tpu.memory_space<hbm>>
      tpu.wait_indirect_dma semaphore(%arg13 : memref<!tpu.dma_semaphore, #tpu.memory_space<semaphore_mem>>) src(%dma_wait3A_72 : memref<10240x128xf32, #tpu.memory_space<hbm>>) dst(%arg10 : memref<128x128xf32, #tpu.memory_space<vmem>>)
      %dma_start3A_73 = arith.constant 4 : i32
      %dma_start3A_74 = arith.constant 0 : i32
      %dma_start3A_75 = tpu.memref_slice %arg7[%dma_start3A_73, %dma_start3A_74] : memref<16x128xi32, #tpu.memory_space<vmem>> -> memref<1x128xi32, #tpu.memory_space<vmem>>
      %dma_start3A_76 = tpu.memref_squeeze %dma_start3A_75 : memref<1x128xi32, #tpu.memory_space<vmem>> -> memref<128xi32, #tpu.memory_space<vmem>>
      %dma_start3A_77 = arith.constant 0 : i32
      %dma_start3A_78 = arith.constant 0 : i32
      %dma_start3A_79 = tpu.memref_slice %arg2[%dma_start3A_77, %dma_start3A_78] : memref<10240x128xf32, #tpu.memory_space<hbm>> -> memref<10240x128xf32, #tpu.memory_space<hbm>>
      tpu.enqueue_indirect_dma source(%dma_start3A_79 : memref<10240x128xf32, #tpu.memory_space<hbm>>) target(%arg9 : memref<128x128xf32, #tpu.memory_space<vmem>>) offsets(%dma_start3A_76 : memref<128xi32, #tpu.memory_space<vmem>>) semaphore(%arg12 : memref<!tpu.dma_semaphore, #tpu.memory_space<semaphore_mem>>)
      %run_scoped3A_80 = arith.constant 3 : i32
      "tpu.region"() ({
        %run_scoped3A_254 = tpu.sem_alloc : memref<!tpu.dma_semaphore, #tpu.memory_space<semaphore_mem>>
        %dma_start3A_255 = arith.constant 0 : i32
        %dma_start3A_256 = tpu.memref_slice %arg8[%run_scoped3A_80, %dma_start3A_255] : memref<16x128xi32, #tpu.memory_space<vmem>> -> memref<1x128xi32, #tpu.memory_space<vmem>>
        %dma_start3A_257 = tpu.memref_squeeze %dma_start3A_256 : memref<1x128xi32, #tpu.memory_space<vmem>> -> memref<128xi32, #tpu.memory_space<vmem>>
        %dma_start3A_258 = arith.constant 0 : i32
        %dma_start3A_259 = arith.constant 0 : i32
        %dma_start3A_260 = tpu.memref_slice %arg11[%dma_start3A_258, %dma_start3A_259] : memref<10240x128xf32, #tpu.memory_space<vmem_shared>> -> memref<10240x128xf32, #tpu.memory_space<vmem_shared>>
        tpu.enqueue_indirect_dma source(%arg10 : memref<128x128xf32, #tpu.memory_space<vmem>>) target(%dma_start3A_260 : memref<10240x128xf32, #tpu.memory_space<vmem_shared>>) offsets(%dma_start3A_257 : memref<128xi32, #tpu.memory_space<vmem>>) semaphore(%run_scoped3A_254 : memref<!tpu.dma_semaphore, #tpu.memory_space<semaphore_mem>>) {add = true}
        %dma_wait3A_261 = arith.constant 0 : i32
        %dma_wait3A_262 = tpu.memref_slice %arg8[%run_scoped3A_80, %dma_wait3A_261] : memref<16x128xi32, #tpu.memory_space<vmem>> -> memref<1x128xi32, #tpu.memory_space<vmem>>
        %dma_wait3A_263 = tpu.memref_squeeze %dma_wait3A_262 : memref<1x128xi32, #tpu.memory_space<vmem>> -> memref<128xi32, #tpu.memory_space<vmem>>
        %dma_wait3A_264 = arith.constant 0 : i32
        %dma_wait3A_265 = arith.constant 0 : i32
        %dma_wait3A_266 = tpu.memref_slice %arg11[%dma_wait3A_264, %dma_wait3A_265] : memref<10240x128xf32, #tpu.memory_space<vmem_shared>> -> memref<10240x128xf32, #tpu.memory_space<vmem_shared>>
        tpu.wait_indirect_dma semaphore(%run_scoped3A_254 : memref<!tpu.dma_semaphore, #tpu.memory_space<semaphore_mem>>) src(%arg10 : memref<128x128xf32, #tpu.memory_space<vmem>>) dst(%dma_wait3A_266 : memref<10240x128xf32, #tpu.memory_space<vmem_shared>>)
        tpu.yield
      }) : () -> ()
      %dma_wait3A_81 = arith.constant 4 : i32
      %dma_wait3A_82 = arith.constant 0 : i32
      %dma_wait3A_83 = tpu.memref_slice %arg7[%dma_wait3A_81, %dma_wait3A_82] : memref<16x128xi32, #tpu.memory_space<vmem>> -> memref<1x128xi32, #tpu.memory_space<vmem>>
      %dma_wait3A_84 = tpu.memref_squeeze %dma_wait3A_83 : memref<1x128xi32, #tpu.memory_space<vmem>> -> memref<128xi32, #tpu.memory_space<vmem>>
      %dma_wait3A_85 = arith.constant 0 : i32
      %dma_wait3A_86 = arith.constant 0 : i32
      %dma_wait3A_87 = tpu.memref_slice %arg2[%dma_wait3A_85, %dma_wait3A_86] : memref<10240x128xf32, #tpu.memory_space<hbm>> -> memref<10240x128xf32, #tpu.memory_space<hbm>>
      tpu.wait_indirect_dma semaphore(%arg12 : memref<!tpu.dma_semaphore, #tpu.memory_space<semaphore_mem>>) src(%dma_wait3A_87 : memref<10240x128xf32, #tpu.memory_space<hbm>>) dst(%arg9 : memref<128x128xf32, #tpu.memory_space<vmem>>)
      %dma_start3A_88 = arith.constant 5 : i32
      %dma_start3A_89 = arith.constant 0 : i32
      %dma_start3A_90 = tpu.memref_slice %arg7[%dma_start3A_88, %dma_start3A_89] : memref<16x128xi32, #tpu.memory_space<vmem>> -> memref<1x128xi32, #tpu.memory_space<vmem>>
      %dma_start3A_91 = tpu.memref_squeeze %dma_start3A_90 : memref<1x128xi32, #tpu.memory_space<vmem>> -> memref<128xi32, #tpu.memory_space<vmem>>
      %dma_start3A_92 = arith.constant 0 : i32
      %dma_start3A_93 = arith.constant 0 : i32
      %dma_start3A_94 = tpu.memref_slice %arg2[%dma_start3A_92, %dma_start3A_93] : memref<10240x128xf32, #tpu.memory_space<hbm>> -> memref<10240x128xf32, #tpu.memory_space<hbm>>
      tpu.enqueue_indirect_dma source(%dma_start3A_94 : memref<10240x128xf32, #tpu.memory_space<hbm>>) target(%arg10 : memref<128x128xf32, #tpu.memory_space<vmem>>) offsets(%dma_start3A_91 : memref<128xi32, #tpu.memory_space<vmem>>) semaphore(%arg13 : memref<!tpu.dma_semaphore, #tpu.memory_space<semaphore_mem>>)
      %run_scoped3A_95 = arith.constant 4 : i32
      "tpu.region"() ({
        %run_scoped3A_254 = tpu.sem_alloc : memref<!tpu.dma_semaphore, #tpu.memory_space<semaphore_mem>>
        %dma_start3A_255 = arith.constant 0 : i32
        %dma_start3A_256 = tpu.memref_slice %arg8[%run_scoped3A_95, %dma_start3A_255] : memref<16x128xi32, #tpu.memory_space<vmem>> -> memref<1x128xi32, #tpu.memory_space<vmem>>
        %dma_start3A_257 = tpu.memref_squeeze %dma_start3A_256 : memref<1x128xi32, #tpu.memory_space<vmem>> -> memref<128xi32, #tpu.memory_space<vmem>>
        %dma_start3A_258 = arith.constant 0 : i32
        %dma_start3A_259 = arith.constant 0 : i32
        %dma_start3A_260 = tpu.memref_slice %arg11[%dma_start3A_258, %dma_start3A_259] : memref<10240x128xf32, #tpu.memory_space<vmem_shared>> -> memref<10240x128xf32, #tpu.memory_space<vmem_shared>>
        tpu.enqueue_indirect_dma source(%arg9 : memref<128x128xf32, #tpu.memory_space<vmem>>) target(%dma_start3A_260 : memref<10240x128xf32, #tpu.memory_space<vmem_shared>>) offsets(%dma_start3A_257 : memref<128xi32, #tpu.memory_space<vmem>>) semaphore(%run_scoped3A_254 : memref<!tpu.dma_semaphore, #tpu.memory_space<semaphore_mem>>) {add = true}
        %dma_wait3A_261 = arith.constant 0 : i32
        %dma_wait3A_262 = tpu.memref_slice %arg8[%run_scoped3A_95, %dma_wait3A_261] : memref<16x128xi32, #tpu.memory_space<vmem>> -> memref<1x128xi32, #tpu.memory_space<vmem>>
        %dma_wait3A_263 = tpu.memref_squeeze %dma_wait3A_262 : memref<1x128xi32, #tpu.memory_space<vmem>> -> memref<128xi32, #tpu.memory_space<vmem>>
        %dma_wait3A_264 = arith.constant 0 : i32
        %dma_wait3A_265 = arith.constant 0 : i32
        %dma_wait3A_266 = tpu.memref_slice %arg11[%dma_wait3A_264, %dma_wait3A_265] : memref<10240x128xf32, #tpu.memory_space<vmem_shared>> -> memref<10240x128xf32, #tpu.memory_space<vmem_shared>>
        tpu.wait_indirect_dma semaphore(%run_scoped3A_254 : memref<!tpu.dma_semaphore, #tpu.memory_space<semaphore_mem>>) src(%arg9 : memref<128x128xf32, #tpu.memory_space<vmem>>) dst(%dma_wait3A_266 : memref<10240x128xf32, #tpu.memory_space<vmem_shared>>)
        tpu.yield
      }) : () -> ()
      %dma_wait3A_96 = arith.constant 5 : i32
      %dma_wait3A_97 = arith.constant 0 : i32
      %dma_wait3A_98 = tpu.memref_slice %arg7[%dma_wait3A_96, %dma_wait3A_97] : memref<16x128xi32, #tpu.memory_space<vmem>> -> memref<1x128xi32, #tpu.memory_space<vmem>>
      %dma_wait3A_99 = tpu.memref_squeeze %dma_wait3A_98 : memref<1x128xi32, #tpu.memory_space<vmem>> -> memref<128xi32, #tpu.memory_space<vmem>>
      %dma_wait3A_100 = arith.constant 0 : i32
      %dma_wait3A_101 = arith.constant 0 : i32
      %dma_wait3A_102 = tpu.memref_slice %arg2[%dma_wait3A_100, %dma_wait3A_101] : memref<10240x128xf32, #tpu.memory_space<hbm>> -> memref<10240x128xf32, #tpu.memory_space<hbm>>
      tpu.wait_indirect_dma semaphore(%arg13 : memref<!tpu.dma_semaphore, #tpu.memory_space<semaphore_mem>>) src(%dma_wait3A_102 : memref<10240x128xf32, #tpu.memory_space<hbm>>) dst(%arg10 : memref<128x128xf32, #tpu.memory_space<vmem>>)
      %dma_start3A_103 = arith.constant 6 : i32
      %dma_start3A_104 = arith.constant 0 : i32
      %dma_start3A_105 = tpu.memref_slice %arg7[%dma_start3A_103, %dma_start3A_104] : memref<16x128xi32, #tpu.memory_space<vmem>> -> memref<1x128xi32, #tpu.memory_space<vmem>>
      %dma_start3A_106 = tpu.memref_squeeze %dma_start3A_105 : memref<1x128xi32, #tpu.memory_space<vmem>> -> memref<128xi32, #tpu.memory_space<vmem>>
      %dma_start3A_107 = arith.constant 0 : i32
      %dma_start3A_108 = arith.constant 0 : i32
      %dma_start3A_109 = tpu.memref_slice %arg2[%dma_start3A_107, %dma_start3A_108] : memref<10240x128xf32, #tpu.memory_space<hbm>> -> memref<10240x128xf32, #tpu.memory_space<hbm>>
      tpu.enqueue_indirect_dma source(%dma_start3A_109 : memref<10240x128xf32, #tpu.memory_space<hbm>>) target(%arg9 : memref<128x128xf32, #tpu.memory_space<vmem>>) offsets(%dma_start3A_106 : memref<128xi32, #tpu.memory_space<vmem>>) semaphore(%arg12 : memref<!tpu.dma_semaphore, #tpu.memory_space<semaphore_mem>>)
      %run_scoped3A_110 = arith.constant 5 : i32
      "tpu.region"() ({
        %run_scoped3A_254 = tpu.sem_alloc : memref<!tpu.dma_semaphore, #tpu.memory_space<semaphore_mem>>
        %dma_start3A_255 = arith.constant 0 : i32
        %dma_start3A_256 = tpu.memref_slice %arg8[%run_scoped3A_110, %dma_start3A_255] : memref<16x128xi32, #tpu.memory_space<vmem>> -> memref<1x128xi32, #tpu.memory_space<vmem>>
        %dma_start3A_257 = tpu.memref_squeeze %dma_start3A_256 : memref<1x128xi32, #tpu.memory_space<vmem>> -> memref<128xi32, #tpu.memory_space<vmem>>
        %dma_start3A_258 = arith.constant 0 : i32
        %dma_start3A_259 = arith.constant 0 : i32
        %dma_start3A_260 = tpu.memref_slice %arg11[%dma_start3A_258, %dma_start3A_259] : memref<10240x128xf32, #tpu.memory_space<vmem_shared>> -> memref<10240x128xf32, #tpu.memory_space<vmem_shared>>
        tpu.enqueue_indirect_dma source(%arg10 : memref<128x128xf32, #tpu.memory_space<vmem>>) target(%dma_start3A_260 : memref<10240x128xf32, #tpu.memory_space<vmem_shared>>) offsets(%dma_start3A_257 : memref<128xi32, #tpu.memory_space<vmem>>) semaphore(%run_scoped3A_254 : memref<!tpu.dma_semaphore, #tpu.memory_space<semaphore_mem>>) {add = true}
        %dma_wait3A_261 = arith.constant 0 : i32
        %dma_wait3A_262 = tpu.memref_slice %arg8[%run_scoped3A_110, %dma_wait3A_261] : memref<16x128xi32, #tpu.memory_space<vmem>> -> memref<1x128xi32, #tpu.memory_space<vmem>>
        %dma_wait3A_263 = tpu.memref_squeeze %dma_wait3A_262 : memref<1x128xi32, #tpu.memory_space<vmem>> -> memref<128xi32, #tpu.memory_space<vmem>>
        %dma_wait3A_264 = arith.constant 0 : i32
        %dma_wait3A_265 = arith.constant 0 : i32
        %dma_wait3A_266 = tpu.memref_slice %arg11[%dma_wait3A_264, %dma_wait3A_265] : memref<10240x128xf32, #tpu.memory_space<vmem_shared>> -> memref<10240x128xf32, #tpu.memory_space<vmem_shared>>
        tpu.wait_indirect_dma semaphore(%run_scoped3A_254 : memref<!tpu.dma_semaphore, #tpu.memory_space<semaphore_mem>>) src(%arg10 : memref<128x128xf32, #tpu.memory_space<vmem>>) dst(%dma_wait3A_266 : memref<10240x128xf32, #tpu.memory_space<vmem_shared>>)
        tpu.yield
      }) : () -> ()
      %dma_wait3A_111 = arith.constant 6 : i32
      %dma_wait3A_112 = arith.constant 0 : i32
      %dma_wait3A_113 = tpu.memref_slice %arg7[%dma_wait3A_111, %dma_wait3A_112] : memref<16x128xi32, #tpu.memory_space<vmem>> -> memref<1x128xi32, #tpu.memory_space<vmem>>
      %dma_wait3A_114 = tpu.memref_squeeze %dma_wait3A_113 : memref<1x128xi32, #tpu.memory_space<vmem>> -> memref<128xi32, #tpu.memory_space<vmem>>
      %dma_wait3A_115 = arith.constant 0 : i32
      %dma_wait3A_116 = arith.constant 0 : i32
      %dma_wait3A_117 = tpu.memref_slice %arg2[%dma_wait3A_115, %dma_wait3A_116] : memref<10240x128xf32, #tpu.memory_space<hbm>> -> memref<10240x128xf32, #tpu.memory_space<hbm>>
      tpu.wait_indirect_dma semaphore(%arg12 : memref<!tpu.dma_semaphore, #tpu.memory_space<semaphore_mem>>) src(%dma_wait3A_117 : memref<10240x128xf32, #tpu.memory_space<hbm>>) dst(%arg9 : memref<128x128xf32, #tpu.memory_space<vmem>>)
      %dma_start3A_118 = arith.constant 7 : i32
      %dma_start3A_119 = arith.constant 0 : i32
      %dma_start3A_120 = tpu.memref_slice %arg7[%dma_start3A_118, %dma_start3A_119] : memref<16x128xi32, #tpu.memory_space<vmem>> -> memref<1x128xi32, #tpu.memory_space<vmem>>
      %dma_start3A_121 = tpu.memref_squeeze %dma_start3A_120 : memref<1x128xi32, #tpu.memory_space<vmem>> -> memref<128xi32, #tpu.memory_space<vmem>>
      %dma_start3A_122 = arith.constant 0 : i32
      %dma_start3A_123 = arith.constant 0 : i32
      %dma_start3A_124 = tpu.memref_slice %arg2[%dma_start3A_122, %dma_start3A_123] : memref<10240x128xf32, #tpu.memory_space<hbm>> -> memref<10240x128xf32, #tpu.memory_space<hbm>>
      tpu.enqueue_indirect_dma source(%dma_start3A_124 : memref<10240x128xf32, #tpu.memory_space<hbm>>) target(%arg10 : memref<128x128xf32, #tpu.memory_space<vmem>>) offsets(%dma_start3A_121 : memref<128xi32, #tpu.memory_space<vmem>>) semaphore(%arg13 : memref<!tpu.dma_semaphore, #tpu.memory_space<semaphore_mem>>)
      %run_scoped3A_125 = arith.constant 6 : i32
      "tpu.region"() ({
        %run_scoped3A_254 = tpu.sem_alloc : memref<!tpu.dma_semaphore, #tpu.memory_space<semaphore_mem>>
        %dma_start3A_255 = arith.constant 0 : i32
        %dma_start3A_256 = tpu.memref_slice %arg8[%run_scoped3A_125, %dma_start3A_255] : memref<16x128xi32, #tpu.memory_space<vmem>> -> memref<1x128xi32, #tpu.memory_space<vmem>>
        %dma_start3A_257 = tpu.memref_squeeze %dma_start3A_256 : memref<1x128xi32, #tpu.memory_space<vmem>> -> memref<128xi32, #tpu.memory_space<vmem>>
        %dma_start3A_258 = arith.constant 0 : i32
        %dma_start3A_259 = arith.constant 0 : i32
        %dma_start3A_260 = tpu.memref_slice %arg11[%dma_start3A_258, %dma_start3A_259] : memref<10240x128xf32, #tpu.memory_space<vmem_shared>> -> memref<10240x128xf32, #tpu.memory_space<vmem_shared>>
        tpu.enqueue_indirect_dma source(%arg9 : memref<128x128xf32, #tpu.memory_space<vmem>>) target(%dma_start3A_260 : memref<10240x128xf32, #tpu.memory_space<vmem_shared>>) offsets(%dma_start3A_257 : memref<128xi32, #tpu.memory_space<vmem>>) semaphore(%run_scoped3A_254 : memref<!tpu.dma_semaphore, #tpu.memory_space<semaphore_mem>>) {add = true}
        %dma_wait3A_261 = arith.constant 0 : i32
        %dma_wait3A_262 = tpu.memref_slice %arg8[%run_scoped3A_125, %dma_wait3A_261] : memref<16x128xi32, #tpu.memory_space<vmem>> -> memref<1x128xi32, #tpu.memory_space<vmem>>
        %dma_wait3A_263 = tpu.memref_squeeze %dma_wait3A_262 : memref<1x128xi32, #tpu.memory_space<vmem>> -> memref<128xi32, #tpu.memory_space<vmem>>
        %dma_wait3A_264 = arith.constant 0 : i32
        %dma_wait3A_265 = arith.constant 0 : i32
        %dma_wait3A_266 = tpu.memref_slice %arg11[%dma_wait3A_264, %dma_wait3A_265] : memref<10240x128xf32, #tpu.memory_space<vmem_shared>> -> memref<10240x128xf32, #tpu.memory_space<vmem_shared>>
        tpu.wait_indirect_dma semaphore(%run_scoped3A_254 : memref<!tpu.dma_semaphore, #tpu.memory_space<semaphore_mem>>) src(%arg9 : memref<128x128xf32, #tpu.memory_space<vmem>>) dst(%dma_wait3A_266 : memref<10240x128xf32, #tpu.memory_space<vmem_shared>>)
        tpu.yield
      }) : () -> ()
      %dma_wait3A_126 = arith.constant 7 : i32
      %dma_wait3A_127 = arith.constant 0 : i32
      %dma_wait3A_128 = tpu.memref_slice %arg7[%dma_wait3A_126, %dma_wait3A_127] : memref<16x128xi32, #tpu.memory_space<vmem>> -> memref<1x128xi32, #tpu.memory_space<vmem>>
      %dma_wait3A_129 = tpu.memref_squeeze %dma_wait3A_128 : memref<1x128xi32, #tpu.memory_space<vmem>> -> memref<128xi32, #tpu.memory_space<vmem>>
      %dma_wait3A_130 = arith.constant 0 : i32
      %dma_wait3A_131 = arith.constant 0 : i32
      %dma_wait3A_132 = tpu.memref_slice %arg2[%dma_wait3A_130, %dma_wait3A_131] : memref<10240x128xf32, #tpu.memory_space<hbm>> -> memref<10240x128xf32, #tpu.memory_space<hbm>>
      tpu.wait_indirect_dma semaphore(%arg13 : memref<!tpu.dma_semaphore, #tpu.memory_space<semaphore_mem>>) src(%dma_wait3A_132 : memref<10240x128xf32, #tpu.memory_space<hbm>>) dst(%arg10 : memref<128x128xf32, #tpu.memory_space<vmem>>)
      %dma_start3A_133 = arith.constant 8 : i32
      %dma_start3A_134 = arith.constant 0 : i32
      %dma_start3A_135 = tpu.memref_slice %arg7[%dma_start3A_133, %dma_start3A_134] : memref<16x128xi32, #tpu.memory_space<vmem>> -> memref<1x128xi32, #tpu.memory_space<vmem>>
      %dma_start3A_136 = tpu.memref_squeeze %dma_start3A_135 : memref<1x128xi32, #tpu.memory_space<vmem>> -> memref<128xi32, #tpu.memory_space<vmem>>
      %dma_start3A_137 = arith.constant 0 : i32
      %dma_start3A_138 = arith.constant 0 : i32
      %dma_start3A_139 = tpu.memref_slice %arg2[%dma_start3A_137, %dma_start3A_138] : memref<10240x128xf32, #tpu.memory_space<hbm>> -> memref<10240x128xf32, #tpu.memory_space<hbm>>
      tpu.enqueue_indirect_dma source(%dma_start3A_139 : memref<10240x128xf32, #tpu.memory_space<hbm>>) target(%arg9 : memref<128x128xf32, #tpu.memory_space<vmem>>) offsets(%dma_start3A_136 : memref<128xi32, #tpu.memory_space<vmem>>) semaphore(%arg12 : memref<!tpu.dma_semaphore, #tpu.memory_space<semaphore_mem>>)
      %run_scoped3A_140 = arith.constant 7 : i32
      "tpu.region"() ({
        %run_scoped3A_254 = tpu.sem_alloc : memref<!tpu.dma_semaphore, #tpu.memory_space<semaphore_mem>>
        %dma_start3A_255 = arith.constant 0 : i32
        %dma_start3A_256 = tpu.memref_slice %arg8[%run_scoped3A_140, %dma_start3A_255] : memref<16x128xi32, #tpu.memory_space<vmem>> -> memref<1x128xi32, #tpu.memory_space<vmem>>
        %dma_start3A_257 = tpu.memref_squeeze %dma_start3A_256 : memref<1x128xi32, #tpu.memory_space<vmem>> -> memref<128xi32, #tpu.memory_space<vmem>>
        %dma_start3A_258 = arith.constant 0 : i32
        %dma_start3A_259 = arith.constant 0 : i32
        %dma_start3A_260 = tpu.memref_slice %arg11[%dma_start3A_258, %dma_start3A_259] : memref<10240x128xf32, #tpu.memory_space<vmem_shared>> -> memref<10240x128xf32, #tpu.memory_space<vmem_shared>>
        tpu.enqueue_indirect_dma source(%arg10 : memref<128x128xf32, #tpu.memory_space<vmem>>) target(%dma_start3A_260 : memref<10240x128xf32, #tpu.memory_space<vmem_shared>>) offsets(%dma_start3A_257 : memref<128xi32, #tpu.memory_space<vmem>>) semaphore(%run_scoped3A_254 : memref<!tpu.dma_semaphore, #tpu.memory_space<semaphore_mem>>) {add = true}
        %dma_wait3A_261 = arith.constant 0 : i32
        %dma_wait3A_262 = tpu.memref_slice %arg8[%run_scoped3A_140, %dma_wait3A_261] : memref<16x128xi32, #tpu.memory_space<vmem>> -> memref<1x128xi32, #tpu.memory_space<vmem>>
        %dma_wait3A_263 = tpu.memref_squeeze %dma_wait3A_262 : memref<1x128xi32, #tpu.memory_space<vmem>> -> memref<128xi32, #tpu.memory_space<vmem>>
        %dma_wait3A_264 = arith.constant 0 : i32
        %dma_wait3A_265 = arith.constant 0 : i32
        %dma_wait3A_266 = tpu.memref_slice %arg11[%dma_wait3A_264, %dma_wait3A_265] : memref<10240x128xf32, #tpu.memory_space<vmem_shared>> -> memref<10240x128xf32, #tpu.memory_space<vmem_shared>>
        tpu.wait_indirect_dma semaphore(%run_scoped3A_254 : memref<!tpu.dma_semaphore, #tpu.memory_space<semaphore_mem>>) src(%arg10 : memref<128x128xf32, #tpu.memory_space<vmem>>) dst(%dma_wait3A_266 : memref<10240x128xf32, #tpu.memory_space<vmem_shared>>)
        tpu.yield
      }) : () -> ()
      %dma_wait3A_141 = arith.constant 8 : i32
      %dma_wait3A_142 = arith.constant 0 : i32
      %dma_wait3A_143 = tpu.memref_slice %arg7[%dma_wait3A_141, %dma_wait3A_142] : memref<16x128xi32, #tpu.memory_space<vmem>> -> memref<1x128xi32, #tpu.memory_space<vmem>>
      %dma_wait3A_144 = tpu.memref_squeeze %dma_wait3A_143 : memref<1x128xi32, #tpu.memory_space<vmem>> -> memref<128xi32, #tpu.memory_space<vmem>>
      %dma_wait3A_145 = arith.constant 0 : i32
      %dma_wait3A_146 = arith.constant 0 : i32
      %dma_wait3A_147 = tpu.memref_slice %arg2[%dma_wait3A_145, %dma_wait3A_146] : memref<10240x128xf32, #tpu.memory_space<hbm>> -> memref<10240x128xf32, #tpu.memory_space<hbm>>
      tpu.wait_indirect_dma semaphore(%arg12 : memref<!tpu.dma_semaphore, #tpu.memory_space<semaphore_mem>>) src(%dma_wait3A_147 : memref<10240x128xf32, #tpu.memory_space<hbm>>) dst(%arg9 : memref<128x128xf32, #tpu.memory_space<vmem>>)
      %dma_start3A_148 = arith.constant 9 : i32
      %dma_start3A_149 = arith.constant 0 : i32
      %dma_start3A_150 = tpu.memref_slice %arg7[%dma_start3A_148, %dma_start3A_149] : memref<16x128xi32, #tpu.memory_space<vmem>> -> memref<1x128xi32, #tpu.memory_space<vmem>>
      %dma_start3A_151 = tpu.memref_squeeze %dma_start3A_150 : memref<1x128xi32, #tpu.memory_space<vmem>> -> memref<128xi32, #tpu.memory_space<vmem>>
      %dma_start3A_152 = arith.constant 0 : i32
      %dma_start3A_153 = arith.constant 0 : i32
      %dma_start3A_154 = tpu.memref_slice %arg2[%dma_start3A_152, %dma_start3A_153] : memref<10240x128xf32, #tpu.memory_space<hbm>> -> memref<10240x128xf32, #tpu.memory_space<hbm>>
      tpu.enqueue_indirect_dma source(%dma_start3A_154 : memref<10240x128xf32, #tpu.memory_space<hbm>>) target(%arg10 : memref<128x128xf32, #tpu.memory_space<vmem>>) offsets(%dma_start3A_151 : memref<128xi32, #tpu.memory_space<vmem>>) semaphore(%arg13 : memref<!tpu.dma_semaphore, #tpu.memory_space<semaphore_mem>>)
      %run_scoped3A_155 = arith.constant 8 : i32
      "tpu.region"() ({
        %run_scoped3A_254 = tpu.sem_alloc : memref<!tpu.dma_semaphore, #tpu.memory_space<semaphore_mem>>
        %dma_start3A_255 = arith.constant 0 : i32
        %dma_start3A_256 = tpu.memref_slice %arg8[%run_scoped3A_155, %dma_start3A_255] : memref<16x128xi32, #tpu.memory_space<vmem>> -> memref<1x128xi32, #tpu.memory_space<vmem>>
        %dma_start3A_257 = tpu.memref_squeeze %dma_start3A_256 : memref<1x128xi32, #tpu.memory_space<vmem>> -> memref<128xi32, #tpu.memory_space<vmem>>
        %dma_start3A_258 = arith.constant 0 : i32
        %dma_start3A_259 = arith.constant 0 : i32
        %dma_start3A_260 = tpu.memref_slice %arg11[%dma_start3A_258, %dma_start3A_259] : memref<10240x128xf32, #tpu.memory_space<vmem_shared>> -> memref<10240x128xf32, #tpu.memory_space<vmem_shared>>
        tpu.enqueue_indirect_dma source(%arg9 : memref<128x128xf32, #tpu.memory_space<vmem>>) target(%dma_start3A_260 : memref<10240x128xf32, #tpu.memory_space<vmem_shared>>) offsets(%dma_start3A_257 : memref<128xi32, #tpu.memory_space<vmem>>) semaphore(%run_scoped3A_254 : memref<!tpu.dma_semaphore, #tpu.memory_space<semaphore_mem>>) {add = true}
        %dma_wait3A_261 = arith.constant 0 : i32
        %dma_wait3A_262 = tpu.memref_slice %arg8[%run_scoped3A_155, %dma_wait3A_261] : memref<16x128xi32, #tpu.memory_space<vmem>> -> memref<1x128xi32, #tpu.memory_space<vmem>>
        %dma_wait3A_263 = tpu.memref_squeeze %dma_wait3A_262 : memref<1x128xi32, #tpu.memory_space<vmem>> -> memref<128xi32, #tpu.memory_space<vmem>>
        %dma_wait3A_264 = arith.constant 0 : i32
        %dma_wait3A_265 = arith.constant 0 : i32
        %dma_wait3A_266 = tpu.memref_slice %arg11[%dma_wait3A_264, %dma_wait3A_265] : memref<10240x128xf32, #tpu.memory_space<vmem_shared>> -> memref<10240x128xf32, #tpu.memory_space<vmem_shared>>
        tpu.wait_indirect_dma semaphore(%run_scoped3A_254 : memref<!tpu.dma_semaphore, #tpu.memory_space<semaphore_mem>>) src(%arg9 : memref<128x128xf32, #tpu.memory_space<vmem>>) dst(%dma_wait3A_266 : memref<10240x128xf32, #tpu.memory_space<vmem_shared>>)
        tpu.yield
      }) : () -> ()
      %dma_wait3A_156 = arith.constant 9 : i32
      %dma_wait3A_157 = arith.constant 0 : i32
      %dma_wait3A_158 = tpu.memref_slice %arg7[%dma_wait3A_156, %dma_wait3A_157] : memref<16x128xi32, #tpu.memory_space<vmem>> -> memref<1x128xi32, #tpu.memory_space<vmem>>
      %dma_wait3A_159 = tpu.memref_squeeze %dma_wait3A_158 : memref<1x128xi32, #tpu.memory_space<vmem>> -> memref<128xi32, #tpu.memory_space<vmem>>
      %dma_wait3A_160 = arith.constant 0 : i32
      %dma_wait3A_161 = arith.constant 0 : i32
      %dma_wait3A_162 = tpu.memref_slice %arg2[%dma_wait3A_160, %dma_wait3A_161] : memref<10240x128xf32, #tpu.memory_space<hbm>> -> memref<10240x128xf32, #tpu.memory_space<hbm>>
      tpu.wait_indirect_dma semaphore(%arg13 : memref<!tpu.dma_semaphore, #tpu.memory_space<semaphore_mem>>) src(%dma_wait3A_162 : memref<10240x128xf32, #tpu.memory_space<hbm>>) dst(%arg10 : memref<128x128xf32, #tpu.memory_space<vmem>>)
      %dma_start3A_163 = arith.constant 10 : i32
      %dma_start3A_164 = arith.constant 0 : i32
      %dma_start3A_165 = tpu.memref_slice %arg7[%dma_start3A_163, %dma_start3A_164] : memref<16x128xi32, #tpu.memory_space<vmem>> -> memref<1x128xi32, #tpu.memory_space<vmem>>
      %dma_start3A_166 = tpu.memref_squeeze %dma_start3A_165 : memref<1x128xi32, #tpu.memory_space<vmem>> -> memref<128xi32, #tpu.memory_space<vmem>>
      %dma_start3A_167 = arith.constant 0 : i32
      %dma_start3A_168 = arith.constant 0 : i32
      %dma_start3A_169 = tpu.memref_slice %arg2[%dma_start3A_167, %dma_start3A_168] : memref<10240x128xf32, #tpu.memory_space<hbm>> -> memref<10240x128xf32, #tpu.memory_space<hbm>>
      tpu.enqueue_indirect_dma source(%dma_start3A_169 : memref<10240x128xf32, #tpu.memory_space<hbm>>) target(%arg9 : memref<128x128xf32, #tpu.memory_space<vmem>>) offsets(%dma_start3A_166 : memref<128xi32, #tpu.memory_space<vmem>>) semaphore(%arg12 : memref<!tpu.dma_semaphore, #tpu.memory_space<semaphore_mem>>)
      %run_scoped3A_170 = arith.constant 9 : i32
      "tpu.region"() ({
        %run_scoped3A_254 = tpu.sem_alloc : memref<!tpu.dma_semaphore, #tpu.memory_space<semaphore_mem>>
        %dma_start3A_255 = arith.constant 0 : i32
        %dma_start3A_256 = tpu.memref_slice %arg8[%run_scoped3A_170, %dma_start3A_255] : memref<16x128xi32, #tpu.memory_space<vmem>> -> memref<1x128xi32, #tpu.memory_space<vmem>>
        %dma_start3A_257 = tpu.memref_squeeze %dma_start3A_256 : memref<1x128xi32, #tpu.memory_space<vmem>> -> memref<128xi32, #tpu.memory_space<vmem>>
        %dma_start3A_258 = arith.constant 0 : i32
        %dma_start3A_259 = arith.constant 0 : i32
        %dma_start3A_260 = tpu.memref_slice %arg11[%dma_start3A_258, %dma_start3A_259] : memref<10240x128xf32, #tpu.memory_space<vmem_shared>> -> memref<10240x128xf32, #tpu.memory_space<vmem_shared>>
        tpu.enqueue_indirect_dma source(%arg10 : memref<128x128xf32, #tpu.memory_space<vmem>>) target(%dma_start3A_260 : memref<10240x128xf32, #tpu.memory_space<vmem_shared>>) offsets(%dma_start3A_257 : memref<128xi32, #tpu.memory_space<vmem>>) semaphore(%run_scoped3A_254 : memref<!tpu.dma_semaphore, #tpu.memory_space<semaphore_mem>>) {add = true}
        %dma_wait3A_261 = arith.constant 0 : i32
        %dma_wait3A_262 = tpu.memref_slice %arg8[%run_scoped3A_170, %dma_wait3A_261] : memref<16x128xi32, #tpu.memory_space<vmem>> -> memref<1x128xi32, #tpu.memory_space<vmem>>
        %dma_wait3A_263 = tpu.memref_squeeze %dma_wait3A_262 : memref<1x128xi32, #tpu.memory_space<vmem>> -> memref<128xi32, #tpu.memory_space<vmem>>
        %dma_wait3A_264 = arith.constant 0 : i32
        %dma_wait3A_265 = arith.constant 0 : i32
        %dma_wait3A_266 = tpu.memref_slice %arg11[%dma_wait3A_264, %dma_wait3A_265] : memref<10240x128xf32, #tpu.memory_space<vmem_shared>> -> memref<10240x128xf32, #tpu.memory_space<vmem_shared>>
        tpu.wait_indirect_dma semaphore(%run_scoped3A_254 : memref<!tpu.dma_semaphore, #tpu.memory_space<semaphore_mem>>) src(%arg10 : memref<128x128xf32, #tpu.memory_space<vmem>>) dst(%dma_wait3A_266 : memref<10240x128xf32, #tpu.memory_space<vmem_shared>>)
        tpu.yield
      }) : () -> ()
      %dma_wait3A_171 = arith.constant 10 : i32
      %dma_wait3A_172 = arith.constant 0 : i32
      %dma_wait3A_173 = tpu.memref_slice %arg7[%dma_wait3A_171, %dma_wait3A_172] : memref<16x128xi32, #tpu.memory_space<vmem>> -> memref<1x128xi32, #tpu.memory_space<vmem>>
      %dma_wait3A_174 = tpu.memref_squeeze %dma_wait3A_173 : memref<1x128xi32, #tpu.memory_space<vmem>> -> memref<128xi32, #tpu.memory_space<vmem>>
      %dma_wait3A_175 = arith.constant 0 : i32
      %dma_wait3A_176 = arith.constant 0 : i32
      %dma_wait3A_177 = tpu.memref_slice %arg2[%dma_wait3A_175, %dma_wait3A_176] : memref<10240x128xf32, #tpu.memory_space<hbm>> -> memref<10240x128xf32, #tpu.memory_space<hbm>>
      tpu.wait_indirect_dma semaphore(%arg12 : memref<!tpu.dma_semaphore, #tpu.memory_space<semaphore_mem>>) src(%dma_wait3A_177 : memref<10240x128xf32, #tpu.memory_space<hbm>>) dst(%arg9 : memref<128x128xf32, #tpu.memory_space<vmem>>)
      %dma_start3A_178 = arith.constant 11 : i32
      %dma_start3A_179 = arith.constant 0 : i32
      %dma_start3A_180 = tpu.memref_slice %arg7[%dma_start3A_178, %dma_start3A_179] : memref<16x128xi32, #tpu.memory_space<vmem>> -> memref<1x128xi32, #tpu.memory_space<vmem>>
      %dma_start3A_181 = tpu.memref_squeeze %dma_start3A_180 : memref<1x128xi32, #tpu.memory_space<vmem>> -> memref<128xi32, #tpu.memory_space<vmem>>
      %dma_start3A_182 = arith.constant 0 : i32
      %dma_start3A_183 = arith.constant 0 : i32
      %dma_start3A_184 = tpu.memref_slice %arg2[%dma_start3A_182, %dma_start3A_183] : memref<10240x128xf32, #tpu.memory_space<hbm>> -> memref<10240x128xf32, #tpu.memory_space<hbm>>
      tpu.enqueue_indirect_dma source(%dma_start3A_184 : memref<10240x128xf32, #tpu.memory_space<hbm>>) target(%arg10 : memref<128x128xf32, #tpu.memory_space<vmem>>) offsets(%dma_start3A_181 : memref<128xi32, #tpu.memory_space<vmem>>) semaphore(%arg13 : memref<!tpu.dma_semaphore, #tpu.memory_space<semaphore_mem>>)
      %run_scoped3A_185 = arith.constant 10 : i32
      "tpu.region"() ({
        %run_scoped3A_254 = tpu.sem_alloc : memref<!tpu.dma_semaphore, #tpu.memory_space<semaphore_mem>>
        %dma_start3A_255 = arith.constant 0 : i32
        %dma_start3A_256 = tpu.memref_slice %arg8[%run_scoped3A_185, %dma_start3A_255] : memref<16x128xi32, #tpu.memory_space<vmem>> -> memref<1x128xi32, #tpu.memory_space<vmem>>
        %dma_start3A_257 = tpu.memref_squeeze %dma_start3A_256 : memref<1x128xi32, #tpu.memory_space<vmem>> -> memref<128xi32, #tpu.memory_space<vmem>>
        %dma_start3A_258 = arith.constant 0 : i32
        %dma_start3A_259 = arith.constant 0 : i32
        %dma_start3A_260 = tpu.memref_slice %arg11[%dma_start3A_258, %dma_start3A_259] : memref<10240x128xf32, #tpu.memory_space<vmem_shared>> -> memref<10240x128xf32, #tpu.memory_space<vmem_shared>>
        tpu.enqueue_indirect_dma source(%arg9 : memref<128x128xf32, #tpu.memory_space<vmem>>) target(%dma_start3A_260 : memref<10240x128xf32, #tpu.memory_space<vmem_shared>>) offsets(%dma_start3A_257 : memref<128xi32, #tpu.memory_space<vmem>>) semaphore(%run_scoped3A_254 : memref<!tpu.dma_semaphore, #tpu.memory_space<semaphore_mem>>) {add = true}
        %dma_wait3A_261 = arith.constant 0 : i32
        %dma_wait3A_262 = tpu.memref_slice %arg8[%run_scoped3A_185, %dma_wait3A_261] : memref<16x128xi32, #tpu.memory_space<vmem>> -> memref<1x128xi32, #tpu.memory_space<vmem>>
        %dma_wait3A_263 = tpu.memref_squeeze %dma_wait3A_262 : memref<1x128xi32, #tpu.memory_space<vmem>> -> memref<128xi32, #tpu.memory_space<vmem>>
        %dma_wait3A_264 = arith.constant 0 : i32
        %dma_wait3A_265 = arith.constant 0 : i32
        %dma_wait3A_266 = tpu.memref_slice %arg11[%dma_wait3A_264, %dma_wait3A_265] : memref<10240x128xf32, #tpu.memory_space<vmem_shared>> -> memref<10240x128xf32, #tpu.memory_space<vmem_shared>>
        tpu.wait_indirect_dma semaphore(%run_scoped3A_254 : memref<!tpu.dma_semaphore, #tpu.memory_space<semaphore_mem>>) src(%arg9 : memref<128x128xf32, #tpu.memory_space<vmem>>) dst(%dma_wait3A_266 : memref<10240x128xf32, #tpu.memory_space<vmem_shared>>)
        tpu.yield
      }) : () -> ()
      %dma_wait3A_186 = arith.constant 11 : i32
      %dma_wait3A_187 = arith.constant 0 : i32
      %dma_wait3A_188 = tpu.memref_slice %arg7[%dma_wait3A_186, %dma_wait3A_187] : memref<16x128xi32, #tpu.memory_space<vmem>> -> memref<1x128xi32, #tpu.memory_space<vmem>>
      %dma_wait3A_189 = tpu.memref_squeeze %dma_wait3A_188 : memref<1x128xi32, #tpu.memory_space<vmem>> -> memref<128xi32, #tpu.memory_space<vmem>>
      %dma_wait3A_190 = arith.constant 0 : i32
      %dma_wait3A_191 = arith.constant 0 : i32
      %dma_wait3A_192 = tpu.memref_slice %arg2[%dma_wait3A_190, %dma_wait3A_191] : memref<10240x128xf32, #tpu.memory_space<hbm>> -> memref<10240x128xf32, #tpu.memory_space<hbm>>
      tpu.wait_indirect_dma semaphore(%arg13 : memref<!tpu.dma_semaphore, #tpu.memory_space<semaphore_mem>>) src(%dma_wait3A_192 : memref<10240x128xf32, #tpu.memory_space<hbm>>) dst(%arg10 : memref<128x128xf32, #tpu.memory_space<vmem>>)
      %dma_start3A_193 = arith.constant 12 : i32
      %dma_start3A_194 = arith.constant 0 : i32
      %dma_start3A_195 = tpu.memref_slice %arg7[%dma_start3A_193, %dma_start3A_194] : memref<16x128xi32, #tpu.memory_space<vmem>> -> memref<1x128xi32, #tpu.memory_space<vmem>>
      %dma_start3A_196 = tpu.memref_squeeze %dma_start3A_195 : memref<1x128xi32, #tpu.memory_space<vmem>> -> memref<128xi32, #tpu.memory_space<vmem>>
      %dma_start3A_197 = arith.constant 0 : i32
      %dma_start3A_198 = arith.constant 0 : i32
      %dma_start3A_199 = tpu.memref_slice %arg2[%dma_start3A_197, %dma_start3A_198] : memref<10240x128xf32, #tpu.memory_space<hbm>> -> memref<10240x128xf32, #tpu.memory_space<hbm>>
      tpu.enqueue_indirect_dma source(%dma_start3A_199 : memref<10240x128xf32, #tpu.memory_space<hbm>>) target(%arg9 : memref<128x128xf32, #tpu.memory_space<vmem>>) offsets(%dma_start3A_196 : memref<128xi32, #tpu.memory_space<vmem>>) semaphore(%arg12 : memref<!tpu.dma_semaphore, #tpu.memory_space<semaphore_mem>>)
      %run_scoped3A_200 = arith.constant 11 : i32
      "tpu.region"() ({
        %run_scoped3A_254 = tpu.sem_alloc : memref<!tpu.dma_semaphore, #tpu.memory_space<semaphore_mem>>
        %dma_start3A_255 = arith.constant 0 : i32
        %dma_start3A_256 = tpu.memref_slice %arg8[%run_scoped3A_200, %dma_start3A_255] : memref<16x128xi32, #tpu.memory_space<vmem>> -> memref<1x128xi32, #tpu.memory_space<vmem>>
        %dma_start3A_257 = tpu.memref_squeeze %dma_start3A_256 : memref<1x128xi32, #tpu.memory_space<vmem>> -> memref<128xi32, #tpu.memory_space<vmem>>
        %dma_start3A_258 = arith.constant 0 : i32
        %dma_start3A_259 = arith.constant 0 : i32
        %dma_start3A_260 = tpu.memref_slice %arg11[%dma_start3A_258, %dma_start3A_259] : memref<10240x128xf32, #tpu.memory_space<vmem_shared>> -> memref<10240x128xf32, #tpu.memory_space<vmem_shared>>
        tpu.enqueue_indirect_dma source(%arg10 : memref<128x128xf32, #tpu.memory_space<vmem>>) target(%dma_start3A_260 : memref<10240x128xf32, #tpu.memory_space<vmem_shared>>) offsets(%dma_start3A_257 : memref<128xi32, #tpu.memory_space<vmem>>) semaphore(%run_scoped3A_254 : memref<!tpu.dma_semaphore, #tpu.memory_space<semaphore_mem>>) {add = true}
        %dma_wait3A_261 = arith.constant 0 : i32
        %dma_wait3A_262 = tpu.memref_slice %arg8[%run_scoped3A_200, %dma_wait3A_261] : memref<16x128xi32, #tpu.memory_space<vmem>> -> memref<1x128xi32, #tpu.memory_space<vmem>>
        %dma_wait3A_263 = tpu.memref_squeeze %dma_wait3A_262 : memref<1x128xi32, #tpu.memory_space<vmem>> -> memref<128xi32, #tpu.memory_space<vmem>>
        %dma_wait3A_264 = arith.constant 0 : i32
        %dma_wait3A_265 = arith.constant 0 : i32
        %dma_wait3A_266 = tpu.memref_slice %arg11[%dma_wait3A_264, %dma_wait3A_265] : memref<10240x128xf32, #tpu.memory_space<vmem_shared>> -> memref<10240x128xf32, #tpu.memory_space<vmem_shared>>
        tpu.wait_indirect_dma semaphore(%run_scoped3A_254 : memref<!tpu.dma_semaphore, #tpu.memory_space<semaphore_mem>>) src(%arg10 : memref<128x128xf32, #tpu.memory_space<vmem>>) dst(%dma_wait3A_266 : memref<10240x128xf32, #tpu.memory_space<vmem_shared>>)
        tpu.yield
      }) : () -> ()
      %dma_wait3A_201 = arith.constant 12 : i32
      %dma_wait3A_202 = arith.constant 0 : i32
      %dma_wait3A_203 = tpu.memref_slice %arg7[%dma_wait3A_201, %dma_wait3A_202] : memref<16x128xi32, #tpu.memory_space<vmem>> -> memref<1x128xi32, #tpu.memory_space<vmem>>
      %dma_wait3A_204 = tpu.memref_squeeze %dma_wait3A_203 : memref<1x128xi32, #tpu.memory_space<vmem>> -> memref<128xi32, #tpu.memory_space<vmem>>
      %dma_wait3A_205 = arith.constant 0 : i32
      %dma_wait3A_206 = arith.constant 0 : i32
      %dma_wait3A_207 = tpu.memref_slice %arg2[%dma_wait3A_205, %dma_wait3A_206] : memref<10240x128xf32, #tpu.memory_space<hbm>> -> memref<10240x128xf32, #tpu.memory_space<hbm>>
      tpu.wait_indirect_dma semaphore(%arg12 : memref<!tpu.dma_semaphore, #tpu.memory_space<semaphore_mem>>) src(%dma_wait3A_207 : memref<10240x128xf32, #tpu.memory_space<hbm>>) dst(%arg9 : memref<128x128xf32, #tpu.memory_space<vmem>>)
      %dma_start3A_208 = arith.constant 13 : i32
      %dma_start3A_209 = arith.constant 0 : i32
      %dma_start3A_210 = tpu.memref_slice %arg7[%dma_start3A_208, %dma_start3A_209] : memref<16x128xi32, #tpu.memory_space<vmem>> -> memref<1x128xi32, #tpu.memory_space<vmem>>
      %dma_start3A_211 = tpu.memref_squeeze %dma_start3A_210 : memref<1x128xi32, #tpu.memory_space<vmem>> -> memref<128xi32, #tpu.memory_space<vmem>>
      %dma_start3A_212 = arith.constant 0 : i32
      %dma_start3A_213 = arith.constant 0 : i32
      %dma_start3A_214 = tpu.memref_slice %arg2[%dma_start3A_212, %dma_start3A_213] : memref<10240x128xf32, #tpu.memory_space<hbm>> -> memref<10240x128xf32, #tpu.memory_space<hbm>>
      tpu.enqueue_indirect_dma source(%dma_start3A_214 : memref<10240x128xf32, #tpu.memory_space<hbm>>) target(%arg10 : memref<128x128xf32, #tpu.memory_space<vmem>>) offsets(%dma_start3A_211 : memref<128xi32, #tpu.memory_space<vmem>>) semaphore(%arg13 : memref<!tpu.dma_semaphore, #tpu.memory_space<semaphore_mem>>)
      %run_scoped3A_215 = arith.constant 12 : i32
      "tpu.region"() ({
        %run_scoped3A_254 = tpu.sem_alloc : memref<!tpu.dma_semaphore, #tpu.memory_space<semaphore_mem>>
        %dma_start3A_255 = arith.constant 0 : i32
        %dma_start3A_256 = tpu.memref_slice %arg8[%run_scoped3A_215, %dma_start3A_255] : memref<16x128xi32, #tpu.memory_space<vmem>> -> memref<1x128xi32, #tpu.memory_space<vmem>>
        %dma_start3A_257 = tpu.memref_squeeze %dma_start3A_256 : memref<1x128xi32, #tpu.memory_space<vmem>> -> memref<128xi32, #tpu.memory_space<vmem>>
        %dma_start3A_258 = arith.constant 0 : i32
        %dma_start3A_259 = arith.constant 0 : i32
        %dma_start3A_260 = tpu.memref_slice %arg11[%dma_start3A_258, %dma_start3A_259] : memref<10240x128xf32, #tpu.memory_space<vmem_shared>> -> memref<10240x128xf32, #tpu.memory_space<vmem_shared>>
        tpu.enqueue_indirect_dma source(%arg9 : memref<128x128xf32, #tpu.memory_space<vmem>>) target(%dma_start3A_260 : memref<10240x128xf32, #tpu.memory_space<vmem_shared>>) offsets(%dma_start3A_257 : memref<128xi32, #tpu.memory_space<vmem>>) semaphore(%run_scoped3A_254 : memref<!tpu.dma_semaphore, #tpu.memory_space<semaphore_mem>>) {add = true}
        %dma_wait3A_261 = arith.constant 0 : i32
        %dma_wait3A_262 = tpu.memref_slice %arg8[%run_scoped3A_215, %dma_wait3A_261] : memref<16x128xi32, #tpu.memory_space<vmem>> -> memref<1x128xi32, #tpu.memory_space<vmem>>
        %dma_wait3A_263 = tpu.memref_squeeze %dma_wait3A_262 : memref<1x128xi32, #tpu.memory_space<vmem>> -> memref<128xi32, #tpu.memory_space<vmem>>
        %dma_wait3A_264 = arith.constant 0 : i32
        %dma_wait3A_265 = arith.constant 0 : i32
        %dma_wait3A_266 = tpu.memref_slice %arg11[%dma_wait3A_264, %dma_wait3A_265] : memref<10240x128xf32, #tpu.memory_space<vmem_shared>> -> memref<10240x128xf32, #tpu.memory_space<vmem_shared>>
        tpu.wait_indirect_dma semaphore(%run_scoped3A_254 : memref<!tpu.dma_semaphore, #tpu.memory_space<semaphore_mem>>) src(%arg9 : memref<128x128xf32, #tpu.memory_space<vmem>>) dst(%dma_wait3A_266 : memref<10240x128xf32, #tpu.memory_space<vmem_shared>>)
        tpu.yield
      }) : () -> ()
      %dma_wait3A_216 = arith.constant 13 : i32
      %dma_wait3A_217 = arith.constant 0 : i32
      %dma_wait3A_218 = tpu.memref_slice %arg7[%dma_wait3A_216, %dma_wait3A_217] : memref<16x128xi32, #tpu.memory_space<vmem>> -> memref<1x128xi32, #tpu.memory_space<vmem>>
      %dma_wait3A_219 = tpu.memref_squeeze %dma_wait3A_218 : memref<1x128xi32, #tpu.memory_space<vmem>> -> memref<128xi32, #tpu.memory_space<vmem>>
      %dma_wait3A_220 = arith.constant 0 : i32
      %dma_wait3A_221 = arith.constant 0 : i32
      %dma_wait3A_222 = tpu.memref_slice %arg2[%dma_wait3A_220, %dma_wait3A_221] : memref<10240x128xf32, #tpu.memory_space<hbm>> -> memref<10240x128xf32, #tpu.memory_space<hbm>>
      tpu.wait_indirect_dma semaphore(%arg13 : memref<!tpu.dma_semaphore, #tpu.memory_space<semaphore_mem>>) src(%dma_wait3A_222 : memref<10240x128xf32, #tpu.memory_space<hbm>>) dst(%arg10 : memref<128x128xf32, #tpu.memory_space<vmem>>)
      %dma_start3A_223 = arith.constant 14 : i32
      %dma_start3A_224 = arith.constant 0 : i32
      %dma_start3A_225 = tpu.memref_slice %arg7[%dma_start3A_223, %dma_start3A_224] : memref<16x128xi32, #tpu.memory_space<vmem>> -> memref<1x128xi32, #tpu.memory_space<vmem>>
      %dma_start3A_226 = tpu.memref_squeeze %dma_start3A_225 : memref<1x128xi32, #tpu.memory_space<vmem>> -> memref<128xi32, #tpu.memory_space<vmem>>
      %dma_start3A_227 = arith.constant 0 : i32
      %dma_start3A_228 = arith.constant 0 : i32
      %dma_start3A_229 = tpu.memref_slice %arg2[%dma_start3A_227, %dma_start3A_228] : memref<10240x128xf32, #tpu.memory_space<hbm>> -> memref<10240x128xf32, #tpu.memory_space<hbm>>
      tpu.enqueue_indirect_dma source(%dma_start3A_229 : memref<10240x128xf32, #tpu.memory_space<hbm>>) target(%arg9 : memref<128x128xf32, #tpu.memory_space<vmem>>) offsets(%dma_start3A_226 : memref<128xi32, #tpu.memory_space<vmem>>) semaphore(%arg12 : memref<!tpu.dma_semaphore, #tpu.memory_space<semaphore_mem>>)
      %run_scoped3A_230 = arith.constant 13 : i32
      "tpu.region"() ({
        %run_scoped3A_254 = tpu.sem_alloc : memref<!tpu.dma_semaphore, #tpu.memory_space<semaphore_mem>>
        %dma_start3A_255 = arith.constant 0 : i32
        %dma_start3A_256 = tpu.memref_slice %arg8[%run_scoped3A_230, %dma_start3A_255] : memref<16x128xi32, #tpu.memory_space<vmem>> -> memref<1x128xi32, #tpu.memory_space<vmem>>
        %dma_start3A_257 = tpu.memref_squeeze %dma_start3A_256 : memref<1x128xi32, #tpu.memory_space<vmem>> -> memref<128xi32, #tpu.memory_space<vmem>>
        %dma_start3A_258 = arith.constant 0 : i32
        %dma_start3A_259 = arith.constant 0 : i32
        %dma_start3A_260 = tpu.memref_slice %arg11[%dma_start3A_258, %dma_start3A_259] : memref<10240x128xf32, #tpu.memory_space<vmem_shared>> -> memref<10240x128xf32, #tpu.memory_space<vmem_shared>>
        tpu.enqueue_indirect_dma source(%arg10 : memref<128x128xf32, #tpu.memory_space<vmem>>) target(%dma_start3A_260 : memref<10240x128xf32, #tpu.memory_space<vmem_shared>>) offsets(%dma_start3A_257 : memref<128xi32, #tpu.memory_space<vmem>>) semaphore(%run_scoped3A_254 : memref<!tpu.dma_semaphore, #tpu.memory_space<semaphore_mem>>) {add = true}
        %dma_wait3A_261 = arith.constant 0 : i32
        %dma_wait3A_262 = tpu.memref_slice %arg8[%run_scoped3A_230, %dma_wait3A_261] : memref<16x128xi32, #tpu.memory_space<vmem>> -> memref<1x128xi32, #tpu.memory_space<vmem>>
        %dma_wait3A_263 = tpu.memref_squeeze %dma_wait3A_262 : memref<1x128xi32, #tpu.memory_space<vmem>> -> memref<128xi32, #tpu.memory_space<vmem>>
        %dma_wait3A_264 = arith.constant 0 : i32
        %dma_wait3A_265 = arith.constant 0 : i32
        %dma_wait3A_266 = tpu.memref_slice %arg11[%dma_wait3A_264, %dma_wait3A_265] : memref<10240x128xf32, #tpu.memory_space<vmem_shared>> -> memref<10240x128xf32, #tpu.memory_space<vmem_shared>>
        tpu.wait_indirect_dma semaphore(%run_scoped3A_254 : memref<!tpu.dma_semaphore, #tpu.memory_space<semaphore_mem>>) src(%arg10 : memref<128x128xf32, #tpu.memory_space<vmem>>) dst(%dma_wait3A_266 : memref<10240x128xf32, #tpu.memory_space<vmem_shared>>)
        tpu.yield
      }) : () -> ()
      %dma_wait3A_231 = arith.constant 14 : i32
      %dma_wait3A_232 = arith.constant 0 : i32
      %dma_wait3A_233 = tpu.memref_slice %arg7[%dma_wait3A_231, %dma_wait3A_232] : memref<16x128xi32, #tpu.memory_space<vmem>> -> memref<1x128xi32, #tpu.memory_space<vmem>>
      %dma_wait3A_234 = tpu.memref_squeeze %dma_wait3A_233 : memref<1x128xi32, #tpu.memory_space<vmem>> -> memref<128xi32, #tpu.memory_space<vmem>>
      %dma_wait3A_235 = arith.constant 0 : i32
      %dma_wait3A_236 = arith.constant 0 : i32
      %dma_wait3A_237 = tpu.memref_slice %arg2[%dma_wait3A_235, %dma_wait3A_236] : memref<10240x128xf32, #tpu.memory_space<hbm>> -> memref<10240x128xf32, #tpu.memory_space<hbm>>
      tpu.wait_indirect_dma semaphore(%arg12 : memref<!tpu.dma_semaphore, #tpu.memory_space<semaphore_mem>>) src(%dma_wait3A_237 : memref<10240x128xf32, #tpu.memory_space<hbm>>) dst(%arg9 : memref<128x128xf32, #tpu.memory_space<vmem>>)
      %dma_start3A_238 = arith.constant 15 : i32
      %dma_start3A_239 = arith.constant 0 : i32
      %dma_start3A_240 = tpu.memref_slice %arg7[%dma_start3A_238, %dma_start3A_239] : memref<16x128xi32, #tpu.memory_space<vmem>> -> memref<1x128xi32, #tpu.memory_space<vmem>>
      %dma_start3A_241 = tpu.memref_squeeze %dma_start3A_240 : memref<1x128xi32, #tpu.memory_space<vmem>> -> memref<128xi32, #tpu.memory_space<vmem>>
      %dma_start3A_242 = arith.constant 0 : i32
      %dma_start3A_243 = arith.constant 0 : i32
      %dma_start3A_244 = tpu.memref_slice %arg2[%dma_start3A_242, %dma_start3A_243] : memref<10240x128xf32, #tpu.memory_space<hbm>> -> memref<10240x128xf32, #tpu.memory_space<hbm>>
      tpu.enqueue_indirect_dma source(%dma_start3A_244 : memref<10240x128xf32, #tpu.memory_space<hbm>>) target(%arg10 : memref<128x128xf32, #tpu.memory_space<vmem>>) offsets(%dma_start3A_241 : memref<128xi32, #tpu.memory_space<vmem>>) semaphore(%arg13 : memref<!tpu.dma_semaphore, #tpu.memory_space<semaphore_mem>>)
      %run_scoped3A_245 = arith.constant 14 : i32
      "tpu.region"() ({
        %run_scoped3A_254 = tpu.sem_alloc : memref<!tpu.dma_semaphore, #tpu.memory_space<semaphore_mem>>
        %dma_start3A_255 = arith.constant 0 : i32
        %dma_start3A_256 = tpu.memref_slice %arg8[%run_scoped3A_245, %dma_start3A_255] : memref<16x128xi32, #tpu.memory_space<vmem>> -> memref<1x128xi32, #tpu.memory_space<vmem>>
        %dma_start3A_257 = tpu.memref_squeeze %dma_start3A_256 : memref<1x128xi32, #tpu.memory_space<vmem>> -> memref<128xi32, #tpu.memory_space<vmem>>
        %dma_start3A_258 = arith.constant 0 : i32
        %dma_start3A_259 = arith.constant 0 : i32
        %dma_start3A_260 = tpu.memref_slice %arg11[%dma_start3A_258, %dma_start3A_259] : memref<10240x128xf32, #tpu.memory_space<vmem_shared>> -> memref<10240x128xf32, #tpu.memory_space<vmem_shared>>
        tpu.enqueue_indirect_dma source(%arg9 : memref<128x128xf32, #tpu.memory_space<vmem>>) target(%dma_start3A_260 : memref<10240x128xf32, #tpu.memory_space<vmem_shared>>) offsets(%dma_start3A_257 : memref<128xi32, #tpu.memory_space<vmem>>) semaphore(%run_scoped3A_254 : memref<!tpu.dma_semaphore, #tpu.memory_space<semaphore_mem>>) {add = true}
        %dma_wait3A_261 = arith.constant 0 : i32
        %dma_wait3A_262 = tpu.memref_slice %arg8[%run_scoped3A_245, %dma_wait3A_261] : memref<16x128xi32, #tpu.memory_space<vmem>> -> memref<1x128xi32, #tpu.memory_space<vmem>>
        %dma_wait3A_263 = tpu.memref_squeeze %dma_wait3A_262 : memref<1x128xi32, #tpu.memory_space<vmem>> -> memref<128xi32, #tpu.memory_space<vmem>>
        %dma_wait3A_264 = arith.constant 0 : i32
        %dma_wait3A_265 = arith.constant 0 : i32
        %dma_wait3A_266 = tpu.memref_slice %arg11[%dma_wait3A_264, %dma_wait3A_265] : memref<10240x128xf32, #tpu.memory_space<vmem_shared>> -> memref<10240x128xf32, #tpu.memory_space<vmem_shared>>
        tpu.wait_indirect_dma semaphore(%run_scoped3A_254 : memref<!tpu.dma_semaphore, #tpu.memory_space<semaphore_mem>>) src(%arg9 : memref<128x128xf32, #tpu.memory_space<vmem>>) dst(%dma_wait3A_266 : memref<10240x128xf32, #tpu.memory_space<vmem_shared>>)
        tpu.yield
      }) : () -> ()
      %dma_wait3A_246 = arith.constant 15 : i32
      %dma_wait3A_247 = arith.constant 0 : i32
      %dma_wait3A_248 = tpu.memref_slice %arg7[%dma_wait3A_246, %dma_wait3A_247] : memref<16x128xi32, #tpu.memory_space<vmem>> -> memref<1x128xi32, #tpu.memory_space<vmem>>
      %dma_wait3A_249 = tpu.memref_squeeze %dma_wait3A_248 : memref<1x128xi32, #tpu.memory_space<vmem>> -> memref<128xi32, #tpu.memory_space<vmem>>
      %dma_wait3A_250 = arith.constant 0 : i32
      %dma_wait3A_251 = arith.constant 0 : i32
      %dma_wait3A_252 = tpu.memref_slice %arg2[%dma_wait3A_250, %dma_wait3A_251] : memref<10240x128xf32, #tpu.memory_space<hbm>> -> memref<10240x128xf32, #tpu.memory_space<hbm>>
      tpu.wait_indirect_dma semaphore(%arg13 : memref<!tpu.dma_semaphore, #tpu.memory_space<semaphore_mem>>) src(%dma_wait3A_252 : memref<10240x128xf32, #tpu.memory_space<hbm>>) dst(%arg10 : memref<128x128xf32, #tpu.memory_space<vmem>>)
      %run_scoped3A_253 = arith.constant 15 : i32
      "tpu.region"() ({
        %run_scoped3A_254 = tpu.sem_alloc : memref<!tpu.dma_semaphore, #tpu.memory_space<semaphore_mem>>
        %dma_start3A_255 = arith.constant 0 : i32
        %dma_start3A_256 = tpu.memref_slice %arg8[%run_scoped3A_253, %dma_start3A_255] : memref<16x128xi32, #tpu.memory_space<vmem>> -> memref<1x128xi32, #tpu.memory_space<vmem>>
        %dma_start3A_257 = tpu.memref_squeeze %dma_start3A_256 : memref<1x128xi32, #tpu.memory_space<vmem>> -> memref<128xi32, #tpu.memory_space<vmem>>
        %dma_start3A_258 = arith.constant 0 : i32
        %dma_start3A_259 = arith.constant 0 : i32
        %dma_start3A_260 = tpu.memref_slice %arg11[%dma_start3A_258, %dma_start3A_259] : memref<10240x128xf32, #tpu.memory_space<vmem_shared>> -> memref<10240x128xf32, #tpu.memory_space<vmem_shared>>
        tpu.enqueue_indirect_dma source(%arg10 : memref<128x128xf32, #tpu.memory_space<vmem>>) target(%dma_start3A_260 : memref<10240x128xf32, #tpu.memory_space<vmem_shared>>) offsets(%dma_start3A_257 : memref<128xi32, #tpu.memory_space<vmem>>) semaphore(%run_scoped3A_254 : memref<!tpu.dma_semaphore, #tpu.memory_space<semaphore_mem>>) {add = true}
        %dma_wait3A_261 = arith.constant 0 : i32
        %dma_wait3A_262 = tpu.memref_slice %arg8[%run_scoped3A_253, %dma_wait3A_261] : memref<16x128xi32, #tpu.memory_space<vmem>> -> memref<1x128xi32, #tpu.memory_space<vmem>>
        %dma_wait3A_263 = tpu.memref_squeeze %dma_wait3A_262 : memref<1x128xi32, #tpu.memory_space<vmem>> -> memref<128xi32, #tpu.memory_space<vmem>>
        %dma_wait3A_264 = arith.constant 0 : i32
        %dma_wait3A_265 = arith.constant 0 : i32
        %dma_wait3A_266 = tpu.memref_slice %arg11[%dma_wait3A_264, %dma_wait3A_265] : memref<10240x128xf32, #tpu.memory_space<vmem_shared>> -> memref<10240x128xf32, #tpu.memory_space<vmem_shared>>
        tpu.wait_indirect_dma semaphore(%run_scoped3A_254 : memref<!tpu.dma_semaphore, #tpu.memory_space<semaphore_mem>>) src(%arg10 : memref<128x128xf32, #tpu.memory_space<vmem>>) dst(%dma_wait3A_266 : memref<10240x128xf32, #tpu.memory_space<vmem_shared>>)
        tpu.yield
      }) : () -> ()
    }
    %scan3A_6 = arith.constant 5 : i32
    %barrier3A_7 = arith.constant 0 : index
    tpu.barrier barrier_id(%barrier3A_7)
    "tpu.region"() ({
      %run_scoped3A = tpu.sem_alloc : memref<!tpu.dma_semaphore, #tpu.memory_space<semaphore_mem>>
      %dma_start3A = arith.constant 0 : i32
      %dma_start3A_8 = tpu.memref_slice %arg6[%arg0, %mul3A_2, %dma_start3A] : memref<2x10240x128xf32, #tpu.memory_space<hbm>> -> memref<1x640x128xf32, #tpu.memory_space<hbm>>
      %dma_start3A_9 = tpu.memref_squeeze %dma_start3A_8 : memref<1x640x128xf32, #tpu.memory_space<hbm>> -> memref<640x128xf32, #tpu.memory_space<hbm>>
      %dma_start3A_10 = arith.constant 0 : i32
      %dma_start3A_11 = tpu.memref_slice %arg11[%mul3A_2, %dma_start3A_10] : memref<10240x128xf32, #tpu.memory_space<vmem_shared>> -> memref<640x128xf32, #tpu.memory_space<vmem_shared>>
      tpu.enqueue_dma source(%dma_start3A_11 : memref<640x128xf32, #tpu.memory_space<vmem_shared>>) target(%dma_start3A_9 : memref<640x128xf32, #tpu.memory_space<hbm>>) target_semaphore(%run_scoped3A : memref<!tpu.dma_semaphore, #tpu.memory_space<semaphore_mem>>)
      %dma_wait3A = arith.constant 0 : i32
      %dma_wait3A_12 = tpu.memref_slice %arg6[%arg0, %mul3A_2, %dma_wait3A] : memref<2x10240x128xf32, #tpu.memory_space<hbm>> -> memref<1x640x128xf32, #tpu.memory_space<hbm>>
      %dma_wait3A_13 = tpu.memref_squeeze %dma_wait3A_12 : memref<1x640x128xf32, #tpu.memory_space<hbm>> -> memref<640x128xf32, #tpu.memory_space<hbm>>
      %dma_wait3A_14 = arith.constant 0 : i32
      %dma_wait3A_15 = tpu.memref_slice %arg11[%mul3A_2, %dma_wait3A_14] : memref<10240x128xf32, #tpu.memory_space<vmem_shared>> -> memref<640x128xf32, #tpu.memory_space<vmem_shared>>
      tpu.wait_dma2 semaphore(%run_scoped3A : memref<!tpu.dma_semaphore, #tpu.memory_space<semaphore_mem>>) src(%dma_wait3A_15 : memref<640x128xf32, #tpu.memory_space<vmem_shared>>) dst(%dma_wait3A_13 : memref<640x128xf32, #tpu.memory_space<hbm>>)
      tpu.yield
    }) : () -> ()
    return
  }
}

#map = affine_map<(d0, d1) -> (0, 0, 0)>
#map1 = affine_map<(d0, d1) -> (0, 0)>
module attributes {stable_mosaic.version = 14 : i64} {
  func.func @k(%arg0: i32, %arg1: i32, %arg2: memref<32x80x128xi32, #tpu.memory_space<hbm>>, %arg3: memref<128x128xf32, #tpu.memory_space<hbm>>, %arg4: memref<10240x128xf32, #tpu.memory_space<hbm>>, %arg5: memref<2x10240x128xf32, #tpu.memory_space<hbm>>, %arg6: memref<80x128xi32, #tpu.memory_space<vmem>>, %arg7: memref<128x128xf32, #tpu.memory_space<vmem>>, %arg8: memref<10240x128xf32, #tpu.memory_space<vmem_shared>>) attributes {dimension_semantics = [#tpu.dimension_semantics<core_parallel>, #tpu.dimension_semantics<subcore_parallel>], iteration_bounds = array<i64: 2, 16>, scalar_prefetch = 0 : i64, scratch_operands = 3 : i64, tpu.core_type = #tpu.core_type<sc_vector_subcore>, window_params = [{transform_indices = #map}, {transform_indices = #map1}, {transform_indices = #map1}, {transform_indices = #map}]} {
    %mul3A = arith.constant 2 : i32
    %mul3A_0 = arith.muli %arg1, %mul3A : i32
    %add3A = arith.addi %mul3A_0, %arg0 : i32
    "tpu.region"() ({
      %run_scoped3A = tpu.sem_alloc : memref<!tpu.dma_semaphore, #tpu.memory_space<semaphore_mem>>
      %dma_start3A = arith.constant 0 : i32
      %dma_start3A_8 = arith.constant 0 : i32
      %dma_start3A_9 = tpu.memref_slice %arg2[%add3A, %dma_start3A, %dma_start3A_8] : memref<32x80x128xi32, #tpu.memory_space<hbm>> -> memref<1x80x128xi32, #tpu.memory_space<hbm>>
      %dma_start3A_10 = tpu.memref_squeeze %dma_start3A_9 : memref<1x80x128xi32, #tpu.memory_space<hbm>> -> memref<80x128xi32, #tpu.memory_space<hbm>>
      %dma_start3A_11 = arith.constant 0 : i32
      %dma_start3A_12 = arith.constant 0 : i32
      %dma_start3A_13 = tpu.memref_slice %arg2[%add3A, %dma_start3A_11, %dma_start3A_12] : memref<32x80x128xi32, #tpu.memory_space<hbm>> -> memref<1x80x128xi32, #tpu.memory_space<hbm>>
      %dma_start3A_14 = tpu.memref_squeeze %dma_start3A_13 : memref<1x80x128xi32, #tpu.memory_space<hbm>> -> memref<80x128xi32, #tpu.memory_space<hbm>>
      tpu.enqueue_dma source(%dma_start3A_14 : memref<80x128xi32, #tpu.memory_space<hbm>>) target(%arg6 : memref<80x128xi32, #tpu.memory_space<vmem>>) target_semaphore(%run_scoped3A : memref<!tpu.dma_semaphore, #tpu.memory_space<semaphore_mem>>)
      %dma_wait3A = arith.constant 0 : i32
      %dma_wait3A_15 = arith.constant 0 : i32
      %dma_wait3A_16 = tpu.memref_slice %arg2[%add3A, %dma_wait3A, %dma_wait3A_15] : memref<32x80x128xi32, #tpu.memory_space<hbm>> -> memref<1x80x128xi32, #tpu.memory_space<hbm>>
      %dma_wait3A_17 = tpu.memref_squeeze %dma_wait3A_16 : memref<1x80x128xi32, #tpu.memory_space<hbm>> -> memref<80x128xi32, #tpu.memory_space<hbm>>
      %dma_wait3A_18 = arith.constant 0 : i32
      %dma_wait3A_19 = arith.constant 0 : i32
      %dma_wait3A_20 = tpu.memref_slice %arg2[%add3A, %dma_wait3A_18, %dma_wait3A_19] : memref<32x80x128xi32, #tpu.memory_space<hbm>> -> memref<1x80x128xi32, #tpu.memory_space<hbm>>
      %dma_wait3A_21 = tpu.memref_squeeze %dma_wait3A_20 : memref<1x80x128xi32, #tpu.memory_space<hbm>> -> memref<80x128xi32, #tpu.memory_space<hbm>>
      tpu.wait_dma2 semaphore(%run_scoped3A : memref<!tpu.dma_semaphore, #tpu.memory_space<semaphore_mem>>) src(%dma_wait3A_21 : memref<80x128xi32, #tpu.memory_space<hbm>>) dst(%arg6 : memref<80x128xi32, #tpu.memory_space<vmem>>)
      tpu.yield
    }) : () -> ()
    "tpu.region"() ({
      %run_scoped3A = tpu.sem_alloc : memref<!tpu.dma_semaphore, #tpu.memory_space<semaphore_mem>>
      tpu.enqueue_dma source(%arg3 : memref<128x128xf32, #tpu.memory_space<hbm>>) target(%arg7 : memref<128x128xf32, #tpu.memory_space<vmem>>) target_semaphore(%run_scoped3A : memref<!tpu.dma_semaphore, #tpu.memory_space<semaphore_mem>>)
      tpu.wait_dma2 semaphore(%run_scoped3A : memref<!tpu.dma_semaphore, #tpu.memory_space<semaphore_mem>>) src(%arg3 : memref<128x128xf32, #tpu.memory_space<hbm>>) dst(%arg7 : memref<128x128xf32, #tpu.memory_space<vmem>>)
      tpu.yield
    }) : () -> ()
    %mul3A_1 = arith.constant 640 : i32
    %mul3A_2 = arith.muli %arg1, %mul3A_1 : i32
    "tpu.region"() ({
      %run_scoped3A = tpu.sem_alloc : memref<!tpu.dma_semaphore, #tpu.memory_space<semaphore_mem>>
      %dma_start3A = arith.constant 0 : i32
      %dma_start3A_8 = tpu.memref_slice %arg8[%mul3A_2, %dma_start3A] : memref<10240x128xf32, #tpu.memory_space<vmem_shared>> -> memref<640x128xf32, #tpu.memory_space<vmem_shared>>
      %dma_start3A_9 = arith.constant 0 : i32
      %dma_start3A_10 = tpu.memref_slice %arg4[%mul3A_2, %dma_start3A_9] : memref<10240x128xf32, #tpu.memory_space<hbm>> -> memref<640x128xf32, #tpu.memory_space<hbm>>
      tpu.enqueue_dma source(%dma_start3A_10 : memref<640x128xf32, #tpu.memory_space<hbm>>) target(%dma_start3A_8 : memref<640x128xf32, #tpu.memory_space<vmem_shared>>) target_semaphore(%run_scoped3A : memref<!tpu.dma_semaphore, #tpu.memory_space<semaphore_mem>>)
      %dma_wait3A = arith.constant 0 : i32
      %dma_wait3A_11 = tpu.memref_slice %arg8[%mul3A_2, %dma_wait3A] : memref<10240x128xf32, #tpu.memory_space<vmem_shared>> -> memref<640x128xf32, #tpu.memory_space<vmem_shared>>
      %dma_wait3A_12 = arith.constant 0 : i32
      %dma_wait3A_13 = tpu.memref_slice %arg4[%mul3A_2, %dma_wait3A_12] : memref<10240x128xf32, #tpu.memory_space<hbm>> -> memref<640x128xf32, #tpu.memory_space<hbm>>
      tpu.wait_dma2 semaphore(%run_scoped3A : memref<!tpu.dma_semaphore, #tpu.memory_space<semaphore_mem>>) src(%dma_wait3A_13 : memref<640x128xf32, #tpu.memory_space<hbm>>) dst(%dma_wait3A_11 : memref<640x128xf32, #tpu.memory_space<vmem_shared>>)
      tpu.yield
    }) : () -> ()
    %barrier3A = arith.constant 0 : index
    tpu.barrier barrier_id(%barrier3A)
    %scan3A = arith.constant 0 : i32
    %scan3A_3 = arith.constant 80 : i32
    %scan3A_4 = arith.addi %scan3A, %scan3A_3 : i32
    %scan3A_5 = arith.constant 1 : i32
    scf.for %scan3A_8 = %scan3A to %scan3A_4 step %scan3A_5  : i32 {
      %mul3A_9 = arith.constant 1 : i32
      %mul3A_10 = arith.muli %scan3A_8, %mul3A_9 : i32
      %add3A_11 = arith.constant 0 : i32
      %add3A_12 = arith.addi %add3A_11, %mul3A_10 : i32
      "tpu.region"() ({
        %run_scoped3A = tpu.sem_alloc : memref<!tpu.dma_semaphore, #tpu.memory_space<semaphore_mem>>
        %dma_start3A = arith.constant 0 : i32
        %dma_start3A_13 = tpu.memref_slice %arg6[%add3A_12, %dma_start3A] : memref<80x128xi32, #tpu.memory_space<vmem>> -> memref<1x128xi32, #tpu.memory_space<vmem>>
        %dma_start3A_14 = tpu.memref_squeeze %dma_start3A_13 : memref<1x128xi32, #tpu.memory_space<vmem>> -> memref<128xi32, #tpu.memory_space<vmem>>
        %dma_start3A_15 = arith.constant 0 : i32
        %dma_start3A_16 = arith.constant 0 : i32
        %dma_start3A_17 = tpu.memref_slice %arg8[%dma_start3A_15, %dma_start3A_16] : memref<10240x128xf32, #tpu.memory_space<vmem_shared>> -> memref<10240x128xf32, #tpu.memory_space<vmem_shared>>
        tpu.enqueue_indirect_dma source(%arg7 : memref<128x128xf32, #tpu.memory_space<vmem>>) target(%dma_start3A_17 : memref<10240x128xf32, #tpu.memory_space<vmem_shared>>) offsets(%dma_start3A_14 : memref<128xi32, #tpu.memory_space<vmem>>) semaphore(%run_scoped3A : memref<!tpu.dma_semaphore, #tpu.memory_space<semaphore_mem>>) {add = true}
        %dma_wait3A = arith.constant 0 : i32
        %dma_wait3A_18 = tpu.memref_slice %arg6[%add3A_12, %dma_wait3A] : memref<80x128xi32, #tpu.memory_space<vmem>> -> memref<1x128xi32, #tpu.memory_space<vmem>>
        %dma_wait3A_19 = tpu.memref_squeeze %dma_wait3A_18 : memref<1x128xi32, #tpu.memory_space<vmem>> -> memref<128xi32, #tpu.memory_space<vmem>>
        %dma_wait3A_20 = arith.constant 0 : i32
        %dma_wait3A_21 = arith.constant 0 : i32
        %dma_wait3A_22 = tpu.memref_slice %arg8[%dma_wait3A_20, %dma_wait3A_21] : memref<10240x128xf32, #tpu.memory_space<vmem_shared>> -> memref<10240x128xf32, #tpu.memory_space<vmem_shared>>
        tpu.wait_indirect_dma semaphore(%run_scoped3A : memref<!tpu.dma_semaphore, #tpu.memory_space<semaphore_mem>>) src(%arg7 : memref<128x128xf32, #tpu.memory_space<vmem>>) dst(%dma_wait3A_22 : memref<10240x128xf32, #tpu.memory_space<vmem_shared>>)
        tpu.yield
      }) : () -> ()
    }
    %scan3A_6 = arith.constant 80 : i32
    %barrier3A_7 = arith.constant 0 : index
    tpu.barrier barrier_id(%barrier3A_7)
    "tpu.region"() ({
      %run_scoped3A = tpu.sem_alloc : memref<!tpu.dma_semaphore, #tpu.memory_space<semaphore_mem>>
      %dma_start3A = arith.constant 0 : i32
      %dma_start3A_8 = tpu.memref_slice %arg5[%arg0, %mul3A_2, %dma_start3A] : memref<2x10240x128xf32, #tpu.memory_space<hbm>> -> memref<1x640x128xf32, #tpu.memory_space<hbm>>
      %dma_start3A_9 = tpu.memref_squeeze %dma_start3A_8 : memref<1x640x128xf32, #tpu.memory_space<hbm>> -> memref<640x128xf32, #tpu.memory_space<hbm>>
      %dma_start3A_10 = arith.constant 0 : i32
      %dma_start3A_11 = tpu.memref_slice %arg8[%mul3A_2, %dma_start3A_10] : memref<10240x128xf32, #tpu.memory_space<vmem_shared>> -> memref<640x128xf32, #tpu.memory_space<vmem_shared>>
      tpu.enqueue_dma source(%dma_start3A_11 : memref<640x128xf32, #tpu.memory_space<vmem_shared>>) target(%dma_start3A_9 : memref<640x128xf32, #tpu.memory_space<hbm>>) target_semaphore(%run_scoped3A : memref<!tpu.dma_semaphore, #tpu.memory_space<semaphore_mem>>)
      %dma_wait3A = arith.constant 0 : i32
      %dma_wait3A_12 = tpu.memref_slice %arg5[%arg0, %mul3A_2, %dma_wait3A] : memref<2x10240x128xf32, #tpu.memory_space<hbm>> -> memref<1x640x128xf32, #tpu.memory_space<hbm>>
      %dma_wait3A_13 = tpu.memref_squeeze %dma_wait3A_12 : memref<1x640x128xf32, #tpu.memory_space<hbm>> -> memref<640x128xf32, #tpu.memory_space<hbm>>
      %dma_wait3A_14 = arith.constant 0 : i32
      %dma_wait3A_15 = tpu.memref_slice %arg8[%mul3A_2, %dma_wait3A_14] : memref<10240x128xf32, #tpu.memory_space<vmem_shared>> -> memref<640x128xf32, #tpu.memory_space<vmem_shared>>
      tpu.wait_dma2 semaphore(%run_scoped3A : memref<!tpu.dma_semaphore, #tpu.memory_space<semaphore_mem>>) src(%dma_wait3A_15 : memref<640x128xf32, #tpu.memory_space<vmem_shared>>) dst(%dma_wait3A_13 : memref<640x128xf32, #tpu.memory_space<hbm>>)
      tpu.yield
    }) : () -> ()
    return
  }
}

#map = affine_map<(d0, d1) -> (0, 0)>
#map1 = affine_map<(d0, d1) -> (0, 0, 0)>
module attributes {stable_mosaic.version = 14 : i64} {
  func.func @k(%arg0: i32, %arg1: i32, %arg2: memref<10240x128xf32, #tpu.memory_space<hbm>>, %arg3: memref<32x80x128xi32, #tpu.memory_space<hbm>>, %arg4: memref<32x80x128xi32, #tpu.memory_space<hbm>>, %arg5: memref<10240x128xf32, #tpu.memory_space<hbm>>, %arg6: memref<2x10240x128xf32, #tpu.memory_space<hbm>>, %arg7: memref<16x128xi32, #tpu.memory_space<vmem>>, %arg8: memref<16x128xi32, #tpu.memory_space<vmem>>, %arg9: memref<128x128xf32, #tpu.memory_space<vmem>>, %arg10: memref<128x128xf32, #tpu.memory_space<vmem>>, %arg11: memref<10240x128xf32, #tpu.memory_space<vmem_shared>>, %arg12: memref<!tpu.dma_semaphore, #tpu.memory_space<semaphore_mem>>, %arg13: memref<!tpu.dma_semaphore, #tpu.memory_space<semaphore_mem>>) attributes {dimension_semantics = [#tpu.dimension_semantics<core_parallel>, #tpu.dimension_semantics<subcore_parallel>], iteration_bounds = array<i64: 2, 16>, scalar_prefetch = 0 : i64, scratch_operands = 7 : i64, tpu.core_type = #tpu.core_type<sc_vector_subcore>, window_params = [{transform_indices = #map}, {transform_indices = #map1}, {transform_indices = #map1}, {transform_indices = #map}, {transform_indices = #map1}]} {
    %mul3A = arith.constant 2 : i32
    %mul3A_0 = arith.muli %arg1, %mul3A : i32
    %add3A = arith.addi %mul3A_0, %arg0 : i32
    %mul3A_1 = arith.constant 640 : i32
    %mul3A_2 = arith.muli %arg1, %mul3A_1 : i32
    "tpu.region"() ({
      %run_scoped3A = tpu.sem_alloc : memref<!tpu.dma_semaphore, #tpu.memory_space<semaphore_mem>>
      %dma_start3A = arith.constant 0 : i32
      %dma_start3A_8 = tpu.memref_slice %arg11[%mul3A_2, %dma_start3A] : memref<10240x128xf32, #tpu.memory_space<vmem_shared>> -> memref<640x128xf32, #tpu.memory_space<vmem_shared>>
      %dma_start3A_9 = arith.constant 0 : i32
      %dma_start3A_10 = tpu.memref_slice %arg5[%mul3A_2, %dma_start3A_9] : memref<10240x128xf32, #tpu.memory_space<hbm>> -> memref<640x128xf32, #tpu.memory_space<hbm>>
      tpu.enqueue_dma source(%dma_start3A_10 : memref<640x128xf32, #tpu.memory_space<hbm>>) target(%dma_start3A_8 : memref<640x128xf32, #tpu.memory_space<vmem_shared>>) target_semaphore(%run_scoped3A : memref<!tpu.dma_semaphore, #tpu.memory_space<semaphore_mem>>)
      %dma_wait3A = arith.constant 0 : i32
      %dma_wait3A_11 = tpu.memref_slice %arg11[%mul3A_2, %dma_wait3A] : memref<10240x128xf32, #tpu.memory_space<vmem_shared>> -> memref<640x128xf32, #tpu.memory_space<vmem_shared>>
      %dma_wait3A_12 = arith.constant 0 : i32
      %dma_wait3A_13 = tpu.memref_slice %arg5[%mul3A_2, %dma_wait3A_12] : memref<10240x128xf32, #tpu.memory_space<hbm>> -> memref<640x128xf32, #tpu.memory_space<hbm>>
      tpu.wait_dma2 semaphore(%run_scoped3A : memref<!tpu.dma_semaphore, #tpu.memory_space<semaphore_mem>>) src(%dma_wait3A_13 : memref<640x128xf32, #tpu.memory_space<hbm>>) dst(%dma_wait3A_11 : memref<640x128xf32, #tpu.memory_space<vmem_shared>>)
      tpu.yield
    }) : () -> ()
    %barrier3A = arith.constant 0 : index
    tpu.barrier barrier_id(%barrier3A)
    %scan3A = arith.constant 0 : i32
    %scan3A_3 = arith.constant 5 : i32
    %scan3A_4 = arith.addi %scan3A, %scan3A_3 : i32
    %scan3A_5 = arith.constant 1 : i32
    scf.for %scan3A_8 = %scan3A to %scan3A_4 step %scan3A_5  : i32 {
      %mul3A_9 = arith.constant 1 : i32
      %mul3A_10 = arith.muli %scan3A_8, %mul3A_9 : i32
      %add3A_11 = arith.constant 0 : i32
      %add3A_12 = arith.addi %add3A_11, %mul3A_10 : i32
      %mul3A_13 = arith.constant 16 : i32
      %mul3A_14 = arith.muli %add3A_12, %mul3A_13 : i32
      "tpu.region"() ({
        %run_scoped3A_254 = tpu.sem_alloc : memref<!tpu.dma_semaphore, #tpu.memory_space<semaphore_mem>>
        %dma_start3A_255 = arith.constant 0 : i32
        %dma_start3A_256 = tpu.memref_slice %arg3[%add3A, %mul3A_14, %dma_start3A_255] : memref<32x80x128xi32, #tpu.memory_space<hbm>> -> memref<1x16x128xi32, #tpu.memory_space<hbm>>
        %dma_start3A_257 = tpu.memref_squeeze %dma_start3A_256 : memref<1x16x128xi32, #tpu.memory_space<hbm>> -> memref<16x128xi32, #tpu.memory_space<hbm>>
        %dma_start3A_258 = arith.constant 0 : i32
        %dma_start3A_259 = tpu.memref_slice %arg3[%add3A, %mul3A_14, %dma_start3A_258] : memref<32x80x128xi32, #tpu.memory_space<hbm>> -> memref<1x16x128xi32, #tpu.memory_space<hbm>>
        %dma_start3A_260 = tpu.memref_squeeze %dma_start3A_259 : memref<1x16x128xi32, #tpu.memory_space<hbm>> -> memref<16x128xi32, #tpu.memory_space<hbm>>
        tpu.enqueue_dma source(%dma_start3A_260 : memref<16x128xi32, #tpu.memory_space<hbm>>) target(%arg7 : memref<16x128xi32, #tpu.memory_space<vmem>>) target_semaphore(%run_scoped3A_254 : memref<!tpu.dma_semaphore, #tpu.memory_space<semaphore_mem>>)
        %dma_wait3A_261 = arith.constant 0 : i32
        %dma_wait3A_262 = tpu.memref_slice %arg3[%add3A, %mul3A_14, %dma_wait3A_261] : memref<32x80x128xi32, #tpu.memory_space<hbm>> -> memref<1x16x128xi32, #tpu.memory_space<hbm>>
        %dma_wait3A_263 = tpu.memref_squeeze %dma_wait3A_262 : memref<1x16x128xi32, #tpu.memory_space<hbm>> -> memref<16x128xi32, #tpu.memory_space<hbm>>
        %dma_wait3A_264 = arith.constant 0 : i32
        %dma_wait3A_265 = tpu.memref_slice %arg3[%add3A, %mul3A_14, %dma_wait3A_264] : memref<32x80x128xi32, #tpu.memory_space<hbm>> -> memref<1x16x128xi32, #tpu.memory_space<hbm>>
        %dma_wait3A_266 = tpu.memref_squeeze %dma_wait3A_265 : memref<1x16x128xi32, #tpu.memory_space<hbm>> -> memref<16x128xi32, #tpu.memory_space<hbm>>
        tpu.wait_dma2 semaphore(%run_scoped3A_254 : memref<!tpu.dma_semaphore, #tpu.memory_space<semaphore_mem>>) src(%dma_wait3A_266 : memref<16x128xi32, #tpu.memory_space<hbm>>) dst(%arg7 : memref<16x128xi32, #tpu.memory_space<vmem>>)
        tpu.yield
      }) : () -> ()
      %mul3A_15 = arith.constant 16 : i32
      %mul3A_16 = arith.muli %add3A_12, %mul3A_15 : i32
      "tpu.region"() ({
        %run_scoped3A_254 = tpu.sem_alloc : memref<!tpu.dma_semaphore, #tpu.memory_space<semaphore_mem>>
        %dma_start3A_255 = arith.constant 0 : i32
        %dma_start3A_256 = tpu.memref_slice %arg4[%add3A, %mul3A_16, %dma_start3A_255] : memref<32x80x128xi32, #tpu.memory_space<hbm>> -> memref<1x16x128xi32, #tpu.memory_space<hbm>>
        %dma_start3A_257 = tpu.memref_squeeze %dma_start3A_256 : memref<1x16x128xi32, #tpu.memory_space<hbm>> -> memref<16x128xi32, #tpu.memory_space<hbm>>
        %dma_start3A_258 = arith.constant 0 : i32
        %dma_start3A_259 = tpu.memref_slice %arg4[%add3A, %mul3A_16, %dma_start3A_258] : memref<32x80x128xi32, #tpu.memory_space<hbm>> -> memref<1x16x128xi32, #tpu.memory_space<hbm>>
        %dma_start3A_260 = tpu.memref_squeeze %dma_start3A_259 : memref<1x16x128xi32, #tpu.memory_space<hbm>> -> memref<16x128xi32, #tpu.memory_space<hbm>>
        tpu.enqueue_dma source(%dma_start3A_260 : memref<16x128xi32, #tpu.memory_space<hbm>>) target(%arg8 : memref<16x128xi32, #tpu.memory_space<vmem>>) target_semaphore(%run_scoped3A_254 : memref<!tpu.dma_semaphore, #tpu.memory_space<semaphore_mem>>)
        %dma_wait3A_261 = arith.constant 0 : i32
        %dma_wait3A_262 = tpu.memref_slice %arg4[%add3A, %mul3A_16, %dma_wait3A_261] : memref<32x80x128xi32, #tpu.memory_space<hbm>> -> memref<1x16x128xi32, #tpu.memory_space<hbm>>
        %dma_wait3A_263 = tpu.memref_squeeze %dma_wait3A_262 : memref<1x16x128xi32, #tpu.memory_space<hbm>> -> memref<16x128xi32, #tpu.memory_space<hbm>>
        %dma_wait3A_264 = arith.constant 0 : i32
        %dma_wait3A_265 = tpu.memref_slice %arg4[%add3A, %mul3A_16, %dma_wait3A_264] : memref<32x80x128xi32, #tpu.memory_space<hbm>> -> memref<1x16x128xi32, #tpu.memory_space<hbm>>
        %dma_wait3A_266 = tpu.memref_squeeze %dma_wait3A_265 : memref<1x16x128xi32, #tpu.memory_space<hbm>> -> memref<16x128xi32, #tpu.memory_space<hbm>>
        tpu.wait_dma2 semaphore(%run_scoped3A_254 : memref<!tpu.dma_semaphore, #tpu.memory_space<semaphore_mem>>) src(%dma_wait3A_266 : memref<16x128xi32, #tpu.memory_space<hbm>>) dst(%arg8 : memref<16x128xi32, #tpu.memory_space<vmem>>)
        tpu.yield
      }) : () -> ()
      %dma_start3A = arith.constant 0 : i32
      %dma_start3A_17 = arith.constant 0 : i32
      %dma_start3A_18 = tpu.memref_slice %arg7[%dma_start3A, %dma_start3A_17] : memref<16x128xi32, #tpu.memory_space<vmem>> -> memref<1x128xi32, #tpu.memory_space<vmem>>
      %dma_start3A_19 = tpu.memref_squeeze %dma_start3A_18 : memref<1x128xi32, #tpu.memory_space<vmem>> -> memref<128xi32, #tpu.memory_space<vmem>>
      %dma_start3A_20 = arith.constant 0 : i32
      %dma_start3A_21 = arith.constant 0 : i32
      %dma_start3A_22 = tpu.memref_slice %arg2[%dma_start3A_20, %dma_start3A_21] : memref<10240x128xf32, #tpu.memory_space<hbm>> -> memref<10240x128xf32, #tpu.memory_space<hbm>>
      tpu.enqueue_indirect_dma source(%dma_start3A_22 : memref<10240x128xf32, #tpu.memory_space<hbm>>) target(%arg9 : memref<128x128xf32, #tpu.memory_space<vmem>>) offsets(%dma_start3A_19 : memref<128xi32, #tpu.memory_space<vmem>>) semaphore(%arg12 : memref<!tpu.dma_semaphore, #tpu.memory_space<semaphore_mem>>)
      %dma_wait3A = arith.constant 0 : i32
      %dma_wait3A_23 = arith.constant 0 : i32
      %dma_wait3A_24 = tpu.memref_slice %arg7[%dma_wait3A, %dma_wait3A_23] : memref<16x128xi32, #tpu.memory_space<vmem>> -> memref<1x128xi32, #tpu.memory_space<vmem>>
      %dma_wait3A_25 = tpu.memref_squeeze %dma_wait3A_24 : memref<1x128xi32, #tpu.memory_space<vmem>> -> memref<128xi32, #tpu.memory_space<vmem>>
      %dma_wait3A_26 = arith.constant 0 : i32
      %dma_wait3A_27 = arith.constant 0 : i32
      %dma_wait3A_28 = tpu.memref_slice %arg2[%dma_wait3A_26, %dma_wait3A_27] : memref<10240x128xf32, #tpu.memory_space<hbm>> -> memref<10240x128xf32, #tpu.memory_space<hbm>>
      tpu.wait_indirect_dma semaphore(%arg12 : memref<!tpu.dma_semaphore, #tpu.memory_space<semaphore_mem>>) src(%dma_wait3A_28 : memref<10240x128xf32, #tpu.memory_space<hbm>>) dst(%arg9 : memref<128x128xf32, #tpu.memory_space<vmem>>)
      %dma_start3A_29 = arith.constant 1 : i32
      %dma_start3A_30 = arith.constant 0 : i32
      %dma_start3A_31 = tpu.memref_slice %arg7[%dma_start3A_29, %dma_start3A_30] : memref<16x128xi32, #tpu.memory_space<vmem>> -> memref<1x128xi32, #tpu.memory_space<vmem>>
      %dma_start3A_32 = tpu.memref_squeeze %dma_start3A_31 : memref<1x128xi32, #tpu.memory_space<vmem>> -> memref<128xi32, #tpu.memory_space<vmem>>
      %dma_start3A_33 = arith.constant 0 : i32
      %dma_start3A_34 = arith.constant 0 : i32
      %dma_start3A_35 = tpu.memref_slice %arg2[%dma_start3A_33, %dma_start3A_34] : memref<10240x128xf32, #tpu.memory_space<hbm>> -> memref<10240x128xf32, #tpu.memory_space<hbm>>
      tpu.enqueue_indirect_dma source(%dma_start3A_35 : memref<10240x128xf32, #tpu.memory_space<hbm>>) target(%arg10 : memref<128x128xf32, #tpu.memory_space<vmem>>) offsets(%dma_start3A_32 : memref<128xi32, #tpu.memory_space<vmem>>) semaphore(%arg13 : memref<!tpu.dma_semaphore, #tpu.memory_space<semaphore_mem>>)
      %run_scoped3A = arith.constant 0 : i32
      "tpu.region"() ({
        %run_scoped3A_254 = tpu.sem_alloc : memref<!tpu.dma_semaphore, #tpu.memory_space<semaphore_mem>>
        %dma_start3A_255 = arith.constant 0 : i32
        %dma_start3A_256 = tpu.memref_slice %arg8[%run_scoped3A, %dma_start3A_255] : memref<16x128xi32, #tpu.memory_space<vmem>> -> memref<1x128xi32, #tpu.memory_space<vmem>>
        %dma_start3A_257 = tpu.memref_squeeze %dma_start3A_256 : memref<1x128xi32, #tpu.memory_space<vmem>> -> memref<128xi32, #tpu.memory_space<vmem>>
        %dma_start3A_258 = arith.constant 0 : i32
        %dma_start3A_259 = arith.constant 0 : i32
        %dma_start3A_260 = tpu.memref_slice %arg11[%dma_start3A_258, %dma_start3A_259] : memref<10240x128xf32, #tpu.memory_space<vmem_shared>> -> memref<10240x128xf32, #tpu.memory_space<vmem_shared>>
        tpu.enqueue_indirect_dma source(%arg9 : memref<128x128xf32, #tpu.memory_space<vmem>>) target(%dma_start3A_260 : memref<10240x128xf32, #tpu.memory_space<vmem_shared>>) offsets(%dma_start3A_257 : memref<128xi32, #tpu.memory_space<vmem>>) semaphore(%run_scoped3A_254 : memref<!tpu.dma_semaphore, #tpu.memory_space<semaphore_mem>>) {add = true}
        %dma_wait3A_261 = arith.constant 0 : i32
        %dma_wait3A_262 = tpu.memref_slice %arg8[%run_scoped3A, %dma_wait3A_261] : memref<16x128xi32, #tpu.memory_space<vmem>> -> memref<1x128xi32, #tpu.memory_space<vmem>>
        %dma_wait3A_263 = tpu.memref_squeeze %dma_wait3A_262 : memref<1x128xi32, #tpu.memory_space<vmem>> -> memref<128xi32, #tpu.memory_space<vmem>>
        %dma_wait3A_264 = arith.constant 0 : i32
        %dma_wait3A_265 = arith.constant 0 : i32
        %dma_wait3A_266 = tpu.memref_slice %arg11[%dma_wait3A_264, %dma_wait3A_265] : memref<10240x128xf32, #tpu.memory_space<vmem_shared>> -> memref<10240x128xf32, #tpu.memory_space<vmem_shared>>
        tpu.wait_indirect_dma semaphore(%run_scoped3A_254 : memref<!tpu.dma_semaphore, #tpu.memory_space<semaphore_mem>>) src(%arg9 : memref<128x128xf32, #tpu.memory_space<vmem>>) dst(%dma_wait3A_266 : memref<10240x128xf32, #tpu.memory_space<vmem_shared>>)
        tpu.yield
      }) : () -> ()
      %dma_wait3A_36 = arith.constant 1 : i32
      %dma_wait3A_37 = arith.constant 0 : i32
      %dma_wait3A_38 = tpu.memref_slice %arg7[%dma_wait3A_36, %dma_wait3A_37] : memref<16x128xi32, #tpu.memory_space<vmem>> -> memref<1x128xi32, #tpu.memory_space<vmem>>
      %dma_wait3A_39 = tpu.memref_squeeze %dma_wait3A_38 : memref<1x128xi32, #tpu.memory_space<vmem>> -> memref<128xi32, #tpu.memory_space<vmem>>
      %dma_wait3A_40 = arith.constant 0 : i32
      %dma_wait3A_41 = arith.constant 0 : i32
      %dma_wait3A_42 = tpu.memref_slice %arg2[%dma_wait3A_40, %dma_wait3A_41] : memref<10240x128xf32, #tpu.memory_space<hbm>> -> memref<10240x128xf32, #tpu.memory_space<hbm>>
      tpu.wait_indirect_dma semaphore(%arg13 : memref<!tpu.dma_semaphore, #tpu.memory_space<semaphore_mem>>) src(%dma_wait3A_42 : memref<10240x128xf32, #tpu.memory_space<hbm>>) dst(%arg10 : memref<128x128xf32, #tpu.memory_space<vmem>>)
      %dma_start3A_43 = arith.constant 2 : i32
      %dma_start3A_44 = arith.constant 0 : i32
      %dma_start3A_45 = tpu.memref_slice %arg7[%dma_start3A_43, %dma_start3A_44] : memref<16x128xi32, #tpu.memory_space<vmem>> -> memref<1x128xi32, #tpu.memory_space<vmem>>
      %dma_start3A_46 = tpu.memref_squeeze %dma_start3A_45 : memref<1x128xi32, #tpu.memory_space<vmem>> -> memref<128xi32, #tpu.memory_space<vmem>>
      %dma_start3A_47 = arith.constant 0 : i32
      %dma_start3A_48 = arith.constant 0 : i32
      %dma_start3A_49 = tpu.memref_slice %arg2[%dma_start3A_47, %dma_start3A_48] : memref<10240x128xf32, #tpu.memory_space<hbm>> -> memref<10240x128xf32, #tpu.memory_space<hbm>>
      tpu.enqueue_indirect_dma source(%dma_start3A_49 : memref<10240x128xf32, #tpu.memory_space<hbm>>) target(%arg9 : memref<128x128xf32, #tpu.memory_space<vmem>>) offsets(%dma_start3A_46 : memref<128xi32, #tpu.memory_space<vmem>>) semaphore(%arg12 : memref<!tpu.dma_semaphore, #tpu.memory_space<semaphore_mem>>)
      %run_scoped3A_50 = arith.constant 1 : i32
      "tpu.region"() ({
        %run_scoped3A_254 = tpu.sem_alloc : memref<!tpu.dma_semaphore, #tpu.memory_space<semaphore_mem>>
        %dma_start3A_255 = arith.constant 0 : i32
        %dma_start3A_256 = tpu.memref_slice %arg8[%run_scoped3A_50, %dma_start3A_255] : memref<16x128xi32, #tpu.memory_space<vmem>> -> memref<1x128xi32, #tpu.memory_space<vmem>>
        %dma_start3A_257 = tpu.memref_squeeze %dma_start3A_256 : memref<1x128xi32, #tpu.memory_space<vmem>> -> memref<128xi32, #tpu.memory_space<vmem>>
        %dma_start3A_258 = arith.constant 0 : i32
        %dma_start3A_259 = arith.constant 0 : i32
        %dma_start3A_260 = tpu.memref_slice %arg11[%dma_start3A_258, %dma_start3A_259] : memref<10240x128xf32, #tpu.memory_space<vmem_shared>> -> memref<10240x128xf32, #tpu.memory_space<vmem_shared>>
        tpu.enqueue_indirect_dma source(%arg10 : memref<128x128xf32, #tpu.memory_space<vmem>>) target(%dma_start3A_260 : memref<10240x128xf32, #tpu.memory_space<vmem_shared>>) offsets(%dma_start3A_257 : memref<128xi32, #tpu.memory_space<vmem>>) semaphore(%run_scoped3A_254 : memref<!tpu.dma_semaphore, #tpu.memory_space<semaphore_mem>>) {add = true}
        %dma_wait3A_261 = arith.constant 0 : i32
        %dma_wait3A_262 = tpu.memref_slice %arg8[%run_scoped3A_50, %dma_wait3A_261] : memref<16x128xi32, #tpu.memory_space<vmem>> -> memref<1x128xi32, #tpu.memory_space<vmem>>
        %dma_wait3A_263 = tpu.memref_squeeze %dma_wait3A_262 : memref<1x128xi32, #tpu.memory_space<vmem>> -> memref<128xi32, #tpu.memory_space<vmem>>
        %dma_wait3A_264 = arith.constant 0 : i32
        %dma_wait3A_265 = arith.constant 0 : i32
        %dma_wait3A_266 = tpu.memref_slice %arg11[%dma_wait3A_264, %dma_wait3A_265] : memref<10240x128xf32, #tpu.memory_space<vmem_shared>> -> memref<10240x128xf32, #tpu.memory_space<vmem_shared>>
        tpu.wait_indirect_dma semaphore(%run_scoped3A_254 : memref<!tpu.dma_semaphore, #tpu.memory_space<semaphore_mem>>) src(%arg10 : memref<128x128xf32, #tpu.memory_space<vmem>>) dst(%dma_wait3A_266 : memref<10240x128xf32, #tpu.memory_space<vmem_shared>>)
        tpu.yield
      }) : () -> ()
      %dma_wait3A_51 = arith.constant 2 : i32
      %dma_wait3A_52 = arith.constant 0 : i32
      %dma_wait3A_53 = tpu.memref_slice %arg7[%dma_wait3A_51, %dma_wait3A_52] : memref<16x128xi32, #tpu.memory_space<vmem>> -> memref<1x128xi32, #tpu.memory_space<vmem>>
      %dma_wait3A_54 = tpu.memref_squeeze %dma_wait3A_53 : memref<1x128xi32, #tpu.memory_space<vmem>> -> memref<128xi32, #tpu.memory_space<vmem>>
      %dma_wait3A_55 = arith.constant 0 : i32
      %dma_wait3A_56 = arith.constant 0 : i32
      %dma_wait3A_57 = tpu.memref_slice %arg2[%dma_wait3A_55, %dma_wait3A_56] : memref<10240x128xf32, #tpu.memory_space<hbm>> -> memref<10240x128xf32, #tpu.memory_space<hbm>>
      tpu.wait_indirect_dma semaphore(%arg12 : memref<!tpu.dma_semaphore, #tpu.memory_space<semaphore_mem>>) src(%dma_wait3A_57 : memref<10240x128xf32, #tpu.memory_space<hbm>>) dst(%arg9 : memref<128x128xf32, #tpu.memory_space<vmem>>)
      %dma_start3A_58 = arith.constant 3 : i32
      %dma_start3A_59 = arith.constant 0 : i32
      %dma_start3A_60 = tpu.memref_slice %arg7[%dma_start3A_58, %dma_start3A_59] : memref<16x128xi32, #tpu.memory_space<vmem>> -> memref<1x128xi32, #tpu.memory_space<vmem>>
      %dma_start3A_61 = tpu.memref_squeeze %dma_start3A_60 : memref<1x128xi32, #tpu.memory_space<vmem>> -> memref<128xi32, #tpu.memory_space<vmem>>
      %dma_start3A_62 = arith.constant 0 : i32
      %dma_start3A_63 = arith.constant 0 : i32
      %dma_start3A_64 = tpu.memref_slice %arg2[%dma_start3A_62, %dma_start3A_63] : memref<10240x128xf32, #tpu.memory_space<hbm>> -> memref<10240x128xf32, #tpu.memory_space<hbm>>
      tpu.enqueue_indirect_dma source(%dma_start3A_64 : memref<10240x128xf32, #tpu.memory_space<hbm>>) target(%arg10 : memref<128x128xf32, #tpu.memory_space<vmem>>) offsets(%dma_start3A_61 : memref<128xi32, #tpu.memory_space<vmem>>) semaphore(%arg13 : memref<!tpu.dma_semaphore, #tpu.memory_space<semaphore_mem>>)
      %run_scoped3A_65 = arith.constant 2 : i32
      "tpu.region"() ({
        %run_scoped3A_254 = tpu.sem_alloc : memref<!tpu.dma_semaphore, #tpu.memory_space<semaphore_mem>>
        %dma_start3A_255 = arith.constant 0 : i32
        %dma_start3A_256 = tpu.memref_slice %arg8[%run_scoped3A_65, %dma_start3A_255] : memref<16x128xi32, #tpu.memory_space<vmem>> -> memref<1x128xi32, #tpu.memory_space<vmem>>
        %dma_start3A_257 = tpu.memref_squeeze %dma_start3A_256 : memref<1x128xi32, #tpu.memory_space<vmem>> -> memref<128xi32, #tpu.memory_space<vmem>>
        %dma_start3A_258 = arith.constant 0 : i32
        %dma_start3A_259 = arith.constant 0 : i32
        %dma_start3A_260 = tpu.memref_slice %arg11[%dma_start3A_258, %dma_start3A_259] : memref<10240x128xf32, #tpu.memory_space<vmem_shared>> -> memref<10240x128xf32, #tpu.memory_space<vmem_shared>>
        tpu.enqueue_indirect_dma source(%arg9 : memref<128x128xf32, #tpu.memory_space<vmem>>) target(%dma_start3A_260 : memref<10240x128xf32, #tpu.memory_space<vmem_shared>>) offsets(%dma_start3A_257 : memref<128xi32, #tpu.memory_space<vmem>>) semaphore(%run_scoped3A_254 : memref<!tpu.dma_semaphore, #tpu.memory_space<semaphore_mem>>) {add = true}
        %dma_wait3A_261 = arith.constant 0 : i32
        %dma_wait3A_262 = tpu.memref_slice %arg8[%run_scoped3A_65, %dma_wait3A_261] : memref<16x128xi32, #tpu.memory_space<vmem>> -> memref<1x128xi32, #tpu.memory_space<vmem>>
        %dma_wait3A_263 = tpu.memref_squeeze %dma_wait3A_262 : memref<1x128xi32, #tpu.memory_space<vmem>> -> memref<128xi32, #tpu.memory_space<vmem>>
        %dma_wait3A_264 = arith.constant 0 : i32
        %dma_wait3A_265 = arith.constant 0 : i32
        %dma_wait3A_266 = tpu.memref_slice %arg11[%dma_wait3A_264, %dma_wait3A_265] : memref<10240x128xf32, #tpu.memory_space<vmem_shared>> -> memref<10240x128xf32, #tpu.memory_space<vmem_shared>>
        tpu.wait_indirect_dma semaphore(%run_scoped3A_254 : memref<!tpu.dma_semaphore, #tpu.memory_space<semaphore_mem>>) src(%arg9 : memref<128x128xf32, #tpu.memory_space<vmem>>) dst(%dma_wait3A_266 : memref<10240x128xf32, #tpu.memory_space<vmem_shared>>)
        tpu.yield
      }) : () -> ()
      %dma_wait3A_66 = arith.constant 3 : i32
      %dma_wait3A_67 = arith.constant 0 : i32
      %dma_wait3A_68 = tpu.memref_slice %arg7[%dma_wait3A_66, %dma_wait3A_67] : memref<16x128xi32, #tpu.memory_space<vmem>> -> memref<1x128xi32, #tpu.memory_space<vmem>>
      %dma_wait3A_69 = tpu.memref_squeeze %dma_wait3A_68 : memref<1x128xi32, #tpu.memory_space<vmem>> -> memref<128xi32, #tpu.memory_space<vmem>>
      %dma_wait3A_70 = arith.constant 0 : i32
      %dma_wait3A_71 = arith.constant 0 : i32
      %dma_wait3A_72 = tpu.memref_slice %arg2[%dma_wait3A_70, %dma_wait3A_71] : memref<10240x128xf32, #tpu.memory_space<hbm>> -> memref<10240x128xf32, #tpu.memory_space<hbm>>
      tpu.wait_indirect_dma semaphore(%arg13 : memref<!tpu.dma_semaphore, #tpu.memory_space<semaphore_mem>>) src(%dma_wait3A_72 : memref<10240x128xf32, #tpu.memory_space<hbm>>) dst(%arg10 : memref<128x128xf32, #tpu.memory_space<vmem>>)
      %dma_start3A_73 = arith.constant 4 : i32
      %dma_start3A_74 = arith.constant 0 : i32
      %dma_start3A_75 = tpu.memref_slice %arg7[%dma_start3A_73, %dma_start3A_74] : memref<16x128xi32, #tpu.memory_space<vmem>> -> memref<1x128xi32, #tpu.memory_space<vmem>>
      %dma_start3A_76 = tpu.memref_squeeze %dma_start3A_75 : memref<1x128xi32, #tpu.memory_space<vmem>> -> memref<128xi32, #tpu.memory_space<vmem>>
      %dma_start3A_77 = arith.constant 0 : i32
      %dma_start3A_78 = arith.constant 0 : i32
      %dma_start3A_79 = tpu.memref_slice %arg2[%dma_start3A_77, %dma_start3A_78] : memref<10240x128xf32, #tpu.memory_space<hbm>> -> memref<10240x128xf32, #tpu.memory_space<hbm>>
      tpu.enqueue_indirect_dma source(%dma_start3A_79 : memref<10240x128xf32, #tpu.memory_space<hbm>>) target(%arg9 : memref<128x128xf32, #tpu.memory_space<vmem>>) offsets(%dma_start3A_76 : memref<128xi32, #tpu.memory_space<vmem>>) semaphore(%arg12 : memref<!tpu.dma_semaphore, #tpu.memory_space<semaphore_mem>>)
      %run_scoped3A_80 = arith.constant 3 : i32
      "tpu.region"() ({
        %run_scoped3A_254 = tpu.sem_alloc : memref<!tpu.dma_semaphore, #tpu.memory_space<semaphore_mem>>
        %dma_start3A_255 = arith.constant 0 : i32
        %dma_start3A_256 = tpu.memref_slice %arg8[%run_scoped3A_80, %dma_start3A_255] : memref<16x128xi32, #tpu.memory_space<vmem>> -> memref<1x128xi32, #tpu.memory_space<vmem>>
        %dma_start3A_257 = tpu.memref_squeeze %dma_start3A_256 : memref<1x128xi32, #tpu.memory_space<vmem>> -> memref<128xi32, #tpu.memory_space<vmem>>
        %dma_start3A_258 = arith.constant 0 : i32
        %dma_start3A_259 = arith.constant 0 : i32
        %dma_start3A_260 = tpu.memref_slice %arg11[%dma_start3A_258, %dma_start3A_259] : memref<10240x128xf32, #tpu.memory_space<vmem_shared>> -> memref<10240x128xf32, #tpu.memory_space<vmem_shared>>
        tpu.enqueue_indirect_dma source(%arg10 : memref<128x128xf32, #tpu.memory_space<vmem>>) target(%dma_start3A_260 : memref<10240x128xf32, #tpu.memory_space<vmem_shared>>) offsets(%dma_start3A_257 : memref<128xi32, #tpu.memory_space<vmem>>) semaphore(%run_scoped3A_254 : memref<!tpu.dma_semaphore, #tpu.memory_space<semaphore_mem>>) {add = true}
        %dma_wait3A_261 = arith.constant 0 : i32
        %dma_wait3A_262 = tpu.memref_slice %arg8[%run_scoped3A_80, %dma_wait3A_261] : memref<16x128xi32, #tpu.memory_space<vmem>> -> memref<1x128xi32, #tpu.memory_space<vmem>>
        %dma_wait3A_263 = tpu.memref_squeeze %dma_wait3A_262 : memref<1x128xi32, #tpu.memory_space<vmem>> -> memref<128xi32, #tpu.memory_space<vmem>>
        %dma_wait3A_264 = arith.constant 0 : i32
        %dma_wait3A_265 = arith.constant 0 : i32
        %dma_wait3A_266 = tpu.memref_slice %arg11[%dma_wait3A_264, %dma_wait3A_265] : memref<10240x128xf32, #tpu.memory_space<vmem_shared>> -> memref<10240x128xf32, #tpu.memory_space<vmem_shared>>
        tpu.wait_indirect_dma semaphore(%run_scoped3A_254 : memref<!tpu.dma_semaphore, #tpu.memory_space<semaphore_mem>>) src(%arg10 : memref<128x128xf32, #tpu.memory_space<vmem>>) dst(%dma_wait3A_266 : memref<10240x128xf32, #tpu.memory_space<vmem_shared>>)
        tpu.yield
      }) : () -> ()
      %dma_wait3A_81 = arith.constant 4 : i32
      %dma_wait3A_82 = arith.constant 0 : i32
      %dma_wait3A_83 = tpu.memref_slice %arg7[%dma_wait3A_81, %dma_wait3A_82] : memref<16x128xi32, #tpu.memory_space<vmem>> -> memref<1x128xi32, #tpu.memory_space<vmem>>
      %dma_wait3A_84 = tpu.memref_squeeze %dma_wait3A_83 : memref<1x128xi32, #tpu.memory_space<vmem>> -> memref<128xi32, #tpu.memory_space<vmem>>
      %dma_wait3A_85 = arith.constant 0 : i32
      %dma_wait3A_86 = arith.constant 0 : i32
      %dma_wait3A_87 = tpu.memref_slice %arg2[%dma_wait3A_85, %dma_wait3A_86] : memref<10240x128xf32, #tpu.memory_space<hbm>> -> memref<10240x128xf32, #tpu.memory_space<hbm>>
      tpu.wait_indirect_dma semaphore(%arg12 : memref<!tpu.dma_semaphore, #tpu.memory_space<semaphore_mem>>) src(%dma_wait3A_87 : memref<10240x128xf32, #tpu.memory_space<hbm>>) dst(%arg9 : memref<128x128xf32, #tpu.memory_space<vmem>>)
      %dma_start3A_88 = arith.constant 5 : i32
      %dma_start3A_89 = arith.constant 0 : i32
      %dma_start3A_90 = tpu.memref_slice %arg7[%dma_start3A_88, %dma_start3A_89] : memref<16x128xi32, #tpu.memory_space<vmem>> -> memref<1x128xi32, #tpu.memory_space<vmem>>
      %dma_start3A_91 = tpu.memref_squeeze %dma_start3A_90 : memref<1x128xi32, #tpu.memory_space<vmem>> -> memref<128xi32, #tpu.memory_space<vmem>>
      %dma_start3A_92 = arith.constant 0 : i32
      %dma_start3A_93 = arith.constant 0 : i32
      %dma_start3A_94 = tpu.memref_slice %arg2[%dma_start3A_92, %dma_start3A_93] : memref<10240x128xf32, #tpu.memory_space<hbm>> -> memref<10240x128xf32, #tpu.memory_space<hbm>>
      tpu.enqueue_indirect_dma source(%dma_start3A_94 : memref<10240x128xf32, #tpu.memory_space<hbm>>) target(%arg10 : memref<128x128xf32, #tpu.memory_space<vmem>>) offsets(%dma_start3A_91 : memref<128xi32, #tpu.memory_space<vmem>>) semaphore(%arg13 : memref<!tpu.dma_semaphore, #tpu.memory_space<semaphore_mem>>)
      %run_scoped3A_95 = arith.constant 4 : i32
      "tpu.region"() ({
        %run_scoped3A_254 = tpu.sem_alloc : memref<!tpu.dma_semaphore, #tpu.memory_space<semaphore_mem>>
        %dma_start3A_255 = arith.constant 0 : i32
        %dma_start3A_256 = tpu.memref_slice %arg8[%run_scoped3A_95, %dma_start3A_255] : memref<16x128xi32, #tpu.memory_space<vmem>> -> memref<1x128xi32, #tpu.memory_space<vmem>>
        %dma_start3A_257 = tpu.memref_squeeze %dma_start3A_256 : memref<1x128xi32, #tpu.memory_space<vmem>> -> memref<128xi32, #tpu.memory_space<vmem>>
        %dma_start3A_258 = arith.constant 0 : i32
        %dma_start3A_259 = arith.constant 0 : i32
        %dma_start3A_260 = tpu.memref_slice %arg11[%dma_start3A_258, %dma_start3A_259] : memref<10240x128xf32, #tpu.memory_space<vmem_shared>> -> memref<10240x128xf32, #tpu.memory_space<vmem_shared>>
        tpu.enqueue_indirect_dma source(%arg9 : memref<128x128xf32, #tpu.memory_space<vmem>>) target(%dma_start3A_260 : memref<10240x128xf32, #tpu.memory_space<vmem_shared>>) offsets(%dma_start3A_257 : memref<128xi32, #tpu.memory_space<vmem>>) semaphore(%run_scoped3A_254 : memref<!tpu.dma_semaphore, #tpu.memory_space<semaphore_mem>>) {add = true}
        %dma_wait3A_261 = arith.constant 0 : i32
        %dma_wait3A_262 = tpu.memref_slice %arg8[%run_scoped3A_95, %dma_wait3A_261] : memref<16x128xi32, #tpu.memory_space<vmem>> -> memref<1x128xi32, #tpu.memory_space<vmem>>
        %dma_wait3A_263 = tpu.memref_squeeze %dma_wait3A_262 : memref<1x128xi32, #tpu.memory_space<vmem>> -> memref<128xi32, #tpu.memory_space<vmem>>
        %dma_wait3A_264 = arith.constant 0 : i32
        %dma_wait3A_265 = arith.constant 0 : i32
        %dma_wait3A_266 = tpu.memref_slice %arg11[%dma_wait3A_264, %dma_wait3A_265] : memref<10240x128xf32, #tpu.memory_space<vmem_shared>> -> memref<10240x128xf32, #tpu.memory_space<vmem_shared>>
        tpu.wait_indirect_dma semaphore(%run_scoped3A_254 : memref<!tpu.dma_semaphore, #tpu.memory_space<semaphore_mem>>) src(%arg9 : memref<128x128xf32, #tpu.memory_space<vmem>>) dst(%dma_wait3A_266 : memref<10240x128xf32, #tpu.memory_space<vmem_shared>>)
        tpu.yield
      }) : () -> ()
      %dma_wait3A_96 = arith.constant 5 : i32
      %dma_wait3A_97 = arith.constant 0 : i32
      %dma_wait3A_98 = tpu.memref_slice %arg7[%dma_wait3A_96, %dma_wait3A_97] : memref<16x128xi32, #tpu.memory_space<vmem>> -> memref<1x128xi32, #tpu.memory_space<vmem>>
      %dma_wait3A_99 = tpu.memref_squeeze %dma_wait3A_98 : memref<1x128xi32, #tpu.memory_space<vmem>> -> memref<128xi32, #tpu.memory_space<vmem>>
      %dma_wait3A_100 = arith.constant 0 : i32
      %dma_wait3A_101 = arith.constant 0 : i32
      %dma_wait3A_102 = tpu.memref_slice %arg2[%dma_wait3A_100, %dma_wait3A_101] : memref<10240x128xf32, #tpu.memory_space<hbm>> -> memref<10240x128xf32, #tpu.memory_space<hbm>>
      tpu.wait_indirect_dma semaphore(%arg13 : memref<!tpu.dma_semaphore, #tpu.memory_space<semaphore_mem>>) src(%dma_wait3A_102 : memref<10240x128xf32, #tpu.memory_space<hbm>>) dst(%arg10 : memref<128x128xf32, #tpu.memory_space<vmem>>)
      %dma_start3A_103 = arith.constant 6 : i32
      %dma_start3A_104 = arith.constant 0 : i32
      %dma_start3A_105 = tpu.memref_slice %arg7[%dma_start3A_103, %dma_start3A_104] : memref<16x128xi32, #tpu.memory_space<vmem>> -> memref<1x128xi32, #tpu.memory_space<vmem>>
      %dma_start3A_106 = tpu.memref_squeeze %dma_start3A_105 : memref<1x128xi32, #tpu.memory_space<vmem>> -> memref<128xi32, #tpu.memory_space<vmem>>
      %dma_start3A_107 = arith.constant 0 : i32
      %dma_start3A_108 = arith.constant 0 : i32
      %dma_start3A_109 = tpu.memref_slice %arg2[%dma_start3A_107, %dma_start3A_108] : memref<10240x128xf32, #tpu.memory_space<hbm>> -> memref<10240x128xf32, #tpu.memory_space<hbm>>
      tpu.enqueue_indirect_dma source(%dma_start3A_109 : memref<10240x128xf32, #tpu.memory_space<hbm>>) target(%arg9 : memref<128x128xf32, #tpu.memory_space<vmem>>) offsets(%dma_start3A_106 : memref<128xi32, #tpu.memory_space<vmem>>) semaphore(%arg12 : memref<!tpu.dma_semaphore, #tpu.memory_space<semaphore_mem>>)
      %run_scoped3A_110 = arith.constant 5 : i32
      "tpu.region"() ({
        %run_scoped3A_254 = tpu.sem_alloc : memref<!tpu.dma_semaphore, #tpu.memory_space<semaphore_mem>>
        %dma_start3A_255 = arith.constant 0 : i32
        %dma_start3A_256 = tpu.memref_slice %arg8[%run_scoped3A_110, %dma_start3A_255] : memref<16x128xi32, #tpu.memory_space<vmem>> -> memref<1x128xi32, #tpu.memory_space<vmem>>
        %dma_start3A_257 = tpu.memref_squeeze %dma_start3A_256 : memref<1x128xi32, #tpu.memory_space<vmem>> -> memref<128xi32, #tpu.memory_space<vmem>>
        %dma_start3A_258 = arith.constant 0 : i32
        %dma_start3A_259 = arith.constant 0 : i32
        %dma_start3A_260 = tpu.memref_slice %arg11[%dma_start3A_258, %dma_start3A_259] : memref<10240x128xf32, #tpu.memory_space<vmem_shared>> -> memref<10240x128xf32, #tpu.memory_space<vmem_shared>>
        tpu.enqueue_indirect_dma source(%arg10 : memref<128x128xf32, #tpu.memory_space<vmem>>) target(%dma_start3A_260 : memref<10240x128xf32, #tpu.memory_space<vmem_shared>>) offsets(%dma_start3A_257 : memref<128xi32, #tpu.memory_space<vmem>>) semaphore(%run_scoped3A_254 : memref<!tpu.dma_semaphore, #tpu.memory_space<semaphore_mem>>) {add = true}
        %dma_wait3A_261 = arith.constant 0 : i32
        %dma_wait3A_262 = tpu.memref_slice %arg8[%run_scoped3A_110, %dma_wait3A_261] : memref<16x128xi32, #tpu.memory_space<vmem>> -> memref<1x128xi32, #tpu.memory_space<vmem>>
        %dma_wait3A_263 = tpu.memref_squeeze %dma_wait3A_262 : memref<1x128xi32, #tpu.memory_space<vmem>> -> memref<128xi32, #tpu.memory_space<vmem>>
        %dma_wait3A_264 = arith.constant 0 : i32
        %dma_wait3A_265 = arith.constant 0 : i32
        %dma_wait3A_266 = tpu.memref_slice %arg11[%dma_wait3A_264, %dma_wait3A_265] : memref<10240x128xf32, #tpu.memory_space<vmem_shared>> -> memref<10240x128xf32, #tpu.memory_space<vmem_shared>>
        tpu.wait_indirect_dma semaphore(%run_scoped3A_254 : memref<!tpu.dma_semaphore, #tpu.memory_space<semaphore_mem>>) src(%arg10 : memref<128x128xf32, #tpu.memory_space<vmem>>) dst(%dma_wait3A_266 : memref<10240x128xf32, #tpu.memory_space<vmem_shared>>)
        tpu.yield
      }) : () -> ()
      %dma_wait3A_111 = arith.constant 6 : i32
      %dma_wait3A_112 = arith.constant 0 : i32
      %dma_wait3A_113 = tpu.memref_slice %arg7[%dma_wait3A_111, %dma_wait3A_112] : memref<16x128xi32, #tpu.memory_space<vmem>> -> memref<1x128xi32, #tpu.memory_space<vmem>>
      %dma_wait3A_114 = tpu.memref_squeeze %dma_wait3A_113 : memref<1x128xi32, #tpu.memory_space<vmem>> -> memref<128xi32, #tpu.memory_space<vmem>>
      %dma_wait3A_115 = arith.constant 0 : i32
      %dma_wait3A_116 = arith.constant 0 : i32
      %dma_wait3A_117 = tpu.memref_slice %arg2[%dma_wait3A_115, %dma_wait3A_116] : memref<10240x128xf32, #tpu.memory_space<hbm>> -> memref<10240x128xf32, #tpu.memory_space<hbm>>
      tpu.wait_indirect_dma semaphore(%arg12 : memref<!tpu.dma_semaphore, #tpu.memory_space<semaphore_mem>>) src(%dma_wait3A_117 : memref<10240x128xf32, #tpu.memory_space<hbm>>) dst(%arg9 : memref<128x128xf32, #tpu.memory_space<vmem>>)
      %dma_start3A_118 = arith.constant 7 : i32
      %dma_start3A_119 = arith.constant 0 : i32
      %dma_start3A_120 = tpu.memref_slice %arg7[%dma_start3A_118, %dma_start3A_119] : memref<16x128xi32, #tpu.memory_space<vmem>> -> memref<1x128xi32, #tpu.memory_space<vmem>>
      %dma_start3A_121 = tpu.memref_squeeze %dma_start3A_120 : memref<1x128xi32, #tpu.memory_space<vmem>> -> memref<128xi32, #tpu.memory_space<vmem>>
      %dma_start3A_122 = arith.constant 0 : i32
      %dma_start3A_123 = arith.constant 0 : i32
      %dma_start3A_124 = tpu.memref_slice %arg2[%dma_start3A_122, %dma_start3A_123] : memref<10240x128xf32, #tpu.memory_space<hbm>> -> memref<10240x128xf32, #tpu.memory_space<hbm>>
      tpu.enqueue_indirect_dma source(%dma_start3A_124 : memref<10240x128xf32, #tpu.memory_space<hbm>>) target(%arg10 : memref<128x128xf32, #tpu.memory_space<vmem>>) offsets(%dma_start3A_121 : memref<128xi32, #tpu.memory_space<vmem>>) semaphore(%arg13 : memref<!tpu.dma_semaphore, #tpu.memory_space<semaphore_mem>>)
      %run_scoped3A_125 = arith.constant 6 : i32
      "tpu.region"() ({
        %run_scoped3A_254 = tpu.sem_alloc : memref<!tpu.dma_semaphore, #tpu.memory_space<semaphore_mem>>
        %dma_start3A_255 = arith.constant 0 : i32
        %dma_start3A_256 = tpu.memref_slice %arg8[%run_scoped3A_125, %dma_start3A_255] : memref<16x128xi32, #tpu.memory_space<vmem>> -> memref<1x128xi32, #tpu.memory_space<vmem>>
        %dma_start3A_257 = tpu.memref_squeeze %dma_start3A_256 : memref<1x128xi32, #tpu.memory_space<vmem>> -> memref<128xi32, #tpu.memory_space<vmem>>
        %dma_start3A_258 = arith.constant 0 : i32
        %dma_start3A_259 = arith.constant 0 : i32
        %dma_start3A_260 = tpu.memref_slice %arg11[%dma_start3A_258, %dma_start3A_259] : memref<10240x128xf32, #tpu.memory_space<vmem_shared>> -> memref<10240x128xf32, #tpu.memory_space<vmem_shared>>
        tpu.enqueue_indirect_dma source(%arg9 : memref<128x128xf32, #tpu.memory_space<vmem>>) target(%dma_start3A_260 : memref<10240x128xf32, #tpu.memory_space<vmem_shared>>) offsets(%dma_start3A_257 : memref<128xi32, #tpu.memory_space<vmem>>) semaphore(%run_scoped3A_254 : memref<!tpu.dma_semaphore, #tpu.memory_space<semaphore_mem>>) {add = true}
        %dma_wait3A_261 = arith.constant 0 : i32
        %dma_wait3A_262 = tpu.memref_slice %arg8[%run_scoped3A_125, %dma_wait3A_261] : memref<16x128xi32, #tpu.memory_space<vmem>> -> memref<1x128xi32, #tpu.memory_space<vmem>>
        %dma_wait3A_263 = tpu.memref_squeeze %dma_wait3A_262 : memref<1x128xi32, #tpu.memory_space<vmem>> -> memref<128xi32, #tpu.memory_space<vmem>>
        %dma_wait3A_264 = arith.constant 0 : i32
        %dma_wait3A_265 = arith.constant 0 : i32
        %dma_wait3A_266 = tpu.memref_slice %arg11[%dma_wait3A_264, %dma_wait3A_265] : memref<10240x128xf32, #tpu.memory_space<vmem_shared>> -> memref<10240x128xf32, #tpu.memory_space<vmem_shared>>
        tpu.wait_indirect_dma semaphore(%run_scoped3A_254 : memref<!tpu.dma_semaphore, #tpu.memory_space<semaphore_mem>>) src(%arg9 : memref<128x128xf32, #tpu.memory_space<vmem>>) dst(%dma_wait3A_266 : memref<10240x128xf32, #tpu.memory_space<vmem_shared>>)
        tpu.yield
      }) : () -> ()
      %dma_wait3A_126 = arith.constant 7 : i32
      %dma_wait3A_127 = arith.constant 0 : i32
      %dma_wait3A_128 = tpu.memref_slice %arg7[%dma_wait3A_126, %dma_wait3A_127] : memref<16x128xi32, #tpu.memory_space<vmem>> -> memref<1x128xi32, #tpu.memory_space<vmem>>
      %dma_wait3A_129 = tpu.memref_squeeze %dma_wait3A_128 : memref<1x128xi32, #tpu.memory_space<vmem>> -> memref<128xi32, #tpu.memory_space<vmem>>
      %dma_wait3A_130 = arith.constant 0 : i32
      %dma_wait3A_131 = arith.constant 0 : i32
      %dma_wait3A_132 = tpu.memref_slice %arg2[%dma_wait3A_130, %dma_wait3A_131] : memref<10240x128xf32, #tpu.memory_space<hbm>> -> memref<10240x128xf32, #tpu.memory_space<hbm>>
      tpu.wait_indirect_dma semaphore(%arg13 : memref<!tpu.dma_semaphore, #tpu.memory_space<semaphore_mem>>) src(%dma_wait3A_132 : memref<10240x128xf32, #tpu.memory_space<hbm>>) dst(%arg10 : memref<128x128xf32, #tpu.memory_space<vmem>>)
      %dma_start3A_133 = arith.constant 8 : i32
      %dma_start3A_134 = arith.constant 0 : i32
      %dma_start3A_135 = tpu.memref_slice %arg7[%dma_start3A_133, %dma_start3A_134] : memref<16x128xi32, #tpu.memory_space<vmem>> -> memref<1x128xi32, #tpu.memory_space<vmem>>
      %dma_start3A_136 = tpu.memref_squeeze %dma_start3A_135 : memref<1x128xi32, #tpu.memory_space<vmem>> -> memref<128xi32, #tpu.memory_space<vmem>>
      %dma_start3A_137 = arith.constant 0 : i32
      %dma_start3A_138 = arith.constant 0 : i32
      %dma_start3A_139 = tpu.memref_slice %arg2[%dma_start3A_137, %dma_start3A_138] : memref<10240x128xf32, #tpu.memory_space<hbm>> -> memref<10240x128xf32, #tpu.memory_space<hbm>>
      tpu.enqueue_indirect_dma source(%dma_start3A_139 : memref<10240x128xf32, #tpu.memory_space<hbm>>) target(%arg9 : memref<128x128xf32, #tpu.memory_space<vmem>>) offsets(%dma_start3A_136 : memref<128xi32, #tpu.memory_space<vmem>>) semaphore(%arg12 : memref<!tpu.dma_semaphore, #tpu.memory_space<semaphore_mem>>)
      %run_scoped3A_140 = arith.constant 7 : i32
      "tpu.region"() ({
        %run_scoped3A_254 = tpu.sem_alloc : memref<!tpu.dma_semaphore, #tpu.memory_space<semaphore_mem>>
        %dma_start3A_255 = arith.constant 0 : i32
        %dma_start3A_256 = tpu.memref_slice %arg8[%run_scoped3A_140, %dma_start3A_255] : memref<16x128xi32, #tpu.memory_space<vmem>> -> memref<1x128xi32, #tpu.memory_space<vmem>>
        %dma_start3A_257 = tpu.memref_squeeze %dma_start3A_256 : memref<1x128xi32, #tpu.memory_space<vmem>> -> memref<128xi32, #tpu.memory_space<vmem>>
        %dma_start3A_258 = arith.constant 0 : i32
        %dma_start3A_259 = arith.constant 0 : i32
        %dma_start3A_260 = tpu.memref_slice %arg11[%dma_start3A_258, %dma_start3A_259] : memref<10240x128xf32, #tpu.memory_space<vmem_shared>> -> memref<10240x128xf32, #tpu.memory_space<vmem_shared>>
        tpu.enqueue_indirect_dma source(%arg10 : memref<128x128xf32, #tpu.memory_space<vmem>>) target(%dma_start3A_260 : memref<10240x128xf32, #tpu.memory_space<vmem_shared>>) offsets(%dma_start3A_257 : memref<128xi32, #tpu.memory_space<vmem>>) semaphore(%run_scoped3A_254 : memref<!tpu.dma_semaphore, #tpu.memory_space<semaphore_mem>>) {add = true}
        %dma_wait3A_261 = arith.constant 0 : i32
        %dma_wait3A_262 = tpu.memref_slice %arg8[%run_scoped3A_140, %dma_wait3A_261] : memref<16x128xi32, #tpu.memory_space<vmem>> -> memref<1x128xi32, #tpu.memory_space<vmem>>
        %dma_wait3A_263 = tpu.memref_squeeze %dma_wait3A_262 : memref<1x128xi32, #tpu.memory_space<vmem>> -> memref<128xi32, #tpu.memory_space<vmem>>
        %dma_wait3A_264 = arith.constant 0 : i32
        %dma_wait3A_265 = arith.constant 0 : i32
        %dma_wait3A_266 = tpu.memref_slice %arg11[%dma_wait3A_264, %dma_wait3A_265] : memref<10240x128xf32, #tpu.memory_space<vmem_shared>> -> memref<10240x128xf32, #tpu.memory_space<vmem_shared>>
        tpu.wait_indirect_dma semaphore(%run_scoped3A_254 : memref<!tpu.dma_semaphore, #tpu.memory_space<semaphore_mem>>) src(%arg10 : memref<128x128xf32, #tpu.memory_space<vmem>>) dst(%dma_wait3A_266 : memref<10240x128xf32, #tpu.memory_space<vmem_shared>>)
        tpu.yield
      }) : () -> ()
      %dma_wait3A_141 = arith.constant 8 : i32
      %dma_wait3A_142 = arith.constant 0 : i32
      %dma_wait3A_143 = tpu.memref_slice %arg7[%dma_wait3A_141, %dma_wait3A_142] : memref<16x128xi32, #tpu.memory_space<vmem>> -> memref<1x128xi32, #tpu.memory_space<vmem>>
      %dma_wait3A_144 = tpu.memref_squeeze %dma_wait3A_143 : memref<1x128xi32, #tpu.memory_space<vmem>> -> memref<128xi32, #tpu.memory_space<vmem>>
      %dma_wait3A_145 = arith.constant 0 : i32
      %dma_wait3A_146 = arith.constant 0 : i32
      %dma_wait3A_147 = tpu.memref_slice %arg2[%dma_wait3A_145, %dma_wait3A_146] : memref<10240x128xf32, #tpu.memory_space<hbm>> -> memref<10240x128xf32, #tpu.memory_space<hbm>>
      tpu.wait_indirect_dma semaphore(%arg12 : memref<!tpu.dma_semaphore, #tpu.memory_space<semaphore_mem>>) src(%dma_wait3A_147 : memref<10240x128xf32, #tpu.memory_space<hbm>>) dst(%arg9 : memref<128x128xf32, #tpu.memory_space<vmem>>)
      %dma_start3A_148 = arith.constant 9 : i32
      %dma_start3A_149 = arith.constant 0 : i32
      %dma_start3A_150 = tpu.memref_slice %arg7[%dma_start3A_148, %dma_start3A_149] : memref<16x128xi32, #tpu.memory_space<vmem>> -> memref<1x128xi32, #tpu.memory_space<vmem>>
      %dma_start3A_151 = tpu.memref_squeeze %dma_start3A_150 : memref<1x128xi32, #tpu.memory_space<vmem>> -> memref<128xi32, #tpu.memory_space<vmem>>
      %dma_start3A_152 = arith.constant 0 : i32
      %dma_start3A_153 = arith.constant 0 : i32
      %dma_start3A_154 = tpu.memref_slice %arg2[%dma_start3A_152, %dma_start3A_153] : memref<10240x128xf32, #tpu.memory_space<hbm>> -> memref<10240x128xf32, #tpu.memory_space<hbm>>
      tpu.enqueue_indirect_dma source(%dma_start3A_154 : memref<10240x128xf32, #tpu.memory_space<hbm>>) target(%arg10 : memref<128x128xf32, #tpu.memory_space<vmem>>) offsets(%dma_start3A_151 : memref<128xi32, #tpu.memory_space<vmem>>) semaphore(%arg13 : memref<!tpu.dma_semaphore, #tpu.memory_space<semaphore_mem>>)
      %run_scoped3A_155 = arith.constant 8 : i32
      "tpu.region"() ({
        %run_scoped3A_254 = tpu.sem_alloc : memref<!tpu.dma_semaphore, #tpu.memory_space<semaphore_mem>>
        %dma_start3A_255 = arith.constant 0 : i32
        %dma_start3A_256 = tpu.memref_slice %arg8[%run_scoped3A_155, %dma_start3A_255] : memref<16x128xi32, #tpu.memory_space<vmem>> -> memref<1x128xi32, #tpu.memory_space<vmem>>
        %dma_start3A_257 = tpu.memref_squeeze %dma_start3A_256 : memref<1x128xi32, #tpu.memory_space<vmem>> -> memref<128xi32, #tpu.memory_space<vmem>>
        %dma_start3A_258 = arith.constant 0 : i32
        %dma_start3A_259 = arith.constant 0 : i32
        %dma_start3A_260 = tpu.memref_slice %arg11[%dma_start3A_258, %dma_start3A_259] : memref<10240x128xf32, #tpu.memory_space<vmem_shared>> -> memref<10240x128xf32, #tpu.memory_space<vmem_shared>>
        tpu.enqueue_indirect_dma source(%arg9 : memref<128x128xf32, #tpu.memory_space<vmem>>) target(%dma_start3A_260 : memref<10240x128xf32, #tpu.memory_space<vmem_shared>>) offsets(%dma_start3A_257 : memref<128xi32, #tpu.memory_space<vmem>>) semaphore(%run_scoped3A_254 : memref<!tpu.dma_semaphore, #tpu.memory_space<semaphore_mem>>) {add = true}
        %dma_wait3A_261 = arith.constant 0 : i32
        %dma_wait3A_262 = tpu.memref_slice %arg8[%run_scoped3A_155, %dma_wait3A_261] : memref<16x128xi32, #tpu.memory_space<vmem>> -> memref<1x128xi32, #tpu.memory_space<vmem>>
        %dma_wait3A_263 = tpu.memref_squeeze %dma_wait3A_262 : memref<1x128xi32, #tpu.memory_space<vmem>> -> memref<128xi32, #tpu.memory_space<vmem>>
        %dma_wait3A_264 = arith.constant 0 : i32
        %dma_wait3A_265 = arith.constant 0 : i32
        %dma_wait3A_266 = tpu.memref_slice %arg11[%dma_wait3A_264, %dma_wait3A_265] : memref<10240x128xf32, #tpu.memory_space<vmem_shared>> -> memref<10240x128xf32, #tpu.memory_space<vmem_shared>>
        tpu.wait_indirect_dma semaphore(%run_scoped3A_254 : memref<!tpu.dma_semaphore, #tpu.memory_space<semaphore_mem>>) src(%arg9 : memref<128x128xf32, #tpu.memory_space<vmem>>) dst(%dma_wait3A_266 : memref<10240x128xf32, #tpu.memory_space<vmem_shared>>)
        tpu.yield
      }) : () -> ()
      %dma_wait3A_156 = arith.constant 9 : i32
      %dma_wait3A_157 = arith.constant 0 : i32
      %dma_wait3A_158 = tpu.memref_slice %arg7[%dma_wait3A_156, %dma_wait3A_157] : memref<16x128xi32, #tpu.memory_space<vmem>> -> memref<1x128xi32, #tpu.memory_space<vmem>>
      %dma_wait3A_159 = tpu.memref_squeeze %dma_wait3A_158 : memref<1x128xi32, #tpu.memory_space<vmem>> -> memref<128xi32, #tpu.memory_space<vmem>>
      %dma_wait3A_160 = arith.constant 0 : i32
      %dma_wait3A_161 = arith.constant 0 : i32
      %dma_wait3A_162 = tpu.memref_slice %arg2[%dma_wait3A_160, %dma_wait3A_161] : memref<10240x128xf32, #tpu.memory_space<hbm>> -> memref<10240x128xf32, #tpu.memory_space<hbm>>
      tpu.wait_indirect_dma semaphore(%arg13 : memref<!tpu.dma_semaphore, #tpu.memory_space<semaphore_mem>>) src(%dma_wait3A_162 : memref<10240x128xf32, #tpu.memory_space<hbm>>) dst(%arg10 : memref<128x128xf32, #tpu.memory_space<vmem>>)
      %dma_start3A_163 = arith.constant 10 : i32
      %dma_start3A_164 = arith.constant 0 : i32
      %dma_start3A_165 = tpu.memref_slice %arg7[%dma_start3A_163, %dma_start3A_164] : memref<16x128xi32, #tpu.memory_space<vmem>> -> memref<1x128xi32, #tpu.memory_space<vmem>>
      %dma_start3A_166 = tpu.memref_squeeze %dma_start3A_165 : memref<1x128xi32, #tpu.memory_space<vmem>> -> memref<128xi32, #tpu.memory_space<vmem>>
      %dma_start3A_167 = arith.constant 0 : i32
      %dma_start3A_168 = arith.constant 0 : i32
      %dma_start3A_169 = tpu.memref_slice %arg2[%dma_start3A_167, %dma_start3A_168] : memref<10240x128xf32, #tpu.memory_space<hbm>> -> memref<10240x128xf32, #tpu.memory_space<hbm>>
      tpu.enqueue_indirect_dma source(%dma_start3A_169 : memref<10240x128xf32, #tpu.memory_space<hbm>>) target(%arg9 : memref<128x128xf32, #tpu.memory_space<vmem>>) offsets(%dma_start3A_166 : memref<128xi32, #tpu.memory_space<vmem>>) semaphore(%arg12 : memref<!tpu.dma_semaphore, #tpu.memory_space<semaphore_mem>>)
      %run_scoped3A_170 = arith.constant 9 : i32
      "tpu.region"() ({
        %run_scoped3A_254 = tpu.sem_alloc : memref<!tpu.dma_semaphore, #tpu.memory_space<semaphore_mem>>
        %dma_start3A_255 = arith.constant 0 : i32
        %dma_start3A_256 = tpu.memref_slice %arg8[%run_scoped3A_170, %dma_start3A_255] : memref<16x128xi32, #tpu.memory_space<vmem>> -> memref<1x128xi32, #tpu.memory_space<vmem>>
        %dma_start3A_257 = tpu.memref_squeeze %dma_start3A_256 : memref<1x128xi32, #tpu.memory_space<vmem>> -> memref<128xi32, #tpu.memory_space<vmem>>
        %dma_start3A_258 = arith.constant 0 : i32
        %dma_start3A_259 = arith.constant 0 : i32
        %dma_start3A_260 = tpu.memref_slice %arg11[%dma_start3A_258, %dma_start3A_259] : memref<10240x128xf32, #tpu.memory_space<vmem_shared>> -> memref<10240x128xf32, #tpu.memory_space<vmem_shared>>
        tpu.enqueue_indirect_dma source(%arg10 : memref<128x128xf32, #tpu.memory_space<vmem>>) target(%dma_start3A_260 : memref<10240x128xf32, #tpu.memory_space<vmem_shared>>) offsets(%dma_start3A_257 : memref<128xi32, #tpu.memory_space<vmem>>) semaphore(%run_scoped3A_254 : memref<!tpu.dma_semaphore, #tpu.memory_space<semaphore_mem>>) {add = true}
        %dma_wait3A_261 = arith.constant 0 : i32
        %dma_wait3A_262 = tpu.memref_slice %arg8[%run_scoped3A_170, %dma_wait3A_261] : memref<16x128xi32, #tpu.memory_space<vmem>> -> memref<1x128xi32, #tpu.memory_space<vmem>>
        %dma_wait3A_263 = tpu.memref_squeeze %dma_wait3A_262 : memref<1x128xi32, #tpu.memory_space<vmem>> -> memref<128xi32, #tpu.memory_space<vmem>>
        %dma_wait3A_264 = arith.constant 0 : i32
        %dma_wait3A_265 = arith.constant 0 : i32
        %dma_wait3A_266 = tpu.memref_slice %arg11[%dma_wait3A_264, %dma_wait3A_265] : memref<10240x128xf32, #tpu.memory_space<vmem_shared>> -> memref<10240x128xf32, #tpu.memory_space<vmem_shared>>
        tpu.wait_indirect_dma semaphore(%run_scoped3A_254 : memref<!tpu.dma_semaphore, #tpu.memory_space<semaphore_mem>>) src(%arg10 : memref<128x128xf32, #tpu.memory_space<vmem>>) dst(%dma_wait3A_266 : memref<10240x128xf32, #tpu.memory_space<vmem_shared>>)
        tpu.yield
      }) : () -> ()
      %dma_wait3A_171 = arith.constant 10 : i32
      %dma_wait3A_172 = arith.constant 0 : i32
      %dma_wait3A_173 = tpu.memref_slice %arg7[%dma_wait3A_171, %dma_wait3A_172] : memref<16x128xi32, #tpu.memory_space<vmem>> -> memref<1x128xi32, #tpu.memory_space<vmem>>
      %dma_wait3A_174 = tpu.memref_squeeze %dma_wait3A_173 : memref<1x128xi32, #tpu.memory_space<vmem>> -> memref<128xi32, #tpu.memory_space<vmem>>
      %dma_wait3A_175 = arith.constant 0 : i32
      %dma_wait3A_176 = arith.constant 0 : i32
      %dma_wait3A_177 = tpu.memref_slice %arg2[%dma_wait3A_175, %dma_wait3A_176] : memref<10240x128xf32, #tpu.memory_space<hbm>> -> memref<10240x128xf32, #tpu.memory_space<hbm>>
      tpu.wait_indirect_dma semaphore(%arg12 : memref<!tpu.dma_semaphore, #tpu.memory_space<semaphore_mem>>) src(%dma_wait3A_177 : memref<10240x128xf32, #tpu.memory_space<hbm>>) dst(%arg9 : memref<128x128xf32, #tpu.memory_space<vmem>>)
      %dma_start3A_178 = arith.constant 11 : i32
      %dma_start3A_179 = arith.constant 0 : i32
      %dma_start3A_180 = tpu.memref_slice %arg7[%dma_start3A_178, %dma_start3A_179] : memref<16x128xi32, #tpu.memory_space<vmem>> -> memref<1x128xi32, #tpu.memory_space<vmem>>
      %dma_start3A_181 = tpu.memref_squeeze %dma_start3A_180 : memref<1x128xi32, #tpu.memory_space<vmem>> -> memref<128xi32, #tpu.memory_space<vmem>>
      %dma_start3A_182 = arith.constant 0 : i32
      %dma_start3A_183 = arith.constant 0 : i32
      %dma_start3A_184 = tpu.memref_slice %arg2[%dma_start3A_182, %dma_start3A_183] : memref<10240x128xf32, #tpu.memory_space<hbm>> -> memref<10240x128xf32, #tpu.memory_space<hbm>>
      tpu.enqueue_indirect_dma source(%dma_start3A_184 : memref<10240x128xf32, #tpu.memory_space<hbm>>) target(%arg10 : memref<128x128xf32, #tpu.memory_space<vmem>>) offsets(%dma_start3A_181 : memref<128xi32, #tpu.memory_space<vmem>>) semaphore(%arg13 : memref<!tpu.dma_semaphore, #tpu.memory_space<semaphore_mem>>)
      %run_scoped3A_185 = arith.constant 10 : i32
      "tpu.region"() ({
        %run_scoped3A_254 = tpu.sem_alloc : memref<!tpu.dma_semaphore, #tpu.memory_space<semaphore_mem>>
        %dma_start3A_255 = arith.constant 0 : i32
        %dma_start3A_256 = tpu.memref_slice %arg8[%run_scoped3A_185, %dma_start3A_255] : memref<16x128xi32, #tpu.memory_space<vmem>> -> memref<1x128xi32, #tpu.memory_space<vmem>>
        %dma_start3A_257 = tpu.memref_squeeze %dma_start3A_256 : memref<1x128xi32, #tpu.memory_space<vmem>> -> memref<128xi32, #tpu.memory_space<vmem>>
        %dma_start3A_258 = arith.constant 0 : i32
        %dma_start3A_259 = arith.constant 0 : i32
        %dma_start3A_260 = tpu.memref_slice %arg11[%dma_start3A_258, %dma_start3A_259] : memref<10240x128xf32, #tpu.memory_space<vmem_shared>> -> memref<10240x128xf32, #tpu.memory_space<vmem_shared>>
        tpu.enqueue_indirect_dma source(%arg9 : memref<128x128xf32, #tpu.memory_space<vmem>>) target(%dma_start3A_260 : memref<10240x128xf32, #tpu.memory_space<vmem_shared>>) offsets(%dma_start3A_257 : memref<128xi32, #tpu.memory_space<vmem>>) semaphore(%run_scoped3A_254 : memref<!tpu.dma_semaphore, #tpu.memory_space<semaphore_mem>>) {add = true}
        %dma_wait3A_261 = arith.constant 0 : i32
        %dma_wait3A_262 = tpu.memref_slice %arg8[%run_scoped3A_185, %dma_wait3A_261] : memref<16x128xi32, #tpu.memory_space<vmem>> -> memref<1x128xi32, #tpu.memory_space<vmem>>
        %dma_wait3A_263 = tpu.memref_squeeze %dma_wait3A_262 : memref<1x128xi32, #tpu.memory_space<vmem>> -> memref<128xi32, #tpu.memory_space<vmem>>
        %dma_wait3A_264 = arith.constant 0 : i32
        %dma_wait3A_265 = arith.constant 0 : i32
        %dma_wait3A_266 = tpu.memref_slice %arg11[%dma_wait3A_264, %dma_wait3A_265] : memref<10240x128xf32, #tpu.memory_space<vmem_shared>> -> memref<10240x128xf32, #tpu.memory_space<vmem_shared>>
        tpu.wait_indirect_dma semaphore(%run_scoped3A_254 : memref<!tpu.dma_semaphore, #tpu.memory_space<semaphore_mem>>) src(%arg9 : memref<128x128xf32, #tpu.memory_space<vmem>>) dst(%dma_wait3A_266 : memref<10240x128xf32, #tpu.memory_space<vmem_shared>>)
        tpu.yield
      }) : () -> ()
      %dma_wait3A_186 = arith.constant 11 : i32
      %dma_wait3A_187 = arith.constant 0 : i32
      %dma_wait3A_188 = tpu.memref_slice %arg7[%dma_wait3A_186, %dma_wait3A_187] : memref<16x128xi32, #tpu.memory_space<vmem>> -> memref<1x128xi32, #tpu.memory_space<vmem>>
      %dma_wait3A_189 = tpu.memref_squeeze %dma_wait3A_188 : memref<1x128xi32, #tpu.memory_space<vmem>> -> memref<128xi32, #tpu.memory_space<vmem>>
      %dma_wait3A_190 = arith.constant 0 : i32
      %dma_wait3A_191 = arith.constant 0 : i32
      %dma_wait3A_192 = tpu.memref_slice %arg2[%dma_wait3A_190, %dma_wait3A_191] : memref<10240x128xf32, #tpu.memory_space<hbm>> -> memref<10240x128xf32, #tpu.memory_space<hbm>>
      tpu.wait_indirect_dma semaphore(%arg13 : memref<!tpu.dma_semaphore, #tpu.memory_space<semaphore_mem>>) src(%dma_wait3A_192 : memref<10240x128xf32, #tpu.memory_space<hbm>>) dst(%arg10 : memref<128x128xf32, #tpu.memory_space<vmem>>)
      %dma_start3A_193 = arith.constant 12 : i32
      %dma_start3A_194 = arith.constant 0 : i32
      %dma_start3A_195 = tpu.memref_slice %arg7[%dma_start3A_193, %dma_start3A_194] : memref<16x128xi32, #tpu.memory_space<vmem>> -> memref<1x128xi32, #tpu.memory_space<vmem>>
      %dma_start3A_196 = tpu.memref_squeeze %dma_start3A_195 : memref<1x128xi32, #tpu.memory_space<vmem>> -> memref<128xi32, #tpu.memory_space<vmem>>
      %dma_start3A_197 = arith.constant 0 : i32
      %dma_start3A_198 = arith.constant 0 : i32
      %dma_start3A_199 = tpu.memref_slice %arg2[%dma_start3A_197, %dma_start3A_198] : memref<10240x128xf32, #tpu.memory_space<hbm>> -> memref<10240x128xf32, #tpu.memory_space<hbm>>
      tpu.enqueue_indirect_dma source(%dma_start3A_199 : memref<10240x128xf32, #tpu.memory_space<hbm>>) target(%arg9 : memref<128x128xf32, #tpu.memory_space<vmem>>) offsets(%dma_start3A_196 : memref<128xi32, #tpu.memory_space<vmem>>) semaphore(%arg12 : memref<!tpu.dma_semaphore, #tpu.memory_space<semaphore_mem>>)
      %run_scoped3A_200 = arith.constant 11 : i32
      "tpu.region"() ({
        %run_scoped3A_254 = tpu.sem_alloc : memref<!tpu.dma_semaphore, #tpu.memory_space<semaphore_mem>>
        %dma_start3A_255 = arith.constant 0 : i32
        %dma_start3A_256 = tpu.memref_slice %arg8[%run_scoped3A_200, %dma_start3A_255] : memref<16x128xi32, #tpu.memory_space<vmem>> -> memref<1x128xi32, #tpu.memory_space<vmem>>
        %dma_start3A_257 = tpu.memref_squeeze %dma_start3A_256 : memref<1x128xi32, #tpu.memory_space<vmem>> -> memref<128xi32, #tpu.memory_space<vmem>>
        %dma_start3A_258 = arith.constant 0 : i32
        %dma_start3A_259 = arith.constant 0 : i32
        %dma_start3A_260 = tpu.memref_slice %arg11[%dma_start3A_258, %dma_start3A_259] : memref<10240x128xf32, #tpu.memory_space<vmem_shared>> -> memref<10240x128xf32, #tpu.memory_space<vmem_shared>>
        tpu.enqueue_indirect_dma source(%arg10 : memref<128x128xf32, #tpu.memory_space<vmem>>) target(%dma_start3A_260 : memref<10240x128xf32, #tpu.memory_space<vmem_shared>>) offsets(%dma_start3A_257 : memref<128xi32, #tpu.memory_space<vmem>>) semaphore(%run_scoped3A_254 : memref<!tpu.dma_semaphore, #tpu.memory_space<semaphore_mem>>) {add = true}
        %dma_wait3A_261 = arith.constant 0 : i32
        %dma_wait3A_262 = tpu.memref_slice %arg8[%run_scoped3A_200, %dma_wait3A_261] : memref<16x128xi32, #tpu.memory_space<vmem>> -> memref<1x128xi32, #tpu.memory_space<vmem>>
        %dma_wait3A_263 = tpu.memref_squeeze %dma_wait3A_262 : memref<1x128xi32, #tpu.memory_space<vmem>> -> memref<128xi32, #tpu.memory_space<vmem>>
        %dma_wait3A_264 = arith.constant 0 : i32
        %dma_wait3A_265 = arith.constant 0 : i32
        %dma_wait3A_266 = tpu.memref_slice %arg11[%dma_wait3A_264, %dma_wait3A_265] : memref<10240x128xf32, #tpu.memory_space<vmem_shared>> -> memref<10240x128xf32, #tpu.memory_space<vmem_shared>>
        tpu.wait_indirect_dma semaphore(%run_scoped3A_254 : memref<!tpu.dma_semaphore, #tpu.memory_space<semaphore_mem>>) src(%arg10 : memref<128x128xf32, #tpu.memory_space<vmem>>) dst(%dma_wait3A_266 : memref<10240x128xf32, #tpu.memory_space<vmem_shared>>)
        tpu.yield
      }) : () -> ()
      %dma_wait3A_201 = arith.constant 12 : i32
      %dma_wait3A_202 = arith.constant 0 : i32
      %dma_wait3A_203 = tpu.memref_slice %arg7[%dma_wait3A_201, %dma_wait3A_202] : memref<16x128xi32, #tpu.memory_space<vmem>> -> memref<1x128xi32, #tpu.memory_space<vmem>>
      %dma_wait3A_204 = tpu.memref_squeeze %dma_wait3A_203 : memref<1x128xi32, #tpu.memory_space<vmem>> -> memref<128xi32, #tpu.memory_space<vmem>>
      %dma_wait3A_205 = arith.constant 0 : i32
      %dma_wait3A_206 = arith.constant 0 : i32
      %dma_wait3A_207 = tpu.memref_slice %arg2[%dma_wait3A_205, %dma_wait3A_206] : memref<10240x128xf32, #tpu.memory_space<hbm>> -> memref<10240x128xf32, #tpu.memory_space<hbm>>
      tpu.wait_indirect_dma semaphore(%arg12 : memref<!tpu.dma_semaphore, #tpu.memory_space<semaphore_mem>>) src(%dma_wait3A_207 : memref<10240x128xf32, #tpu.memory_space<hbm>>) dst(%arg9 : memref<128x128xf32, #tpu.memory_space<vmem>>)
      %dma_start3A_208 = arith.constant 13 : i32
      %dma_start3A_209 = arith.constant 0 : i32
      %dma_start3A_210 = tpu.memref_slice %arg7[%dma_start3A_208, %dma_start3A_209] : memref<16x128xi32, #tpu.memory_space<vmem>> -> memref<1x128xi32, #tpu.memory_space<vmem>>
      %dma_start3A_211 = tpu.memref_squeeze %dma_start3A_210 : memref<1x128xi32, #tpu.memory_space<vmem>> -> memref<128xi32, #tpu.memory_space<vmem>>
      %dma_start3A_212 = arith.constant 0 : i32
      %dma_start3A_213 = arith.constant 0 : i32
      %dma_start3A_214 = tpu.memref_slice %arg2[%dma_start3A_212, %dma_start3A_213] : memref<10240x128xf32, #tpu.memory_space<hbm>> -> memref<10240x128xf32, #tpu.memory_space<hbm>>
      tpu.enqueue_indirect_dma source(%dma_start3A_214 : memref<10240x128xf32, #tpu.memory_space<hbm>>) target(%arg10 : memref<128x128xf32, #tpu.memory_space<vmem>>) offsets(%dma_start3A_211 : memref<128xi32, #tpu.memory_space<vmem>>) semaphore(%arg13 : memref<!tpu.dma_semaphore, #tpu.memory_space<semaphore_mem>>)
      %run_scoped3A_215 = arith.constant 12 : i32
      "tpu.region"() ({
        %run_scoped3A_254 = tpu.sem_alloc : memref<!tpu.dma_semaphore, #tpu.memory_space<semaphore_mem>>
        %dma_start3A_255 = arith.constant 0 : i32
        %dma_start3A_256 = tpu.memref_slice %arg8[%run_scoped3A_215, %dma_start3A_255] : memref<16x128xi32, #tpu.memory_space<vmem>> -> memref<1x128xi32, #tpu.memory_space<vmem>>
        %dma_start3A_257 = tpu.memref_squeeze %dma_start3A_256 : memref<1x128xi32, #tpu.memory_space<vmem>> -> memref<128xi32, #tpu.memory_space<vmem>>
        %dma_start3A_258 = arith.constant 0 : i32
        %dma_start3A_259 = arith.constant 0 : i32
        %dma_start3A_260 = tpu.memref_slice %arg11[%dma_start3A_258, %dma_start3A_259] : memref<10240x128xf32, #tpu.memory_space<vmem_shared>> -> memref<10240x128xf32, #tpu.memory_space<vmem_shared>>
        tpu.enqueue_indirect_dma source(%arg9 : memref<128x128xf32, #tpu.memory_space<vmem>>) target(%dma_start3A_260 : memref<10240x128xf32, #tpu.memory_space<vmem_shared>>) offsets(%dma_start3A_257 : memref<128xi32, #tpu.memory_space<vmem>>) semaphore(%run_scoped3A_254 : memref<!tpu.dma_semaphore, #tpu.memory_space<semaphore_mem>>) {add = true}
        %dma_wait3A_261 = arith.constant 0 : i32
        %dma_wait3A_262 = tpu.memref_slice %arg8[%run_scoped3A_215, %dma_wait3A_261] : memref<16x128xi32, #tpu.memory_space<vmem>> -> memref<1x128xi32, #tpu.memory_space<vmem>>
        %dma_wait3A_263 = tpu.memref_squeeze %dma_wait3A_262 : memref<1x128xi32, #tpu.memory_space<vmem>> -> memref<128xi32, #tpu.memory_space<vmem>>
        %dma_wait3A_264 = arith.constant 0 : i32
        %dma_wait3A_265 = arith.constant 0 : i32
        %dma_wait3A_266 = tpu.memref_slice %arg11[%dma_wait3A_264, %dma_wait3A_265] : memref<10240x128xf32, #tpu.memory_space<vmem_shared>> -> memref<10240x128xf32, #tpu.memory_space<vmem_shared>>
        tpu.wait_indirect_dma semaphore(%run_scoped3A_254 : memref<!tpu.dma_semaphore, #tpu.memory_space<semaphore_mem>>) src(%arg9 : memref<128x128xf32, #tpu.memory_space<vmem>>) dst(%dma_wait3A_266 : memref<10240x128xf32, #tpu.memory_space<vmem_shared>>)
        tpu.yield
      }) : () -> ()
      %dma_wait3A_216 = arith.constant 13 : i32
      %dma_wait3A_217 = arith.constant 0 : i32
      %dma_wait3A_218 = tpu.memref_slice %arg7[%dma_wait3A_216, %dma_wait3A_217] : memref<16x128xi32, #tpu.memory_space<vmem>> -> memref<1x128xi32, #tpu.memory_space<vmem>>
      %dma_wait3A_219 = tpu.memref_squeeze %dma_wait3A_218 : memref<1x128xi32, #tpu.memory_space<vmem>> -> memref<128xi32, #tpu.memory_space<vmem>>
      %dma_wait3A_220 = arith.constant 0 : i32
      %dma_wait3A_221 = arith.constant 0 : i32
      %dma_wait3A_222 = tpu.memref_slice %arg2[%dma_wait3A_220, %dma_wait3A_221] : memref<10240x128xf32, #tpu.memory_space<hbm>> -> memref<10240x128xf32, #tpu.memory_space<hbm>>
      tpu.wait_indirect_dma semaphore(%arg13 : memref<!tpu.dma_semaphore, #tpu.memory_space<semaphore_mem>>) src(%dma_wait3A_222 : memref<10240x128xf32, #tpu.memory_space<hbm>>) dst(%arg10 : memref<128x128xf32, #tpu.memory_space<vmem>>)
      %dma_start3A_223 = arith.constant 14 : i32
      %dma_start3A_224 = arith.constant 0 : i32
      %dma_start3A_225 = tpu.memref_slice %arg7[%dma_start3A_223, %dma_start3A_224] : memref<16x128xi32, #tpu.memory_space<vmem>> -> memref<1x128xi32, #tpu.memory_space<vmem>>
      %dma_start3A_226 = tpu.memref_squeeze %dma_start3A_225 : memref<1x128xi32, #tpu.memory_space<vmem>> -> memref<128xi32, #tpu.memory_space<vmem>>
      %dma_start3A_227 = arith.constant 0 : i32
      %dma_start3A_228 = arith.constant 0 : i32
      %dma_start3A_229 = tpu.memref_slice %arg2[%dma_start3A_227, %dma_start3A_228] : memref<10240x128xf32, #tpu.memory_space<hbm>> -> memref<10240x128xf32, #tpu.memory_space<hbm>>
      tpu.enqueue_indirect_dma source(%dma_start3A_229 : memref<10240x128xf32, #tpu.memory_space<hbm>>) target(%arg9 : memref<128x128xf32, #tpu.memory_space<vmem>>) offsets(%dma_start3A_226 : memref<128xi32, #tpu.memory_space<vmem>>) semaphore(%arg12 : memref<!tpu.dma_semaphore, #tpu.memory_space<semaphore_mem>>)
      %run_scoped3A_230 = arith.constant 13 : i32
      "tpu.region"() ({
        %run_scoped3A_254 = tpu.sem_alloc : memref<!tpu.dma_semaphore, #tpu.memory_space<semaphore_mem>>
        %dma_start3A_255 = arith.constant 0 : i32
        %dma_start3A_256 = tpu.memref_slice %arg8[%run_scoped3A_230, %dma_start3A_255] : memref<16x128xi32, #tpu.memory_space<vmem>> -> memref<1x128xi32, #tpu.memory_space<vmem>>
        %dma_start3A_257 = tpu.memref_squeeze %dma_start3A_256 : memref<1x128xi32, #tpu.memory_space<vmem>> -> memref<128xi32, #tpu.memory_space<vmem>>
        %dma_start3A_258 = arith.constant 0 : i32
        %dma_start3A_259 = arith.constant 0 : i32
        %dma_start3A_260 = tpu.memref_slice %arg11[%dma_start3A_258, %dma_start3A_259] : memref<10240x128xf32, #tpu.memory_space<vmem_shared>> -> memref<10240x128xf32, #tpu.memory_space<vmem_shared>>
        tpu.enqueue_indirect_dma source(%arg10 : memref<128x128xf32, #tpu.memory_space<vmem>>) target(%dma_start3A_260 : memref<10240x128xf32, #tpu.memory_space<vmem_shared>>) offsets(%dma_start3A_257 : memref<128xi32, #tpu.memory_space<vmem>>) semaphore(%run_scoped3A_254 : memref<!tpu.dma_semaphore, #tpu.memory_space<semaphore_mem>>) {add = true}
        %dma_wait3A_261 = arith.constant 0 : i32
        %dma_wait3A_262 = tpu.memref_slice %arg8[%run_scoped3A_230, %dma_wait3A_261] : memref<16x128xi32, #tpu.memory_space<vmem>> -> memref<1x128xi32, #tpu.memory_space<vmem>>
        %dma_wait3A_263 = tpu.memref_squeeze %dma_wait3A_262 : memref<1x128xi32, #tpu.memory_space<vmem>> -> memref<128xi32, #tpu.memory_space<vmem>>
        %dma_wait3A_264 = arith.constant 0 : i32
        %dma_wait3A_265 = arith.constant 0 : i32
        %dma_wait3A_266 = tpu.memref_slice %arg11[%dma_wait3A_264, %dma_wait3A_265] : memref<10240x128xf32, #tpu.memory_space<vmem_shared>> -> memref<10240x128xf32, #tpu.memory_space<vmem_shared>>
        tpu.wait_indirect_dma semaphore(%run_scoped3A_254 : memref<!tpu.dma_semaphore, #tpu.memory_space<semaphore_mem>>) src(%arg10 : memref<128x128xf32, #tpu.memory_space<vmem>>) dst(%dma_wait3A_266 : memref<10240x128xf32, #tpu.memory_space<vmem_shared>>)
        tpu.yield
      }) : () -> ()
      %dma_wait3A_231 = arith.constant 14 : i32
      %dma_wait3A_232 = arith.constant 0 : i32
      %dma_wait3A_233 = tpu.memref_slice %arg7[%dma_wait3A_231, %dma_wait3A_232] : memref<16x128xi32, #tpu.memory_space<vmem>> -> memref<1x128xi32, #tpu.memory_space<vmem>>
      %dma_wait3A_234 = tpu.memref_squeeze %dma_wait3A_233 : memref<1x128xi32, #tpu.memory_space<vmem>> -> memref<128xi32, #tpu.memory_space<vmem>>
      %dma_wait3A_235 = arith.constant 0 : i32
      %dma_wait3A_236 = arith.constant 0 : i32
      %dma_wait3A_237 = tpu.memref_slice %arg2[%dma_wait3A_235, %dma_wait3A_236] : memref<10240x128xf32, #tpu.memory_space<hbm>> -> memref<10240x128xf32, #tpu.memory_space<hbm>>
      tpu.wait_indirect_dma semaphore(%arg12 : memref<!tpu.dma_semaphore, #tpu.memory_space<semaphore_mem>>) src(%dma_wait3A_237 : memref<10240x128xf32, #tpu.memory_space<hbm>>) dst(%arg9 : memref<128x128xf32, #tpu.memory_space<vmem>>)
      %dma_start3A_238 = arith.constant 15 : i32
      %dma_start3A_239 = arith.constant 0 : i32
      %dma_start3A_240 = tpu.memref_slice %arg7[%dma_start3A_238, %dma_start3A_239] : memref<16x128xi32, #tpu.memory_space<vmem>> -> memref<1x128xi32, #tpu.memory_space<vmem>>
      %dma_start3A_241 = tpu.memref_squeeze %dma_start3A_240 : memref<1x128xi32, #tpu.memory_space<vmem>> -> memref<128xi32, #tpu.memory_space<vmem>>
      %dma_start3A_242 = arith.constant 0 : i32
      %dma_start3A_243 = arith.constant 0 : i32
      %dma_start3A_244 = tpu.memref_slice %arg2[%dma_start3A_242, %dma_start3A_243] : memref<10240x128xf32, #tpu.memory_space<hbm>> -> memref<10240x128xf32, #tpu.memory_space<hbm>>
      tpu.enqueue_indirect_dma source(%dma_start3A_244 : memref<10240x128xf32, #tpu.memory_space<hbm>>) target(%arg10 : memref<128x128xf32, #tpu.memory_space<vmem>>) offsets(%dma_start3A_241 : memref<128xi32, #tpu.memory_space<vmem>>) semaphore(%arg13 : memref<!tpu.dma_semaphore, #tpu.memory_space<semaphore_mem>>)
      %run_scoped3A_245 = arith.constant 14 : i32
      "tpu.region"() ({
        %run_scoped3A_254 = tpu.sem_alloc : memref<!tpu.dma_semaphore, #tpu.memory_space<semaphore_mem>>
        %dma_start3A_255 = arith.constant 0 : i32
        %dma_start3A_256 = tpu.memref_slice %arg8[%run_scoped3A_245, %dma_start3A_255] : memref<16x128xi32, #tpu.memory_space<vmem>> -> memref<1x128xi32, #tpu.memory_space<vmem>>
        %dma_start3A_257 = tpu.memref_squeeze %dma_start3A_256 : memref<1x128xi32, #tpu.memory_space<vmem>> -> memref<128xi32, #tpu.memory_space<vmem>>
        %dma_start3A_258 = arith.constant 0 : i32
        %dma_start3A_259 = arith.constant 0 : i32
        %dma_start3A_260 = tpu.memref_slice %arg11[%dma_start3A_258, %dma_start3A_259] : memref<10240x128xf32, #tpu.memory_space<vmem_shared>> -> memref<10240x128xf32, #tpu.memory_space<vmem_shared>>
        tpu.enqueue_indirect_dma source(%arg9 : memref<128x128xf32, #tpu.memory_space<vmem>>) target(%dma_start3A_260 : memref<10240x128xf32, #tpu.memory_space<vmem_shared>>) offsets(%dma_start3A_257 : memref<128xi32, #tpu.memory_space<vmem>>) semaphore(%run_scoped3A_254 : memref<!tpu.dma_semaphore, #tpu.memory_space<semaphore_mem>>) {add = true}
        %dma_wait3A_261 = arith.constant 0 : i32
        %dma_wait3A_262 = tpu.memref_slice %arg8[%run_scoped3A_245, %dma_wait3A_261] : memref<16x128xi32, #tpu.memory_space<vmem>> -> memref<1x128xi32, #tpu.memory_space<vmem>>
        %dma_wait3A_263 = tpu.memref_squeeze %dma_wait3A_262 : memref<1x128xi32, #tpu.memory_space<vmem>> -> memref<128xi32, #tpu.memory_space<vmem>>
        %dma_wait3A_264 = arith.constant 0 : i32
        %dma_wait3A_265 = arith.constant 0 : i32
        %dma_wait3A_266 = tpu.memref_slice %arg11[%dma_wait3A_264, %dma_wait3A_265] : memref<10240x128xf32, #tpu.memory_space<vmem_shared>> -> memref<10240x128xf32, #tpu.memory_space<vmem_shared>>
        tpu.wait_indirect_dma semaphore(%run_scoped3A_254 : memref<!tpu.dma_semaphore, #tpu.memory_space<semaphore_mem>>) src(%arg9 : memref<128x128xf32, #tpu.memory_space<vmem>>) dst(%dma_wait3A_266 : memref<10240x128xf32, #tpu.memory_space<vmem_shared>>)
        tpu.yield
      }) : () -> ()
      %dma_wait3A_246 = arith.constant 15 : i32
      %dma_wait3A_247 = arith.constant 0 : i32
      %dma_wait3A_248 = tpu.memref_slice %arg7[%dma_wait3A_246, %dma_wait3A_247] : memref<16x128xi32, #tpu.memory_space<vmem>> -> memref<1x128xi32, #tpu.memory_space<vmem>>
      %dma_wait3A_249 = tpu.memref_squeeze %dma_wait3A_248 : memref<1x128xi32, #tpu.memory_space<vmem>> -> memref<128xi32, #tpu.memory_space<vmem>>
      %dma_wait3A_250 = arith.constant 0 : i32
      %dma_wait3A_251 = arith.constant 0 : i32
      %dma_wait3A_252 = tpu.memref_slice %arg2[%dma_wait3A_250, %dma_wait3A_251] : memref<10240x128xf32, #tpu.memory_space<hbm>> -> memref<10240x128xf32, #tpu.memory_space<hbm>>
      tpu.wait_indirect_dma semaphore(%arg13 : memref<!tpu.dma_semaphore, #tpu.memory_space<semaphore_mem>>) src(%dma_wait3A_252 : memref<10240x128xf32, #tpu.memory_space<hbm>>) dst(%arg10 : memref<128x128xf32, #tpu.memory_space<vmem>>)
      %run_scoped3A_253 = arith.constant 15 : i32
      "tpu.region"() ({
        %run_scoped3A_254 = tpu.sem_alloc : memref<!tpu.dma_semaphore, #tpu.memory_space<semaphore_mem>>
        %dma_start3A_255 = arith.constant 0 : i32
        %dma_start3A_256 = tpu.memref_slice %arg8[%run_scoped3A_253, %dma_start3A_255] : memref<16x128xi32, #tpu.memory_space<vmem>> -> memref<1x128xi32, #tpu.memory_space<vmem>>
        %dma_start3A_257 = tpu.memref_squeeze %dma_start3A_256 : memref<1x128xi32, #tpu.memory_space<vmem>> -> memref<128xi32, #tpu.memory_space<vmem>>
        %dma_start3A_258 = arith.constant 0 : i32
        %dma_start3A_259 = arith.constant 0 : i32
        %dma_start3A_260 = tpu.memref_slice %arg11[%dma_start3A_258, %dma_start3A_259] : memref<10240x128xf32, #tpu.memory_space<vmem_shared>> -> memref<10240x128xf32, #tpu.memory_space<vmem_shared>>
        tpu.enqueue_indirect_dma source(%arg10 : memref<128x128xf32, #tpu.memory_space<vmem>>) target(%dma_start3A_260 : memref<10240x128xf32, #tpu.memory_space<vmem_shared>>) offsets(%dma_start3A_257 : memref<128xi32, #tpu.memory_space<vmem>>) semaphore(%run_scoped3A_254 : memref<!tpu.dma_semaphore, #tpu.memory_space<semaphore_mem>>) {add = true}
        %dma_wait3A_261 = arith.constant 0 : i32
        %dma_wait3A_262 = tpu.memref_slice %arg8[%run_scoped3A_253, %dma_wait3A_261] : memref<16x128xi32, #tpu.memory_space<vmem>> -> memref<1x128xi32, #tpu.memory_space<vmem>>
        %dma_wait3A_263 = tpu.memref_squeeze %dma_wait3A_262 : memref<1x128xi32, #tpu.memory_space<vmem>> -> memref<128xi32, #tpu.memory_space<vmem>>
        %dma_wait3A_264 = arith.constant 0 : i32
        %dma_wait3A_265 = arith.constant 0 : i32
        %dma_wait3A_266 = tpu.memref_slice %arg11[%dma_wait3A_264, %dma_wait3A_265] : memref<10240x128xf32, #tpu.memory_space<vmem_shared>> -> memref<10240x128xf32, #tpu.memory_space<vmem_shared>>
        tpu.wait_indirect_dma semaphore(%run_scoped3A_254 : memref<!tpu.dma_semaphore, #tpu.memory_space<semaphore_mem>>) src(%arg10 : memref<128x128xf32, #tpu.memory_space<vmem>>) dst(%dma_wait3A_266 : memref<10240x128xf32, #tpu.memory_space<vmem_shared>>)
        tpu.yield
      }) : () -> ()
    }
    %scan3A_6 = arith.constant 5 : i32
    %barrier3A_7 = arith.constant 0 : index
    tpu.barrier barrier_id(%barrier3A_7)
    "tpu.region"() ({
      %run_scoped3A = tpu.sem_alloc : memref<!tpu.dma_semaphore, #tpu.memory_space<semaphore_mem>>
      %dma_start3A = arith.constant 0 : i32
      %dma_start3A_8 = tpu.memref_slice %arg6[%arg0, %mul3A_2, %dma_start3A] : memref<2x10240x128xf32, #tpu.memory_space<hbm>> -> memref<1x640x128xf32, #tpu.memory_space<hbm>>
      %dma_start3A_9 = tpu.memref_squeeze %dma_start3A_8 : memref<1x640x128xf32, #tpu.memory_space<hbm>> -> memref<640x128xf32, #tpu.memory_space<hbm>>
      %dma_start3A_10 = arith.constant 0 : i32
      %dma_start3A_11 = tpu.memref_slice %arg11[%mul3A_2, %dma_start3A_10] : memref<10240x128xf32, #tpu.memory_space<vmem_shared>> -> memref<640x128xf32, #tpu.memory_space<vmem_shared>>
      tpu.enqueue_dma source(%dma_start3A_11 : memref<640x128xf32, #tpu.memory_space<vmem_shared>>) target(%dma_start3A_9 : memref<640x128xf32, #tpu.memory_space<hbm>>) target_semaphore(%run_scoped3A : memref<!tpu.dma_semaphore, #tpu.memory_space<semaphore_mem>>)
      %dma_wait3A = arith.constant 0 : i32
      %dma_wait3A_12 = tpu.memref_slice %arg6[%arg0, %mul3A_2, %dma_wait3A] : memref<2x10240x128xf32, #tpu.memory_space<hbm>> -> memref<1x640x128xf32, #tpu.memory_space<hbm>>
      %dma_wait3A_13 = tpu.memref_squeeze %dma_wait3A_12 : memref<1x640x128xf32, #tpu.memory_space<hbm>> -> memref<640x128xf32, #tpu.memory_space<hbm>>
      %dma_wait3A_14 = arith.constant 0 : i32
      %dma_wait3A_15 = tpu.memref_slice %arg11[%mul3A_2, %dma_wait3A_14] : memref<10240x128xf32, #tpu.memory_space<vmem_shared>> -> memref<640x128xf32, #tpu.memory_space<vmem_shared>>
      tpu.wait_dma2 semaphore(%run_scoped3A : memref<!tpu.dma_semaphore, #tpu.memory_space<semaphore_mem>>) src(%dma_wait3A_15 : memref<640x128xf32, #tpu.memory_space<vmem_shared>>) dst(%dma_wait3A_13 : memref<640x128xf32, #tpu.memory_space<hbm>>)
      tpu.yield
    }) : () -> ()
    return
  }
}

#map = affine_map<(d0, d1) -> (0, 0)>
#map1 = affine_map<(d0, d1) -> (0, 0, 0)>
module attributes {stable_mosaic.version = 14 : i64} {
  func.func @k(%arg0: i32, %arg1: i32, %arg2: memref<10240x128xf32, #tpu.memory_space<hbm>>, %arg3: memref<32x80x128xi32, #tpu.memory_space<hbm>>, %arg4: memref<32x80x128xi32, #tpu.memory_space<hbm>>, %arg5: memref<10240x128xf32, #tpu.memory_space<hbm>>, %arg6: memref<2x10240x128xf32, #tpu.memory_space<hbm>>, %arg7: memref<16x128xi32, #tpu.memory_space<vmem>>, %arg8: memref<16x128xi32, #tpu.memory_space<vmem>>, %arg9: memref<128x128xf32, #tpu.memory_space<vmem>>, %arg10: memref<128x128xf32, #tpu.memory_space<vmem>>, %arg11: memref<10240x128xf32, #tpu.memory_space<vmem_shared>>, %arg12: memref<!tpu.dma_semaphore, #tpu.memory_space<semaphore_mem>>, %arg13: memref<!tpu.dma_semaphore, #tpu.memory_space<semaphore_mem>>) attributes {dimension_semantics = [#tpu.dimension_semantics<core_parallel>, #tpu.dimension_semantics<subcore_parallel>], iteration_bounds = array<i64: 2, 16>, scalar_prefetch = 0 : i64, scratch_operands = 7 : i64, tpu.core_type = #tpu.core_type<sc_vector_subcore>, window_params = [{transform_indices = #map}, {transform_indices = #map1}, {transform_indices = #map1}, {transform_indices = #map}, {transform_indices = #map1}]} {
    %mul3A = arith.constant 2 : i32
    %mul3A_0 = arith.muli %arg1, %mul3A : i32
    %add3A = arith.addi %mul3A_0, %arg0 : i32
    %mul3A_1 = arith.constant 640 : i32
    %mul3A_2 = arith.muli %arg1, %mul3A_1 : i32
    "tpu.region"() ({
      %run_scoped3A = tpu.sem_alloc : memref<!tpu.dma_semaphore, #tpu.memory_space<semaphore_mem>>
      %dma_start3A = arith.constant 0 : i32
      %dma_start3A_8 = tpu.memref_slice %arg11[%mul3A_2, %dma_start3A] : memref<10240x128xf32, #tpu.memory_space<vmem_shared>> -> memref<640x128xf32, #tpu.memory_space<vmem_shared>>
      %dma_start3A_9 = arith.constant 0 : i32
      %dma_start3A_10 = tpu.memref_slice %arg5[%mul3A_2, %dma_start3A_9] : memref<10240x128xf32, #tpu.memory_space<hbm>> -> memref<640x128xf32, #tpu.memory_space<hbm>>
      tpu.enqueue_dma source(%dma_start3A_10 : memref<640x128xf32, #tpu.memory_space<hbm>>) target(%dma_start3A_8 : memref<640x128xf32, #tpu.memory_space<vmem_shared>>) target_semaphore(%run_scoped3A : memref<!tpu.dma_semaphore, #tpu.memory_space<semaphore_mem>>)
      %dma_wait3A = arith.constant 0 : i32
      %dma_wait3A_11 = tpu.memref_slice %arg11[%mul3A_2, %dma_wait3A] : memref<10240x128xf32, #tpu.memory_space<vmem_shared>> -> memref<640x128xf32, #tpu.memory_space<vmem_shared>>
      %dma_wait3A_12 = arith.constant 0 : i32
      %dma_wait3A_13 = tpu.memref_slice %arg5[%mul3A_2, %dma_wait3A_12] : memref<10240x128xf32, #tpu.memory_space<hbm>> -> memref<640x128xf32, #tpu.memory_space<hbm>>
      tpu.wait_dma2 semaphore(%run_scoped3A : memref<!tpu.dma_semaphore, #tpu.memory_space<semaphore_mem>>) src(%dma_wait3A_13 : memref<640x128xf32, #tpu.memory_space<hbm>>) dst(%dma_wait3A_11 : memref<640x128xf32, #tpu.memory_space<vmem_shared>>)
      tpu.yield
    }) : () -> ()
    %barrier3A = arith.constant 0 : index
    tpu.barrier barrier_id(%barrier3A)
    %scan3A = arith.constant 0 : i32
    %scan3A_3 = arith.constant 5 : i32
    %scan3A_4 = arith.addi %scan3A, %scan3A_3 : i32
    %scan3A_5 = arith.constant 1 : i32
    scf.for %scan3A_8 = %scan3A to %scan3A_4 step %scan3A_5  : i32 {
      %mul3A_9 = arith.constant 1 : i32
      %mul3A_10 = arith.muli %scan3A_8, %mul3A_9 : i32
      %add3A_11 = arith.constant 0 : i32
      %add3A_12 = arith.addi %add3A_11, %mul3A_10 : i32
      %mul3A_13 = arith.constant 16 : i32
      %mul3A_14 = arith.muli %add3A_12, %mul3A_13 : i32
      "tpu.region"() ({
        %run_scoped3A_254 = tpu.sem_alloc : memref<!tpu.dma_semaphore, #tpu.memory_space<semaphore_mem>>
        %dma_start3A_255 = arith.constant 0 : i32
        %dma_start3A_256 = tpu.memref_slice %arg3[%add3A, %mul3A_14, %dma_start3A_255] : memref<32x80x128xi32, #tpu.memory_space<hbm>> -> memref<1x16x128xi32, #tpu.memory_space<hbm>>
        %dma_start3A_257 = tpu.memref_squeeze %dma_start3A_256 : memref<1x16x128xi32, #tpu.memory_space<hbm>> -> memref<16x128xi32, #tpu.memory_space<hbm>>
        %dma_start3A_258 = arith.constant 0 : i32
        %dma_start3A_259 = tpu.memref_slice %arg3[%add3A, %mul3A_14, %dma_start3A_258] : memref<32x80x128xi32, #tpu.memory_space<hbm>> -> memref<1x16x128xi32, #tpu.memory_space<hbm>>
        %dma_start3A_260 = tpu.memref_squeeze %dma_start3A_259 : memref<1x16x128xi32, #tpu.memory_space<hbm>> -> memref<16x128xi32, #tpu.memory_space<hbm>>
        tpu.enqueue_dma source(%dma_start3A_260 : memref<16x128xi32, #tpu.memory_space<hbm>>) target(%arg7 : memref<16x128xi32, #tpu.memory_space<vmem>>) target_semaphore(%run_scoped3A_254 : memref<!tpu.dma_semaphore, #tpu.memory_space<semaphore_mem>>)
        %dma_wait3A_261 = arith.constant 0 : i32
        %dma_wait3A_262 = tpu.memref_slice %arg3[%add3A, %mul3A_14, %dma_wait3A_261] : memref<32x80x128xi32, #tpu.memory_space<hbm>> -> memref<1x16x128xi32, #tpu.memory_space<hbm>>
        %dma_wait3A_263 = tpu.memref_squeeze %dma_wait3A_262 : memref<1x16x128xi32, #tpu.memory_space<hbm>> -> memref<16x128xi32, #tpu.memory_space<hbm>>
        %dma_wait3A_264 = arith.constant 0 : i32
        %dma_wait3A_265 = tpu.memref_slice %arg3[%add3A, %mul3A_14, %dma_wait3A_264] : memref<32x80x128xi32, #tpu.memory_space<hbm>> -> memref<1x16x128xi32, #tpu.memory_space<hbm>>
        %dma_wait3A_266 = tpu.memref_squeeze %dma_wait3A_265 : memref<1x16x128xi32, #tpu.memory_space<hbm>> -> memref<16x128xi32, #tpu.memory_space<hbm>>
        tpu.wait_dma2 semaphore(%run_scoped3A_254 : memref<!tpu.dma_semaphore, #tpu.memory_space<semaphore_mem>>) src(%dma_wait3A_266 : memref<16x128xi32, #tpu.memory_space<hbm>>) dst(%arg7 : memref<16x128xi32, #tpu.memory_space<vmem>>)
        tpu.yield
      }) : () -> ()
      %mul3A_15 = arith.constant 16 : i32
      %mul3A_16 = arith.muli %add3A_12, %mul3A_15 : i32
      "tpu.region"() ({
        %run_scoped3A_254 = tpu.sem_alloc : memref<!tpu.dma_semaphore, #tpu.memory_space<semaphore_mem>>
        %dma_start3A_255 = arith.constant 0 : i32
        %dma_start3A_256 = tpu.memref_slice %arg4[%add3A, %mul3A_16, %dma_start3A_255] : memref<32x80x128xi32, #tpu.memory_space<hbm>> -> memref<1x16x128xi32, #tpu.memory_space<hbm>>
        %dma_start3A_257 = tpu.memref_squeeze %dma_start3A_256 : memref<1x16x128xi32, #tpu.memory_space<hbm>> -> memref<16x128xi32, #tpu.memory_space<hbm>>
        %dma_start3A_258 = arith.constant 0 : i32
        %dma_start3A_259 = tpu.memref_slice %arg4[%add3A, %mul3A_16, %dma_start3A_258] : memref<32x80x128xi32, #tpu.memory_space<hbm>> -> memref<1x16x128xi32, #tpu.memory_space<hbm>>
        %dma_start3A_260 = tpu.memref_squeeze %dma_start3A_259 : memref<1x16x128xi32, #tpu.memory_space<hbm>> -> memref<16x128xi32, #tpu.memory_space<hbm>>
        tpu.enqueue_dma source(%dma_start3A_260 : memref<16x128xi32, #tpu.memory_space<hbm>>) target(%arg8 : memref<16x128xi32, #tpu.memory_space<vmem>>) target_semaphore(%run_scoped3A_254 : memref<!tpu.dma_semaphore, #tpu.memory_space<semaphore_mem>>)
        %dma_wait3A_261 = arith.constant 0 : i32
        %dma_wait3A_262 = tpu.memref_slice %arg4[%add3A, %mul3A_16, %dma_wait3A_261] : memref<32x80x128xi32, #tpu.memory_space<hbm>> -> memref<1x16x128xi32, #tpu.memory_space<hbm>>
        %dma_wait3A_263 = tpu.memref_squeeze %dma_wait3A_262 : memref<1x16x128xi32, #tpu.memory_space<hbm>> -> memref<16x128xi32, #tpu.memory_space<hbm>>
        %dma_wait3A_264 = arith.constant 0 : i32
        %dma_wait3A_265 = tpu.memref_slice %arg4[%add3A, %mul3A_16, %dma_wait3A_264] : memref<32x80x128xi32, #tpu.memory_space<hbm>> -> memref<1x16x128xi32, #tpu.memory_space<hbm>>
        %dma_wait3A_266 = tpu.memref_squeeze %dma_wait3A_265 : memref<1x16x128xi32, #tpu.memory_space<hbm>> -> memref<16x128xi32, #tpu.memory_space<hbm>>
        tpu.wait_dma2 semaphore(%run_scoped3A_254 : memref<!tpu.dma_semaphore, #tpu.memory_space<semaphore_mem>>) src(%dma_wait3A_266 : memref<16x128xi32, #tpu.memory_space<hbm>>) dst(%arg8 : memref<16x128xi32, #tpu.memory_space<vmem>>)
        tpu.yield
      }) : () -> ()
      %dma_start3A = arith.constant 0 : i32
      %dma_start3A_17 = arith.constant 0 : i32
      %dma_start3A_18 = tpu.memref_slice %arg7[%dma_start3A, %dma_start3A_17] : memref<16x128xi32, #tpu.memory_space<vmem>> -> memref<1x128xi32, #tpu.memory_space<vmem>>
      %dma_start3A_19 = tpu.memref_squeeze %dma_start3A_18 : memref<1x128xi32, #tpu.memory_space<vmem>> -> memref<128xi32, #tpu.memory_space<vmem>>
      %dma_start3A_20 = arith.constant 0 : i32
      %dma_start3A_21 = arith.constant 0 : i32
      %dma_start3A_22 = tpu.memref_slice %arg2[%dma_start3A_20, %dma_start3A_21] : memref<10240x128xf32, #tpu.memory_space<hbm>> -> memref<10240x128xf32, #tpu.memory_space<hbm>>
      tpu.enqueue_indirect_dma source(%dma_start3A_22 : memref<10240x128xf32, #tpu.memory_space<hbm>>) target(%arg9 : memref<128x128xf32, #tpu.memory_space<vmem>>) offsets(%dma_start3A_19 : memref<128xi32, #tpu.memory_space<vmem>>) semaphore(%arg12 : memref<!tpu.dma_semaphore, #tpu.memory_space<semaphore_mem>>)
      %dma_wait3A = arith.constant 0 : i32
      %dma_wait3A_23 = arith.constant 0 : i32
      %dma_wait3A_24 = tpu.memref_slice %arg7[%dma_wait3A, %dma_wait3A_23] : memref<16x128xi32, #tpu.memory_space<vmem>> -> memref<1x128xi32, #tpu.memory_space<vmem>>
      %dma_wait3A_25 = tpu.memref_squeeze %dma_wait3A_24 : memref<1x128xi32, #tpu.memory_space<vmem>> -> memref<128xi32, #tpu.memory_space<vmem>>
      %dma_wait3A_26 = arith.constant 0 : i32
      %dma_wait3A_27 = arith.constant 0 : i32
      %dma_wait3A_28 = tpu.memref_slice %arg2[%dma_wait3A_26, %dma_wait3A_27] : memref<10240x128xf32, #tpu.memory_space<hbm>> -> memref<10240x128xf32, #tpu.memory_space<hbm>>
      tpu.wait_indirect_dma semaphore(%arg12 : memref<!tpu.dma_semaphore, #tpu.memory_space<semaphore_mem>>) src(%dma_wait3A_28 : memref<10240x128xf32, #tpu.memory_space<hbm>>) dst(%arg9 : memref<128x128xf32, #tpu.memory_space<vmem>>)
      %dma_start3A_29 = arith.constant 1 : i32
      %dma_start3A_30 = arith.constant 0 : i32
      %dma_start3A_31 = tpu.memref_slice %arg7[%dma_start3A_29, %dma_start3A_30] : memref<16x128xi32, #tpu.memory_space<vmem>> -> memref<1x128xi32, #tpu.memory_space<vmem>>
      %dma_start3A_32 = tpu.memref_squeeze %dma_start3A_31 : memref<1x128xi32, #tpu.memory_space<vmem>> -> memref<128xi32, #tpu.memory_space<vmem>>
      %dma_start3A_33 = arith.constant 0 : i32
      %dma_start3A_34 = arith.constant 0 : i32
      %dma_start3A_35 = tpu.memref_slice %arg2[%dma_start3A_33, %dma_start3A_34] : memref<10240x128xf32, #tpu.memory_space<hbm>> -> memref<10240x128xf32, #tpu.memory_space<hbm>>
      tpu.enqueue_indirect_dma source(%dma_start3A_35 : memref<10240x128xf32, #tpu.memory_space<hbm>>) target(%arg10 : memref<128x128xf32, #tpu.memory_space<vmem>>) offsets(%dma_start3A_32 : memref<128xi32, #tpu.memory_space<vmem>>) semaphore(%arg13 : memref<!tpu.dma_semaphore, #tpu.memory_space<semaphore_mem>>)
      %run_scoped3A = arith.constant 0 : i32
      "tpu.region"() ({
        %run_scoped3A_254 = tpu.sem_alloc : memref<!tpu.dma_semaphore, #tpu.memory_space<semaphore_mem>>
        %dma_start3A_255 = arith.constant 0 : i32
        %dma_start3A_256 = tpu.memref_slice %arg8[%run_scoped3A, %dma_start3A_255] : memref<16x128xi32, #tpu.memory_space<vmem>> -> memref<1x128xi32, #tpu.memory_space<vmem>>
        %dma_start3A_257 = tpu.memref_squeeze %dma_start3A_256 : memref<1x128xi32, #tpu.memory_space<vmem>> -> memref<128xi32, #tpu.memory_space<vmem>>
        %dma_start3A_258 = arith.constant 0 : i32
        %dma_start3A_259 = arith.constant 0 : i32
        %dma_start3A_260 = tpu.memref_slice %arg11[%dma_start3A_258, %dma_start3A_259] : memref<10240x128xf32, #tpu.memory_space<vmem_shared>> -> memref<10240x128xf32, #tpu.memory_space<vmem_shared>>
        tpu.enqueue_indirect_dma source(%arg9 : memref<128x128xf32, #tpu.memory_space<vmem>>) target(%dma_start3A_260 : memref<10240x128xf32, #tpu.memory_space<vmem_shared>>) offsets(%dma_start3A_257 : memref<128xi32, #tpu.memory_space<vmem>>) semaphore(%run_scoped3A_254 : memref<!tpu.dma_semaphore, #tpu.memory_space<semaphore_mem>>) {add = true}
        %dma_wait3A_261 = arith.constant 0 : i32
        %dma_wait3A_262 = tpu.memref_slice %arg8[%run_scoped3A, %dma_wait3A_261] : memref<16x128xi32, #tpu.memory_space<vmem>> -> memref<1x128xi32, #tpu.memory_space<vmem>>
        %dma_wait3A_263 = tpu.memref_squeeze %dma_wait3A_262 : memref<1x128xi32, #tpu.memory_space<vmem>> -> memref<128xi32, #tpu.memory_space<vmem>>
        %dma_wait3A_264 = arith.constant 0 : i32
        %dma_wait3A_265 = arith.constant 0 : i32
        %dma_wait3A_266 = tpu.memref_slice %arg11[%dma_wait3A_264, %dma_wait3A_265] : memref<10240x128xf32, #tpu.memory_space<vmem_shared>> -> memref<10240x128xf32, #tpu.memory_space<vmem_shared>>
        tpu.wait_indirect_dma semaphore(%run_scoped3A_254 : memref<!tpu.dma_semaphore, #tpu.memory_space<semaphore_mem>>) src(%arg9 : memref<128x128xf32, #tpu.memory_space<vmem>>) dst(%dma_wait3A_266 : memref<10240x128xf32, #tpu.memory_space<vmem_shared>>)
        tpu.yield
      }) : () -> ()
      %dma_wait3A_36 = arith.constant 1 : i32
      %dma_wait3A_37 = arith.constant 0 : i32
      %dma_wait3A_38 = tpu.memref_slice %arg7[%dma_wait3A_36, %dma_wait3A_37] : memref<16x128xi32, #tpu.memory_space<vmem>> -> memref<1x128xi32, #tpu.memory_space<vmem>>
      %dma_wait3A_39 = tpu.memref_squeeze %dma_wait3A_38 : memref<1x128xi32, #tpu.memory_space<vmem>> -> memref<128xi32, #tpu.memory_space<vmem>>
      %dma_wait3A_40 = arith.constant 0 : i32
      %dma_wait3A_41 = arith.constant 0 : i32
      %dma_wait3A_42 = tpu.memref_slice %arg2[%dma_wait3A_40, %dma_wait3A_41] : memref<10240x128xf32, #tpu.memory_space<hbm>> -> memref<10240x128xf32, #tpu.memory_space<hbm>>
      tpu.wait_indirect_dma semaphore(%arg13 : memref<!tpu.dma_semaphore, #tpu.memory_space<semaphore_mem>>) src(%dma_wait3A_42 : memref<10240x128xf32, #tpu.memory_space<hbm>>) dst(%arg10 : memref<128x128xf32, #tpu.memory_space<vmem>>)
      %dma_start3A_43 = arith.constant 2 : i32
      %dma_start3A_44 = arith.constant 0 : i32
      %dma_start3A_45 = tpu.memref_slice %arg7[%dma_start3A_43, %dma_start3A_44] : memref<16x128xi32, #tpu.memory_space<vmem>> -> memref<1x128xi32, #tpu.memory_space<vmem>>
      %dma_start3A_46 = tpu.memref_squeeze %dma_start3A_45 : memref<1x128xi32, #tpu.memory_space<vmem>> -> memref<128xi32, #tpu.memory_space<vmem>>
      %dma_start3A_47 = arith.constant 0 : i32
      %dma_start3A_48 = arith.constant 0 : i32
      %dma_start3A_49 = tpu.memref_slice %arg2[%dma_start3A_47, %dma_start3A_48] : memref<10240x128xf32, #tpu.memory_space<hbm>> -> memref<10240x128xf32, #tpu.memory_space<hbm>>
      tpu.enqueue_indirect_dma source(%dma_start3A_49 : memref<10240x128xf32, #tpu.memory_space<hbm>>) target(%arg9 : memref<128x128xf32, #tpu.memory_space<vmem>>) offsets(%dma_start3A_46 : memref<128xi32, #tpu.memory_space<vmem>>) semaphore(%arg12 : memref<!tpu.dma_semaphore, #tpu.memory_space<semaphore_mem>>)
      %run_scoped3A_50 = arith.constant 1 : i32
      "tpu.region"() ({
        %run_scoped3A_254 = tpu.sem_alloc : memref<!tpu.dma_semaphore, #tpu.memory_space<semaphore_mem>>
        %dma_start3A_255 = arith.constant 0 : i32
        %dma_start3A_256 = tpu.memref_slice %arg8[%run_scoped3A_50, %dma_start3A_255] : memref<16x128xi32, #tpu.memory_space<vmem>> -> memref<1x128xi32, #tpu.memory_space<vmem>>
        %dma_start3A_257 = tpu.memref_squeeze %dma_start3A_256 : memref<1x128xi32, #tpu.memory_space<vmem>> -> memref<128xi32, #tpu.memory_space<vmem>>
        %dma_start3A_258 = arith.constant 0 : i32
        %dma_start3A_259 = arith.constant 0 : i32
        %dma_start3A_260 = tpu.memref_slice %arg11[%dma_start3A_258, %dma_start3A_259] : memref<10240x128xf32, #tpu.memory_space<vmem_shared>> -> memref<10240x128xf32, #tpu.memory_space<vmem_shared>>
        tpu.enqueue_indirect_dma source(%arg10 : memref<128x128xf32, #tpu.memory_space<vmem>>) target(%dma_start3A_260 : memref<10240x128xf32, #tpu.memory_space<vmem_shared>>) offsets(%dma_start3A_257 : memref<128xi32, #tpu.memory_space<vmem>>) semaphore(%run_scoped3A_254 : memref<!tpu.dma_semaphore, #tpu.memory_space<semaphore_mem>>) {add = true}
        %dma_wait3A_261 = arith.constant 0 : i32
        %dma_wait3A_262 = tpu.memref_slice %arg8[%run_scoped3A_50, %dma_wait3A_261] : memref<16x128xi32, #tpu.memory_space<vmem>> -> memref<1x128xi32, #tpu.memory_space<vmem>>
        %dma_wait3A_263 = tpu.memref_squeeze %dma_wait3A_262 : memref<1x128xi32, #tpu.memory_space<vmem>> -> memref<128xi32, #tpu.memory_space<vmem>>
        %dma_wait3A_264 = arith.constant 0 : i32
        %dma_wait3A_265 = arith.constant 0 : i32
        %dma_wait3A_266 = tpu.memref_slice %arg11[%dma_wait3A_264, %dma_wait3A_265] : memref<10240x128xf32, #tpu.memory_space<vmem_shared>> -> memref<10240x128xf32, #tpu.memory_space<vmem_shared>>
        tpu.wait_indirect_dma semaphore(%run_scoped3A_254 : memref<!tpu.dma_semaphore, #tpu.memory_space<semaphore_mem>>) src(%arg10 : memref<128x128xf32, #tpu.memory_space<vmem>>) dst(%dma_wait3A_266 : memref<10240x128xf32, #tpu.memory_space<vmem_shared>>)
        tpu.yield
      }) : () -> ()
      %dma_wait3A_51 = arith.constant 2 : i32
      %dma_wait3A_52 = arith.constant 0 : i32
      %dma_wait3A_53 = tpu.memref_slice %arg7[%dma_wait3A_51, %dma_wait3A_52] : memref<16x128xi32, #tpu.memory_space<vmem>> -> memref<1x128xi32, #tpu.memory_space<vmem>>
      %dma_wait3A_54 = tpu.memref_squeeze %dma_wait3A_53 : memref<1x128xi32, #tpu.memory_space<vmem>> -> memref<128xi32, #tpu.memory_space<vmem>>
      %dma_wait3A_55 = arith.constant 0 : i32
      %dma_wait3A_56 = arith.constant 0 : i32
      %dma_wait3A_57 = tpu.memref_slice %arg2[%dma_wait3A_55, %dma_wait3A_56] : memref<10240x128xf32, #tpu.memory_space<hbm>> -> memref<10240x128xf32, #tpu.memory_space<hbm>>
      tpu.wait_indirect_dma semaphore(%arg12 : memref<!tpu.dma_semaphore, #tpu.memory_space<semaphore_mem>>) src(%dma_wait3A_57 : memref<10240x128xf32, #tpu.memory_space<hbm>>) dst(%arg9 : memref<128x128xf32, #tpu.memory_space<vmem>>)
      %dma_start3A_58 = arith.constant 3 : i32
      %dma_start3A_59 = arith.constant 0 : i32
      %dma_start3A_60 = tpu.memref_slice %arg7[%dma_start3A_58, %dma_start3A_59] : memref<16x128xi32, #tpu.memory_space<vmem>> -> memref<1x128xi32, #tpu.memory_space<vmem>>
      %dma_start3A_61 = tpu.memref_squeeze %dma_start3A_60 : memref<1x128xi32, #tpu.memory_space<vmem>> -> memref<128xi32, #tpu.memory_space<vmem>>
      %dma_start3A_62 = arith.constant 0 : i32
      %dma_start3A_63 = arith.constant 0 : i32
      %dma_start3A_64 = tpu.memref_slice %arg2[%dma_start3A_62, %dma_start3A_63] : memref<10240x128xf32, #tpu.memory_space<hbm>> -> memref<10240x128xf32, #tpu.memory_space<hbm>>
      tpu.enqueue_indirect_dma source(%dma_start3A_64 : memref<10240x128xf32, #tpu.memory_space<hbm>>) target(%arg10 : memref<128x128xf32, #tpu.memory_space<vmem>>) offsets(%dma_start3A_61 : memref<128xi32, #tpu.memory_space<vmem>>) semaphore(%arg13 : memref<!tpu.dma_semaphore, #tpu.memory_space<semaphore_mem>>)
      %run_scoped3A_65 = arith.constant 2 : i32
      "tpu.region"() ({
        %run_scoped3A_254 = tpu.sem_alloc : memref<!tpu.dma_semaphore, #tpu.memory_space<semaphore_mem>>
        %dma_start3A_255 = arith.constant 0 : i32
        %dma_start3A_256 = tpu.memref_slice %arg8[%run_scoped3A_65, %dma_start3A_255] : memref<16x128xi32, #tpu.memory_space<vmem>> -> memref<1x128xi32, #tpu.memory_space<vmem>>
        %dma_start3A_257 = tpu.memref_squeeze %dma_start3A_256 : memref<1x128xi32, #tpu.memory_space<vmem>> -> memref<128xi32, #tpu.memory_space<vmem>>
        %dma_start3A_258 = arith.constant 0 : i32
        %dma_start3A_259 = arith.constant 0 : i32
        %dma_start3A_260 = tpu.memref_slice %arg11[%dma_start3A_258, %dma_start3A_259] : memref<10240x128xf32, #tpu.memory_space<vmem_shared>> -> memref<10240x128xf32, #tpu.memory_space<vmem_shared>>
        tpu.enqueue_indirect_dma source(%arg9 : memref<128x128xf32, #tpu.memory_space<vmem>>) target(%dma_start3A_260 : memref<10240x128xf32, #tpu.memory_space<vmem_shared>>) offsets(%dma_start3A_257 : memref<128xi32, #tpu.memory_space<vmem>>) semaphore(%run_scoped3A_254 : memref<!tpu.dma_semaphore, #tpu.memory_space<semaphore_mem>>) {add = true}
        %dma_wait3A_261 = arith.constant 0 : i32
        %dma_wait3A_262 = tpu.memref_slice %arg8[%run_scoped3A_65, %dma_wait3A_261] : memref<16x128xi32, #tpu.memory_space<vmem>> -> memref<1x128xi32, #tpu.memory_space<vmem>>
        %dma_wait3A_263 = tpu.memref_squeeze %dma_wait3A_262 : memref<1x128xi32, #tpu.memory_space<vmem>> -> memref<128xi32, #tpu.memory_space<vmem>>
        %dma_wait3A_264 = arith.constant 0 : i32
        %dma_wait3A_265 = arith.constant 0 : i32
        %dma_wait3A_266 = tpu.memref_slice %arg11[%dma_wait3A_264, %dma_wait3A_265] : memref<10240x128xf32, #tpu.memory_space<vmem_shared>> -> memref<10240x128xf32, #tpu.memory_space<vmem_shared>>
        tpu.wait_indirect_dma semaphore(%run_scoped3A_254 : memref<!tpu.dma_semaphore, #tpu.memory_space<semaphore_mem>>) src(%arg9 : memref<128x128xf32, #tpu.memory_space<vmem>>) dst(%dma_wait3A_266 : memref<10240x128xf32, #tpu.memory_space<vmem_shared>>)
        tpu.yield
      }) : () -> ()
      %dma_wait3A_66 = arith.constant 3 : i32
      %dma_wait3A_67 = arith.constant 0 : i32
      %dma_wait3A_68 = tpu.memref_slice %arg7[%dma_wait3A_66, %dma_wait3A_67] : memref<16x128xi32, #tpu.memory_space<vmem>> -> memref<1x128xi32, #tpu.memory_space<vmem>>
      %dma_wait3A_69 = tpu.memref_squeeze %dma_wait3A_68 : memref<1x128xi32, #tpu.memory_space<vmem>> -> memref<128xi32, #tpu.memory_space<vmem>>
      %dma_wait3A_70 = arith.constant 0 : i32
      %dma_wait3A_71 = arith.constant 0 : i32
      %dma_wait3A_72 = tpu.memref_slice %arg2[%dma_wait3A_70, %dma_wait3A_71] : memref<10240x128xf32, #tpu.memory_space<hbm>> -> memref<10240x128xf32, #tpu.memory_space<hbm>>
      tpu.wait_indirect_dma semaphore(%arg13 : memref<!tpu.dma_semaphore, #tpu.memory_space<semaphore_mem>>) src(%dma_wait3A_72 : memref<10240x128xf32, #tpu.memory_space<hbm>>) dst(%arg10 : memref<128x128xf32, #tpu.memory_space<vmem>>)
      %dma_start3A_73 = arith.constant 4 : i32
      %dma_start3A_74 = arith.constant 0 : i32
      %dma_start3A_75 = tpu.memref_slice %arg7[%dma_start3A_73, %dma_start3A_74] : memref<16x128xi32, #tpu.memory_space<vmem>> -> memref<1x128xi32, #tpu.memory_space<vmem>>
      %dma_start3A_76 = tpu.memref_squeeze %dma_start3A_75 : memref<1x128xi32, #tpu.memory_space<vmem>> -> memref<128xi32, #tpu.memory_space<vmem>>
      %dma_start3A_77 = arith.constant 0 : i32
      %dma_start3A_78 = arith.constant 0 : i32
      %dma_start3A_79 = tpu.memref_slice %arg2[%dma_start3A_77, %dma_start3A_78] : memref<10240x128xf32, #tpu.memory_space<hbm>> -> memref<10240x128xf32, #tpu.memory_space<hbm>>
      tpu.enqueue_indirect_dma source(%dma_start3A_79 : memref<10240x128xf32, #tpu.memory_space<hbm>>) target(%arg9 : memref<128x128xf32, #tpu.memory_space<vmem>>) offsets(%dma_start3A_76 : memref<128xi32, #tpu.memory_space<vmem>>) semaphore(%arg12 : memref<!tpu.dma_semaphore, #tpu.memory_space<semaphore_mem>>)
      %run_scoped3A_80 = arith.constant 3 : i32
      "tpu.region"() ({
        %run_scoped3A_254 = tpu.sem_alloc : memref<!tpu.dma_semaphore, #tpu.memory_space<semaphore_mem>>
        %dma_start3A_255 = arith.constant 0 : i32
        %dma_start3A_256 = tpu.memref_slice %arg8[%run_scoped3A_80, %dma_start3A_255] : memref<16x128xi32, #tpu.memory_space<vmem>> -> memref<1x128xi32, #tpu.memory_space<vmem>>
        %dma_start3A_257 = tpu.memref_squeeze %dma_start3A_256 : memref<1x128xi32, #tpu.memory_space<vmem>> -> memref<128xi32, #tpu.memory_space<vmem>>
        %dma_start3A_258 = arith.constant 0 : i32
        %dma_start3A_259 = arith.constant 0 : i32
        %dma_start3A_260 = tpu.memref_slice %arg11[%dma_start3A_258, %dma_start3A_259] : memref<10240x128xf32, #tpu.memory_space<vmem_shared>> -> memref<10240x128xf32, #tpu.memory_space<vmem_shared>>
        tpu.enqueue_indirect_dma source(%arg10 : memref<128x128xf32, #tpu.memory_space<vmem>>) target(%dma_start3A_260 : memref<10240x128xf32, #tpu.memory_space<vmem_shared>>) offsets(%dma_start3A_257 : memref<128xi32, #tpu.memory_space<vmem>>) semaphore(%run_scoped3A_254 : memref<!tpu.dma_semaphore, #tpu.memory_space<semaphore_mem>>) {add = true}
        %dma_wait3A_261 = arith.constant 0 : i32
        %dma_wait3A_262 = tpu.memref_slice %arg8[%run_scoped3A_80, %dma_wait3A_261] : memref<16x128xi32, #tpu.memory_space<vmem>> -> memref<1x128xi32, #tpu.memory_space<vmem>>
        %dma_wait3A_263 = tpu.memref_squeeze %dma_wait3A_262 : memref<1x128xi32, #tpu.memory_space<vmem>> -> memref<128xi32, #tpu.memory_space<vmem>>
        %dma_wait3A_264 = arith.constant 0 : i32
        %dma_wait3A_265 = arith.constant 0 : i32
        %dma_wait3A_266 = tpu.memref_slice %arg11[%dma_wait3A_264, %dma_wait3A_265] : memref<10240x128xf32, #tpu.memory_space<vmem_shared>> -> memref<10240x128xf32, #tpu.memory_space<vmem_shared>>
        tpu.wait_indirect_dma semaphore(%run_scoped3A_254 : memref<!tpu.dma_semaphore, #tpu.memory_space<semaphore_mem>>) src(%arg10 : memref<128x128xf32, #tpu.memory_space<vmem>>) dst(%dma_wait3A_266 : memref<10240x128xf32, #tpu.memory_space<vmem_shared>>)
        tpu.yield
      }) : () -> ()
      %dma_wait3A_81 = arith.constant 4 : i32
      %dma_wait3A_82 = arith.constant 0 : i32
      %dma_wait3A_83 = tpu.memref_slice %arg7[%dma_wait3A_81, %dma_wait3A_82] : memref<16x128xi32, #tpu.memory_space<vmem>> -> memref<1x128xi32, #tpu.memory_space<vmem>>
      %dma_wait3A_84 = tpu.memref_squeeze %dma_wait3A_83 : memref<1x128xi32, #tpu.memory_space<vmem>> -> memref<128xi32, #tpu.memory_space<vmem>>
      %dma_wait3A_85 = arith.constant 0 : i32
      %dma_wait3A_86 = arith.constant 0 : i32
      %dma_wait3A_87 = tpu.memref_slice %arg2[%dma_wait3A_85, %dma_wait3A_86] : memref<10240x128xf32, #tpu.memory_space<hbm>> -> memref<10240x128xf32, #tpu.memory_space<hbm>>
      tpu.wait_indirect_dma semaphore(%arg12 : memref<!tpu.dma_semaphore, #tpu.memory_space<semaphore_mem>>) src(%dma_wait3A_87 : memref<10240x128xf32, #tpu.memory_space<hbm>>) dst(%arg9 : memref<128x128xf32, #tpu.memory_space<vmem>>)
      %dma_start3A_88 = arith.constant 5 : i32
      %dma_start3A_89 = arith.constant 0 : i32
      %dma_start3A_90 = tpu.memref_slice %arg7[%dma_start3A_88, %dma_start3A_89] : memref<16x128xi32, #tpu.memory_space<vmem>> -> memref<1x128xi32, #tpu.memory_space<vmem>>
      %dma_start3A_91 = tpu.memref_squeeze %dma_start3A_90 : memref<1x128xi32, #tpu.memory_space<vmem>> -> memref<128xi32, #tpu.memory_space<vmem>>
      %dma_start3A_92 = arith.constant 0 : i32
      %dma_start3A_93 = arith.constant 0 : i32
      %dma_start3A_94 = tpu.memref_slice %arg2[%dma_start3A_92, %dma_start3A_93] : memref<10240x128xf32, #tpu.memory_space<hbm>> -> memref<10240x128xf32, #tpu.memory_space<hbm>>
      tpu.enqueue_indirect_dma source(%dma_start3A_94 : memref<10240x128xf32, #tpu.memory_space<hbm>>) target(%arg10 : memref<128x128xf32, #tpu.memory_space<vmem>>) offsets(%dma_start3A_91 : memref<128xi32, #tpu.memory_space<vmem>>) semaphore(%arg13 : memref<!tpu.dma_semaphore, #tpu.memory_space<semaphore_mem>>)
      %run_scoped3A_95 = arith.constant 4 : i32
      "tpu.region"() ({
        %run_scoped3A_254 = tpu.sem_alloc : memref<!tpu.dma_semaphore, #tpu.memory_space<semaphore_mem>>
        %dma_start3A_255 = arith.constant 0 : i32
        %dma_start3A_256 = tpu.memref_slice %arg8[%run_scoped3A_95, %dma_start3A_255] : memref<16x128xi32, #tpu.memory_space<vmem>> -> memref<1x128xi32, #tpu.memory_space<vmem>>
        %dma_start3A_257 = tpu.memref_squeeze %dma_start3A_256 : memref<1x128xi32, #tpu.memory_space<vmem>> -> memref<128xi32, #tpu.memory_space<vmem>>
        %dma_start3A_258 = arith.constant 0 : i32
        %dma_start3A_259 = arith.constant 0 : i32
        %dma_start3A_260 = tpu.memref_slice %arg11[%dma_start3A_258, %dma_start3A_259] : memref<10240x128xf32, #tpu.memory_space<vmem_shared>> -> memref<10240x128xf32, #tpu.memory_space<vmem_shared>>
        tpu.enqueue_indirect_dma source(%arg9 : memref<128x128xf32, #tpu.memory_space<vmem>>) target(%dma_start3A_260 : memref<10240x128xf32, #tpu.memory_space<vmem_shared>>) offsets(%dma_start3A_257 : memref<128xi32, #tpu.memory_space<vmem>>) semaphore(%run_scoped3A_254 : memref<!tpu.dma_semaphore, #tpu.memory_space<semaphore_mem>>) {add = true}
        %dma_wait3A_261 = arith.constant 0 : i32
        %dma_wait3A_262 = tpu.memref_slice %arg8[%run_scoped3A_95, %dma_wait3A_261] : memref<16x128xi32, #tpu.memory_space<vmem>> -> memref<1x128xi32, #tpu.memory_space<vmem>>
        %dma_wait3A_263 = tpu.memref_squeeze %dma_wait3A_262 : memref<1x128xi32, #tpu.memory_space<vmem>> -> memref<128xi32, #tpu.memory_space<vmem>>
        %dma_wait3A_264 = arith.constant 0 : i32
        %dma_wait3A_265 = arith.constant 0 : i32
        %dma_wait3A_266 = tpu.memref_slice %arg11[%dma_wait3A_264, %dma_wait3A_265] : memref<10240x128xf32, #tpu.memory_space<vmem_shared>> -> memref<10240x128xf32, #tpu.memory_space<vmem_shared>>
        tpu.wait_indirect_dma semaphore(%run_scoped3A_254 : memref<!tpu.dma_semaphore, #tpu.memory_space<semaphore_mem>>) src(%arg9 : memref<128x128xf32, #tpu.memory_space<vmem>>) dst(%dma_wait3A_266 : memref<10240x128xf32, #tpu.memory_space<vmem_shared>>)
        tpu.yield
      }) : () -> ()
      %dma_wait3A_96 = arith.constant 5 : i32
      %dma_wait3A_97 = arith.constant 0 : i32
      %dma_wait3A_98 = tpu.memref_slice %arg7[%dma_wait3A_96, %dma_wait3A_97] : memref<16x128xi32, #tpu.memory_space<vmem>> -> memref<1x128xi32, #tpu.memory_space<vmem>>
      %dma_wait3A_99 = tpu.memref_squeeze %dma_wait3A_98 : memref<1x128xi32, #tpu.memory_space<vmem>> -> memref<128xi32, #tpu.memory_space<vmem>>
      %dma_wait3A_100 = arith.constant 0 : i32
      %dma_wait3A_101 = arith.constant 0 : i32
      %dma_wait3A_102 = tpu.memref_slice %arg2[%dma_wait3A_100, %dma_wait3A_101] : memref<10240x128xf32, #tpu.memory_space<hbm>> -> memref<10240x128xf32, #tpu.memory_space<hbm>>
      tpu.wait_indirect_dma semaphore(%arg13 : memref<!tpu.dma_semaphore, #tpu.memory_space<semaphore_mem>>) src(%dma_wait3A_102 : memref<10240x128xf32, #tpu.memory_space<hbm>>) dst(%arg10 : memref<128x128xf32, #tpu.memory_space<vmem>>)
      %dma_start3A_103 = arith.constant 6 : i32
      %dma_start3A_104 = arith.constant 0 : i32
      %dma_start3A_105 = tpu.memref_slice %arg7[%dma_start3A_103, %dma_start3A_104] : memref<16x128xi32, #tpu.memory_space<vmem>> -> memref<1x128xi32, #tpu.memory_space<vmem>>
      %dma_start3A_106 = tpu.memref_squeeze %dma_start3A_105 : memref<1x128xi32, #tpu.memory_space<vmem>> -> memref<128xi32, #tpu.memory_space<vmem>>
      %dma_start3A_107 = arith.constant 0 : i32
      %dma_start3A_108 = arith.constant 0 : i32
      %dma_start3A_109 = tpu.memref_slice %arg2[%dma_start3A_107, %dma_start3A_108] : memref<10240x128xf32, #tpu.memory_space<hbm>> -> memref<10240x128xf32, #tpu.memory_space<hbm>>
      tpu.enqueue_indirect_dma source(%dma_start3A_109 : memref<10240x128xf32, #tpu.memory_space<hbm>>) target(%arg9 : memref<128x128xf32, #tpu.memory_space<vmem>>) offsets(%dma_start3A_106 : memref<128xi32, #tpu.memory_space<vmem>>) semaphore(%arg12 : memref<!tpu.dma_semaphore, #tpu.memory_space<semaphore_mem>>)
      %run_scoped3A_110 = arith.constant 5 : i32
      "tpu.region"() ({
        %run_scoped3A_254 = tpu.sem_alloc : memref<!tpu.dma_semaphore, #tpu.memory_space<semaphore_mem>>
        %dma_start3A_255 = arith.constant 0 : i32
        %dma_start3A_256 = tpu.memref_slice %arg8[%run_scoped3A_110, %dma_start3A_255] : memref<16x128xi32, #tpu.memory_space<vmem>> -> memref<1x128xi32, #tpu.memory_space<vmem>>
        %dma_start3A_257 = tpu.memref_squeeze %dma_start3A_256 : memref<1x128xi32, #tpu.memory_space<vmem>> -> memref<128xi32, #tpu.memory_space<vmem>>
        %dma_start3A_258 = arith.constant 0 : i32
        %dma_start3A_259 = arith.constant 0 : i32
        %dma_start3A_260 = tpu.memref_slice %arg11[%dma_start3A_258, %dma_start3A_259] : memref<10240x128xf32, #tpu.memory_space<vmem_shared>> -> memref<10240x128xf32, #tpu.memory_space<vmem_shared>>
        tpu.enqueue_indirect_dma source(%arg10 : memref<128x128xf32, #tpu.memory_space<vmem>>) target(%dma_start3A_260 : memref<10240x128xf32, #tpu.memory_space<vmem_shared>>) offsets(%dma_start3A_257 : memref<128xi32, #tpu.memory_space<vmem>>) semaphore(%run_scoped3A_254 : memref<!tpu.dma_semaphore, #tpu.memory_space<semaphore_mem>>) {add = true}
        %dma_wait3A_261 = arith.constant 0 : i32
        %dma_wait3A_262 = tpu.memref_slice %arg8[%run_scoped3A_110, %dma_wait3A_261] : memref<16x128xi32, #tpu.memory_space<vmem>> -> memref<1x128xi32, #tpu.memory_space<vmem>>
        %dma_wait3A_263 = tpu.memref_squeeze %dma_wait3A_262 : memref<1x128xi32, #tpu.memory_space<vmem>> -> memref<128xi32, #tpu.memory_space<vmem>>
        %dma_wait3A_264 = arith.constant 0 : i32
        %dma_wait3A_265 = arith.constant 0 : i32
        %dma_wait3A_266 = tpu.memref_slice %arg11[%dma_wait3A_264, %dma_wait3A_265] : memref<10240x128xf32, #tpu.memory_space<vmem_shared>> -> memref<10240x128xf32, #tpu.memory_space<vmem_shared>>
        tpu.wait_indirect_dma semaphore(%run_scoped3A_254 : memref<!tpu.dma_semaphore, #tpu.memory_space<semaphore_mem>>) src(%arg10 : memref<128x128xf32, #tpu.memory_space<vmem>>) dst(%dma_wait3A_266 : memref<10240x128xf32, #tpu.memory_space<vmem_shared>>)
        tpu.yield
      }) : () -> ()
      %dma_wait3A_111 = arith.constant 6 : i32
      %dma_wait3A_112 = arith.constant 0 : i32
      %dma_wait3A_113 = tpu.memref_slice %arg7[%dma_wait3A_111, %dma_wait3A_112] : memref<16x128xi32, #tpu.memory_space<vmem>> -> memref<1x128xi32, #tpu.memory_space<vmem>>
      %dma_wait3A_114 = tpu.memref_squeeze %dma_wait3A_113 : memref<1x128xi32, #tpu.memory_space<vmem>> -> memref<128xi32, #tpu.memory_space<vmem>>
      %dma_wait3A_115 = arith.constant 0 : i32
      %dma_wait3A_116 = arith.constant 0 : i32
      %dma_wait3A_117 = tpu.memref_slice %arg2[%dma_wait3A_115, %dma_wait3A_116] : memref<10240x128xf32, #tpu.memory_space<hbm>> -> memref<10240x128xf32, #tpu.memory_space<hbm>>
      tpu.wait_indirect_dma semaphore(%arg12 : memref<!tpu.dma_semaphore, #tpu.memory_space<semaphore_mem>>) src(%dma_wait3A_117 : memref<10240x128xf32, #tpu.memory_space<hbm>>) dst(%arg9 : memref<128x128xf32, #tpu.memory_space<vmem>>)
      %dma_start3A_118 = arith.constant 7 : i32
      %dma_start3A_119 = arith.constant 0 : i32
      %dma_start3A_120 = tpu.memref_slice %arg7[%dma_start3A_118, %dma_start3A_119] : memref<16x128xi32, #tpu.memory_space<vmem>> -> memref<1x128xi32, #tpu.memory_space<vmem>>
      %dma_start3A_121 = tpu.memref_squeeze %dma_start3A_120 : memref<1x128xi32, #tpu.memory_space<vmem>> -> memref<128xi32, #tpu.memory_space<vmem>>
      %dma_start3A_122 = arith.constant 0 : i32
      %dma_start3A_123 = arith.constant 0 : i32
      %dma_start3A_124 = tpu.memref_slice %arg2[%dma_start3A_122, %dma_start3A_123] : memref<10240x128xf32, #tpu.memory_space<hbm>> -> memref<10240x128xf32, #tpu.memory_space<hbm>>
      tpu.enqueue_indirect_dma source(%dma_start3A_124 : memref<10240x128xf32, #tpu.memory_space<hbm>>) target(%arg10 : memref<128x128xf32, #tpu.memory_space<vmem>>) offsets(%dma_start3A_121 : memref<128xi32, #tpu.memory_space<vmem>>) semaphore(%arg13 : memref<!tpu.dma_semaphore, #tpu.memory_space<semaphore_mem>>)
      %run_scoped3A_125 = arith.constant 6 : i32
      "tpu.region"() ({
        %run_scoped3A_254 = tpu.sem_alloc : memref<!tpu.dma_semaphore, #tpu.memory_space<semaphore_mem>>
        %dma_start3A_255 = arith.constant 0 : i32
        %dma_start3A_256 = tpu.memref_slice %arg8[%run_scoped3A_125, %dma_start3A_255] : memref<16x128xi32, #tpu.memory_space<vmem>> -> memref<1x128xi32, #tpu.memory_space<vmem>>
        %dma_start3A_257 = tpu.memref_squeeze %dma_start3A_256 : memref<1x128xi32, #tpu.memory_space<vmem>> -> memref<128xi32, #tpu.memory_space<vmem>>
        %dma_start3A_258 = arith.constant 0 : i32
        %dma_start3A_259 = arith.constant 0 : i32
        %dma_start3A_260 = tpu.memref_slice %arg11[%dma_start3A_258, %dma_start3A_259] : memref<10240x128xf32, #tpu.memory_space<vmem_shared>> -> memref<10240x128xf32, #tpu.memory_space<vmem_shared>>
        tpu.enqueue_indirect_dma source(%arg9 : memref<128x128xf32, #tpu.memory_space<vmem>>) target(%dma_start3A_260 : memref<10240x128xf32, #tpu.memory_space<vmem_shared>>) offsets(%dma_start3A_257 : memref<128xi32, #tpu.memory_space<vmem>>) semaphore(%run_scoped3A_254 : memref<!tpu.dma_semaphore, #tpu.memory_space<semaphore_mem>>) {add = true}
        %dma_wait3A_261 = arith.constant 0 : i32
        %dma_wait3A_262 = tpu.memref_slice %arg8[%run_scoped3A_125, %dma_wait3A_261] : memref<16x128xi32, #tpu.memory_space<vmem>> -> memref<1x128xi32, #tpu.memory_space<vmem>>
        %dma_wait3A_263 = tpu.memref_squeeze %dma_wait3A_262 : memref<1x128xi32, #tpu.memory_space<vmem>> -> memref<128xi32, #tpu.memory_space<vmem>>
        %dma_wait3A_264 = arith.constant 0 : i32
        %dma_wait3A_265 = arith.constant 0 : i32
        %dma_wait3A_266 = tpu.memref_slice %arg11[%dma_wait3A_264, %dma_wait3A_265] : memref<10240x128xf32, #tpu.memory_space<vmem_shared>> -> memref<10240x128xf32, #tpu.memory_space<vmem_shared>>
        tpu.wait_indirect_dma semaphore(%run_scoped3A_254 : memref<!tpu.dma_semaphore, #tpu.memory_space<semaphore_mem>>) src(%arg9 : memref<128x128xf32, #tpu.memory_space<vmem>>) dst(%dma_wait3A_266 : memref<10240x128xf32, #tpu.memory_space<vmem_shared>>)
        tpu.yield
      }) : () -> ()
      %dma_wait3A_126 = arith.constant 7 : i32
      %dma_wait3A_127 = arith.constant 0 : i32
      %dma_wait3A_128 = tpu.memref_slice %arg7[%dma_wait3A_126, %dma_wait3A_127] : memref<16x128xi32, #tpu.memory_space<vmem>> -> memref<1x128xi32, #tpu.memory_space<vmem>>
      %dma_wait3A_129 = tpu.memref_squeeze %dma_wait3A_128 : memref<1x128xi32, #tpu.memory_space<vmem>> -> memref<128xi32, #tpu.memory_space<vmem>>
      %dma_wait3A_130 = arith.constant 0 : i32
      %dma_wait3A_131 = arith.constant 0 : i32
      %dma_wait3A_132 = tpu.memref_slice %arg2[%dma_wait3A_130, %dma_wait3A_131] : memref<10240x128xf32, #tpu.memory_space<hbm>> -> memref<10240x128xf32, #tpu.memory_space<hbm>>
      tpu.wait_indirect_dma semaphore(%arg13 : memref<!tpu.dma_semaphore, #tpu.memory_space<semaphore_mem>>) src(%dma_wait3A_132 : memref<10240x128xf32, #tpu.memory_space<hbm>>) dst(%arg10 : memref<128x128xf32, #tpu.memory_space<vmem>>)
      %dma_start3A_133 = arith.constant 8 : i32
      %dma_start3A_134 = arith.constant 0 : i32
      %dma_start3A_135 = tpu.memref_slice %arg7[%dma_start3A_133, %dma_start3A_134] : memref<16x128xi32, #tpu.memory_space<vmem>> -> memref<1x128xi32, #tpu.memory_space<vmem>>
      %dma_start3A_136 = tpu.memref_squeeze %dma_start3A_135 : memref<1x128xi32, #tpu.memory_space<vmem>> -> memref<128xi32, #tpu.memory_space<vmem>>
      %dma_start3A_137 = arith.constant 0 : i32
      %dma_start3A_138 = arith.constant 0 : i32
      %dma_start3A_139 = tpu.memref_slice %arg2[%dma_start3A_137, %dma_start3A_138] : memref<10240x128xf32, #tpu.memory_space<hbm>> -> memref<10240x128xf32, #tpu.memory_space<hbm>>
      tpu.enqueue_indirect_dma source(%dma_start3A_139 : memref<10240x128xf32, #tpu.memory_space<hbm>>) target(%arg9 : memref<128x128xf32, #tpu.memory_space<vmem>>) offsets(%dma_start3A_136 : memref<128xi32, #tpu.memory_space<vmem>>) semaphore(%arg12 : memref<!tpu.dma_semaphore, #tpu.memory_space<semaphore_mem>>)
      %run_scoped3A_140 = arith.constant 7 : i32
      "tpu.region"() ({
        %run_scoped3A_254 = tpu.sem_alloc : memref<!tpu.dma_semaphore, #tpu.memory_space<semaphore_mem>>
        %dma_start3A_255 = arith.constant 0 : i32
        %dma_start3A_256 = tpu.memref_slice %arg8[%run_scoped3A_140, %dma_start3A_255] : memref<16x128xi32, #tpu.memory_space<vmem>> -> memref<1x128xi32, #tpu.memory_space<vmem>>
        %dma_start3A_257 = tpu.memref_squeeze %dma_start3A_256 : memref<1x128xi32, #tpu.memory_space<vmem>> -> memref<128xi32, #tpu.memory_space<vmem>>
        %dma_start3A_258 = arith.constant 0 : i32
        %dma_start3A_259 = arith.constant 0 : i32
        %dma_start3A_260 = tpu.memref_slice %arg11[%dma_start3A_258, %dma_start3A_259] : memref<10240x128xf32, #tpu.memory_space<vmem_shared>> -> memref<10240x128xf32, #tpu.memory_space<vmem_shared>>
        tpu.enqueue_indirect_dma source(%arg10 : memref<128x128xf32, #tpu.memory_space<vmem>>) target(%dma_start3A_260 : memref<10240x128xf32, #tpu.memory_space<vmem_shared>>) offsets(%dma_start3A_257 : memref<128xi32, #tpu.memory_space<vmem>>) semaphore(%run_scoped3A_254 : memref<!tpu.dma_semaphore, #tpu.memory_space<semaphore_mem>>) {add = true}
        %dma_wait3A_261 = arith.constant 0 : i32
        %dma_wait3A_262 = tpu.memref_slice %arg8[%run_scoped3A_140, %dma_wait3A_261] : memref<16x128xi32, #tpu.memory_space<vmem>> -> memref<1x128xi32, #tpu.memory_space<vmem>>
        %dma_wait3A_263 = tpu.memref_squeeze %dma_wait3A_262 : memref<1x128xi32, #tpu.memory_space<vmem>> -> memref<128xi32, #tpu.memory_space<vmem>>
        %dma_wait3A_264 = arith.constant 0 : i32
        %dma_wait3A_265 = arith.constant 0 : i32
        %dma_wait3A_266 = tpu.memref_slice %arg11[%dma_wait3A_264, %dma_wait3A_265] : memref<10240x128xf32, #tpu.memory_space<vmem_shared>> -> memref<10240x128xf32, #tpu.memory_space<vmem_shared>>
        tpu.wait_indirect_dma semaphore(%run_scoped3A_254 : memref<!tpu.dma_semaphore, #tpu.memory_space<semaphore_mem>>) src(%arg10 : memref<128x128xf32, #tpu.memory_space<vmem>>) dst(%dma_wait3A_266 : memref<10240x128xf32, #tpu.memory_space<vmem_shared>>)
        tpu.yield
      }) : () -> ()
      %dma_wait3A_141 = arith.constant 8 : i32
      %dma_wait3A_142 = arith.constant 0 : i32
      %dma_wait3A_143 = tpu.memref_slice %arg7[%dma_wait3A_141, %dma_wait3A_142] : memref<16x128xi32, #tpu.memory_space<vmem>> -> memref<1x128xi32, #tpu.memory_space<vmem>>
      %dma_wait3A_144 = tpu.memref_squeeze %dma_wait3A_143 : memref<1x128xi32, #tpu.memory_space<vmem>> -> memref<128xi32, #tpu.memory_space<vmem>>
      %dma_wait3A_145 = arith.constant 0 : i32
      %dma_wait3A_146 = arith.constant 0 : i32
      %dma_wait3A_147 = tpu.memref_slice %arg2[%dma_wait3A_145, %dma_wait3A_146] : memref<10240x128xf32, #tpu.memory_space<hbm>> -> memref<10240x128xf32, #tpu.memory_space<hbm>>
      tpu.wait_indirect_dma semaphore(%arg12 : memref<!tpu.dma_semaphore, #tpu.memory_space<semaphore_mem>>) src(%dma_wait3A_147 : memref<10240x128xf32, #tpu.memory_space<hbm>>) dst(%arg9 : memref<128x128xf32, #tpu.memory_space<vmem>>)
      %dma_start3A_148 = arith.constant 9 : i32
      %dma_start3A_149 = arith.constant 0 : i32
      %dma_start3A_150 = tpu.memref_slice %arg7[%dma_start3A_148, %dma_start3A_149] : memref<16x128xi32, #tpu.memory_space<vmem>> -> memref<1x128xi32, #tpu.memory_space<vmem>>
      %dma_start3A_151 = tpu.memref_squeeze %dma_start3A_150 : memref<1x128xi32, #tpu.memory_space<vmem>> -> memref<128xi32, #tpu.memory_space<vmem>>
      %dma_start3A_152 = arith.constant 0 : i32
      %dma_start3A_153 = arith.constant 0 : i32
      %dma_start3A_154 = tpu.memref_slice %arg2[%dma_start3A_152, %dma_start3A_153] : memref<10240x128xf32, #tpu.memory_space<hbm>> -> memref<10240x128xf32, #tpu.memory_space<hbm>>
      tpu.enqueue_indirect_dma source(%dma_start3A_154 : memref<10240x128xf32, #tpu.memory_space<hbm>>) target(%arg10 : memref<128x128xf32, #tpu.memory_space<vmem>>) offsets(%dma_start3A_151 : memref<128xi32, #tpu.memory_space<vmem>>) semaphore(%arg13 : memref<!tpu.dma_semaphore, #tpu.memory_space<semaphore_mem>>)
      %run_scoped3A_155 = arith.constant 8 : i32
      "tpu.region"() ({
        %run_scoped3A_254 = tpu.sem_alloc : memref<!tpu.dma_semaphore, #tpu.memory_space<semaphore_mem>>
        %dma_start3A_255 = arith.constant 0 : i32
        %dma_start3A_256 = tpu.memref_slice %arg8[%run_scoped3A_155, %dma_start3A_255] : memref<16x128xi32, #tpu.memory_space<vmem>> -> memref<1x128xi32, #tpu.memory_space<vmem>>
        %dma_start3A_257 = tpu.memref_squeeze %dma_start3A_256 : memref<1x128xi32, #tpu.memory_space<vmem>> -> memref<128xi32, #tpu.memory_space<vmem>>
        %dma_start3A_258 = arith.constant 0 : i32
        %dma_start3A_259 = arith.constant 0 : i32
        %dma_start3A_260 = tpu.memref_slice %arg11[%dma_start3A_258, %dma_start3A_259] : memref<10240x128xf32, #tpu.memory_space<vmem_shared>> -> memref<10240x128xf32, #tpu.memory_space<vmem_shared>>
        tpu.enqueue_indirect_dma source(%arg9 : memref<128x128xf32, #tpu.memory_space<vmem>>) target(%dma_start3A_260 : memref<10240x128xf32, #tpu.memory_space<vmem_shared>>) offsets(%dma_start3A_257 : memref<128xi32, #tpu.memory_space<vmem>>) semaphore(%run_scoped3A_254 : memref<!tpu.dma_semaphore, #tpu.memory_space<semaphore_mem>>) {add = true}
        %dma_wait3A_261 = arith.constant 0 : i32
        %dma_wait3A_262 = tpu.memref_slice %arg8[%run_scoped3A_155, %dma_wait3A_261] : memref<16x128xi32, #tpu.memory_space<vmem>> -> memref<1x128xi32, #tpu.memory_space<vmem>>
        %dma_wait3A_263 = tpu.memref_squeeze %dma_wait3A_262 : memref<1x128xi32, #tpu.memory_space<vmem>> -> memref<128xi32, #tpu.memory_space<vmem>>
        %dma_wait3A_264 = arith.constant 0 : i32
        %dma_wait3A_265 = arith.constant 0 : i32
        %dma_wait3A_266 = tpu.memref_slice %arg11[%dma_wait3A_264, %dma_wait3A_265] : memref<10240x128xf32, #tpu.memory_space<vmem_shared>> -> memref<10240x128xf32, #tpu.memory_space<vmem_shared>>
        tpu.wait_indirect_dma semaphore(%run_scoped3A_254 : memref<!tpu.dma_semaphore, #tpu.memory_space<semaphore_mem>>) src(%arg9 : memref<128x128xf32, #tpu.memory_space<vmem>>) dst(%dma_wait3A_266 : memref<10240x128xf32, #tpu.memory_space<vmem_shared>>)
        tpu.yield
      }) : () -> ()
      %dma_wait3A_156 = arith.constant 9 : i32
      %dma_wait3A_157 = arith.constant 0 : i32
      %dma_wait3A_158 = tpu.memref_slice %arg7[%dma_wait3A_156, %dma_wait3A_157] : memref<16x128xi32, #tpu.memory_space<vmem>> -> memref<1x128xi32, #tpu.memory_space<vmem>>
      %dma_wait3A_159 = tpu.memref_squeeze %dma_wait3A_158 : memref<1x128xi32, #tpu.memory_space<vmem>> -> memref<128xi32, #tpu.memory_space<vmem>>
      %dma_wait3A_160 = arith.constant 0 : i32
      %dma_wait3A_161 = arith.constant 0 : i32
      %dma_wait3A_162 = tpu.memref_slice %arg2[%dma_wait3A_160, %dma_wait3A_161] : memref<10240x128xf32, #tpu.memory_space<hbm>> -> memref<10240x128xf32, #tpu.memory_space<hbm>>
      tpu.wait_indirect_dma semaphore(%arg13 : memref<!tpu.dma_semaphore, #tpu.memory_space<semaphore_mem>>) src(%dma_wait3A_162 : memref<10240x128xf32, #tpu.memory_space<hbm>>) dst(%arg10 : memref<128x128xf32, #tpu.memory_space<vmem>>)
      %dma_start3A_163 = arith.constant 10 : i32
      %dma_start3A_164 = arith.constant 0 : i32
      %dma_start3A_165 = tpu.memref_slice %arg7[%dma_start3A_163, %dma_start3A_164] : memref<16x128xi32, #tpu.memory_space<vmem>> -> memref<1x128xi32, #tpu.memory_space<vmem>>
      %dma_start3A_166 = tpu.memref_squeeze %dma_start3A_165 : memref<1x128xi32, #tpu.memory_space<vmem>> -> memref<128xi32, #tpu.memory_space<vmem>>
      %dma_start3A_167 = arith.constant 0 : i32
      %dma_start3A_168 = arith.constant 0 : i32
      %dma_start3A_169 = tpu.memref_slice %arg2[%dma_start3A_167, %dma_start3A_168] : memref<10240x128xf32, #tpu.memory_space<hbm>> -> memref<10240x128xf32, #tpu.memory_space<hbm>>
      tpu.enqueue_indirect_dma source(%dma_start3A_169 : memref<10240x128xf32, #tpu.memory_space<hbm>>) target(%arg9 : memref<128x128xf32, #tpu.memory_space<vmem>>) offsets(%dma_start3A_166 : memref<128xi32, #tpu.memory_space<vmem>>) semaphore(%arg12 : memref<!tpu.dma_semaphore, #tpu.memory_space<semaphore_mem>>)
      %run_scoped3A_170 = arith.constant 9 : i32
      "tpu.region"() ({
        %run_scoped3A_254 = tpu.sem_alloc : memref<!tpu.dma_semaphore, #tpu.memory_space<semaphore_mem>>
        %dma_start3A_255 = arith.constant 0 : i32
        %dma_start3A_256 = tpu.memref_slice %arg8[%run_scoped3A_170, %dma_start3A_255] : memref<16x128xi32, #tpu.memory_space<vmem>> -> memref<1x128xi32, #tpu.memory_space<vmem>>
        %dma_start3A_257 = tpu.memref_squeeze %dma_start3A_256 : memref<1x128xi32, #tpu.memory_space<vmem>> -> memref<128xi32, #tpu.memory_space<vmem>>
        %dma_start3A_258 = arith.constant 0 : i32
        %dma_start3A_259 = arith.constant 0 : i32
        %dma_start3A_260 = tpu.memref_slice %arg11[%dma_start3A_258, %dma_start3A_259] : memref<10240x128xf32, #tpu.memory_space<vmem_shared>> -> memref<10240x128xf32, #tpu.memory_space<vmem_shared>>
        tpu.enqueue_indirect_dma source(%arg10 : memref<128x128xf32, #tpu.memory_space<vmem>>) target(%dma_start3A_260 : memref<10240x128xf32, #tpu.memory_space<vmem_shared>>) offsets(%dma_start3A_257 : memref<128xi32, #tpu.memory_space<vmem>>) semaphore(%run_scoped3A_254 : memref<!tpu.dma_semaphore, #tpu.memory_space<semaphore_mem>>) {add = true}
        %dma_wait3A_261 = arith.constant 0 : i32
        %dma_wait3A_262 = tpu.memref_slice %arg8[%run_scoped3A_170, %dma_wait3A_261] : memref<16x128xi32, #tpu.memory_space<vmem>> -> memref<1x128xi32, #tpu.memory_space<vmem>>
        %dma_wait3A_263 = tpu.memref_squeeze %dma_wait3A_262 : memref<1x128xi32, #tpu.memory_space<vmem>> -> memref<128xi32, #tpu.memory_space<vmem>>
        %dma_wait3A_264 = arith.constant 0 : i32
        %dma_wait3A_265 = arith.constant 0 : i32
        %dma_wait3A_266 = tpu.memref_slice %arg11[%dma_wait3A_264, %dma_wait3A_265] : memref<10240x128xf32, #tpu.memory_space<vmem_shared>> -> memref<10240x128xf32, #tpu.memory_space<vmem_shared>>
        tpu.wait_indirect_dma semaphore(%run_scoped3A_254 : memref<!tpu.dma_semaphore, #tpu.memory_space<semaphore_mem>>) src(%arg10 : memref<128x128xf32, #tpu.memory_space<vmem>>) dst(%dma_wait3A_266 : memref<10240x128xf32, #tpu.memory_space<vmem_shared>>)
        tpu.yield
      }) : () -> ()
      %dma_wait3A_171 = arith.constant 10 : i32
      %dma_wait3A_172 = arith.constant 0 : i32
      %dma_wait3A_173 = tpu.memref_slice %arg7[%dma_wait3A_171, %dma_wait3A_172] : memref<16x128xi32, #tpu.memory_space<vmem>> -> memref<1x128xi32, #tpu.memory_space<vmem>>
      %dma_wait3A_174 = tpu.memref_squeeze %dma_wait3A_173 : memref<1x128xi32, #tpu.memory_space<vmem>> -> memref<128xi32, #tpu.memory_space<vmem>>
      %dma_wait3A_175 = arith.constant 0 : i32
      %dma_wait3A_176 = arith.constant 0 : i32
      %dma_wait3A_177 = tpu.memref_slice %arg2[%dma_wait3A_175, %dma_wait3A_176] : memref<10240x128xf32, #tpu.memory_space<hbm>> -> memref<10240x128xf32, #tpu.memory_space<hbm>>
      tpu.wait_indirect_dma semaphore(%arg12 : memref<!tpu.dma_semaphore, #tpu.memory_space<semaphore_mem>>) src(%dma_wait3A_177 : memref<10240x128xf32, #tpu.memory_space<hbm>>) dst(%arg9 : memref<128x128xf32, #tpu.memory_space<vmem>>)
      %dma_start3A_178 = arith.constant 11 : i32
      %dma_start3A_179 = arith.constant 0 : i32
      %dma_start3A_180 = tpu.memref_slice %arg7[%dma_start3A_178, %dma_start3A_179] : memref<16x128xi32, #tpu.memory_space<vmem>> -> memref<1x128xi32, #tpu.memory_space<vmem>>
      %dma_start3A_181 = tpu.memref_squeeze %dma_start3A_180 : memref<1x128xi32, #tpu.memory_space<vmem>> -> memref<128xi32, #tpu.memory_space<vmem>>
      %dma_start3A_182 = arith.constant 0 : i32
      %dma_start3A_183 = arith.constant 0 : i32
      %dma_start3A_184 = tpu.memref_slice %arg2[%dma_start3A_182, %dma_start3A_183] : memref<10240x128xf32, #tpu.memory_space<hbm>> -> memref<10240x128xf32, #tpu.memory_space<hbm>>
      tpu.enqueue_indirect_dma source(%dma_start3A_184 : memref<10240x128xf32, #tpu.memory_space<hbm>>) target(%arg10 : memref<128x128xf32, #tpu.memory_space<vmem>>) offsets(%dma_start3A_181 : memref<128xi32, #tpu.memory_space<vmem>>) semaphore(%arg13 : memref<!tpu.dma_semaphore, #tpu.memory_space<semaphore_mem>>)
      %run_scoped3A_185 = arith.constant 10 : i32
      "tpu.region"() ({
        %run_scoped3A_254 = tpu.sem_alloc : memref<!tpu.dma_semaphore, #tpu.memory_space<semaphore_mem>>
        %dma_start3A_255 = arith.constant 0 : i32
        %dma_start3A_256 = tpu.memref_slice %arg8[%run_scoped3A_185, %dma_start3A_255] : memref<16x128xi32, #tpu.memory_space<vmem>> -> memref<1x128xi32, #tpu.memory_space<vmem>>
        %dma_start3A_257 = tpu.memref_squeeze %dma_start3A_256 : memref<1x128xi32, #tpu.memory_space<vmem>> -> memref<128xi32, #tpu.memory_space<vmem>>
        %dma_start3A_258 = arith.constant 0 : i32
        %dma_start3A_259 = arith.constant 0 : i32
        %dma_start3A_260 = tpu.memref_slice %arg11[%dma_start3A_258, %dma_start3A_259] : memref<10240x128xf32, #tpu.memory_space<vmem_shared>> -> memref<10240x128xf32, #tpu.memory_space<vmem_shared>>
        tpu.enqueue_indirect_dma source(%arg9 : memref<128x128xf32, #tpu.memory_space<vmem>>) target(%dma_start3A_260 : memref<10240x128xf32, #tpu.memory_space<vmem_shared>>) offsets(%dma_start3A_257 : memref<128xi32, #tpu.memory_space<vmem>>) semaphore(%run_scoped3A_254 : memref<!tpu.dma_semaphore, #tpu.memory_space<semaphore_mem>>) {add = true}
        %dma_wait3A_261 = arith.constant 0 : i32
        %dma_wait3A_262 = tpu.memref_slice %arg8[%run_scoped3A_185, %dma_wait3A_261] : memref<16x128xi32, #tpu.memory_space<vmem>> -> memref<1x128xi32, #tpu.memory_space<vmem>>
        %dma_wait3A_263 = tpu.memref_squeeze %dma_wait3A_262 : memref<1x128xi32, #tpu.memory_space<vmem>> -> memref<128xi32, #tpu.memory_space<vmem>>
        %dma_wait3A_264 = arith.constant 0 : i32
        %dma_wait3A_265 = arith.constant 0 : i32
        %dma_wait3A_266 = tpu.memref_slice %arg11[%dma_wait3A_264, %dma_wait3A_265] : memref<10240x128xf32, #tpu.memory_space<vmem_shared>> -> memref<10240x128xf32, #tpu.memory_space<vmem_shared>>
        tpu.wait_indirect_dma semaphore(%run_scoped3A_254 : memref<!tpu.dma_semaphore, #tpu.memory_space<semaphore_mem>>) src(%arg9 : memref<128x128xf32, #tpu.memory_space<vmem>>) dst(%dma_wait3A_266 : memref<10240x128xf32, #tpu.memory_space<vmem_shared>>)
        tpu.yield
      }) : () -> ()
      %dma_wait3A_186 = arith.constant 11 : i32
      %dma_wait3A_187 = arith.constant 0 : i32
      %dma_wait3A_188 = tpu.memref_slice %arg7[%dma_wait3A_186, %dma_wait3A_187] : memref<16x128xi32, #tpu.memory_space<vmem>> -> memref<1x128xi32, #tpu.memory_space<vmem>>
      %dma_wait3A_189 = tpu.memref_squeeze %dma_wait3A_188 : memref<1x128xi32, #tpu.memory_space<vmem>> -> memref<128xi32, #tpu.memory_space<vmem>>
      %dma_wait3A_190 = arith.constant 0 : i32
      %dma_wait3A_191 = arith.constant 0 : i32
      %dma_wait3A_192 = tpu.memref_slice %arg2[%dma_wait3A_190, %dma_wait3A_191] : memref<10240x128xf32, #tpu.memory_space<hbm>> -> memref<10240x128xf32, #tpu.memory_space<hbm>>
      tpu.wait_indirect_dma semaphore(%arg13 : memref<!tpu.dma_semaphore, #tpu.memory_space<semaphore_mem>>) src(%dma_wait3A_192 : memref<10240x128xf32, #tpu.memory_space<hbm>>) dst(%arg10 : memref<128x128xf32, #tpu.memory_space<vmem>>)
      %dma_start3A_193 = arith.constant 12 : i32
      %dma_start3A_194 = arith.constant 0 : i32
      %dma_start3A_195 = tpu.memref_slice %arg7[%dma_start3A_193, %dma_start3A_194] : memref<16x128xi32, #tpu.memory_space<vmem>> -> memref<1x128xi32, #tpu.memory_space<vmem>>
      %dma_start3A_196 = tpu.memref_squeeze %dma_start3A_195 : memref<1x128xi32, #tpu.memory_space<vmem>> -> memref<128xi32, #tpu.memory_space<vmem>>
      %dma_start3A_197 = arith.constant 0 : i32
      %dma_start3A_198 = arith.constant 0 : i32
      %dma_start3A_199 = tpu.memref_slice %arg2[%dma_start3A_197, %dma_start3A_198] : memref<10240x128xf32, #tpu.memory_space<hbm>> -> memref<10240x128xf32, #tpu.memory_space<hbm>>
      tpu.enqueue_indirect_dma source(%dma_start3A_199 : memref<10240x128xf32, #tpu.memory_space<hbm>>) target(%arg9 : memref<128x128xf32, #tpu.memory_space<vmem>>) offsets(%dma_start3A_196 : memref<128xi32, #tpu.memory_space<vmem>>) semaphore(%arg12 : memref<!tpu.dma_semaphore, #tpu.memory_space<semaphore_mem>>)
      %run_scoped3A_200 = arith.constant 11 : i32
      "tpu.region"() ({
        %run_scoped3A_254 = tpu.sem_alloc : memref<!tpu.dma_semaphore, #tpu.memory_space<semaphore_mem>>
        %dma_start3A_255 = arith.constant 0 : i32
        %dma_start3A_256 = tpu.memref_slice %arg8[%run_scoped3A_200, %dma_start3A_255] : memref<16x128xi32, #tpu.memory_space<vmem>> -> memref<1x128xi32, #tpu.memory_space<vmem>>
        %dma_start3A_257 = tpu.memref_squeeze %dma_start3A_256 : memref<1x128xi32, #tpu.memory_space<vmem>> -> memref<128xi32, #tpu.memory_space<vmem>>
        %dma_start3A_258 = arith.constant 0 : i32
        %dma_start3A_259 = arith.constant 0 : i32
        %dma_start3A_260 = tpu.memref_slice %arg11[%dma_start3A_258, %dma_start3A_259] : memref<10240x128xf32, #tpu.memory_space<vmem_shared>> -> memref<10240x128xf32, #tpu.memory_space<vmem_shared>>
        tpu.enqueue_indirect_dma source(%arg10 : memref<128x128xf32, #tpu.memory_space<vmem>>) target(%dma_start3A_260 : memref<10240x128xf32, #tpu.memory_space<vmem_shared>>) offsets(%dma_start3A_257 : memref<128xi32, #tpu.memory_space<vmem>>) semaphore(%run_scoped3A_254 : memref<!tpu.dma_semaphore, #tpu.memory_space<semaphore_mem>>) {add = true}
        %dma_wait3A_261 = arith.constant 0 : i32
        %dma_wait3A_262 = tpu.memref_slice %arg8[%run_scoped3A_200, %dma_wait3A_261] : memref<16x128xi32, #tpu.memory_space<vmem>> -> memref<1x128xi32, #tpu.memory_space<vmem>>
        %dma_wait3A_263 = tpu.memref_squeeze %dma_wait3A_262 : memref<1x128xi32, #tpu.memory_space<vmem>> -> memref<128xi32, #tpu.memory_space<vmem>>
        %dma_wait3A_264 = arith.constant 0 : i32
        %dma_wait3A_265 = arith.constant 0 : i32
        %dma_wait3A_266 = tpu.memref_slice %arg11[%dma_wait3A_264, %dma_wait3A_265] : memref<10240x128xf32, #tpu.memory_space<vmem_shared>> -> memref<10240x128xf32, #tpu.memory_space<vmem_shared>>
        tpu.wait_indirect_dma semaphore(%run_scoped3A_254 : memref<!tpu.dma_semaphore, #tpu.memory_space<semaphore_mem>>) src(%arg10 : memref<128x128xf32, #tpu.memory_space<vmem>>) dst(%dma_wait3A_266 : memref<10240x128xf32, #tpu.memory_space<vmem_shared>>)
        tpu.yield
      }) : () -> ()
      %dma_wait3A_201 = arith.constant 12 : i32
      %dma_wait3A_202 = arith.constant 0 : i32
      %dma_wait3A_203 = tpu.memref_slice %arg7[%dma_wait3A_201, %dma_wait3A_202] : memref<16x128xi32, #tpu.memory_space<vmem>> -> memref<1x128xi32, #tpu.memory_space<vmem>>
      %dma_wait3A_204 = tpu.memref_squeeze %dma_wait3A_203 : memref<1x128xi32, #tpu.memory_space<vmem>> -> memref<128xi32, #tpu.memory_space<vmem>>
      %dma_wait3A_205 = arith.constant 0 : i32
      %dma_wait3A_206 = arith.constant 0 : i32
      %dma_wait3A_207 = tpu.memref_slice %arg2[%dma_wait3A_205, %dma_wait3A_206] : memref<10240x128xf32, #tpu.memory_space<hbm>> -> memref<10240x128xf32, #tpu.memory_space<hbm>>
      tpu.wait_indirect_dma semaphore(%arg12 : memref<!tpu.dma_semaphore, #tpu.memory_space<semaphore_mem>>) src(%dma_wait3A_207 : memref<10240x128xf32, #tpu.memory_space<hbm>>) dst(%arg9 : memref<128x128xf32, #tpu.memory_space<vmem>>)
      %dma_start3A_208 = arith.constant 13 : i32
      %dma_start3A_209 = arith.constant 0 : i32
      %dma_start3A_210 = tpu.memref_slice %arg7[%dma_start3A_208, %dma_start3A_209] : memref<16x128xi32, #tpu.memory_space<vmem>> -> memref<1x128xi32, #tpu.memory_space<vmem>>
      %dma_start3A_211 = tpu.memref_squeeze %dma_start3A_210 : memref<1x128xi32, #tpu.memory_space<vmem>> -> memref<128xi32, #tpu.memory_space<vmem>>
      %dma_start3A_212 = arith.constant 0 : i32
      %dma_start3A_213 = arith.constant 0 : i32
      %dma_start3A_214 = tpu.memref_slice %arg2[%dma_start3A_212, %dma_start3A_213] : memref<10240x128xf32, #tpu.memory_space<hbm>> -> memref<10240x128xf32, #tpu.memory_space<hbm>>
      tpu.enqueue_indirect_dma source(%dma_start3A_214 : memref<10240x128xf32, #tpu.memory_space<hbm>>) target(%arg10 : memref<128x128xf32, #tpu.memory_space<vmem>>) offsets(%dma_start3A_211 : memref<128xi32, #tpu.memory_space<vmem>>) semaphore(%arg13 : memref<!tpu.dma_semaphore, #tpu.memory_space<semaphore_mem>>)
      %run_scoped3A_215 = arith.constant 12 : i32
      "tpu.region"() ({
        %run_scoped3A_254 = tpu.sem_alloc : memref<!tpu.dma_semaphore, #tpu.memory_space<semaphore_mem>>
        %dma_start3A_255 = arith.constant 0 : i32
        %dma_start3A_256 = tpu.memref_slice %arg8[%run_scoped3A_215, %dma_start3A_255] : memref<16x128xi32, #tpu.memory_space<vmem>> -> memref<1x128xi32, #tpu.memory_space<vmem>>
        %dma_start3A_257 = tpu.memref_squeeze %dma_start3A_256 : memref<1x128xi32, #tpu.memory_space<vmem>> -> memref<128xi32, #tpu.memory_space<vmem>>
        %dma_start3A_258 = arith.constant 0 : i32
        %dma_start3A_259 = arith.constant 0 : i32
        %dma_start3A_260 = tpu.memref_slice %arg11[%dma_start3A_258, %dma_start3A_259] : memref<10240x128xf32, #tpu.memory_space<vmem_shared>> -> memref<10240x128xf32, #tpu.memory_space<vmem_shared>>
        tpu.enqueue_indirect_dma source(%arg9 : memref<128x128xf32, #tpu.memory_space<vmem>>) target(%dma_start3A_260 : memref<10240x128xf32, #tpu.memory_space<vmem_shared>>) offsets(%dma_start3A_257 : memref<128xi32, #tpu.memory_space<vmem>>) semaphore(%run_scoped3A_254 : memref<!tpu.dma_semaphore, #tpu.memory_space<semaphore_mem>>) {add = true}
        %dma_wait3A_261 = arith.constant 0 : i32
        %dma_wait3A_262 = tpu.memref_slice %arg8[%run_scoped3A_215, %dma_wait3A_261] : memref<16x128xi32, #tpu.memory_space<vmem>> -> memref<1x128xi32, #tpu.memory_space<vmem>>
        %dma_wait3A_263 = tpu.memref_squeeze %dma_wait3A_262 : memref<1x128xi32, #tpu.memory_space<vmem>> -> memref<128xi32, #tpu.memory_space<vmem>>
        %dma_wait3A_264 = arith.constant 0 : i32
        %dma_wait3A_265 = arith.constant 0 : i32
        %dma_wait3A_266 = tpu.memref_slice %arg11[%dma_wait3A_264, %dma_wait3A_265] : memref<10240x128xf32, #tpu.memory_space<vmem_shared>> -> memref<10240x128xf32, #tpu.memory_space<vmem_shared>>
        tpu.wait_indirect_dma semaphore(%run_scoped3A_254 : memref<!tpu.dma_semaphore, #tpu.memory_space<semaphore_mem>>) src(%arg9 : memref<128x128xf32, #tpu.memory_space<vmem>>) dst(%dma_wait3A_266 : memref<10240x128xf32, #tpu.memory_space<vmem_shared>>)
        tpu.yield
      }) : () -> ()
      %dma_wait3A_216 = arith.constant 13 : i32
      %dma_wait3A_217 = arith.constant 0 : i32
      %dma_wait3A_218 = tpu.memref_slice %arg7[%dma_wait3A_216, %dma_wait3A_217] : memref<16x128xi32, #tpu.memory_space<vmem>> -> memref<1x128xi32, #tpu.memory_space<vmem>>
      %dma_wait3A_219 = tpu.memref_squeeze %dma_wait3A_218 : memref<1x128xi32, #tpu.memory_space<vmem>> -> memref<128xi32, #tpu.memory_space<vmem>>
      %dma_wait3A_220 = arith.constant 0 : i32
      %dma_wait3A_221 = arith.constant 0 : i32
      %dma_wait3A_222 = tpu.memref_slice %arg2[%dma_wait3A_220, %dma_wait3A_221] : memref<10240x128xf32, #tpu.memory_space<hbm>> -> memref<10240x128xf32, #tpu.memory_space<hbm>>
      tpu.wait_indirect_dma semaphore(%arg13 : memref<!tpu.dma_semaphore, #tpu.memory_space<semaphore_mem>>) src(%dma_wait3A_222 : memref<10240x128xf32, #tpu.memory_space<hbm>>) dst(%arg10 : memref<128x128xf32, #tpu.memory_space<vmem>>)
      %dma_start3A_223 = arith.constant 14 : i32
      %dma_start3A_224 = arith.constant 0 : i32
      %dma_start3A_225 = tpu.memref_slice %arg7[%dma_start3A_223, %dma_start3A_224] : memref<16x128xi32, #tpu.memory_space<vmem>> -> memref<1x128xi32, #tpu.memory_space<vmem>>
      %dma_start3A_226 = tpu.memref_squeeze %dma_start3A_225 : memref<1x128xi32, #tpu.memory_space<vmem>> -> memref<128xi32, #tpu.memory_space<vmem>>
      %dma_start3A_227 = arith.constant 0 : i32
      %dma_start3A_228 = arith.constant 0 : i32
      %dma_start3A_229 = tpu.memref_slice %arg2[%dma_start3A_227, %dma_start3A_228] : memref<10240x128xf32, #tpu.memory_space<hbm>> -> memref<10240x128xf32, #tpu.memory_space<hbm>>
      tpu.enqueue_indirect_dma source(%dma_start3A_229 : memref<10240x128xf32, #tpu.memory_space<hbm>>) target(%arg9 : memref<128x128xf32, #tpu.memory_space<vmem>>) offsets(%dma_start3A_226 : memref<128xi32, #tpu.memory_space<vmem>>) semaphore(%arg12 : memref<!tpu.dma_semaphore, #tpu.memory_space<semaphore_mem>>)
      %run_scoped3A_230 = arith.constant 13 : i32
      "tpu.region"() ({
        %run_scoped3A_254 = tpu.sem_alloc : memref<!tpu.dma_semaphore, #tpu.memory_space<semaphore_mem>>
        %dma_start3A_255 = arith.constant 0 : i32
        %dma_start3A_256 = tpu.memref_slice %arg8[%run_scoped3A_230, %dma_start3A_255] : memref<16x128xi32, #tpu.memory_space<vmem>> -> memref<1x128xi32, #tpu.memory_space<vmem>>
        %dma_start3A_257 = tpu.memref_squeeze %dma_start3A_256 : memref<1x128xi32, #tpu.memory_space<vmem>> -> memref<128xi32, #tpu.memory_space<vmem>>
        %dma_start3A_258 = arith.constant 0 : i32
        %dma_start3A_259 = arith.constant 0 : i32
        %dma_start3A_260 = tpu.memref_slice %arg11[%dma_start3A_258, %dma_start3A_259] : memref<10240x128xf32, #tpu.memory_space<vmem_shared>> -> memref<10240x128xf32, #tpu.memory_space<vmem_shared>>
        tpu.enqueue_indirect_dma source(%arg10 : memref<128x128xf32, #tpu.memory_space<vmem>>) target(%dma_start3A_260 : memref<10240x128xf32, #tpu.memory_space<vmem_shared>>) offsets(%dma_start3A_257 : memref<128xi32, #tpu.memory_space<vmem>>) semaphore(%run_scoped3A_254 : memref<!tpu.dma_semaphore, #tpu.memory_space<semaphore_mem>>) {add = true}
        %dma_wait3A_261 = arith.constant 0 : i32
        %dma_wait3A_262 = tpu.memref_slice %arg8[%run_scoped3A_230, %dma_wait3A_261] : memref<16x128xi32, #tpu.memory_space<vmem>> -> memref<1x128xi32, #tpu.memory_space<vmem>>
        %dma_wait3A_263 = tpu.memref_squeeze %dma_wait3A_262 : memref<1x128xi32, #tpu.memory_space<vmem>> -> memref<128xi32, #tpu.memory_space<vmem>>
        %dma_wait3A_264 = arith.constant 0 : i32
        %dma_wait3A_265 = arith.constant 0 : i32
        %dma_wait3A_266 = tpu.memref_slice %arg11[%dma_wait3A_264, %dma_wait3A_265] : memref<10240x128xf32, #tpu.memory_space<vmem_shared>> -> memref<10240x128xf32, #tpu.memory_space<vmem_shared>>
        tpu.wait_indirect_dma semaphore(%run_scoped3A_254 : memref<!tpu.dma_semaphore, #tpu.memory_space<semaphore_mem>>) src(%arg10 : memref<128x128xf32, #tpu.memory_space<vmem>>) dst(%dma_wait3A_266 : memref<10240x128xf32, #tpu.memory_space<vmem_shared>>)
        tpu.yield
      }) : () -> ()
      %dma_wait3A_231 = arith.constant 14 : i32
      %dma_wait3A_232 = arith.constant 0 : i32
      %dma_wait3A_233 = tpu.memref_slice %arg7[%dma_wait3A_231, %dma_wait3A_232] : memref<16x128xi32, #tpu.memory_space<vmem>> -> memref<1x128xi32, #tpu.memory_space<vmem>>
      %dma_wait3A_234 = tpu.memref_squeeze %dma_wait3A_233 : memref<1x128xi32, #tpu.memory_space<vmem>> -> memref<128xi32, #tpu.memory_space<vmem>>
      %dma_wait3A_235 = arith.constant 0 : i32
      %dma_wait3A_236 = arith.constant 0 : i32
      %dma_wait3A_237 = tpu.memref_slice %arg2[%dma_wait3A_235, %dma_wait3A_236] : memref<10240x128xf32, #tpu.memory_space<hbm>> -> memref<10240x128xf32, #tpu.memory_space<hbm>>
      tpu.wait_indirect_dma semaphore(%arg12 : memref<!tpu.dma_semaphore, #tpu.memory_space<semaphore_mem>>) src(%dma_wait3A_237 : memref<10240x128xf32, #tpu.memory_space<hbm>>) dst(%arg9 : memref<128x128xf32, #tpu.memory_space<vmem>>)
      %dma_start3A_238 = arith.constant 15 : i32
      %dma_start3A_239 = arith.constant 0 : i32
      %dma_start3A_240 = tpu.memref_slice %arg7[%dma_start3A_238, %dma_start3A_239] : memref<16x128xi32, #tpu.memory_space<vmem>> -> memref<1x128xi32, #tpu.memory_space<vmem>>
      %dma_start3A_241 = tpu.memref_squeeze %dma_start3A_240 : memref<1x128xi32, #tpu.memory_space<vmem>> -> memref<128xi32, #tpu.memory_space<vmem>>
      %dma_start3A_242 = arith.constant 0 : i32
      %dma_start3A_243 = arith.constant 0 : i32
      %dma_start3A_244 = tpu.memref_slice %arg2[%dma_start3A_242, %dma_start3A_243] : memref<10240x128xf32, #tpu.memory_space<hbm>> -> memref<10240x128xf32, #tpu.memory_space<hbm>>
      tpu.enqueue_indirect_dma source(%dma_start3A_244 : memref<10240x128xf32, #tpu.memory_space<hbm>>) target(%arg10 : memref<128x128xf32, #tpu.memory_space<vmem>>) offsets(%dma_start3A_241 : memref<128xi32, #tpu.memory_space<vmem>>) semaphore(%arg13 : memref<!tpu.dma_semaphore, #tpu.memory_space<semaphore_mem>>)
      %run_scoped3A_245 = arith.constant 14 : i32
      "tpu.region"() ({
        %run_scoped3A_254 = tpu.sem_alloc : memref<!tpu.dma_semaphore, #tpu.memory_space<semaphore_mem>>
        %dma_start3A_255 = arith.constant 0 : i32
        %dma_start3A_256 = tpu.memref_slice %arg8[%run_scoped3A_245, %dma_start3A_255] : memref<16x128xi32, #tpu.memory_space<vmem>> -> memref<1x128xi32, #tpu.memory_space<vmem>>
        %dma_start3A_257 = tpu.memref_squeeze %dma_start3A_256 : memref<1x128xi32, #tpu.memory_space<vmem>> -> memref<128xi32, #tpu.memory_space<vmem>>
        %dma_start3A_258 = arith.constant 0 : i32
        %dma_start3A_259 = arith.constant 0 : i32
        %dma_start3A_260 = tpu.memref_slice %arg11[%dma_start3A_258, %dma_start3A_259] : memref<10240x128xf32, #tpu.memory_space<vmem_shared>> -> memref<10240x128xf32, #tpu.memory_space<vmem_shared>>
        tpu.enqueue_indirect_dma source(%arg9 : memref<128x128xf32, #tpu.memory_space<vmem>>) target(%dma_start3A_260 : memref<10240x128xf32, #tpu.memory_space<vmem_shared>>) offsets(%dma_start3A_257 : memref<128xi32, #tpu.memory_space<vmem>>) semaphore(%run_scoped3A_254 : memref<!tpu.dma_semaphore, #tpu.memory_space<semaphore_mem>>) {add = true}
        %dma_wait3A_261 = arith.constant 0 : i32
        %dma_wait3A_262 = tpu.memref_slice %arg8[%run_scoped3A_245, %dma_wait3A_261] : memref<16x128xi32, #tpu.memory_space<vmem>> -> memref<1x128xi32, #tpu.memory_space<vmem>>
        %dma_wait3A_263 = tpu.memref_squeeze %dma_wait3A_262 : memref<1x128xi32, #tpu.memory_space<vmem>> -> memref<128xi32, #tpu.memory_space<vmem>>
        %dma_wait3A_264 = arith.constant 0 : i32
        %dma_wait3A_265 = arith.constant 0 : i32
        %dma_wait3A_266 = tpu.memref_slice %arg11[%dma_wait3A_264, %dma_wait3A_265] : memref<10240x128xf32, #tpu.memory_space<vmem_shared>> -> memref<10240x128xf32, #tpu.memory_space<vmem_shared>>
        tpu.wait_indirect_dma semaphore(%run_scoped3A_254 : memref<!tpu.dma_semaphore, #tpu.memory_space<semaphore_mem>>) src(%arg9 : memref<128x128xf32, #tpu.memory_space<vmem>>) dst(%dma_wait3A_266 : memref<10240x128xf32, #tpu.memory_space<vmem_shared>>)
        tpu.yield
      }) : () -> ()
      %dma_wait3A_246 = arith.constant 15 : i32
      %dma_wait3A_247 = arith.constant 0 : i32
      %dma_wait3A_248 = tpu.memref_slice %arg7[%dma_wait3A_246, %dma_wait3A_247] : memref<16x128xi32, #tpu.memory_space<vmem>> -> memref<1x128xi32, #tpu.memory_space<vmem>>
      %dma_wait3A_249 = tpu.memref_squeeze %dma_wait3A_248 : memref<1x128xi32, #tpu.memory_space<vmem>> -> memref<128xi32, #tpu.memory_space<vmem>>
      %dma_wait3A_250 = arith.constant 0 : i32
      %dma_wait3A_251 = arith.constant 0 : i32
      %dma_wait3A_252 = tpu.memref_slice %arg2[%dma_wait3A_250, %dma_wait3A_251] : memref<10240x128xf32, #tpu.memory_space<hbm>> -> memref<10240x128xf32, #tpu.memory_space<hbm>>
      tpu.wait_indirect_dma semaphore(%arg13 : memref<!tpu.dma_semaphore, #tpu.memory_space<semaphore_mem>>) src(%dma_wait3A_252 : memref<10240x128xf32, #tpu.memory_space<hbm>>) dst(%arg10 : memref<128x128xf32, #tpu.memory_space<vmem>>)
      %run_scoped3A_253 = arith.constant 15 : i32
      "tpu.region"() ({
        %run_scoped3A_254 = tpu.sem_alloc : memref<!tpu.dma_semaphore, #tpu.memory_space<semaphore_mem>>
        %dma_start3A_255 = arith.constant 0 : i32
        %dma_start3A_256 = tpu.memref_slice %arg8[%run_scoped3A_253, %dma_start3A_255] : memref<16x128xi32, #tpu.memory_space<vmem>> -> memref<1x128xi32, #tpu.memory_space<vmem>>
        %dma_start3A_257 = tpu.memref_squeeze %dma_start3A_256 : memref<1x128xi32, #tpu.memory_space<vmem>> -> memref<128xi32, #tpu.memory_space<vmem>>
        %dma_start3A_258 = arith.constant 0 : i32
        %dma_start3A_259 = arith.constant 0 : i32
        %dma_start3A_260 = tpu.memref_slice %arg11[%dma_start3A_258, %dma_start3A_259] : memref<10240x128xf32, #tpu.memory_space<vmem_shared>> -> memref<10240x128xf32, #tpu.memory_space<vmem_shared>>
        tpu.enqueue_indirect_dma source(%arg10 : memref<128x128xf32, #tpu.memory_space<vmem>>) target(%dma_start3A_260 : memref<10240x128xf32, #tpu.memory_space<vmem_shared>>) offsets(%dma_start3A_257 : memref<128xi32, #tpu.memory_space<vmem>>) semaphore(%run_scoped3A_254 : memref<!tpu.dma_semaphore, #tpu.memory_space<semaphore_mem>>) {add = true}
        %dma_wait3A_261 = arith.constant 0 : i32
        %dma_wait3A_262 = tpu.memref_slice %arg8[%run_scoped3A_253, %dma_wait3A_261] : memref<16x128xi32, #tpu.memory_space<vmem>> -> memref<1x128xi32, #tpu.memory_space<vmem>>
        %dma_wait3A_263 = tpu.memref_squeeze %dma_wait3A_262 : memref<1x128xi32, #tpu.memory_space<vmem>> -> memref<128xi32, #tpu.memory_space<vmem>>
        %dma_wait3A_264 = arith.constant 0 : i32
        %dma_wait3A_265 = arith.constant 0 : i32
        %dma_wait3A_266 = tpu.memref_slice %arg11[%dma_wait3A_264, %dma_wait3A_265] : memref<10240x128xf32, #tpu.memory_space<vmem_shared>> -> memref<10240x128xf32, #tpu.memory_space<vmem_shared>>
        tpu.wait_indirect_dma semaphore(%run_scoped3A_254 : memref<!tpu.dma_semaphore, #tpu.memory_space<semaphore_mem>>) src(%arg10 : memref<128x128xf32, #tpu.memory_space<vmem>>) dst(%dma_wait3A_266 : memref<10240x128xf32, #tpu.memory_space<vmem_shared>>)
        tpu.yield
      }) : () -> ()
    }
    %scan3A_6 = arith.constant 5 : i32
    %barrier3A_7 = arith.constant 0 : index
    tpu.barrier barrier_id(%barrier3A_7)
    "tpu.region"() ({
      %run_scoped3A = tpu.sem_alloc : memref<!tpu.dma_semaphore, #tpu.memory_space<semaphore_mem>>
      %dma_start3A = arith.constant 0 : i32
      %dma_start3A_8 = tpu.memref_slice %arg6[%arg0, %mul3A_2, %dma_start3A] : memref<2x10240x128xf32, #tpu.memory_space<hbm>> -> memref<1x640x128xf32, #tpu.memory_space<hbm>>
      %dma_start3A_9 = tpu.memref_squeeze %dma_start3A_8 : memref<1x640x128xf32, #tpu.memory_space<hbm>> -> memref<640x128xf32, #tpu.memory_space<hbm>>
      %dma_start3A_10 = arith.constant 0 : i32
      %dma_start3A_11 = tpu.memref_slice %arg11[%mul3A_2, %dma_start3A_10] : memref<10240x128xf32, #tpu.memory_space<vmem_shared>> -> memref<640x128xf32, #tpu.memory_space<vmem_shared>>
      tpu.enqueue_dma source(%dma_start3A_11 : memref<640x128xf32, #tpu.memory_space<vmem_shared>>) target(%dma_start3A_9 : memref<640x128xf32, #tpu.memory_space<hbm>>) target_semaphore(%run_scoped3A : memref<!tpu.dma_semaphore, #tpu.memory_space<semaphore_mem>>)
      %dma_wait3A = arith.constant 0 : i32
      %dma_wait3A_12 = tpu.memref_slice %arg6[%arg0, %mul3A_2, %dma_wait3A] : memref<2x10240x128xf32, #tpu.memory_space<hbm>> -> memref<1x640x128xf32, #tpu.memory_space<hbm>>
      %dma_wait3A_13 = tpu.memref_squeeze %dma_wait3A_12 : memref<1x640x128xf32, #tpu.memory_space<hbm>> -> memref<640x128xf32, #tpu.memory_space<hbm>>
      %dma_wait3A_14 = arith.constant 0 : i32
      %dma_wait3A_15 = tpu.memref_slice %arg11[%mul3A_2, %dma_wait3A_14] : memref<10240x128xf32, #tpu.memory_space<vmem_shared>> -> memref<640x128xf32, #tpu.memory_space<vmem_shared>>
      tpu.wait_dma2 semaphore(%run_scoped3A : memref<!tpu.dma_semaphore, #tpu.memory_space<semaphore_mem>>) src(%dma_wait3A_15 : memref<640x128xf32, #tpu.memory_space<vmem_shared>>) dst(%dma_wait3A_13 : memref<640x128xf32, #tpu.memory_space<hbm>>)
      tpu.yield
    }) : () -> ()
    return
  }
}

module attributes {stable_mosaic.version = 14 : i64} {
  func.func @_prep_body(%arg0: i32, %arg1: memref<2x512x128xf32, #tpu.memory_space<vmem>>, %arg2: memref<512x128xf32, #tpu.memory_space<vmem>>, %arg3: memref<512x1xf32, #tpu.memory_space<vmem>>, %arg4: memref<512x128xf32, #tpu.memory_space<vmem>>) attributes {dimension_semantics = [#tpu.dimension_semantics<arbitrary>], iteration_bounds = array<i64: 20>, scalar_prefetch = 0 : i64, scratch_operands = 0 : i64, tpu.core_type = #tpu.core_type<tc>, window_params = [{transform_indices = @transform_0, window_bounds = array<i64: 2, 512, 128>}, {transform_indices = @transform_1, window_bounds = array<i64: 512, 128>}, {transform_indices = @transform_2, window_bounds = array<i64: 512, 1>}, {transform_indices = @transform_3, window_bounds = array<i64: 512, 128>}]} {
    %get3A = arith.constant 0 : index
    %get3A_0 = arith.constant 0 : index
    %get3A_1 = arith.constant 0 : index
    %get3A_2 = vector.load %arg1[%get3A, %get3A_0, %get3A_1] : memref<2x512x128xf32, #tpu.memory_space<vmem>>, vector<2x512x128xf32>
    %slice3A = vector.extract_strided_slice %get3A_2 {offsets = [0, 0, 0], sizes = [1, 512, 1], strides = [1, 1, 1]} : vector<2x512x128xf32> to vector<1x512x1xf32>
    %squeeze3A = vector.shape_cast %slice3A : vector<1x512x1xf32> to vector<512x1xf32>
    %slice3A_3 = vector.extract_strided_slice %get3A_2 {offsets = [1, 0, 0], sizes = [1, 512, 1], strides = [1, 1, 1]} : vector<2x512x128xf32> to vector<1x512x1xf32>
    %squeeze3A_4 = vector.shape_cast %slice3A_3 : vector<1x512x1xf32> to vector<512x1xf32>
    %add3A = arith.addf %squeeze3A, %squeeze3A_4 : vector<512x1xf32>
    %add3A_5 = arith.constant 1.000000e+00 : f32
    %add3A_6 = vector.broadcast %add3A_5 : f32 to vector<512x1xf32>
    %add3A_7 = arith.addf %add3A, %add3A_6 : vector<512x1xf32>
    %rsqrt3A = math.rsqrt %add3A_7 : vector<512x1xf32>
    %swap3A = arith.constant 0 : index
    %swap3A_8 = arith.constant 0 : index
    %swap3A_9 = vector.load %arg3[%swap3A, %swap3A_8] : memref<512x1xf32, #tpu.memory_space<vmem>>, vector<512x1xf32>
    tpu.vector_store %arg3[%swap3A, %swap3A_8], %rsqrt3A {strides = array<i32>} : memref<512x1xf32, #tpu.memory_space<vmem>>, vector<512x1xf32>,
    %get3A_10 = arith.constant 0 : index
    %get3A_11 = arith.constant 0 : index
    %get3A_12 = vector.load %arg2[%get3A_10, %get3A_11] : memref<512x128xf32, #tpu.memory_space<vmem>>, vector<512x128xf32>
    %mul3A = vector.broadcast %rsqrt3A : vector<512x1xf32> to vector<512x128xf32>
    %mul3A_13 = arith.mulf %get3A_12, %mul3A : vector<512x128xf32>
    %swap3A_14 = arith.constant 0 : index
    %swap3A_15 = arith.constant 0 : index
    %swap3A_16 = vector.load %arg4[%swap3A_14, %swap3A_15] : memref<512x128xf32, #tpu.memory_space<vmem>>, vector<512x128xf32>
    tpu.vector_store %arg4[%swap3A_14, %swap3A_15], %mul3A_13 {strides = array<i32>} : memref<512x128xf32, #tpu.memory_space<vmem>>, vector<512x128xf32>,
    return
  }
  func.func @transform_0(%arg0: i32) -> (i32, i32, i32) {
    %c0_i32 = arith.constant 0 : i32
    %c0_i32_0 = arith.constant 0 : i32
    %c0_i32_1 = arith.constant 0 : i32
    return %c0_i32, %arg0, %c0_i32_0 : i32, i32, i32
  }
  func.func @transform_1(%arg0: i32) -> (i32, i32) {
    %c0_i32 = arith.constant 0 : i32
    %c0_i32_0 = arith.constant 0 : i32
    return %arg0, %c0_i32 : i32, i32
  }
  func.func @transform_2(%arg0: i32) -> (i32, i32) {
    %c0_i32 = arith.constant 0 : i32
    %c0_i32_0 = arith.constant 0 : i32
    return %arg0, %c0_i32 : i32, i32
  }
  func.func @transform_3(%arg0: i32) -> (i32, i32) {
    %c0_i32 = arith.constant 0 : i32
    %c0_i32_0 = arith.constant 0 : i32
    return %arg0, %c0_i32 : i32, i32
  }
}

module attributes {stable_mosaic.version = 14 : i64} {
  func.func @_mix_body(%arg0: i32, %arg1: memref<2x512x128xf32, #tpu.memory_space<vmem>>, %arg2: memref<512x128xf32, #tpu.memory_space<vmem>>, %arg3: memref<512x128xf32, #tpu.memory_space<vmem>>, %arg4: memref<512x1xf32, #tpu.memory_space<vmem>>, %arg5: memref<512x128xf32, #tpu.memory_space<vmem>>, %arg6: memref<512x128xf32, #tpu.memory_space<vmem>>) attributes {dimension_semantics = [#tpu.dimension_semantics<arbitrary>], iteration_bounds = array<i64: 20>, scalar_prefetch = 0 : i64, scratch_operands = 0 : i64, tpu.core_type = #tpu.core_type<tc>, window_params = [{transform_indices = @transform_0, window_bounds = array<i64: 2, 512, 128>}, {transform_indices = @transform_1, window_bounds = array<i64: 512, 128>}, {transform_indices = @transform_2, window_bounds = array<i64: 512, 128>}, {transform_indices = @transform_3, window_bounds = array<i64: 512, 1>}, {transform_indices = @transform_4, window_bounds = array<i64: 512, 128>}, {transform_indices = @transform_5, window_bounds = array<i64: 512, 128>}]} {
    %get3A = arith.constant 0 : index
    %get3A_0 = arith.constant 0 : index
    %get3A_1 = arith.constant 0 : index
    %get3A_2 = vector.load %arg1[%get3A, %get3A_0, %get3A_1] : memref<2x512x128xf32, #tpu.memory_space<vmem>>, vector<2x512x128xf32>
    %get3A_3 = arith.constant 0 : index
    %get3A_4 = arith.constant 0 : index
    %get3A_5 = vector.load %arg4[%get3A_3, %get3A_4] : memref<512x1xf32, #tpu.memory_space<vmem>>, vector<512x1xf32>
    %slice3A = vector.extract_strided_slice %get3A_2 {offsets = [0, 0, 0], sizes = [1, 512, 128], strides = [1, 1, 1]} : vector<2x512x128xf32> to vector<1x512x128xf32>
    %squeeze3A = vector.shape_cast %slice3A : vector<1x512x128xf32> to vector<512x128xf32>
    %slice3A_6 = vector.extract_strided_slice %get3A_2 {offsets = [1, 0, 0], sizes = [1, 512, 128], strides = [1, 1, 1]} : vector<2x512x128xf32> to vector<1x512x128xf32>
    %squeeze3A_7 = vector.shape_cast %slice3A_6 : vector<1x512x128xf32> to vector<512x128xf32>
    %add3A = arith.addf %squeeze3A, %squeeze3A_7 : vector<512x128xf32>
    %get3A_8 = arith.constant 0 : index
    %get3A_9 = arith.constant 0 : index
    %get3A_10 = vector.load %arg2[%get3A_8, %get3A_9] : memref<512x128xf32, #tpu.memory_space<vmem>>, vector<512x128xf32>
    %add3A_11 = arith.addf %add3A, %get3A_10 : vector<512x128xf32>
    %mul3A = vector.broadcast %get3A_5 : vector<512x1xf32> to vector<512x128xf32>
    %mul3A_12 = arith.mulf %mul3A, %add3A_11 : vector<512x128xf32>
    %mul3A_13 = arith.constant 5.000000e-01 : f32
    %mul3A_14 = vector.broadcast %mul3A_13 : f32 to vector<512x128xf32>
    %mul3A_15 = arith.mulf %mul3A_14, %mul3A_12 : vector<512x128xf32>
    %get3A_16 = arith.constant 0 : index
    %get3A_17 = arith.constant 0 : index
    %get3A_18 = vector.load %arg3[%get3A_16, %get3A_17] : memref<512x128xf32, #tpu.memory_space<vmem>>, vector<512x128xf32>
    %mul3A_19 = arith.constant 5.000000e-01 : f32
    %mul3A_20 = vector.broadcast %mul3A_19 : f32 to vector<512x128xf32>
    %mul3A_21 = arith.mulf %mul3A_20, %get3A_18 : vector<512x128xf32>
    %add3A_22 = arith.addf %mul3A_15, %mul3A_21 : vector<512x128xf32>
    %swap3A = arith.constant 0 : index
    %swap3A_23 = arith.constant 0 : index
    %swap3A_24 = vector.load %arg5[%swap3A, %swap3A_23] : memref<512x128xf32, #tpu.memory_space<vmem>>, vector<512x128xf32>
    tpu.vector_store %arg5[%swap3A, %swap3A_23], %add3A_22 {strides = array<i32>} : memref<512x128xf32, #tpu.memory_space<vmem>>, vector<512x128xf32>,
    %mul3A_25 = vector.broadcast %get3A_5 : vector<512x1xf32> to vector<512x128xf32>
    %mul3A_26 = arith.mulf %mul3A_25, %add3A_22 : vector<512x128xf32>
    %swap3A_27 = arith.constant 0 : index
    %swap3A_28 = arith.constant 0 : index
    %swap3A_29 = vector.load %arg6[%swap3A_27, %swap3A_28] : memref<512x128xf32, #tpu.memory_space<vmem>>, vector<512x128xf32>
    tpu.vector_store %arg6[%swap3A_27, %swap3A_28], %mul3A_26 {strides = array<i32>} : memref<512x128xf32, #tpu.memory_space<vmem>>, vector<512x128xf32>,
    return
  }
  func.func @transform_0(%arg0: i32) -> (i32, i32, i32) {
    %c0_i32 = arith.constant 0 : i32
    %c0_i32_0 = arith.constant 0 : i32
    %c0_i32_1 = arith.constant 0 : i32
    return %c0_i32, %arg0, %c0_i32_0 : i32, i32, i32
  }
  func.func @transform_1(%arg0: i32) -> (i32, i32) {
    %c0_i32 = arith.constant 0 : i32
    %c0_i32_0 = arith.constant 0 : i32
    return %arg0, %c0_i32 : i32, i32
  }
  func.func @transform_2(%arg0: i32) -> (i32, i32) {
    %c0_i32 = arith.constant 0 : i32
    %c0_i32_0 = arith.constant 0 : i32
    return %arg0, %c0_i32 : i32, i32
  }
  func.func @transform_3(%arg0: i32) -> (i32, i32) {
    %c0_i32 = arith.constant 0 : i32
    %c0_i32_0 = arith.constant 0 : i32
    return %arg0, %c0_i32 : i32, i32
  }
  func.func @transform_4(%arg0: i32) -> (i32, i32) {
    %c0_i32 = arith.constant 0 : i32
    %c0_i32_0 = arith.constant 0 : i32
    return %arg0, %c0_i32 : i32, i32
  }
  func.func @transform_5(%arg0: i32) -> (i32, i32) {
    %c0_i32 = arith.constant 0 : i32
    %c0_i32_0 = arith.constant 0 : i32
    return %arg0, %c0_i32 : i32, i32
  }
}

module attributes {stable_mosaic.version = 14 : i64} {
  func.func @_mix_body(%arg0: i32, %arg1: memref<2x512x128xf32, #tpu.memory_space<vmem>>, %arg2: memref<512x128xf32, #tpu.memory_space<vmem>>, %arg3: memref<512x128xf32, #tpu.memory_space<vmem>>, %arg4: memref<512x1xf32, #tpu.memory_space<vmem>>, %arg5: memref<512x128xf32, #tpu.memory_space<vmem>>, %arg6: memref<512x128xf32, #tpu.memory_space<vmem>>) attributes {dimension_semantics = [#tpu.dimension_semantics<arbitrary>], iteration_bounds = array<i64: 20>, scalar_prefetch = 0 : i64, scratch_operands = 0 : i64, tpu.core_type = #tpu.core_type<tc>, window_params = [{transform_indices = @transform_0, window_bounds = array<i64: 2, 512, 128>}, {transform_indices = @transform_1, window_bounds = array<i64: 512, 128>}, {transform_indices = @transform_2, window_bounds = array<i64: 512, 128>}, {transform_indices = @transform_3, window_bounds = array<i64: 512, 1>}, {transform_indices = @transform_4, window_bounds = array<i64: 512, 128>}, {transform_indices = @transform_5, window_bounds = array<i64: 512, 128>}]} {
    %get3A = arith.constant 0 : index
    %get3A_0 = arith.constant 0 : index
    %get3A_1 = arith.constant 0 : index
    %get3A_2 = vector.load %arg1[%get3A, %get3A_0, %get3A_1] : memref<2x512x128xf32, #tpu.memory_space<vmem>>, vector<2x512x128xf32>
    %get3A_3 = arith.constant 0 : index
    %get3A_4 = arith.constant 0 : index
    %get3A_5 = vector.load %arg4[%get3A_3, %get3A_4] : memref<512x1xf32, #tpu.memory_space<vmem>>, vector<512x1xf32>
    %slice3A = vector.extract_strided_slice %get3A_2 {offsets = [0, 0, 0], sizes = [1, 512, 128], strides = [1, 1, 1]} : vector<2x512x128xf32> to vector<1x512x128xf32>
    %squeeze3A = vector.shape_cast %slice3A : vector<1x512x128xf32> to vector<512x128xf32>
    %slice3A_6 = vector.extract_strided_slice %get3A_2 {offsets = [1, 0, 0], sizes = [1, 512, 128], strides = [1, 1, 1]} : vector<2x512x128xf32> to vector<1x512x128xf32>
    %squeeze3A_7 = vector.shape_cast %slice3A_6 : vector<1x512x128xf32> to vector<512x128xf32>
    %add3A = arith.addf %squeeze3A, %squeeze3A_7 : vector<512x128xf32>
    %get3A_8 = arith.constant 0 : index
    %get3A_9 = arith.constant 0 : index
    %get3A_10 = vector.load %arg2[%get3A_8, %get3A_9] : memref<512x128xf32, #tpu.memory_space<vmem>>, vector<512x128xf32>
    %add3A_11 = arith.addf %add3A, %get3A_10 : vector<512x128xf32>
    %mul3A = vector.broadcast %get3A_5 : vector<512x1xf32> to vector<512x128xf32>
    %mul3A_12 = arith.mulf %mul3A, %add3A_11 : vector<512x128xf32>
    %mul3A_13 = arith.constant 5.000000e-01 : f32
    %mul3A_14 = vector.broadcast %mul3A_13 : f32 to vector<512x128xf32>
    %mul3A_15 = arith.mulf %mul3A_14, %mul3A_12 : vector<512x128xf32>
    %get3A_16 = arith.constant 0 : index
    %get3A_17 = arith.constant 0 : index
    %get3A_18 = vector.load %arg3[%get3A_16, %get3A_17] : memref<512x128xf32, #tpu.memory_space<vmem>>, vector<512x128xf32>
    %mul3A_19 = arith.constant 5.000000e-01 : f32
    %mul3A_20 = vector.broadcast %mul3A_19 : f32 to vector<512x128xf32>
    %mul3A_21 = arith.mulf %mul3A_20, %get3A_18 : vector<512x128xf32>
    %add3A_22 = arith.addf %mul3A_15, %mul3A_21 : vector<512x128xf32>
    %swap3A = arith.constant 0 : index
    %swap3A_23 = arith.constant 0 : index
    %swap3A_24 = vector.load %arg5[%swap3A, %swap3A_23] : memref<512x128xf32, #tpu.memory_space<vmem>>, vector<512x128xf32>
    tpu.vector_store %arg5[%swap3A, %swap3A_23], %add3A_22 {strides = array<i32>} : memref<512x128xf32, #tpu.memory_space<vmem>>, vector<512x128xf32>,
    %mul3A_25 = vector.broadcast %get3A_5 : vector<512x1xf32> to vector<512x128xf32>
    %mul3A_26 = arith.mulf %mul3A_25, %add3A_22 : vector<512x128xf32>
    %swap3A_27 = arith.constant 0 : index
    %swap3A_28 = arith.constant 0 : index
    %swap3A_29 = vector.load %arg6[%swap3A_27, %swap3A_28] : memref<512x128xf32, #tpu.memory_space<vmem>>, vector<512x128xf32>
    tpu.vector_store %arg6[%swap3A_27, %swap3A_28], %mul3A_26 {strides = array<i32>} : memref<512x128xf32, #tpu.memory_space<vmem>>, vector<512x128xf32>,
    return
  }
  func.func @transform_0(%arg0: i32) -> (i32, i32, i32) {
    %c0_i32 = arith.constant 0 : i32
    %c0_i32_0 = arith.constant 0 : i32
    %c0_i32_1 = arith.constant 0 : i32
    return %c0_i32, %arg0, %c0_i32_0 : i32, i32, i32
  }
  func.func @transform_1(%arg0: i32) -> (i32, i32) {
    %c0_i32 = arith.constant 0 : i32
    %c0_i32_0 = arith.constant 0 : i32
    return %arg0, %c0_i32 : i32, i32
  }
  func.func @transform_2(%arg0: i32) -> (i32, i32) {
    %c0_i32 = arith.constant 0 : i32
    %c0_i32_0 = arith.constant 0 : i32
    return %arg0, %c0_i32 : i32, i32
  }
  func.func @transform_3(%arg0: i32) -> (i32, i32) {
    %c0_i32 = arith.constant 0 : i32
    %c0_i32_0 = arith.constant 0 : i32
    return %arg0, %c0_i32 : i32, i32
  }
  func.func @transform_4(%arg0: i32) -> (i32, i32) {
    %c0_i32 = arith.constant 0 : i32
    %c0_i32_0 = arith.constant 0 : i32
    return %arg0, %c0_i32 : i32, i32
  }
  func.func @transform_5(%arg0: i32) -> (i32, i32) {
    %c0_i32 = arith.constant 0 : i32
    %c0_i32_0 = arith.constant 0 : i32
    return %arg0, %c0_i32 : i32, i32
  }
}

module attributes {stable_mosaic.version = 14 : i64} {
  func.func @_pool_body(%arg0: i32, %arg1: memref<512x128xf32, #tpu.memory_space<vmem>>, %arg2: memref<512x1xi32, #tpu.memory_space<vmem>>, %arg3: memref<128x128xf32, #tpu.memory_space<vmem>>, %arg4: memref<1x128xf32, #tpu.memory_space<vmem>>, %arg5: memref<128x1xf32, #tpu.memory_space<vmem>>, %arg6: memref<1x1xf32, #tpu.memory_space<vmem>>, %arg7: memref<64x1xf32, #tpu.memory_space<vmem>>, %arg8: memref<64x128xf32, #tpu.memory_space<vmem>>, %arg9: memref<64x128xf32, #tpu.memory_space<vmem>>) attributes {dimension_semantics = [#tpu.dimension_semantics<arbitrary>], iteration_bounds = array<i64: 20>, scalar_prefetch = 0 : i64, scratch_operands = 0 : i64, tpu.core_type = #tpu.core_type<tc>, window_params = [{transform_indices = @transform_0, window_bounds = array<i64: 512, 128>}, {transform_indices = @transform_1, window_bounds = array<i64: 512, 1>}, {pipeline_mode = #tpu.pipeline_mode<synchronous>, transform_indices = @transform_2, window_bounds = array<i64: 128, 128>}, {pipeline_mode = #tpu.pipeline_mode<synchronous>, transform_indices = @transform_3, window_bounds = array<i64: 1, 128>}, {pipeline_mode = #tpu.pipeline_mode<synchronous>, transform_indices = @transform_4, window_bounds = array<i64: 128, 1>}, {pipeline_mode = #tpu.pipeline_mode<synchronous>, transform_indices = @transform_5, window_bounds = array<i64: 1, 1>}, {pipeline_mode = #tpu.pipeline_mode<synchronous>, transform_indices = @transform_6, window_bounds = array<i64: 64, 1>}, {pipeline_mode = #tpu.pipeline_mode<synchronous>, transform_indices = @transform_7, window_bounds = array<i64: 64, 128>}, {pipeline_mode = #tpu.pipeline_mode<synchronous>, transform_indices = @transform_8, window_bounds = array<i64: 64, 128>}]} {
    %eq3A = arith.constant 0 : i32
    %eq3A_0 = arith.cmpi eq, %arg0, %eq3A : i32
    %convert_element_type3A = arith.extui %eq3A_0 : i1 to i32
    %cond3A = arith.constant 0 : i32
    %cond3A_1 = arith.cmpi ne, %convert_element_type3A, %cond3A : i32
    scf.if %cond3A_1 {
      %broadcast_in_dim3A = arith.constant 0.000000e+00 : f32
      %broadcast_in_dim3A_61 = vector.broadcast %broadcast_in_dim3A : f32 to vector<64x1xf32>
      %swap3A_62 = arith.constant 0 : index
      %swap3A_63 = arith.constant 0 : index
      %swap3A_64 = vector.load %arg7[%swap3A_62, %swap3A_63] : memref<64x1xf32, #tpu.memory_space<vmem>>, vector<64x1xf32>
      tpu.vector_store %arg7[%swap3A_62, %swap3A_63], %broadcast_in_dim3A_61 {strides = array<i32>} : memref<64x1xf32, #tpu.memory_space<vmem>>, vector<64x1xf32>,
      %broadcast_in_dim3A_65 = arith.constant 0.000000e+00 : f32
      %broadcast_in_dim3A_66 = vector.broadcast %broadcast_in_dim3A_65 : f32 to vector<64x128xf32>
      %swap3A_67 = arith.constant 0 : index
      %swap3A_68 = arith.constant 0 : index
      %swap3A_69 = vector.load %arg8[%swap3A_67, %swap3A_68] : memref<64x128xf32, #tpu.memory_space<vmem>>, vector<64x128xf32>
      tpu.vector_store %arg8[%swap3A_67, %swap3A_68], %broadcast_in_dim3A_66 {strides = array<i32>} : memref<64x128xf32, #tpu.memory_space<vmem>>, vector<64x128xf32>,
      %broadcast_in_dim3A_70 = arith.constant -1.000000e+30 : f32
      %broadcast_in_dim3A_71 = vector.broadcast %broadcast_in_dim3A_70 : f32 to vector<64x128xf32>
      %swap3A_72 = arith.constant 0 : index
      %swap3A_73 = arith.constant 0 : index
      %swap3A_74 = vector.load %arg9[%swap3A_72, %swap3A_73] : memref<64x128xf32, #tpu.memory_space<vmem>>, vector<64x128xf32>
      tpu.vector_store %arg9[%swap3A_72, %swap3A_73], %broadcast_in_dim3A_71 {strides = array<i32>} : memref<64x128xf32, #tpu.memory_space<vmem>>, vector<64x128xf32>,
    } else {
    }
    %get3A = arith.constant 0 : index
    %get3A_2 = arith.constant 0 : index
    %get3A_3 = vector.load %arg1[%get3A, %get3A_2] : memref<512x128xf32, #tpu.memory_space<vmem>>, vector<512x128xf32>
    %get3A_4 = arith.constant 0 : index
    %get3A_5 = arith.constant 0 : index
    %get3A_6 = vector.load %arg3[%get3A_4, %get3A_5] : memref<128x128xf32, #tpu.memory_space<vmem>>, vector<128x128xf32>
    %dot_general3A = arith.constant dense<0.000000e+00> : vector<512x128xf32>
    %dot_general3A_7 = tpu.matmul %get3A_3, %get3A_6, %dot_general3A {dimension_numbers = #tpu.dot_dimension_numbers<[1], [0], [0], [1], [0, 0, 1, 1], [], []>, transpose_lhs_hint = false} : vector<512x128xf32>, vector<128x128xf32>, vector<512x128xf32> -> vector<512x128xf32>
    %get3A_8 = arith.constant 0 : index
    %get3A_9 = arith.constant 0 : index
    %get3A_10 = vector.load %arg4[%get3A_8, %get3A_9] : memref<1x128xf32, #tpu.memory_space<vmem>>, vector<1x128xf32>
    %add3A = vector.broadcast %get3A_10 : vector<1x128xf32> to vector<512x128xf32>
    %add3A_11 = arith.addf %dot_general3A_7, %add3A : vector<512x128xf32>
    %max3A = arith.constant 0.000000e+00 : f32
    %max3A_12 = vector.broadcast %max3A : f32 to vector<512x128xf32>
    %max3A_13 = arith.maximumf %add3A_11, %max3A_12 : vector<512x128xf32>
    %get3A_14 = arith.constant 0 : index
    %get3A_15 = arith.constant 0 : index
    %get3A_16 = vector.load %arg5[%get3A_14, %get3A_15] : memref<128x1xf32, #tpu.memory_space<vmem>>, vector<128x1xf32>
    %dot_general3A_17 = arith.constant dense<0.000000e+00> : vector<512x1xf32>
    %dot_general3A_18 = tpu.matmul %max3A_13, %get3A_16, %dot_general3A_17 {dimension_numbers = #tpu.dot_dimension_numbers<[1], [0], [0], [1], [0, 0, 1, 1], [], []>, transpose_lhs_hint = false} : vector<512x128xf32>, vector<128x1xf32>, vector<512x1xf32> -> vector<512x1xf32>
    %get3A_19 = arith.constant 0 : index
    %get3A_20 = arith.constant 0 : index
    %get3A_21 = vector.load %arg6[%get3A_19, %get3A_20] : memref<1x1xf32, #tpu.memory_space<vmem>>, vector<1x1xf32>
    %add3A_22 = vector.broadcast %get3A_21 : vector<1x1xf32> to vector<512x1xf32>
    %add3A_23 = arith.addf %dot_general3A_18, %add3A_22 : vector<512x1xf32>
    %neg3A = arith.constant 0.000000e+00 : f32
    %neg3A_24 = vector.broadcast %neg3A : f32 to vector<512x1xf32>
    %neg3A_25 = arith.subf %neg3A_24, %add3A_23 : vector<512x1xf32>
    %exp3A = math.exp %neg3A_25 : vector<512x1xf32>
    %add3A_26 = arith.constant 1.000000e+00 : f32
    %add3A_27 = vector.broadcast %add3A_26 : f32 to vector<512x1xf32>
    %add3A_28 = arith.addf %add3A_27, %exp3A : vector<512x1xf32>
    %div3A = arith.constant 1.000000e+00 : f32
    %div3A_29 = vector.broadcast %div3A : f32 to vector<512x1xf32>
    %div3A_30 = arith.divf %div3A_29, %add3A_28 : vector<512x1xf32>
    %exp3A_31 = math.exp %div3A_30 : vector<512x1xf32>
    %get3A_32 = arith.constant 0 : index
    %get3A_33 = arith.constant 0 : index
    %get3A_34 = vector.load %arg2[%get3A_32, %get3A_33] : memref<512x1xi32, #tpu.memory_space<vmem>>, vector<512x1xi32>
    %iota3A = tpu.iota {dimensions = array<i32: 1>} : vector<512x64xi32>
    %eq3A_35 = vector.broadcast %get3A_34 : vector<512x1xi32> to vector<512x64xi32>
    %eq3A_36 = arith.cmpi eq, %eq3A_35, %iota3A : vector<512x64xi32>
    %convert_element_type3A_37 = arith.extui %eq3A_36 : vector<512x64xi1> to vector<512x64xi32>
    %convert_element_type3A_38 = arith.sitofp %convert_element_type3A_37 : vector<512x64xi32> to vector<512x64xf32>
    %get3A_39 = arith.constant 0 : index
    %get3A_40 = arith.constant 0 : index
    %get3A_41 = vector.load %arg7[%get3A_39, %get3A_40] : memref<64x1xf32, #tpu.memory_space<vmem>>, vector<64x1xf32>
    %dot_general3A_42 = arith.constant dense<0.000000e+00> : vector<64x1xf32>
    %dot_general3A_43 = tpu.matmul %convert_element_type3A_38, %exp3A_31, %dot_general3A_42 {dimension_numbers = #tpu.dot_dimension_numbers<[0], [0], [1], [1], [0, 1, 1, 1], [], []>, transpose_lhs_hint = false} : vector<512x64xf32>, vector<512x1xf32>, vector<64x1xf32> -> vector<64x1xf32>
    %add3A_44 = arith.addf %get3A_41, %dot_general3A_43 : vector<64x1xf32>
    %swap3A = arith.constant 0 : index
    %swap3A_45 = arith.constant 0 : index
    %swap3A_46 = vector.load %arg7[%swap3A, %swap3A_45] : memref<64x1xf32, #tpu.memory_space<vmem>>, vector<64x1xf32>
    tpu.vector_store %arg7[%swap3A, %swap3A_45], %add3A_44 {strides = array<i32>} : memref<64x1xf32, #tpu.memory_space<vmem>>, vector<64x1xf32>,
    %get3A_47 = arith.constant 0 : index
    %get3A_48 = arith.constant 0 : index
    %get3A_49 = vector.load %arg8[%get3A_47, %get3A_48] : memref<64x128xf32, #tpu.memory_space<vmem>>, vector<64x128xf32>
    %mul3A = vector.broadcast %exp3A_31 : vector<512x1xf32> to vector<512x128xf32>
    %mul3A_50 = arith.mulf %mul3A, %max3A_13 : vector<512x128xf32>
    %dot_general3A_51 = arith.constant dense<0.000000e+00> : vector<64x128xf32>
    %dot_general3A_52 = tpu.matmul %convert_element_type3A_38, %mul3A_50, %dot_general3A_51 {dimension_numbers = #tpu.dot_dimension_numbers<[0], [0], [1], [1], [0, 1, 1, 1], [], []>, transpose_lhs_hint = false} : vector<512x64xf32>, vector<512x128xf32>, vector<64x128xf32> -> vector<64x128xf32>
    %add3A_53 = arith.addf %get3A_49, %dot_general3A_52 : vector<64x128xf32>
    %swap3A_54 = arith.constant 0 : index
    %swap3A_55 = arith.constant 0 : index
    %swap3A_56 = vector.load %arg8[%swap3A_54, %swap3A_55] : memref<64x128xf32, #tpu.memory_space<vmem>>, vector<64x128xf32>
    tpu.vector_store %arg8[%swap3A_54, %swap3A_55], %add3A_53 {strides = array<i32>} : memref<64x128xf32, #tpu.memory_space<vmem>>, vector<64x128xf32>,
    %scan3A = arith.constant 0 : i32
    %scan3A_57 = arith.constant 64 : i32
    %scan3A_58 = arith.addi %scan3A, %scan3A_57 : i32
    %scan3A_59 = arith.constant 1 : i32
    scf.for %scan3A_61 = %scan3A to %scan3A_58 step %scan3A_59  : i32 {
      %eq3A_62 = vector.broadcast %scan3A_61 : i32 to vector<512x1xi32>
      %eq3A_63 = arith.cmpi eq, %get3A_34, %eq3A_62 : vector<512x1xi32>
      %jit3A = arith.constant -1.000000e+30 : f32
      %broadcast_in_dim3A = vector.shape_cast %eq3A_63 : vector<512x1xi1> to vector<512x1xi1>
      %broadcast_in_dim3A_64 = vector.broadcast %broadcast_in_dim3A : vector<512x1xi1> to vector<512x128xi1>
      %broadcast_in_dim3A_65 = vector.broadcast %jit3A : f32 to vector<512x128xf32>
      %select_n3A = arith.select %broadcast_in_dim3A_64, %max3A_13, %broadcast_in_dim3A_65 : vector<512x128xi1>, vector<512x128xf32>
      %reduce_max3A = arith.constant dense<0xFF800000> : vector<128xf32>
      %reduce_max3A_66 = vector.multi_reduction <maximumf>, %select_n3A, %reduce_max3A [0] : vector<512x128xf32> to vector<128xf32>
      %broadcast_in_dim3A_67 = vector.shape_cast %reduce_max3A_66 : vector<128xf32> to vector<1x128xf32>
      %get3A_68 = arith.index_cast %scan3A_61 : i32 to index
      %get3A_69 = arith.constant 0 : index
      %get3A_70 = vector.load %arg9[%get3A_68, %get3A_69] : memref<64x128xf32, #tpu.memory_space<vmem>>, vector<1x128xf32>
      %max3A_71 = arith.maximumf %get3A_70, %broadcast_in_dim3A_67 : vector<1x128xf32>
      %swap3A_72 = arith.index_cast %scan3A_61 : i32 to index
      %swap3A_73 = arith.constant 0 : index
      %swap3A_74 = vector.load %arg9[%swap3A_72, %swap3A_73] : memref<64x128xf32, #tpu.memory_space<vmem>>, vector<1x128xf32>
      tpu.vector_store %arg9[%swap3A_72, %swap3A_73], %max3A_71 {strides = array<i32>} : memref<64x128xf32, #tpu.memory_space<vmem>>, vector<1x128xf32>,
    }
    %scan3A_60 = arith.constant 64 : i32
    return
  }
  func.func @transform_0(%arg0: i32) -> (i32, i32) {
    %c0_i32 = arith.constant 0 : i32
    %c0_i32_0 = arith.constant 0 : i32
    return %arg0, %c0_i32 : i32, i32
  }
  func.func @transform_1(%arg0: i32) -> (i32, i32) {
    %c0_i32 = arith.constant 0 : i32
    %c0_i32_0 = arith.constant 0 : i32
    return %arg0, %c0_i32 : i32, i32
  }
  func.func @transform_2(%arg0: i32) -> (i32, i32) {
    %c0_i32 = arith.constant 0 : i32
    %c0_i32_0 = arith.constant 0 : i32
    %c0_i32_1 = arith.constant 0 : i32
    return %c0_i32, %c0_i32_0 : i32, i32
  }
  func.func @transform_3(%arg0: i32) -> (i32, i32) {
    %c0_i32 = arith.constant 0 : i32
    %c0_i32_0 = arith.constant 0 : i32
    %c0_i32_1 = arith.constant 0 : i32
    return %c0_i32, %c0_i32_0 : i32, i32
  }
  func.func @transform_4(%arg0: i32) -> (i32, i32) {
    %c0_i32 = arith.constant 0 : i32
    %c0_i32_0 = arith.constant 0 : i32
    %c0_i32_1 = arith.constant 0 : i32
    return %c0_i32, %c0_i32_0 : i32, i32
  }
  func.func @transform_5(%arg0: i32) -> (i32, i32) {
    %c0_i32 = arith.constant 0 : i32
    %c0_i32_0 = arith.constant 0 : i32
    %c0_i32_1 = arith.constant 0 : i32
    return %c0_i32, %c0_i32_0 : i32, i32
  }
  func.func @transform_6(%arg0: i32) -> (i32, i32) {
    %c0_i32 = arith.constant 0 : i32
    %c0_i32_0 = arith.constant 0 : i32
    %c0_i32_1 = arith.constant 0 : i32
    return %c0_i32, %c0_i32_0 : i32, i32
  }
  func.func @transform_7(%arg0: i32) -> (i32, i32) {
    %c0_i32 = arith.constant 0 : i32
    %c0_i32_0 = arith.constant 0 : i32
    %c0_i32_1 = arith.constant 0 : i32
    return %c0_i32, %c0_i32_0 : i32, i32
  }
  func.func @transform_8(%arg0: i32) -> (i32, i32) {
    %c0_i32 = arith.constant 0 : i32
    %c0_i32_0 = arith.constant 0 : i32
    %c0_i32_1 = arith.constant 0 : i32
    return %c0_i32, %c0_i32_0 : i32, i32
  }
}

module attributes {stable_mosaic.version = 14 : i64} {
  func.func @_head_body(%arg0: memref<64x1xf32, #tpu.memory_space<vmem>>, %arg1: memref<64x128xf32, #tpu.memory_space<vmem>>, %arg2: memref<64x128xf32, #tpu.memory_space<vmem>>, %arg3: memref<128x128xf32, #tpu.memory_space<vmem>>, %arg4: memref<128x128xf32, #tpu.memory_space<vmem>>, %arg5: memref<1x128xf32, #tpu.memory_space<vmem>>, %arg6: memref<128x64xf32, #tpu.memory_space<vmem>>, %arg7: memref<1x64xf32, #tpu.memory_space<vmem>>, %arg8: memref<64x10xf32, #tpu.memory_space<vmem>>, %arg9: memref<1x10xf32, #tpu.memory_space<vmem>>, %arg10: memref<64x10xf32, #tpu.memory_space<vmem>>) attributes {dimension_semantics = [], scalar_prefetch = 0 : i64, scratch_operands = 0 : i64, tpu.core_type = #tpu.core_type<tc>} {
    %get3A = arith.constant 0 : index
    %get3A_0 = arith.constant 0 : index
    %get3A_1 = vector.load %arg1[%get3A, %get3A_0] : memref<64x128xf32, #tpu.memory_space<vmem>>, vector<64x128xf32>
    %get3A_2 = arith.constant 0 : index
    %get3A_3 = arith.constant 0 : index
    %get3A_4 = vector.load %arg0[%get3A_2, %get3A_3] : memref<64x1xf32, #tpu.memory_space<vmem>>, vector<64x1xf32>
    %add3A = arith.constant 1.000000e-16 : f32
    %add3A_5 = vector.broadcast %add3A : f32 to vector<64x1xf32>
    %add3A_6 = arith.addf %get3A_4, %add3A_5 : vector<64x1xf32>
    %div3A = vector.broadcast %add3A_6 : vector<64x1xf32> to vector<64x128xf32>
    %div3A_7 = arith.divf %get3A_1, %div3A : vector<64x128xf32>
    %get3A_8 = arith.constant 0 : index
    %get3A_9 = arith.constant 0 : index
    %get3A_10 = vector.load %arg2[%get3A_8, %get3A_9] : memref<64x128xf32, #tpu.memory_space<vmem>>, vector<64x128xf32>
    %get3A_11 = arith.constant 0 : index
    %get3A_12 = arith.constant 0 : index
    %get3A_13 = vector.load %arg3[%get3A_11, %get3A_12] : memref<128x128xf32, #tpu.memory_space<vmem>>, vector<128x128xf32>
    %dot_general3A = arith.constant dense<0.000000e+00> : vector<64x128xf32>
    %dot_general3A_14 = tpu.matmul %get3A_10, %get3A_13, %dot_general3A {dimension_numbers = #tpu.dot_dimension_numbers<[1], [0], [0], [1], [0, 0, 1, 1], [], []>, transpose_lhs_hint = false} : vector<64x128xf32>, vector<128x128xf32>, vector<64x128xf32> -> vector<64x128xf32>
    %get3A_15 = arith.constant 0 : index
    %get3A_16 = arith.constant 0 : index
    %get3A_17 = vector.load %arg4[%get3A_15, %get3A_16] : memref<128x128xf32, #tpu.memory_space<vmem>>, vector<128x128xf32>
    %dot_general3A_18 = arith.constant dense<0.000000e+00> : vector<64x128xf32>
    %dot_general3A_19 = tpu.matmul %div3A_7, %get3A_17, %dot_general3A_18 {dimension_numbers = #tpu.dot_dimension_numbers<[1], [0], [0], [1], [0, 0, 1, 1], [], []>, transpose_lhs_hint = false} : vector<64x128xf32>, vector<128x128xf32>, vector<64x128xf32> -> vector<64x128xf32>
    %add3A_20 = arith.addf %dot_general3A_14, %dot_general3A_19 : vector<64x128xf32>
    %get3A_21 = arith.constant 0 : index
    %get3A_22 = arith.constant 0 : index
    %get3A_23 = vector.load %arg5[%get3A_21, %get3A_22] : memref<1x128xf32, #tpu.memory_space<vmem>>, vector<1x128xf32>
    %add3A_24 = vector.broadcast %get3A_23 : vector<1x128xf32> to vector<64x128xf32>
    %add3A_25 = arith.addf %add3A_20, %add3A_24 : vector<64x128xf32>
    %max3A = arith.constant 0.000000e+00 : f32
    %max3A_26 = vector.broadcast %max3A : f32 to vector<64x128xf32>
    %max3A_27 = arith.maximumf %add3A_25, %max3A_26 : vector<64x128xf32>
    %get3A_28 = arith.constant 0 : index
    %get3A_29 = arith.constant 0 : index
    %get3A_30 = vector.load %arg6[%get3A_28, %get3A_29] : memref<128x64xf32, #tpu.memory_space<vmem>>, vector<128x64xf32>
    %dot_general3A_31 = arith.constant dense<0.000000e+00> : vector<64x64xf32>
    %dot_general3A_32 = tpu.matmul %max3A_27, %get3A_30, %dot_general3A_31 {dimension_numbers = #tpu.dot_dimension_numbers<[1], [0], [0], [1], [0, 0, 1, 1], [], []>, transpose_lhs_hint = false} : vector<64x128xf32>, vector<128x64xf32>, vector<64x64xf32> -> vector<64x64xf32>
    %get3A_33 = arith.constant 0 : index
    %get3A_34 = arith.constant 0 : index
    %get3A_35 = vector.load %arg7[%get3A_33, %get3A_34] : memref<1x64xf32, #tpu.memory_space<vmem>>, vector<1x64xf32>
    %add3A_36 = vector.broadcast %get3A_35 : vector<1x64xf32> to vector<64x64xf32>
    %add3A_37 = arith.addf %dot_general3A_32, %add3A_36 : vector<64x64xf32>
    %max3A_38 = arith.constant 0.000000e+00 : f32
    %max3A_39 = vector.broadcast %max3A_38 : f32 to vector<64x64xf32>
    %max3A_40 = arith.maximumf %add3A_37, %max3A_39 : vector<64x64xf32>
    %get3A_41 = arith.constant 0 : index
    %get3A_42 = arith.constant 0 : index
    %get3A_43 = vector.load %arg8[%get3A_41, %get3A_42] : memref<64x10xf32, #tpu.memory_space<vmem>>, vector<64x10xf32>
    %dot_general3A_44 = arith.constant dense<0.000000e+00> : vector<64x10xf32>
    %dot_general3A_45 = tpu.matmul %max3A_40, %get3A_43, %dot_general3A_44 {dimension_numbers = #tpu.dot_dimension_numbers<[1], [0], [0], [1], [0, 0, 1, 1], [], []>, transpose_lhs_hint = false} : vector<64x64xf32>, vector<64x10xf32>, vector<64x10xf32> -> vector<64x10xf32>
    %get3A_46 = arith.constant 0 : index
    %get3A_47 = arith.constant 0 : index
    %get3A_48 = vector.load %arg9[%get3A_46, %get3A_47] : memref<1x10xf32, #tpu.memory_space<vmem>>, vector<1x10xf32>
    %add3A_49 = vector.broadcast %get3A_48 : vector<1x10xf32> to vector<64x10xf32>
    %add3A_50 = arith.addf %dot_general3A_45, %add3A_49 : vector<64x10xf32>
    %reduce_max3A = arith.constant dense<0xFF800000> : vector<64xf32>
    %reduce_max3A_51 = vector.multi_reduction <maximumf>, %add3A_50, %reduce_max3A [1] : vector<64x10xf32> to vector<64xf32>
    %broadcast_in_dim3A = vector.shape_cast %reduce_max3A_51 : vector<64xf32> to vector<64x1xf32>
    %sub3A = vector.broadcast %broadcast_in_dim3A : vector<64x1xf32> to vector<64x10xf32>
    %sub3A_52 = arith.subf %add3A_50, %sub3A : vector<64x10xf32>
    %exp3A = math.exp %sub3A_52 : vector<64x10xf32>
    %sub3A_53 = vector.broadcast %broadcast_in_dim3A : vector<64x1xf32> to vector<64x10xf32>
    %sub3A_54 = arith.subf %add3A_50, %sub3A_53 : vector<64x10xf32>
    %reduce_sum3A = arith.constant dense<0.000000e+00> : vector<64xf32>
    %reduce_sum3A_55 = vector.multi_reduction <add>, %exp3A, %reduce_sum3A [1] : vector<64x10xf32> to vector<64xf32>
    %broadcast_in_dim3A_56 = vector.shape_cast %reduce_sum3A_55 : vector<64xf32> to vector<64x1xf32>
    %log3A = math.log %broadcast_in_dim3A_56 : vector<64x1xf32>
    %sub3A_57 = vector.broadcast %log3A : vector<64x1xf32> to vector<64x10xf32>
    %sub3A_58 = arith.subf %sub3A_54, %sub3A_57 : vector<64x10xf32>
    %swap3A = arith.constant 0 : index
    %swap3A_59 = arith.constant 0 : index
    %swap3A_60 = vector.load %arg10[%swap3A, %swap3A_59] : memref<64x10xf32, #tpu.memory_space<vmem>>, vector<64x10xf32>
    tpu.vector_store %arg10[%swap3A, %swap3A_59], %sub3A_58 {strides = array<i32>} : memref<64x10xf32, #tpu.memory_space<vmem>>, vector<64x10xf32>,
    return
  }
}

</mosaic_0001>

<sc_bundles>
// kernel: _run.12.cloned.1.call-start
scs
__scs_entry_jumppad:
0x0: {  	(pc) =	sbr.rel $0x88, $3  }
0x1: {  	(tag) =	ssettag $0x0;
	lr =	simm.s32 $0x1  }
0x2: {  	[smem:$0x3F94] =	sst lr;
	_ =	strace $0xD0000000  }
0x3: {  	_ = 	snop  }
0x4: {  	_ = 	snop  }
0x5: {  	_ = 	snop  }
0x6: {  	_ = 	snop  }
0x7: {  	_ = 	snop  }
__scs_overlays_trampoline_lowered:
0x8: {  	[smem:$0x3FA3] =	sst s0  }
0x9: {  	[smem:$0x3FA4] =	sst s1  }
0xa: {  	[smem:$0x3FA5] =	sst s2  }
0xb: {  	[smem:$0x3FA6] =	sst s3  }
0xc: {  	[smem:$0x3FA7] =	sst s4  }
0xd: {  	[smem:$0x3FA8] =	sst s5  }
0xe: {  	[smem:$0x3FA9] =	sst s6  }
0xf: {  	[smem:$0x3FAA] =	sst s7  }
0x10: {  	[smem:$0x3FAB] =	sst s8  }
0x11: {  	[smem:$0x3FAC] =	sst s9;
	s0 =	simm.s32 @!p0 $0x0  }
0x12: {  	s1 =	sld [smem:$0x3F92];
	s0 =	simm.s32 @p0 $0x1  }
0x13: {  	[smem:$0x3FAD] =	sst s0;
	s0 =	simm.s32 @!p1 $0x0  }
0x14: {  	s2 =	sld [smem:$0x3F91];
	s0 =	simm.s32 @p1 $0x1  }
0x15: {  	[smem:$0x3FAE] =	sst s0;
	s0 =	simm.s32 @!p2 $0x0  }
0x16: {  	s3 =	sld [smem:$0x3FDB];
	s0 =	simm.s32 @p2 $0x1  }
0x17: {  	s4 =	simm.s32 $0x1BF5;
	[smem:$0x3FB0] =	sst s0  }
0x18: {  	s0 =	sld [smem:$0x3F93];
	_ =	swait.ge [sflag:s4], $0x0  }
0x19: {  	s7 =	sld [smem:$0x3F94]  }
0x1a: {  	s8 =	sadd.s32 $0xFFFFE003, lr  }
0x1b: {  	s9 =	sadd.s32 $0xFFFFFEF7, lr;
	s5 =	simm.s32 $0xFFFFFFFF;
	p2 =	slt.u32 s8, $0xFFFFF086  }
0x1c: {  	p1 =	slt.u32 s9, $0xF7A;
	s5 =	simm.s32 @!p2 $0x0  }
0x1d: {  	s5 =	simm.s32 @p1 $0x1;
	p0 =	seq.s32 s7, s2  }
0x1e: {  	s7 =	smul.u32 @!p0 $0xF7A, s2;
	p2 =	seq.s32 @!p0 s5, $0x0  }
0x1f: {  	s9 =	smul.u32 $0xF7A, s1;
	s8 =	simm.s32 @!p0 $0x1BF5;
	p2 =	por !p2, p0  }
0x20: {  	[sflag:s8] =	ssyncset.s32 @!p0 $0xFFFFF086;
	s6 =	sadd.s32 @!p0 s3, s7;
	s7 =	simm.s32 @!p0 $0x108  }
0x21: {  	s3 =	sadd.s32 s3, s9;
	s6 =	sadd.s32 @!p0 $0x88, s6;
	s7 =	simm.s32 @p2 $0x1082  }
0x22: {  	[simem:s7], [sflag:s8] =	dma.local @!p0 [hbm:s6], $0xF7A  }
0x23: {  	s9 =	sor.u32 $0xD0000000, s2;
	s6 =	simm.s32 $0x108;
	_ =	swait.ge @!p0 [sflag:s8], $0x0  }
0x24: {  	s3 =	sadd.s32 $0x88, s3;
	s6 =	simm.s32 @!p1 $0x1082;
	[sflag:s4] =	ssyncset.s32 $0xFFFFF086  }
0x25: {  	[simem:s6], [sflag:s4] =	dma.local [hbm:s3], $0xF7A  }
0x26: {  	[smem:$0x3F94] =	sst s1;
	(tag) =	ssettag s2;
	_ =	strace s9  }
0x27: {  	s1 =	sld [smem:$0x3FA4]  }
0x28: {  	s2 =	sld [smem:$0x3FA5]  }
0x29: {  	s4 =	sld [smem:$0x3FA7]  }
0x2a: {  	p0 =	seq.s32 s5, $0x0;
	s5 =	sld [smem:$0x3FA8]  }
0x2b: {  	s6 =	sld [smem:$0x3FA9]  }
0x2c: {  	s7 =	sld [smem:$0x3FAA]  }
0x2d: {  	s3 =	simm.s32 $0x108;
	s8 =	sld [smem:$0x3FAB]  }
0x2e: {  	s3 =	simm.s32 @!p0 $0x1082;
	s9 =	sld [smem:$0x3FAC]  }
0x2f: {  	lr =	sadd.s32 s0, s3;
	s0 =	sld [smem:$0x3FA3]  }
0x30: {  	s3 =	sld [smem:$0x3FA6]  }
0x31: {  	[smem:$0x3FAF] =	sst s10  }
0x32: {  	s10 =	sld [smem:$0x3FAD];
	_ =	sdelay $0x3  }
0x33: {  	p0 =	seq.s32 s10, $0x1;
	s10 =	sld [smem:$0x3FAF];
	_ =	sdelay $0x3  }
0x34: {  	[smem:$0x3FAF] =	sst s10  }
0x35: {  	s10 =	sld [smem:$0x3FAE];
	_ =	sdelay $0x3  }
0x36: {  	p1 =	seq.s32 s10, $0x1;
	s10 =	sld [smem:$0x3FAF];
	_ =	sdelay $0x3  }
0x37: {  	[smem:$0x3FAF] =	sst s10  }
0x38: {  	s10 =	sld [smem:$0x3FB0]  }
0x39: {  	_ = 	snop;
	(pc) =	sbr.ind lr, $3  }
0x3a: {  	_ = 	snop  }
0x3b: {  	_ = 	snop  }
0x3c: {  	p2 =	seq.s32 s10, $0x1;
	s10 =	sld [smem:$0x3FAF]  }
0x3d: {  	_ =	shalt  }
0x3e: {  	_ =	shalt  }
0x3f: {  	_ =	shalt  }
0x40: {  	_ =	shalt  }
0x41: {  	_ =	shalt  }
0x42: {  	_ =	shalt  }
0x43: {  	_ =	shalt  }
0x44: {  	_ =	shalt  }
0x45: {  	_ =	shalt  }
0x46: {  	_ =	shalt  }
0x47: {  	_ =	shalt  }
0x48: {  	_ =	shalt  }
0x49: {  	_ =	shalt  }
0x4a: {  	_ =	shalt  }
0x4b: {  	_ =	shalt  }
0x4c: {  	_ =	shalt  }
0x4d: {  	_ =	shalt  }
0x4e: {  	_ =	shalt  }
0x4f: {  	_ =	shalt  }
0x50: {  	_ =	shalt  }
0x51: {  	_ =	shalt  }
0x52: {  	_ =	shalt  }
0x53: {  	_ =	shalt  }
0x54: {  	_ =	shalt  }
0x55: {  	_ =	shalt  }
0x56: {  	_ =	shalt  }
0x57: {  	_ =	shalt  }
0x58: {  	_ =	shalt  }
0x59: {  	_ =	shalt  }
0x5a: {  	_ =	shalt  }
0x5b: {  	_ =	shalt  }
0x5c: {  	_ =	shalt  }
0x5d: {  	_ =	shalt  }
0x5e: {  	_ =	shalt  }
0x5f: {  	_ =	shalt  }
0x60: {  	_ =	shalt  }
0x61: {  	_ =	shalt  }
0x62: {  	_ =	shalt  }
0x63: {  	_ =	shalt  }
0x64: {  	_ =	shalt  }
0x65: {  	_ =	shalt  }
0x66: {  	_ =	shalt  }
0x67: {  	_ =	shalt  }
0x68: {  	_ =	shalt  }
0x69: {  	_ =	shalt  }
0x6a: {  	_ =	shalt  }
0x6b: {  	_ =	shalt  }
0x6c: {  	_ =	shalt  }
0x6d: {  	_ =	shalt  }
0x6e: {  	_ =	shalt  }
0x6f: {  	_ =	shalt  }
0x70: {  	_ =	shalt  }
0x71: {  	_ =	shalt  }
0x72: {  	_ =	shalt  }
0x73: {  	_ =	shalt  }
0x74: {  	_ =	shalt  }
0x75: {  	_ =	shalt  }
0x76: {  	_ =	shalt  }
0x77: {  	_ =	shalt  }
0x78: {  	_ =	shalt  }
0x79: {  	_ =	shalt  }
0x7a: {  	_ =	shalt  }
0x7b: {  	_ =	shalt  }
0x7c: {  	_ =	shalt  }
0x7d: {  	_ =	shalt  }
0x7e: {  	_ =	shalt  }
0x7f: {  	_ =	shalt  }
0x80: {  	_ =	shalt  }
0x81: {  	_ =	shalt  }
0x82: {  	_ =	shalt  }
0x83: {  	_ =	shalt  }
0x84: {  	_ =	shalt  }
0x85: {  	_ =	shalt  }
0x86: {  	_ =	shalt  }
0x87: {  	_ =	shalt  }
.Lfunc_end0:
.L_simem_size_0:
called_computation_lowered:
.L_overlay_start_0:
0x88: {  	s2 =	sld [smem:$0x3FD9]  }
0x89: {  	s3 =	sld [smem:$0x3FFE];
	_ =	sdelay $0x1  }
0x8a: {  	s1 =	srdreg.scid  }
0x8b: {  	s0 =	sand.u32 $0x1, s1  }
0x8c: {  	s16 =	sshll.u32 s0, $0xA;
	s2 =	sadd.s32 s3, s2  }
0x8d: {  	s2 =	sadd.s32 s2, s16  }
0x8e: {  	[smem:$0x3FBB] =	sst s2  }
0x8f: {  	_ = 	snop  }
0x90: {  	(tm) =	ssettm $0x1  }
0x91: {  	s17 =	sld [smem:$0x3FFB];
	_ =	sdelay $0x3  }
0x92: {  	_ =	strace s17  }
0x93: {  	s2 =	sld [smem:$0x3FFC];
	_ =	sdelay $0x3  }
0x94: {  	_ =	strace s2  }
0x95: {  	s2 =	sld [smem:$0x3FFD];
	_ =	sdelay $0x3  }
0x96: {  	_ =	strace s2  }
0x97: {  	_ =	strace $0x8FFFFFFF  }
0x98: {  	s18 =	sld [smem:$0x3FDB];
	_ =	sdelay $0x1  }
0x99: {  	s19 =	simm.s32 $_scs_section_size  }
0x9a: {  	s4 =	simm.s32 $_size__tile_overlayer_lowered;
	s5 =	simm.s32 $_tile_overlayer_lowered  }
0x9b: {  	s22 =	simm.s32 $0x1BFF;
	s21 =	sshll.u32 s5, $0x1;
	s2 =	sadd.s32 s19, s18  }
0x9c: {  	s6 =	simm.s32 $0x0;
	s20 =	sshll.u32 s4, $0x1;
	s4 =	sadd.s32 s21, s2  }
0x9d: {  	[timem:s6], [sflag:s22] =	dma.local [hbm:s4], s20  }
0x9e: {  	_ =	swait.ge [sflag:s22], s20  }
0x9f: {  	s3 =	ssub.s32 $0x0, s20;
	[sflag:s22] =	ssyncset.done $0x0  }
0xa0: {  	[sflag:s22] =	ssyncadd.s32 s3;
	_ =	sdelay $0x1  }
0xa1: {  	s23 =	simm.s32 $0x1B8B  }
0xa2: {  	_ =	swait.ge [sflag:s23], $0x1  }
0xa3: {  	[sflag:s23] =	ssyncset.done $0x0  }
0xa4: {  	s25 =	simm.s32 $0x1B8E;
	s24 =	sld [smem:$0x3FFE];
	[sflag:s23] =	ssyncadd.s32 $0xFFFFFFFF  }
0xa5: {  	s26 =	simm.s32 $execute0_lowered;
	[smem:$0x3FD2] =	sst s25  }
0xa6: {  	s4 =	sshll.u32 s26, $0x1;
	_ =	strace $0x80000046;
	[dreg:$0x1] =	wrdreg $0xFFFFFFFF  }
0xa7: {  	s28 =	simm.s32 $_size_execute0_lowered;
	s2 =	sadd.s32 s2, s4;
	[dreg:$0x0] =	wrdreg $0x0  }
0xa8: {  	s4 =	sshll.u32 s28, $0x1;
	[dreg:$0x2] =	wrdreg s2  }
0xa9: {  	[dreg:$0x3] =	wrdreg s4  }
0xaa: {  	[dreg:$0x4] =	wrdreg $0xC0  }
0xab: {  	_ =	task [dreg:s6], $0x5FFFF  }
0xac: {  	[dreg:$0x1] =	wrdreg $0xFFFFFFFF  }
0xad: {  	[dreg:$0x0] =	wrdreg $0x60  }
0xae: {  	[dreg:$0x2] =	wrdreg s24  }
0xaf: {  	[dreg:$0x3] =	wrdreg $0x68000  }
0xb0: {  	[dreg:$0x4] =	wrdreg $0x9  }
0xb1: {  	_ =	task.clear_ibuf [dreg:s6], $0x5FFFF;
	_ =	strace $0x90000046  }
0xb2: {  	s29 =	simm.s32 $0x9;
	_ =	strace $0x80000048  }
0xb3: {  	_ =	swait.ge [sflag:s29], $0x1  }
0xb4: {  	[sflag:s29] =	ssyncadd.s32 $0xFFFFFFFF  }
0xb5: {  	_ =	strace $0x90000048  }
0xb6: {  	_ =	sfence  }
0xb7: {  	s30 =	sld [smem:$0x0];
	_ =	sdelay $0x2  }
0xb8: {  	s31 =	sshll.u32 s1, $0xD;
	s1 =	sshrl.u32 s1, $0x2  }
0xb9: {  	s3 =	sand.u32 $0x4000, s31;
	s1 =	sadd.s32 s1, s30  }
0xba: {  	s0 =	sor.u32 s3, s0;
	s1 =	sshll.u32 s1, $0x11  }
0xbb: {  	s0 =	sor.u32 s1, s0  }
0xbc: {  	s0 =	sadd.s32 $0x8F2B, s0  }
0xbd: {  	[sflag:s0] =	ssyncadd.remote.s32 $0x1  }
0xbe: {  	_ =	sfence.sel $0xFFFF  }
0xbf: {  	[dreg:$0x0] =	wrdreg $0xFFFFFFFF;
	(pc) =	sbr.abs _section_cstart, $3  }
0xc0: {  	[dreg:$0x1] =	wrdreg $0xFFFFFFFF  }
0xc1: {  	_ =	task.clear_ibuf [dreg:s6], $0x2FFFF;
	_ =	strace $0x9FFFFFFF  }
0xc2: {  	(tm) =	ssettm $0x7FFFFFFF  }
0xc3: {  	_ =	shalt  }
tec
execute0_lowered:
.L_overlay_start_1:
0x0: {  	(tag) =	ssettag $0x1  }
0x1: {  	s1 =	srdreg.scid;
	s5 =	rddreg [dreg:$0x0]  }
0x2: {  	s0 =	stileid.u32;
	s2 =	rddreg [dreg:$0x1];
	s3 =	simm.s32 $0x0  }
0x3: {  	s13 =	simm.s32 $0x80;
	s14 =	simm.s32 $0x0;
	s6 =	sand.u32 $0x1, s1  }
0x4: {  	s28 =	sshll.u32 s0, $0x1;
	s1 =	rddreg [dreg:$0x2];
	s7 =	smul.u32 $0x14000, s0  }
0x5: {  	[smem:$0x7FF] =	sst s3;
	s29 =	smul.u32 $0x50000, s0;
	s31 =	sshll.u32 s0, $0x6  }
0x6: {  	s4 =	sor.u32 s6, s28;
	_ =	strace $0x80000047;
	s8 =	smul.u32 $0x140000, s6  }
0x7: {  	s6 =	ssub.s32 $0x2, s6;
	s4 =	smul.u32 $0x500, s4;
	s10 =	sshrl.u32 s7, $0x3  }
0x8: {  	s11 =	sshrl.u32 s6, $0x1;
	s30 =	sshrl.u32 s29, $0x2;
	s7 =	sadd.s32 s7, s8  }
0x9: {  	s10 =	sadd.s32 s10, s5;
	s11 =	ssub.s32 s6, s11;
	s12 =	sadd.s32 s30, s2  }
0xa: {  	s9 =	sadd.s32 s4, s5;
	s4 =	sadd.s32 $0x41600, s5;
	s7 =	sshrl.u32 s7, $0x3  }
0xb: {  	s6 =	sadd.s32 $0x19600, s10;
	s8 =	smax.u32 s11, $0x1;
	s10 =	simm.s32 $0x2800  }
0xc: {  	s11 =	sor.u32 $0x1C01, s31;
	s12 =	sshrl.u32 s12, $0x3;
	s7 =	sadd.s32 s7, s5  }
0xd: {  	s5 =	sadd.s32 $0xF600, s9;
	s9 =	simm.s32 $0x1;
	s7 =	sadd.s32 $0x41E00, s7  }
.LBB2_1:
0xe: {  	[tilespmem:s3], [sflag:$0x1] =	stream.linear.gather [hbm4b:s5+s3], $0x2800, $0x38;
	[tilespmem:$0x1A800] =	vst v63  }
0xf: {  	_ =	swait.ge [sflag:s9], $0x2800  }
0x10: {  	[sflag:s9] =	ssyncset.done $0x0  }
0x11: {  	[sflag:s9] =	ssyncadd.s32 $0xFFFFD800  }
0x12: {  	[tilespmem:s10], [sflag:$0x1] =	stream.linear.gather [hbm4b:s4+s3], $0x4000, $0x38;
	[tilespmem:$0x1A800] =	vst v63  }
0x13: {  	_ =	swait.ge [sflag:s9], $0x4000  }
0x14: {  	[sflag:s9] =	ssyncset.done $0x0  }
0x15: {  	[sflag:s9] =	ssyncadd.s32 $0xFFFFC000  }
0x16: {  	[spmem:s12], [sflag:s11] =	dma.local [hbm:s6], $0x2800  }
0x17: {  	_ =	swait.ge [sflag:s9], $0x2800  }
0x18: {  	[sflag:s9] =	ssyncset.done $0x0  }
0x19: {  	[sflag:s9] =	ssyncadd.s32 $0xFFFFD800  }
0x1a: {  	s15 =	simm.s32 $0x0;
	[bflag:$0x0] =	sbarrier.arrive $0xFFFF  }
0x1b: {  	[spmem:s2] =	stream.indirect.scatter.add.f32 [tilespmem:s10], [sflag:$0x1], $0x80, s15, s13, $0xb8;
	[tilespmem:$0x1A800] =	vst v63  }
0x1c: {  	_ =	swait.ge [sflag:s9], $0x4000  }
0x1d: {  	s15 =	simm.s32 $0x200;
	[sflag:s9] =	ssyncset.done $0x0  }
.LBB2_2:
0x1e: {  	s16 =	sshra.s32 s15, $0x2;
	[sflag:s9] =	ssyncadd.s32 $0xFFFFC000;
	p0 =	sne.s32 s15, $0x9E00  }
0x1f: {  	[spmem:s2] =	stream.indirect.scatter.add.f32 [tilespmem:s10], [sflag:$0x1], $0x80, s16, s13, $0xb8;
	[tilespmem:$0x1A800] =	vst v63  }
.Ltmp0:
0x20: {  	_ = 	snop;
	(pc) =	sbr.rel @p0 .LBB2_2-.Ltmp0, $4  }
0x21: {  	_ = 	snop  }
0x22: {  	s15 =	sadd.s32 $0x200, s15  }
0x23: {  	_ =	swait.ge [sflag:s9], $0x4000  }
0x24: {  	[sflag:s9] =	ssyncset.done $0x0  }
0x25: {  	s14 =	sadd.s32 $0x1, s14  }
0x26: {  	[sflag:s9] =	ssyncadd.s32 $0xFFFFC000;
	p0 =	sne.s32 s14, s8  }
.Ltmp1:
0x27: {  	[bflag:$0x0] =	sbarrier.arrive $0xFFFF;
	(pc) =	sbr.rel @p0 .LBB2_1-.Ltmp1, $4  }
0x28: {  	[hbm:s7], [sflag:s11] =	dma.local [spmem:s12], $0x2800  }
0x29: {  	_ =	swait.ge [sflag:s9], $0x2800  }
0x2a: {  	[sflag:s9] =	ssyncset.done $0x0  }
0x2b: {  	[sflag:s9] =	ssyncadd.s32 $0xFFFFD800  }
0x2c: {  	_ =	sfence.sel $0x180000  }
0x2d: {  	[bflag:$0x0] =	sbarrier.arrive $0xFFFF  }
0x2e: {  	p0 =	sne.s32 s0, $0x0;
	_ =	strace $0x90000047  }
0x2f: {  	s0 =	sadd.s32 @!p0 $0x100000, s1;
	[bflag:$0x2] =	sbarrier.arrive $0xFFFF  }
0x30: {  	[sflag:s0] =	ssyncadd.tile.s32 @!p0 $0x1;
	_ =	shalt  }
.Lfunc_end2:
_tile_overlayer_lowered:
.L_overlay_start_2:
0x31: {  	(tag) =	ssettag $0x2  }
0x32: {  	s0 =	rddreg [dreg:$0x0];
	s2 =	stileid.u32  }
0x33: {  	s1 =	rddreg [dreg:$0x1];
	p0 =	sne.s32 s2, $0x0  }
0x34: {  	s3 =	rddreg [dreg:$0x2];
	[bflag:$0x3] =	sbarrier.arrive $0xFFFF;
	s2 =	simm.s32 @!p0 $0x1C01  }
0x35: {  	[timem:s3], [sflag:s2] =	dma.local @!p0 [hbm:s0], s1  }
0x36: {  	s0 =	simm.s32 @!p0 $0x1  }
0x37: {  	_ =	swait.ge @!p0 [sflag:s0], s1  }
0x38: {  	s1 =	ssub.s32 @!p0 $0x0, s1;
	[sflag:s0] =	ssyncset.done @!p0 $0x0  }
0x39: {  	[sflag:s0] =	ssyncadd.s32 @!p0 s1  }
0x3a: {  	[bflag:$0x3] =	sbarrier.arrive $0xFFFF  }
0x3b: {  	_ =	shalt  }

// kernel: _run.15.cloned.1.call-start
scs
__scs_entry_jumppad:
0x0: {  	(pc) =	sbr.rel $0x88, $3  }
0x1: {  	(tag) =	ssettag $0x0;
	lr =	simm.s32 $0x1  }
0x2: {  	[smem:$0x3F94] =	sst lr;
	_ =	strace $0xD0000000  }
0x3: {  	_ = 	snop  }
0x4: {  	_ = 	snop  }
0x5: {  	_ = 	snop  }
0x6: {  	_ = 	snop  }
0x7: {  	_ = 	snop  }
__scs_overlays_trampoline_lowered:
0x8: {  	[smem:$0x3FA3] =	sst s0  }
0x9: {  	[smem:$0x3FA4] =	sst s1  }
0xa: {  	[smem:$0x3FA5] =	sst s2  }
0xb: {  	[smem:$0x3FA6] =	sst s3  }
0xc: {  	[smem:$0x3FA7] =	sst s4  }
0xd: {  	[smem:$0x3FA8] =	sst s5  }
0xe: {  	[smem:$0x3FA9] =	sst s6  }
0xf: {  	[smem:$0x3FAA] =	sst s7  }
0x10: {  	[smem:$0x3FAB] =	sst s8  }
0x11: {  	[smem:$0x3FAC] =	sst s9;
	s0 =	simm.s32 @!p0 $0x0  }
0x12: {  	s1 =	sld [smem:$0x3F92];
	s0 =	simm.s32 @p0 $0x1  }
0x13: {  	[smem:$0x3FAD] =	sst s0;
	s0 =	simm.s32 @!p1 $0x0  }
0x14: {  	s2 =	sld [smem:$0x3F91];
	s0 =	simm.s32 @p1 $0x1  }
0x15: {  	[smem:$0x3FAE] =	sst s0;
	s0 =	simm.s32 @!p2 $0x0  }
0x16: {  	s3 =	sld [smem:$0x3FDB];
	s0 =	simm.s32 @p2 $0x1  }
0x17: {  	s4 =	simm.s32 $0x1BF5;
	[smem:$0x3FB0] =	sst s0  }
0x18: {  	s0 =	sld [smem:$0x3F93];
	_ =	swait.ge [sflag:s4], $0x0  }
0x19: {  	s7 =	sld [smem:$0x3F94]  }
0x1a: {  	s8 =	sadd.s32 $0xFFFFE003, lr  }
0x1b: {  	s9 =	sadd.s32 $0xFFFFFEF7, lr;
	s5 =	simm.s32 $0xFFFFFFFF;
	p2 =	slt.u32 s8, $0xFFFFF086  }
0x1c: {  	p1 =	slt.u32 s9, $0xF7A;
	s5 =	simm.s32 @!p2 $0x0  }
0x1d: {  	s5 =	simm.s32 @p1 $0x1;
	p0 =	seq.s32 s7, s2  }
0x1e: {  	s7 =	smul.u32 @!p0 $0xF7A, s2;
	p2 =	seq.s32 @!p0 s5, $0x0  }
0x1f: {  	s9 =	smul.u32 $0xF7A, s1;
	s8 =	simm.s32 @!p0 $0x1BF5;
	p2 =	por !p2, p0  }
0x20: {  	[sflag:s8] =	ssyncset.s32 @!p0 $0xFFFFF086;
	s6 =	sadd.s32 @!p0 s3, s7;
	s7 =	simm.s32 @!p0 $0x108  }
0x21: {  	s3 =	sadd.s32 s3, s9;
	s6 =	sadd.s32 @!p0 $0x88, s6;
	s7 =	simm.s32 @p2 $0x1082  }
0x22: {  	[simem:s7], [sflag:s8] =	dma.local @!p0 [hbm:s6], $0xF7A  }
0x23: {  	s9 =	sor.u32 $0xD0000000, s2;
	s6 =	simm.s32 $0x108;
	_ =	swait.ge @!p0 [sflag:s8], $0x0  }
0x24: {  	s3 =	sadd.s32 $0x88, s3;
	s6 =	simm.s32 @!p1 $0x1082;
	[sflag:s4] =	ssyncset.s32 $0xFFFFF086  }
0x25: {  	[simem:s6], [sflag:s4] =	dma.local [hbm:s3], $0xF7A  }
0x26: {  	[smem:$0x3F94] =	sst s1;
	(tag) =	ssettag s2;
	_ =	strace s9  }
0x27: {  	s1 =	sld [smem:$0x3FA4]  }
0x28: {  	s2 =	sld [smem:$0x3FA5]  }
0x29: {  	s4 =	sld [smem:$0x3FA7]  }
0x2a: {  	p0 =	seq.s32 s5, $0x0;
	s5 =	sld [smem:$0x3FA8]  }
0x2b: {  	s6 =	sld [smem:$0x3FA9]  }
0x2c: {  	s7 =	sld [smem:$0x3FAA]  }
0x2d: {  	s3 =	simm.s32 $0x108;
	s8 =	sld [smem:$0x3FAB]  }
0x2e: {  	s3 =	simm.s32 @!p0 $0x1082;
	s9 =	sld [smem:$0x3FAC]  }
0x2f: {  	lr =	sadd.s32 s0, s3;
	s0 =	sld [smem:$0x3FA3]  }
0x30: {  	s3 =	sld [smem:$0x3FA6]  }
0x31: {  	[smem:$0x3FAF] =	sst s10  }
0x32: {  	s10 =	sld [smem:$0x3FAD];
	_ =	sdelay $0x3  }
0x33: {  	p0 =	seq.s32 s10, $0x1;
	s10 =	sld [smem:$0x3FAF];
	_ =	sdelay $0x3  }
0x34: {  	[smem:$0x3FAF] =	sst s10  }
0x35: {  	s10 =	sld [smem:$0x3FAE];
	_ =	sdelay $0x3  }
0x36: {  	p1 =	seq.s32 s10, $0x1;
	s10 =	sld [smem:$0x3FAF];
	_ =	sdelay $0x3  }
0x37: {  	[smem:$0x3FAF] =	sst s10  }
0x38: {  	s10 =	sld [smem:$0x3FB0]  }
0x39: {  	_ = 	snop;
	(pc) =	sbr.ind lr, $3  }
0x3a: {  	_ = 	snop  }
0x3b: {  	_ = 	snop  }
0x3c: {  	p2 =	seq.s32 s10, $0x1;
	s10 =	sld [smem:$0x3FAF]  }
0x3d: {  	_ =	shalt  }
0x3e: {  	_ =	shalt  }
0x3f: {  	_ =	shalt  }
0x40: {  	_ =	shalt  }
0x41: {  	_ =	shalt  }
0x42: {  	_ =	shalt  }
0x43: {  	_ =	shalt  }
0x44: {  	_ =	shalt  }
0x45: {  	_ =	shalt  }
0x46: {  	_ =	shalt  }
0x47: {  	_ =	shalt  }
0x48: {  	_ =	shalt  }
0x49: {  	_ =	shalt  }
0x4a: {  	_ =	shalt  }
0x4b: {  	_ =	shalt  }
0x4c: {  	_ =	shalt  }
0x4d: {  	_ =	shalt  }
0x4e: {  	_ =	shalt  }
0x4f: {  	_ =	shalt  }
0x50: {  	_ =	shalt  }
0x51: {  	_ =	shalt  }
0x52: {  	_ =	shalt  }
0x53: {  	_ =	shalt  }
0x54: {  	_ =	shalt  }
0x55: {  	_ =	shalt  }
0x56: {  	_ =	shalt  }
0x57: {  	_ =	shalt  }
0x58: {  	_ =	shalt  }
0x59: {  	_ =	shalt  }
0x5a: {  	_ =	shalt  }
0x5b: {  	_ =	shalt  }
0x5c: {  	_ =	shalt  }
0x5d: {  	_ =	shalt  }
0x5e: {  	_ =	shalt  }
0x5f: {  	_ =	shalt  }
0x60: {  	_ =	shalt  }
0x61: {  	_ =	shalt  }
0x62: {  	_ =	shalt  }
0x63: {  	_ =	shalt  }
0x64: {  	_ =	shalt  }
0x65: {  	_ =	shalt  }
0x66: {  	_ =	shalt  }
0x67: {  	_ =	shalt  }
0x68: {  	_ =	shalt  }
0x69: {  	_ =	shalt  }
0x6a: {  	_ =	shalt  }
0x6b: {  	_ =	shalt  }
0x6c: {  	_ =	shalt  }
0x6d: {  	_ =	shalt  }
0x6e: {  	_ =	shalt  }
0x6f: {  	_ =	shalt  }
0x70: {  	_ =	shalt  }
0x71: {  	_ =	shalt  }
0x72: {  	_ =	shalt  }
0x73: {  	_ =	shalt  }
0x74: {  	_ =	shalt  }
0x75: {  	_ =	shalt  }
0x76: {  	_ =	shalt  }
0x77: {  	_ =	shalt  }
0x78: {  	_ =	shalt  }
0x79: {  	_ =	shalt  }
0x7a: {  	_ =	shalt  }
0x7b: {  	_ =	shalt  }
0x7c: {  	_ =	shalt  }
0x7d: {  	_ =	shalt  }
0x7e: {  	_ =	shalt  }
0x7f: {  	_ =	shalt  }
0x80: {  	_ =	shalt  }
0x81: {  	_ =	shalt  }
0x82: {  	_ =	shalt  }
0x83: {  	_ =	shalt  }
0x84: {  	_ =	shalt  }
0x85: {  	_ =	shalt  }
0x86: {  	_ =	shalt  }
0x87: {  	_ =	shalt  }
.Lfunc_end0:
.L_simem_size_0:
called_computation.1_lowered:
.L_overlay_start_0:
0x88: {  	s2 =	sld [smem:$0x3FD9]  }
0x89: {  	s3 =	sld [smem:$0x3FFE];
	_ =	sdelay $0x1  }
0x8a: {  	s1 =	srdreg.scid  }
0x8b: {  	s0 =	sand.u32 $0x1, s1  }
0x8c: {  	s16 =	sshll.u32 s0, $0xA;
	s2 =	sadd.s32 s3, s2  }
0x8d: {  	s2 =	sadd.s32 s2, s16  }
0x8e: {  	[smem:$0x3FBB] =	sst s2  }
0x8f: {  	_ = 	snop  }
0x90: {  	(tm) =	ssettm $0x1  }
0x91: {  	s17 =	sld [smem:$0x3FFB];
	_ =	sdelay $0x3  }
0x92: {  	_ =	strace s17  }
0x93: {  	s2 =	sld [smem:$0x3FFC];
	_ =	sdelay $0x3  }
0x94: {  	_ =	strace s2  }
0x95: {  	s2 =	sld [smem:$0x3FFD];
	_ =	sdelay $0x3  }
0x96: {  	_ =	strace s2  }
0x97: {  	_ =	strace $0x8FFFFFFF  }
0x98: {  	s18 =	sld [smem:$0x3FDB];
	_ =	sdelay $0x1  }
0x99: {  	s19 =	simm.s32 $_scs_section_size  }
0x9a: {  	s4 =	simm.s32 $_size__tile_overlayer_lowered;
	s5 =	simm.s32 $_tile_overlayer_lowered  }
0x9b: {  	s22 =	simm.s32 $0x1BFF;
	s21 =	sshll.u32 s5, $0x1;
	s2 =	sadd.s32 s19, s18  }
0x9c: {  	s6 =	simm.s32 $0x0;
	s20 =	sshll.u32 s4, $0x1;
	s4 =	sadd.s32 s21, s2  }
0x9d: {  	[timem:s6], [sflag:s22] =	dma.local [hbm:s4], s20  }
0x9e: {  	_ =	swait.ge [sflag:s22], s20  }
0x9f: {  	s3 =	ssub.s32 $0x0, s20;
	[sflag:s22] =	ssyncset.done $0x0  }
0xa0: {  	[sflag:s22] =	ssyncadd.s32 s3;
	_ =	sdelay $0x1  }
0xa1: {  	s23 =	simm.s32 $0x1B8B  }
0xa2: {  	_ =	swait.ge [sflag:s23], $0x1  }
0xa3: {  	[sflag:s23] =	ssyncset.done $0x0  }
0xa4: {  	s25 =	simm.s32 $0x1B8E;
	s24 =	sld [smem:$0x3FFE];
	[sflag:s23] =	ssyncadd.s32 $0xFFFFFFFF  }
0xa5: {  	s26 =	simm.s32 $execute0_lowered;
	[smem:$0x3FD2] =	sst s25  }
0xa6: {  	s4 =	sshll.u32 s26, $0x1;
	_ =	strace $0x80000049;
	[dreg:$0x1] =	wrdreg $0xFFFFFFFF  }
0xa7: {  	s28 =	simm.s32 $_size_execute0_lowered;
	s2 =	sadd.s32 s2, s4;
	[dreg:$0x0] =	wrdreg $0x0  }
0xa8: {  	s4 =	sshll.u32 s28, $0x1;
	[dreg:$0x2] =	wrdreg s2  }
0xa9: {  	[dreg:$0x3] =	wrdreg s4  }
0xaa: {  	[dreg:$0x4] =	wrdreg $0xC0  }
0xab: {  	_ =	task [dreg:s6], $0x5FFFF  }
0xac: {  	[dreg:$0x1] =	wrdreg $0xFFFFFFFF  }
0xad: {  	[dreg:$0x0] =	wrdreg $0x60  }
0xae: {  	[dreg:$0x2] =	wrdreg s24  }
0xaf: {  	[dreg:$0x3] =	wrdreg $0x90000  }
0xb0: {  	[dreg:$0x4] =	wrdreg $0x9  }
0xb1: {  	_ =	task.clear_ibuf [dreg:s6], $0x5FFFF;
	_ =	strace $0x90000049  }
0xb2: {  	s29 =	simm.s32 $0x9;
	_ =	strace $0x8000004B  }
0xb3: {  	_ =	swait.ge [sflag:s29], $0x1  }
0xb4: {  	[sflag:s29] =	ssyncadd.s32 $0xFFFFFFFF  }
0xb5: {  	_ =	strace $0x9000004B  }
0xb6: {  	_ =	sfence  }
0xb7: {  	s30 =	sld [smem:$0x0];
	_ =	sdelay $0x2  }
0xb8: {  	s31 =	sshll.u32 s1, $0xD;
	s1 =	sshrl.u32 s1, $0x2  }
0xb9: {  	s3 =	sand.u32 $0x4000, s31;
	s1 =	sadd.s32 s1, s30  }
0xba: {  	s0 =	sor.u32 s3, s0;
	s1 =	sshll.u32 s1, $0x11  }
0xbb: {  	s0 =	sor.u32 s1, s0  }
0xbc: {  	s0 =	sadd.s32 $0x8F2B, s0  }
0xbd: {  	[sflag:s0] =	ssyncadd.remote.s32 $0x1  }
0xbe: {  	_ =	sfence.sel $0xFFFF  }
0xbf: {  	[dreg:$0x0] =	wrdreg $0xFFFFFFFF;
	(pc) =	sbr.abs _section_cstart, $3  }
0xc0: {  	[dreg:$0x1] =	wrdreg $0xFFFFFFFF  }
0xc1: {  	_ =	task.clear_ibuf [dreg:s6], $0x2FFFF;
	_ =	strace $0x9FFFFFFF  }
0xc2: {  	(tm) =	ssettm $0x7FFFFFFF  }
0xc3: {  	_ =	shalt  }
tec
execute0_lowered:
.L_overlay_start_1:
0x0: {  	(tag) =	ssettag $0x1  }
0x1: {  	s0 =	srdreg.scid;
	s1 =	rddreg [dreg:$0x0]  }
0x2: {  	s10 =	stileid.u32;
	s2 =	rddreg [dreg:$0x1]  }
0x3: {  	s3 =	simm.s32 $0x0;
	s13 =	simm.s32 $0x100;
	s15 =	simm.s32 $0x880  }
0x4: {  	s17 =	simm.s32 $0x180;
	s18 =	simm.s32 $0x900;
	s19 =	simm.s32 $0x200  }
0x5: {  	s20 =	simm.s32 $0x980;
	s21 =	simm.s32 $0x280;
	[smem:$0x7FF] =	sst s3  }
0x6: {  	s22 =	simm.s32 $0xA00;
	_ =	strace $0x8000004A;
	[dreg:$0x5] =	wrdreg s13  }
0x7: {  	s23 =	simm.s32 $0x300;
	s24 =	simm.s32 $0xA80;
	[dreg:$0x6] =	wrdreg s15  }
0x8: {  	s28 =	simm.s32 $0x680;
	s29 =	simm.s32 $0xE00;
	[dreg:$0x7] =	wrdreg s17  }
0x9: {  	s30 =	simm.s32 $0x700;
	s4 =	smul.u32 $0x5000, s10;
	[dreg:$0x8] =	wrdreg s18  }
0xa: {  	s31 =	simm.s32 $0xE80;
	s25 =	smul.u32 $0x14000, s10;
	[dreg:$0x9] =	wrdreg s19  }
0xb: {  	s0 =	sand.u32 $0x1, s0;
	s9 =	smul.u32 $0x50000, s10;
	[dreg:$0xa] =	wrdreg s20  }
0xc: {  	s16 =	sshll.u32 s10, $0x6;
	s5 =	smul.u32 $0x2800, s0;
	[dreg:$0xb] =	wrdreg s21  }
0xd: {  	s10 =	simm.s32 $0x3;
	s7 =	smul.u32 $0x140000, s0;
	[dreg:$0xc] =	wrdreg s22  }
0xe: {  	s0 =	ssub.s32 $0x2, s0;
	[dreg:$0xd] =	wrdreg s23;
	s13 =	simm.s32 $0x1000  }
0xf: {  	[dreg:$0xe] =	wrdreg s24;
	s15 =	simm.s32 $0x5000;
	s17 =	simm.s32 $0x400  }
0x10: {  	s18 =	simm.s32 $0xB80;
	s19 =	simm.s32 $0x480;
	s20 =	simm.s32 $0xC00  }
0x11: {  	s21 =	simm.s32 $0x500;
	s22 =	simm.s32 $0xC80;
	s23 =	simm.s32 $0x580  }
0x12: {  	s24 =	simm.s32 $0xD00;
	s8 =	sshrl.u32 s25, $0x3;
	s26 =	sshrl.u32 s0, $0x1  }
0x13: {  	s9 =	sshrl.u32 s9, $0x2;
	s4 =	sadd.s32 s5, s4;
	s8 =	sadd.s32 s8, s1  }
0x14: {  	s5 =	sadd.s32 s25, s7;
	s0 =	ssub.s32 s0, s26;
	s12 =	sadd.s32 s9, s2  }
0x15: {  	s25 =	simm.s32 $0x380;
	s26 =	simm.s32 $0xB00;
	s9 =	simm.s32 $0x0  }
0x16: {  	s6 =	sshrl.u32 s4, $0x3;
	s4 =	sadd.s32 $0x41600, s1;
	s5 =	sshrl.u32 s5, $0x3  }
0x17: {  	s14 =	sadd.s32 $0x19600, s8;
	s0 =	smax.u32 s0, $0x1;
	[dreg:$0xf] =	wrdreg s25  }
0x18: {  	s8 =	sshrl.u32 s12, $0x3;
	s12 =	simm.s32 $0x80;
	[dreg:$0x10] =	wrdreg s26  }
0x19: {  	s25 =	simm.s32 $0x600;
	s26 =	simm.s32 $0xD80;
	[dreg:$0x11] =	wrdreg s14  }
0x1a: {  	s6 =	sadd.s32 s6, s1;
	s1 =	sadd.s32 s5, s1;
	[dreg:$0x14] =	wrdreg s0  }
0x1b: {  	s14 =	simm.s32 $0x1;
	[dreg:$0x15] =	wrdreg s8;
	s7 =	sadd.s32 $0xF600, s6  }
0x1c: {  	s0 =	simm.s32 $0xF00;
	s11 =	sadd.s32 $0x5600, s6;
	[dreg:$0x3] =	wrdreg s7  }
0x1d: {  	s5 =	simm.s32 $0xF80;
	s1 =	sadd.s32 $0x91600, s1;
	[dreg:$0x4] =	wrdreg s11  }
0x1e: {  	s7 =	sor.u32 $0x1C03, s16;
	[dreg:$0x13] =	wrdreg s1;
	s11 =	simm.s32 $0x800  }
0x1f: {  	s16 =	simm.s32 $0x2;
	s1 =	simm.s32 $0x780;
	[dreg:$0x12] =	wrdreg s7  }
.LBB2_1:
0x20: {  	[dreg:$0x16] =	wrdreg s9  }
0x21: {  	s6 =	rddreg [dreg:$0x11]  }
0x22: {  	[spmem:s8], [sflag:s7] =	dma.local [hbm:s6], $0x2800  }
0x23: {  	_ =	swait.ge [sflag:s10], $0x2800  }
0x24: {  	[sflag:s10] =	ssyncset.done $0x0  }
0x25: {  	[sflag:s10] =	ssyncadd.s32 $0xFFFFD800  }
0x26: {  	[bflag:$0x0] =	sbarrier.arrive $0xFFFF  }
0x27: {  	s7 =	rddreg [dreg:$0x4]  }
0x28: {  	s6 =	sadd.s32 $0x0, s7  }
0x29: {  	[tilespmem:s3], [sflag:$0x3] =	stream.linear.gather [hbm4b:s6+s3], $0x800, $0x38;
	[tilespmem:$0x1D000] =	vst v63  }
0x2a: {  	_ =	swait.ge [sflag:s10], $0x800  }
0x2b: {  	s8 =	rddreg [dreg:$0x3];
	[sflag:s10] =	ssyncset.done $0x0  }
0x2c: {  	[sflag:s10] =	ssyncadd.s32 $0xFFFFF800;
	s6 =	sadd.s32 $0x0, s8  }
0x2d: {  	[tilespmem:s11], [sflag:$0x3] =	stream.linear.gather [hbm4b:s6+s3], $0x800, $0x38;
	[tilespmem:$0x1D000] =	vst v63  }
0x2e: {  	_ =	swait.ge [sflag:s10], $0x800  }
0x2f: {  	[sflag:s10] =	ssyncset.done $0x0  }
0x30: {  	[sflag:s10] =	ssyncadd.s32 $0xFFFFF800  }
0x31: {  	[tilespmem:s13], [sflag:$0x1] =	stream.indirect.gather [hbm4b:s4+s12], $0x80, s3, s12, $0xb8;
	[tilespmem:$0x1D000] =	vst v63  }
0x32: {  	_ =	swait.ge [sflag:s14], $0x4000  }
0x33: {  	[sflag:s14] =	ssyncset.done $0x0  }
0x34: {  	[sflag:s14] =	ssyncadd.s32 $0xFFFFC000  }
0x35: {  	[tilespmem:s15], [sflag:$0x2] =	stream.indirect.gather [hbm4b:s4+s12], $0x80, s12, s12, $0xb8;
	[tilespmem:$0x1D000] =	vst v63  }
0x36: {  	_ = 	snop  }
0x37: {  	[spmem:s2] =	stream.indirect.scatter.add.f32 [tilespmem:s13], [sflag:$0x3], $0x80, s11, s12, $0xb8;
	[tilespmem:$0x1D000] =	vst v63  }
0x38: {  	_ =	swait.ge [sflag:s10], $0x4000  }
0x39: {  	[sflag:s10] =	ssyncset.done $0x0  }
0x3a: {  	[sflag:s10] =	ssyncadd.s32 $0xFFFFC000  }
0x3b: {  	_ =	swait.ge [sflag:s16], $0x4000  }
0x3c: {  	[sflag:s16] =	ssyncset.done $0x0  }
0x3d: {  	s9 =	rddreg [dreg:$0x5];
	[sflag:s16] =	ssyncadd.s32 $0xFFFFC000  }
0x3e: {  	[tilespmem:s13], [sflag:$0x1] =	stream.indirect.gather [hbm4b:s4+s12], $0x80, s9, s12, $0xb8;
	[tilespmem:$0x1D000] =	vst v63  }
0x3f: {  	s7 =	rddreg [dreg:$0x6]  }
0x40: {  	[spmem:s2] =	stream.indirect.scatter.add.f32 [tilespmem:s15], [sflag:$0x3], $0x80, s7, s12, $0xb8;
	[tilespmem:$0x1D000] =	vst v63  }
0x41: {  	_ =	swait.ge [sflag:s10], $0x4000  }
0x42: {  	[sflag:s10] =	ssyncset.done $0x0  }
0x43: {  	[sflag:s10] =	ssyncadd.s32 $0xFFFFC000  }
0x44: {  	_ =	swait.ge [sflag:s14], $0x4000  }
0x45: {  	[sflag:s14] =	ssyncset.done $0x0  }
0x46: {  	s9 =	rddreg [dreg:$0x7];
	[sflag:s14] =	ssyncadd.s32 $0xFFFFC000  }
0x47: {  	[tilespmem:s15], [sflag:$0x2] =	stream.indirect.gather [hbm4b:s4+s12], $0x80, s9, s12, $0xb8;
	[tilespmem:$0x1D000] =	vst v63  }
0x48: {  	s7 =	rddreg [dreg:$0x8]  }
0x49: {  	[spmem:s2] =	stream.indirect.scatter.add.f32 [tilespmem:s13], [sflag:$0x3], $0x80, s7, s12, $0xb8;
	[tilespmem:$0x1D000] =	vst v63  }
0x4a: {  	_ =	swait.ge [sflag:s10], $0x4000  }
0x4b: {  	[sflag:s10] =	ssyncset.done $0x0  }
0x4c: {  	[sflag:s10] =	ssyncadd.s32 $0xFFFFC000  }
0x4d: {  	_ =	swait.ge [sflag:s16], $0x4000  }
0x4e: {  	[sflag:s16] =	ssyncset.done $0x0  }
0x4f: {  	s9 =	rddreg [dreg:$0x9];
	[sflag:s16] =	ssyncadd.s32 $0xFFFFC000  }
0x50: {  	[tilespmem:s13], [sflag:$0x1] =	stream.indirect.gather [hbm4b:s4+s12], $0x80, s9, s12, $0xb8;
	[tilespmem:$0x1D000] =	vst v63  }
0x51: {  	s7 =	rddreg [dreg:$0xa]  }
0x52: {  	[spmem:s2] =	stream.indirect.scatter.add.f32 [tilespmem:s15], [sflag:$0x3], $0x80, s7, s12, $0xb8;
	[tilespmem:$0x1D000] =	vst v63  }
0x53: {  	_ =	swait.ge [sflag:s10], $0x4000  }
0x54: {  	[sflag:s10] =	ssyncset.done $0x0  }
0x55: {  	[sflag:s10] =	ssyncadd.s32 $0xFFFFC000  }
0x56: {  	_ =	swait.ge [sflag:s14], $0x4000  }
0x57: {  	[sflag:s14] =	ssyncset.done $0x0  }
0x58: {  	s9 =	rddreg [dreg:$0xb];
	[sflag:s14] =	ssyncadd.s32 $0xFFFFC000  }
0x59: {  	[tilespmem:s15], [sflag:$0x2] =	stream.indirect.gather [hbm4b:s4+s12], $0x80, s9, s12, $0xb8;
	[tilespmem:$0x1D000] =	vst v63  }
0x5a: {  	s7 =	rddreg [dreg:$0xc]  }
0x5b: {  	[spmem:s2] =	stream.indirect.scatter.add.f32 [tilespmem:s13], [sflag:$0x3], $0x80, s7, s12, $0xb8;
	[tilespmem:$0x1D000] =	vst v63  }
0x5c: {  	_ =	swait.ge [sflag:s10], $0x4000  }
0x5d: {  	[sflag:s10] =	ssyncset.done $0x0  }
0x5e: {  	[sflag:s10] =	ssyncadd.s32 $0xFFFFC000  }
0x5f: {  	_ =	swait.ge [sflag:s16], $0x4000  }
0x60: {  	[sflag:s16] =	ssyncset.done $0x0  }
0x61: {  	s9 =	rddreg [dreg:$0xd];
	[sflag:s16] =	ssyncadd.s32 $0xFFFFC000  }
0x62: {  	[tilespmem:s13], [sflag:$0x1] =	stream.indirect.gather [hbm4b:s4+s12], $0x80, s9, s12, $0xb8;
	[tilespmem:$0x1D000] =	vst v63  }
0x63: {  	s7 =	rddreg [dreg:$0xe]  }
0x64: {  	[spmem:s2] =	stream.indirect.scatter.add.f32 [tilespmem:s15], [sflag:$0x3], $0x80, s7, s12, $0xb8;
	[tilespmem:$0x1D000] =	vst v63  }
0x65: {  	_ =	swait.ge [sflag:s10], $0x4000  }
0x66: {  	[sflag:s10] =	ssyncset.done $0x0  }
0x67: {  	[sflag:s10] =	ssyncadd.s32 $0xFFFFC000  }
0x68: {  	_ =	swait.ge [sflag:s14], $0x4000  }
0x69: {  	[sflag:s14] =	ssyncset.done $0x0  }
0x6a: {  	s8 =	rddreg [dreg:$0xf];
	[sflag:s14] =	ssyncadd.s32 $0xFFFFC000  }
0x6b: {  	[tilespmem:s15], [sflag:$0x2] =	stream.indirect.gather [hbm4b:s4+s12], $0x80, s8, s12, $0xb8;
	[tilespmem:$0x1D000] =	vst v63  }
0x6c: {  	s9 =	rddreg [dreg:$0x10]  }
0x6d: {  	[spmem:s2] =	stream.indirect.scatter.add.f32 [tilespmem:s13], [sflag:$0x3], $0x80, s9, s12, $0xb8;
	[tilespmem:$0x1D000] =	vst v63  }
0x6e: {  	_ =	swait.ge [sflag:s10], $0x4000  }
0x6f: {  	[sflag:s10] =	ssyncset.done $0x0  }
0x70: {  	[sflag:s10] =	ssyncadd.s32 $0xFFFFC000  }
0x71: {  	_ =	swait.ge [sflag:s16], $0x4000  }
0x72: {  	[sflag:s16] =	ssyncset.done $0x0  }
0x73: {  	[sflag:s16] =	ssyncadd.s32 $0xFFFFC000  }
0x74: {  	[tilespmem:s13], [sflag:$0x1] =	stream.indirect.gather [hbm4b:s4+s12], $0x80, s17, s12, $0xb8;
	[tilespmem:$0x1D000] =	vst v63  }
0x75: {  	_ = 	snop  }
0x76: {  	[spmem:s2] =	stream.indirect.scatter.add.f32 [tilespmem:s15], [sflag:$0x3], $0x80, s18, s12, $0xb8;
	[tilespmem:$0x1D000] =	vst v63  }
0x77: {  	_ =	swait.ge [sflag:s10], $0x4000  }
0x78: {  	[sflag:s10] =	ssyncset.done $0x0  }
0x79: {  	[sflag:s10] =	ssyncadd.s32 $0xFFFFC000  }
0x7a: {  	_ =	swait.ge [sflag:s14], $0x4000  }
0x7b: {  	[sflag:s14] =	ssyncset.done $0x0  }
0x7c: {  	[sflag:s14] =	ssyncadd.s32 $0xFFFFC000  }
0x7d: {  	[tilespmem:s15], [sflag:$0x2] =	stream.indirect.gather [hbm4b:s4+s12], $0x80, s19, s12, $0xb8;
	[tilespmem:$0x1D000] =	vst v63  }
0x7e: {  	_ = 	snop  }
0x7f: {  	[spmem:s2] =	stream.indirect.scatter.add.f32 [tilespmem:s13], [sflag:$0x3], $0x80, s20, s12, $0xb8;
	[tilespmem:$0x1D000] =	vst v63  }
0x80: {  	_ =	swait.ge [sflag:s10], $0x4000  }
0x81: {  	[sflag:s10] =	ssyncset.done $0x0  }
0x82: {  	[sflag:s10] =	ssyncadd.s32 $0xFFFFC000  }
0x83: {  	_ =	swait.ge [sflag:s16], $0x4000  }
0x84: {  	[sflag:s16] =	ssyncset.done $0x0  }
0x85: {  	[sflag:s16] =	ssyncadd.s32 $0xFFFFC000  }
0x86: {  	[tilespmem:s13], [sflag:$0x1] =	stream.indirect.gather [hbm4b:s4+s12], $0x80, s21, s12, $0xb8;
	[tilespmem:$0x1D000] =	vst v63  }
0x87: {  	_ = 	snop  }
0x88: {  	[spmem:s2] =	stream.indirect.scatter.add.f32 [tilespmem:s15], [sflag:$0x3], $0x80, s22, s12, $0xb8;
	[tilespmem:$0x1D000] =	vst v63  }
0x89: {  	_ =	swait.ge [sflag:s10], $0x4000  }
0x8a: {  	[sflag:s10] =	ssyncset.done $0x0  }
0x8b: {  	[sflag:s10] =	ssyncadd.s32 $0xFFFFC000  }
0x8c: {  	_ =	swait.ge [sflag:s14], $0x4000  }
0x8d: {  	[sflag:s14] =	ssyncset.done $0x0  }
0x8e: {  	[sflag:s14] =	ssyncadd.s32 $0xFFFFC000  }
0x8f: {  	[tilespmem:s15], [sflag:$0x2] =	stream.indirect.gather [hbm4b:s4+s12], $0x80, s23, s12, $0xb8;
	[tilespmem:$0x1D000] =	vst v63  }
0x90: {  	_ = 	snop  }
0x91: {  	[spmem:s2] =	stream.indirect.scatter.add.f32 [tilespmem:s13], [sflag:$0x3], $0x80, s24, s12, $0xb8;
	[tilespmem:$0x1D000] =	vst v63  }
0x92: {  	_ =	swait.ge [sflag:s10], $0x4000  }
0x93: {  	[sflag:s10] =	ssyncset.done $0x0  }
0x94: {  	[sflag:s10] =	ssyncadd.s32 $0xFFFFC000  }
0x95: {  	_ =	swait.ge [sflag:s16], $0x4000  }
0x96: {  	[sflag:s16] =	ssyncset.done $0x0  }
0x97: {  	[sflag:s16] =	ssyncadd.s32 $0xFFFFC000  }
0x98: {  	[tilespmem:s13], [sflag:$0x1] =	stream.indirect.gather [hbm4b:s4+s12], $0x80, s25, s12, $0xb8;
	[tilespmem:$0x1D000] =	vst v63  }
0x99: {  	_ = 	snop  }
0x9a: {  	[spmem:s2] =	stream.indirect.scatter.add.f32 [tilespmem:s15], [sflag:$0x3], $0x80, s26, s12, $0xb8;
	[tilespmem:$0x1D000] =	vst v63  }
0x9b: {  	_ =	swait.ge [sflag:s10], $0x4000  }
0x9c: {  	[sflag:s10] =	ssyncset.done $0x0  }
0x9d: {  	[sflag:s10] =	ssyncadd.s32 $0xFFFFC000  }
0x9e: {  	_ =	swait.ge [sflag:s14], $0x4000  }
0x9f: {  	[sflag:s14] =	ssyncset.done $0x0  }
0xa0: {  	[sflag:s14] =	ssyncadd.s32 $0xFFFFC000  }
0xa1: {  	[tilespmem:s15], [sflag:$0x2] =	stream.indirect.gather [hbm4b:s4+s12], $0x80, s28, s12, $0xb8;
	[tilespmem:$0x1D000] =	vst v63  }
0xa2: {  	_ = 	snop  }
0xa3: {  	[spmem:s2] =	stream.indirect.scatter.add.f32 [tilespmem:s13], [sflag:$0x3], $0x80, s29, s12, $0xb8;
	[tilespmem:$0x1D000] =	vst v63  }
0xa4: {  	_ =	swait.ge [sflag:s10], $0x4000  }
0xa5: {  	[sflag:s10] =	ssyncset.done $0x0  }
0xa6: {  	[sflag:s10] =	ssyncadd.s32 $0xFFFFC000  }
0xa7: {  	_ =	swait.ge [sflag:s16], $0x4000  }
0xa8: {  	[sflag:s16] =	ssyncset.done $0x0  }
0xa9: {  	[sflag:s16] =	ssyncadd.s32 $0xFFFFC000  }
0xaa: {  	[tilespmem:s13], [sflag:$0x1] =	stream.indirect.gather [hbm4b:s4+s12], $0x80, s30, s12, $0xb8;
	[tilespmem:$0x1D000] =	vst v63  }
0xab: {  	_ = 	snop  }
0xac: {  	[spmem:s2] =	stream.indirect.scatter.add.f32 [tilespmem:s15], [sflag:$0x3], $0x80, s31, s12, $0xb8;
	[tilespmem:$0x1D000] =	vst v63  }
0xad: {  	_ =	swait.ge [sflag:s10], $0x4000  }
0xae: {  	[sflag:s10] =	ssyncset.done $0x0  }
0xaf: {  	[sflag:s10] =	ssyncadd.s32 $0xFFFFC000  }
0xb0: {  	_ =	swait.ge [sflag:s14], $0x4000  }
0xb1: {  	[sflag:s14] =	ssyncset.done $0x0  }
0xb2: {  	[sflag:s14] =	ssyncadd.s32 $0xFFFFC000  }
0xb3: {  	[tilespmem:s15], [sflag:$0x2] =	stream.indirect.gather [hbm4b:s4+s12], $0x80, s1, s12, $0xb8;
	[tilespmem:$0x1D000] =	vst v63  }
0xb4: {  	_ = 	snop  }
0xb5: {  	[spmem:s2] =	stream.indirect.scatter.add.f32 [tilespmem:s13], [sflag:$0x3], $0x80, s0, s12, $0xb8;
	[tilespmem:$0x1D000] =	vst v63  }
0xb6: {  	_ =	swait.ge [sflag:s10], $0x4000  }
0xb7: {  	[sflag:s10] =	ssyncset.done $0x0  }
0xb8: {  	[sflag:s10] =	ssyncadd.s32 $0xFFFFC000  }
0xb9: {  	_ =	swait.ge [sflag:s16], $0x4000  }
0xba: {  	[sflag:s16] =	ssyncset.done $0x0  }
0xbb: {  	[sflag:s16] =	ssyncadd.s32 $0xFFFFC000  }
0xbc: {  	[spmem:s2] =	stream.indirect.scatter.add.f32 [tilespmem:s15], [sflag:$0x3], $0x80, s5, s12, $0xb8;
	[tilespmem:$0x1D000] =	vst v63  }
0xbd: {  	s6 =	simm.s32 $0x200;
	_ =	swait.ge [sflag:s10], $0x4000  }
0xbe: {  	s8 =	simm.s32 $0x100;
	s9 =	rddreg [dreg:$0x4];
	[sflag:s10] =	ssyncset.done $0x0  }
.LBB2_2:
0xbf: {  	[sflag:s10] =	ssyncadd.s32 $0xFFFFC000;
	s9 =	sadd.s32 s8, s9  }
0xc0: {  	[tilespmem:s3], [sflag:$0x3] =	stream.linear.gather [hbm4b:s9+s3], $0x800, $0x38;
	[tilespmem:$0x1D000] =	vst v63  }
0xc1: {  	_ =	swait.ge [sflag:s10], $0x800  }
0xc2: {  	s9 =	rddreg [dreg:$0x3];
	[sflag:s10] =	ssyncset.done $0x0  }
0xc3: {  	[sflag:s10] =	ssyncadd.s32 $0xFFFFF800;
	s9 =	sadd.s32 s8, s9  }
0xc4: {  	[tilespmem:s11], [sflag:$0x3] =	stream.linear.gather [hbm4b:s9+s3], $0x800, $0x38;
	[tilespmem:$0x1D000] =	vst v63  }
0xc5: {  	_ =	swait.ge [sflag:s10], $0x800  }
0xc6: {  	[sflag:s10] =	ssyncset.done $0x0  }
0xc7: {  	[sflag:s10] =	ssyncadd.s32 $0xFFFFF800  }
0xc8: {  	[tilespmem:s13], [sflag:$0x1] =	stream.indirect.gather [hbm4b:s4+s12], $0x80, s3, s12, $0xb8;
	[tilespmem:$0x1D000] =	vst v63  }
0xc9: {  	_ =	swait.ge [sflag:s14], $0x4000  }
0xca: {  	[sflag:s14] =	ssyncset.done $0x0  }
0xcb: {  	[sflag:s14] =	ssyncadd.s32 $0xFFFFC000  }
0xcc: {  	[tilespmem:s15], [sflag:$0x2] =	stream.indirect.gather [hbm4b:s4+s12], $0x80, s12, s12, $0xb8;
	[tilespmem:$0x1D000] =	vst v63  }
0xcd: {  	_ = 	snop  }
0xce: {  	[spmem:s2] =	stream.indirect.scatter.add.f32 [tilespmem:s13], [sflag:$0x3], $0x80, s11, s12, $0xb8;
	[tilespmem:$0x1D000] =	vst v63  }
0xcf: {  	_ =	swait.ge [sflag:s10], $0x4000  }
0xd0: {  	[sflag:s10] =	ssyncset.done $0x0  }
0xd1: {  	[sflag:s10] =	ssyncadd.s32 $0xFFFFC000  }
0xd2: {  	_ =	swait.ge [sflag:s16], $0x4000  }
0xd3: {  	s7 =	smov.u32 s6;
	[sflag:s16] =	ssyncset.done $0x0  }
0xd4: {  	s8 =	smov.u32 s7;
	s7 =	rddreg [dreg:$0x5];
	[sflag:s16] =	ssyncadd.s32 $0xFFFFC000  }
0xd5: {  	[tilespmem:s13], [sflag:$0x1] =	stream.indirect.gather [hbm4b:s4+s12], $0x80, s7, s12, $0xb8;
	[tilespmem:$0x1D000] =	vst v63  }
0xd6: {  	s9 =	rddreg [dreg:$0x6]  }
0xd7: {  	[spmem:s2] =	stream.indirect.scatter.add.f32 [tilespmem:s15], [sflag:$0x3], $0x80, s9, s12, $0xb8;
	[tilespmem:$0x1D000] =	vst v63  }
0xd8: {  	_ =	swait.ge [sflag:s10], $0x4000  }
0xd9: {  	[sflag:s10] =	ssyncset.done $0x0  }
0xda: {  	[sflag:s10] =	ssyncadd.s32 $0xFFFFC000  }
0xdb: {  	_ =	swait.ge [sflag:s14], $0x4000  }
0xdc: {  	[sflag:s14] =	ssyncset.done $0x0  }
0xdd: {  	s7 =	rddreg [dreg:$0x7];
	[sflag:s14] =	ssyncadd.s32 $0xFFFFC000  }
0xde: {  	[tilespmem:s15], [sflag:$0x2] =	stream.indirect.gather [hbm4b:s4+s12], $0x80, s7, s12, $0xb8;
	[tilespmem:$0x1D000] =	vst v63  }
0xdf: {  	s9 =	rddreg [dreg:$0x8]  }
0xe0: {  	[spmem:s2] =	stream.indirect.scatter.add.f32 [tilespmem:s13], [sflag:$0x3], $0x80, s9, s12, $0xb8;
	[tilespmem:$0x1D000] =	vst v63  }
0xe1: {  	_ =	swait.ge [sflag:s10], $0x4000  }
0xe2: {  	[sflag:s10] =	ssyncset.done $0x0  }
0xe3: {  	[sflag:s10] =	ssyncadd.s32 $0xFFFFC000  }
0xe4: {  	_ =	swait.ge [sflag:s16], $0x4000  }
0xe5: {  	[sflag:s16] =	ssyncset.done $0x0  }
0xe6: {  	s7 =	rddreg [dreg:$0x9];
	[sflag:s16] =	ssyncadd.s32 $0xFFFFC000  }
0xe7: {  	[tilespmem:s13], [sflag:$0x1] =	stream.indirect.gather [hbm4b:s4+s12], $0x80, s7, s12, $0xb8;
	[tilespmem:$0x1D000] =	vst v63  }
0xe8: {  	s9 =	rddreg [dreg:$0xa]  }
0xe9: {  	[spmem:s2] =	stream.indirect.scatter.add.f32 [tilespmem:s15], [sflag:$0x3], $0x80, s9, s12, $0xb8;
	[tilespmem:$0x1D000] =	vst v63  }
0xea: {  	_ =	swait.ge [sflag:s10], $0x4000  }
0xeb: {  	[sflag:s10] =	ssyncset.done $0x0  }
0xec: {  	[sflag:s10] =	ssyncadd.s32 $0xFFFFC000  }
0xed: {  	_ =	swait.ge [sflag:s14], $0x4000  }
0xee: {  	[sflag:s14] =	ssyncset.done $0x0  }
0xef: {  	s7 =	rddreg [dreg:$0xb];
	[sflag:s14] =	ssyncadd.s32 $0xFFFFC000  }
0xf0: {  	[tilespmem:s15], [sflag:$0x2] =	stream.indirect.gather [hbm4b:s4+s12], $0x80, s7, s12, $0xb8;
	[tilespmem:$0x1D000] =	vst v63  }
0xf1: {  	s9 =	rddreg [dreg:$0xc]  }
0xf2: {  	[spmem:s2] =	stream.indirect.scatter.add.f32 [tilespmem:s13], [sflag:$0x3], $0x80, s9, s12, $0xb8;
	[tilespmem:$0x1D000] =	vst v63  }
0xf3: {  	_ =	swait.ge [sflag:s10], $0x4000  }
0xf4: {  	[sflag:s10] =	ssyncset.done $0x0  }
0xf5: {  	[sflag:s10] =	ssyncadd.s32 $0xFFFFC000  }
0xf6: {  	_ =	swait.ge [sflag:s16], $0x4000  }
0xf7: {  	[sflag:s16] =	ssyncset.done $0x0  }
0xf8: {  	s7 =	rddreg [dreg:$0xd];
	[sflag:s16] =	ssyncadd.s32 $0xFFFFC000  }
0xf9: {  	[tilespmem:s13], [sflag:$0x1] =	stream.indirect.gather [hbm4b:s4+s12], $0x80, s7, s12, $0xb8;
	[tilespmem:$0x1D000] =	vst v63  }
0xfa: {  	s9 =	rddreg [dreg:$0xe]  }
0xfb: {  	[spmem:s2] =	stream.indirect.scatter.add.f32 [tilespmem:s15], [sflag:$0x3], $0x80, s9, s12, $0xb8;
	[tilespmem:$0x1D000] =	vst v63  }
0xfc: {  	_ =	swait.ge [sflag:s10], $0x4000  }
0xfd: {  	[sflag:s10] =	ssyncset.done $0x0  }
0xfe: {  	[sflag:s10] =	ssyncadd.s32 $0xFFFFC000  }
0xff: {  	_ =	swait.ge [sflag:s14], $0x4000  }
0x100: {  	[sflag:s14] =	ssyncset.done $0x0  }
0x101: {  	s7 =	rddreg [dreg:$0xf];
	[sflag:s14] =	ssyncadd.s32 $0xFFFFC000  }
0x102: {  	[tilespmem:s15], [sflag:$0x2] =	stream.indirect.gather [hbm4b:s4+s12], $0x80, s7, s12, $0xb8;
	[tilespmem:$0x1D000] =	vst v63  }
0x103: {  	s9 =	rddreg [dreg:$0x10]  }
0x104: {  	[spmem:s2] =	stream.indirect.scatter.add.f32 [tilespmem:s13], [sflag:$0x3], $0x80, s9, s12, $0xb8;
	[tilespmem:$0x1D000] =	vst v63  }
0x105: {  	_ =	swait.ge [sflag:s10], $0x4000  }
0x106: {  	[sflag:s10] =	ssyncset.done $0x0  }
0x107: {  	[sflag:s10] =	ssyncadd.s32 $0xFFFFC000  }
0x108: {  	_ =	swait.ge [sflag:s16], $0x4000  }
0x109: {  	[sflag:s16] =	ssyncset.done $0x0  }
0x10a: {  	[sflag:s16] =	ssyncadd.s32 $0xFFFFC000  }
0x10b: {  	[tilespmem:s13], [sflag:$0x1] =	stream.indirect.gather [hbm4b:s4+s12], $0x80, s17, s12, $0xb8;
	[tilespmem:$0x1D000] =	vst v63  }
0x10c: {  	_ = 	snop  }
0x10d: {  	[spmem:s2] =	stream.indirect.scatter.add.f32 [tilespmem:s15], [sflag:$0x3], $0x80, s18, s12, $0xb8;
	[tilespmem:$0x1D000] =	vst v63  }
0x10e: {  	_ =	swait.ge [sflag:s10], $0x4000  }
0x10f: {  	[sflag:s10] =	ssyncset.done $0x0  }
0x110: {  	[sflag:s10] =	ssyncadd.s32 $0xFFFFC000  }
0x111: {  	_ =	swait.ge [sflag:s14], $0x4000  }
0x112: {  	[sflag:s14] =	ssyncset.done $0x0  }
0x113: {  	[sflag:s14] =	ssyncadd.s32 $0xFFFFC000  }
0x114: {  	[tilespmem:s15], [sflag:$0x2] =	stream.indirect.gather [hbm4b:s4+s12], $0x80, s19, s12, $0xb8;
	[tilespmem:$0x1D000] =	vst v63  }
0x115: {  	_ = 	snop  }
0x116: {  	[spmem:s2] =	stream.indirect.scatter.add.f32 [tilespmem:s13], [sflag:$0x3], $0x80, s20, s12, $0xb8;
	[tilespmem:$0x1D000] =	vst v63  }
0x117: {  	_ =	swait.ge [sflag:s10], $0x4000  }
0x118: {  	[sflag:s10] =	ssyncset.done $0x0  }
0x119: {  	[sflag:s10] =	ssyncadd.s32 $0xFFFFC000  }
0x11a: {  	_ =	swait.ge [sflag:s16], $0x4000  }
0x11b: {  	[sflag:s16] =	ssyncset.done $0x0  }
0x11c: {  	[sflag:s16] =	ssyncadd.s32 $0xFFFFC000  }
0x11d: {  	[tilespmem:s13], [sflag:$0x1] =	stream.indirect.gather [hbm4b:s4+s12], $0x80, s21, s12, $0xb8;
	[tilespmem:$0x1D000] =	vst v63  }
0x11e: {  	_ = 	snop  }
0x11f: {  	[spmem:s2] =	stream.indirect.scatter.add.f32 [tilespmem:s15], [sflag:$0x3], $0x80, s22, s12, $0xb8;
	[tilespmem:$0x1D000] =	vst v63  }
0x120: {  	_ =	swait.ge [sflag:s10], $0x4000  }
0x121: {  	[sflag:s10] =	ssyncset.done $0x0  }
0x122: {  	[sflag:s10] =	ssyncadd.s32 $0xFFFFC000  }
0x123: {  	_ =	swait.ge [sflag:s14], $0x4000  }
0x124: {  	[sflag:s14] =	ssyncset.done $0x0  }
0x125: {  	[sflag:s14] =	ssyncadd.s32 $0xFFFFC000  }
0x126: {  	[tilespmem:s15], [sflag:$0x2] =	stream.indirect.gather [hbm4b:s4+s12], $0x80, s23, s12, $0xb8;
	[tilespmem:$0x1D000] =	vst v63  }
0x127: {  	_ = 	snop  }
0x128: {  	[spmem:s2] =	stream.indirect.scatter.add.f32 [tilespmem:s13], [sflag:$0x3], $0x80, s24, s12, $0xb8;
	[tilespmem:$0x1D000] =	vst v63  }
0x129: {  	_ =	swait.ge [sflag:s10], $0x4000  }
0x12a: {  	[sflag:s10] =	ssyncset.done $0x0  }
0x12b: {  	[sflag:s10] =	ssyncadd.s32 $0xFFFFC000  }
0x12c: {  	_ =	swait.ge [sflag:s16], $0x4000  }
0x12d: {  	[sflag:s16] =	ssyncset.done $0x0  }
0x12e: {  	[sflag:s16] =	ssyncadd.s32 $0xFFFFC000  }
0x12f: {  	[tilespmem:s13], [sflag:$0x1] =	stream.indirect.gather [hbm4b:s4+s12], $0x80, s25, s12, $0xb8;
	[tilespmem:$0x1D000] =	vst v63  }
0x130: {  	_ = 	snop  }
0x131: {  	[spmem:s2] =	stream.indirect.scatter.add.f32 [tilespmem:s15], [sflag:$0x3], $0x80, s26, s12, $0xb8;
	[tilespmem:$0x1D000] =	vst v63  }
0x132: {  	_ =	swait.ge [sflag:s10], $0x4000  }
0x133: {  	[sflag:s10] =	ssyncset.done $0x0  }
0x134: {  	[sflag:s10] =	ssyncadd.s32 $0xFFFFC000  }
0x135: {  	_ =	swait.ge [sflag:s14], $0x4000  }
0x136: {  	[sflag:s14] =	ssyncset.done $0x0  }
0x137: {  	[sflag:s14] =	ssyncadd.s32 $0xFFFFC000  }
0x138: {  	[tilespmem:s15], [sflag:$0x2] =	stream.indirect.gather [hbm4b:s4+s12], $0x80, s28, s12, $0xb8;
	[tilespmem:$0x1D000] =	vst v63  }
0x139: {  	_ = 	snop  }
0x13a: {  	[spmem:s2] =	stream.indirect.scatter.add.f32 [tilespmem:s13], [sflag:$0x3], $0x80, s29, s12, $0xb8;
	[tilespmem:$0x1D000] =	vst v63  }
0x13b: {  	_ =	swait.ge [sflag:s10], $0x4000  }
0x13c: {  	[sflag:s10] =	ssyncset.done $0x0  }
0x13d: {  	[sflag:s10] =	ssyncadd.s32 $0xFFFFC000  }
0x13e: {  	_ =	swait.ge [sflag:s16], $0x4000  }
0x13f: {  	[sflag:s16] =	ssyncset.done $0x0  }
0x140: {  	[sflag:s16] =	ssyncadd.s32 $0xFFFFC000  }
0x141: {  	[tilespmem:s13], [sflag:$0x1] =	stream.indirect.gather [hbm4b:s4+s12], $0x80, s30, s12, $0xb8;
	[tilespmem:$0x1D000] =	vst v63  }
0x142: {  	_ = 	snop  }
0x143: {  	[spmem:s2] =	stream.indirect.scatter.add.f32 [tilespmem:s15], [sflag:$0x3], $0x80, s31, s12, $0xb8;
	[tilespmem:$0x1D000] =	vst v63  }
0x144: {  	_ =	swait.ge [sflag:s10], $0x4000  }
0x145: {  	[sflag:s10] =	ssyncset.done $0x0  }
0x146: {  	[sflag:s10] =	ssyncadd.s32 $0xFFFFC000  }
0x147: {  	_ =	swait.ge [sflag:s14], $0x4000  }
0x148: {  	[sflag:s14] =	ssyncset.done $0x0  }
0x149: {  	[sflag:s14] =	ssyncadd.s32 $0xFFFFC000  }
0x14a: {  	[tilespmem:s15], [sflag:$0x2] =	stream.indirect.gather [hbm4b:s4+s12], $0x80, s1, s12, $0xb8;
	[tilespmem:$0x1D000] =	vst v63  }
0x14b: {  	_ = 	snop  }
0x14c: {  	[spmem:s2] =	stream.indirect.scatter.add.f32 [tilespmem:s13], [sflag:$0x3], $0x80, s0, s12, $0xb8;
	[tilespmem:$0x1D000] =	vst v63  }
0x14d: {  	_ =	swait.ge [sflag:s10], $0x4000  }
0x14e: {  	[sflag:s10] =	ssyncset.done $0x0  }
0x14f: {  	[sflag:s10] =	ssyncadd.s32 $0xFFFFC000  }
0x150: {  	p0 =	sne.s32 s6, $0x400;
	_ =	swait.ge [sflag:s16], $0x4000  }
.Ltmp0:
0x151: {  	[sflag:s16] =	ssyncset.done $0x0;
	(pc) =	sbr.rel @p0 .LBB2_2-.Ltmp0, $4  }
0x152: {  	[sflag:s16] =	ssyncadd.s32 $0xFFFFC000  }
0x153: {  	[spmem:s2] =	stream.indirect.scatter.add.f32 [tilespmem:s15], [sflag:$0x3], $0x80, s5, s12, $0xb8;
	[tilespmem:$0x1D000] =	vst v63  }
0x154: {  	_ =	swait.ge [sflag:s10], $0x4000  }
0x155: {  	s6 =	sadd.s32 $0x100, s6;
	s9 =	rddreg [dreg:$0x4];
	[sflag:s10] =	ssyncset.done $0x0  }
0x156: {  	[sflag:s10] =	ssyncadd.s32 $0xFFFFC000;
	s6 =	sadd.s32 s8, s9  }
0x157: {  	[tilespmem:s3], [sflag:$0x3] =	stream.linear.gather [hbm4b:s6+s3], $0x800, $0x38;
	[tilespmem:$0x1D000] =	vst v63  }
0x158: {  	_ =	swait.ge [sflag:s10], $0x800  }
0x159: {  	s7 =	rddreg [dreg:$0x3];
	[sflag:s10] =	ssyncset.done $0x0  }
0x15a: {  	[sflag:s10] =	ssyncadd.s32 $0xFFFFF800;
	s6 =	sadd.s32 s8, s7  }
0x15b: {  	[tilespmem:s11], [sflag:$0x3] =	stream.linear.gather [hbm4b:s6+s3], $0x800, $0x38;
	[tilespmem:$0x1D000] =	vst v63  }
0x15c: {  	_ =	swait.ge [sflag:s10], $0x800  }
0x15d: {  	[sflag:s10] =	ssyncset.done $0x0  }
0x15e: {  	[sflag:s10] =	ssyncadd.s32 $0xFFFFF800  }
0x15f: {  	[tilespmem:s13], [sflag:$0x1] =	stream.indirect.gather [hbm4b:s4+s12], $0x80, s3, s12, $0xb8;
	[tilespmem:$0x1D000] =	vst v63  }
0x160: {  	_ =	swait.ge [sflag:s14], $0x4000  }
0x161: {  	[sflag:s14] =	ssyncset.done $0x0  }
0x162: {  	[sflag:s14] =	ssyncadd.s32 $0xFFFFC000  }
0x163: {  	[tilespmem:s15], [sflag:$0x2] =	stream.indirect.gather [hbm4b:s4+s12], $0x80, s12, s12, $0xb8;
	[tilespmem:$0x1D000] =	vst v63  }
0x164: {  	_ = 	snop  }
0x165: {  	[spmem:s2] =	stream.indirect.scatter.add.f32 [tilespmem:s13], [sflag:$0x3], $0x80, s11, s12, $0xb8;
	[tilespmem:$0x1D000] =	vst v63  }
0x166: {  	_ =	swait.ge [sflag:s10], $0x4000  }
0x167: {  	[sflag:s10] =	ssyncset.done $0x0  }
0x168: {  	[sflag:s10] =	ssyncadd.s32 $0xFFFFC000  }
0x169: {  	_ =	swait.ge [sflag:s16], $0x4000  }
0x16a: {  	[sflag:s16] =	ssyncset.done $0x0  }
0x16b: {  	s9 =	rddreg [dreg:$0x5];
	[sflag:s16] =	ssyncadd.s32 $0xFFFFC000  }
0x16c: {  	[tilespmem:s13], [sflag:$0x1] =	stream.indirect.gather [hbm4b:s4+s12], $0x80, s9, s12, $0xb8;
	[tilespmem:$0x1D000] =	vst v63  }
0x16d: {  	s7 =	rddreg [dreg:$0x6]  }
0x16e: {  	[spmem:s2] =	stream.indirect.scatter.add.f32 [tilespmem:s15], [sflag:$0x3], $0x80, s7, s12, $0xb8;
	[tilespmem:$0x1D000] =	vst v63  }
0x16f: {  	_ =	swait.ge [sflag:s10], $0x4000  }
0x170: {  	[sflag:s10] =	ssyncset.done $0x0  }
0x171: {  	[sflag:s10] =	ssyncadd.s32 $0xFFFFC000  }
0x172: {  	_ =	swait.ge [sflag:s14], $0x4000  }
0x173: {  	[sflag:s14] =	ssyncset.done $0x0  }
0x174: {  	s8 =	rddreg [dreg:$0x7];
	[sflag:s14] =	ssyncadd.s32 $0xFFFFC000  }
0x175: {  	[tilespmem:s15], [sflag:$0x2] =	stream.indirect.gather [hbm4b:s4+s12], $0x80, s8, s12, $0xb8;
	[tilespmem:$0x1D000] =	vst v63  }
0x176: {  	s9 =	rddreg [dreg:$0x8]  }
0x177: {  	[spmem:s2] =	stream.indirect.scatter.add.f32 [tilespmem:s13], [sflag:$0x3], $0x80, s9, s12, $0xb8;
	[tilespmem:$0x1D000] =	vst v63  }
0x178: {  	_ =	swait.ge [sflag:s10], $0x4000  }
0x179: {  	[sflag:s10] =	ssyncset.done $0x0  }
0x17a: {  	[sflag:s10] =	ssyncadd.s32 $0xFFFFC000  }
0x17b: {  	_ =	swait.ge [sflag:s16], $0x4000  }
0x17c: {  	[sflag:s16] =	ssyncset.done $0x0  }
0x17d: {  	s8 =	rddreg [dreg:$0x9];
	[sflag:s16] =	ssyncadd.s32 $0xFFFFC000  }
0x17e: {  	[tilespmem:s13], [sflag:$0x1] =	stream.indirect.gather [hbm4b:s4+s12], $0x80, s8, s12, $0xb8;
	[tilespmem:$0x1D000] =	vst v63  }
0x17f: {  	s9 =	rddreg [dreg:$0xa]  }
0x180: {  	[spmem:s2] =	stream.indirect.scatter.add.f32 [tilespmem:s15], [sflag:$0x3], $0x80, s9, s12, $0xb8;
	[tilespmem:$0x1D000] =	vst v63  }
0x181: {  	_ =	swait.ge [sflag:s10], $0x4000  }
0x182: {  	[sflag:s10] =	ssyncset.done $0x0  }
0x183: {  	[sflag:s10] =	ssyncadd.s32 $0xFFFFC000  }
0x184: {  	_ =	swait.ge [sflag:s14], $0x4000  }
0x185: {  	[sflag:s14] =	ssyncset.done $0x0  }
0x186: {  	s8 =	rddreg [dreg:$0xb];
	[sflag:s14] =	ssyncadd.s32 $0xFFFFC000  }
0x187: {  	[tilespmem:s15], [sflag:$0x2] =	stream.indirect.gather [hbm4b:s4+s12], $0x80, s8, s12, $0xb8;
	[tilespmem:$0x1D000] =	vst v63  }
0x188: {  	s9 =	rddreg [dreg:$0xc]  }
0x189: {  	[spmem:s2] =	stream.indirect.scatter.add.f32 [tilespmem:s13], [sflag:$0x3], $0x80, s9, s12, $0xb8;
	[tilespmem:$0x1D000] =	vst v63  }
0x18a: {  	_ =	swait.ge [sflag:s10], $0x4000  }
0x18b: {  	[sflag:s10] =	ssyncset.done $0x0  }
0x18c: {  	[sflag:s10] =	ssyncadd.s32 $0xFFFFC000  }
0x18d: {  	_ =	swait.ge [sflag:s16], $0x4000  }
0x18e: {  	[sflag:s16] =	ssyncset.done $0x0  }
0x18f: {  	s8 =	rddreg [dreg:$0xd];
	[sflag:s16] =	ssyncadd.s32 $0xFFFFC000  }
0x190: {  	[tilespmem:s13], [sflag:$0x1] =	stream.indirect.gather [hbm4b:s4+s12], $0x80, s8, s12, $0xb8;
	[tilespmem:$0x1D000] =	vst v63  }
0x191: {  	s9 =	rddreg [dreg:$0xe]  }
0x192: {  	[spmem:s2] =	stream.indirect.scatter.add.f32 [tilespmem:s15], [sflag:$0x3], $0x80, s9, s12, $0xb8;
	[tilespmem:$0x1D000] =	vst v63  }
0x193: {  	_ =	swait.ge [sflag:s10], $0x4000  }
0x194: {  	[sflag:s10] =	ssyncset.done $0x0  }
0x195: {  	[sflag:s10] =	ssyncadd.s32 $0xFFFFC000  }
0x196: {  	_ =	swait.ge [sflag:s14], $0x4000  }
0x197: {  	[sflag:s14] =	ssyncset.done $0x0  }
0x198: {  	s7 =	rddreg [dreg:$0xf];
	[sflag:s14] =	ssyncadd.s32 $0xFFFFC000  }
0x199: {  	[tilespmem:s15], [sflag:$0x2] =	stream.indirect.gather [hbm4b:s4+s12], $0x80, s7, s12, $0xb8;
	[tilespmem:$0x1D000] =	vst v63  }
0x19a: {  	s8 =	rddreg [dreg:$0x10]  }
0x19b: {  	[spmem:s2] =	stream.indirect.scatter.add.f32 [tilespmem:s13], [sflag:$0x3], $0x80, s8, s12, $0xb8;
	[tilespmem:$0x1D000] =	vst v63  }
0x19c: {  	_ =	swait.ge [sflag:s10], $0x4000  }
0x19d: {  	[sflag:s10] =	ssyncset.done $0x0  }
0x19e: {  	[sflag:s10] =	ssyncadd.s32 $0xFFFFC000  }
0x19f: {  	_ =	swait.ge [sflag:s16], $0x4000  }
0x1a0: {  	[sflag:s16] =	ssyncset.done $0x0  }
0x1a1: {  	[sflag:s16] =	ssyncadd.s32 $0xFFFFC000  }
0x1a2: {  	[tilespmem:s13], [sflag:$0x1] =	stream.indirect.gather [hbm4b:s4+s12], $0x80, s17, s12, $0xb8;
	[tilespmem:$0x1D000] =	vst v63  }
0x1a3: {  	_ = 	snop  }
0x1a4: {  	[spmem:s2] =	stream.indirect.scatter.add.f32 [tilespmem:s15], [sflag:$0x3], $0x80, s18, s12, $0xb8;
	[tilespmem:$0x1D000] =	vst v63  }
0x1a5: {  	_ =	swait.ge [sflag:s10], $0x4000  }
0x1a6: {  	[sflag:s10] =	ssyncset.done $0x0  }
0x1a7: {  	[sflag:s10] =	ssyncadd.s32 $0xFFFFC000  }
0x1a8: {  	_ =	swait.ge [sflag:s14], $0x4000  }
0x1a9: {  	[sflag:s14] =	ssyncset.done $0x0  }
0x1aa: {  	[sflag:s14] =	ssyncadd.s32 $0xFFFFC000  }
0x1ab: {  	[tilespmem:s15], [sflag:$0x2] =	stream.indirect.gather [hbm4b:s4+s12], $0x80, s19, s12, $0xb8;
	[tilespmem:$0x1D000] =	vst v63  }
0x1ac: {  	_ = 	snop  }
0x1ad: {  	[spmem:s2] =	stream.indirect.scatter.add.f32 [tilespmem:s13], [sflag:$0x3], $0x80, s20, s12, $0xb8;
	[tilespmem:$0x1D000] =	vst v63  }
0x1ae: {  	_ =	swait.ge [sflag:s10], $0x4000  }
0x1af: {  	[sflag:s10] =	ssyncset.done $0x0  }
0x1b0: {  	[sflag:s10] =	ssyncadd.s32 $0xFFFFC000  }
0x1b1: {  	_ =	swait.ge [sflag:s16], $0x4000  }
0x1b2: {  	[sflag:s16] =	ssyncset.done $0x0  }
0x1b3: {  	[sflag:s16] =	ssyncadd.s32 $0xFFFFC000  }
0x1b4: {  	[tilespmem:s13], [sflag:$0x1] =	stream.indirect.gather [hbm4b:s4+s12], $0x80, s21, s12, $0xb8;
	[tilespmem:$0x1D000] =	vst v63  }
0x1b5: {  	_ = 	snop  }
0x1b6: {  	[spmem:s2] =	stream.indirect.scatter.add.f32 [tilespmem:s15], [sflag:$0x3], $0x80, s22, s12, $0xb8;
	[tilespmem:$0x1D000] =	vst v63  }
0x1b7: {  	_ =	swait.ge [sflag:s10], $0x4000  }
0x1b8: {  	[sflag:s10] =	ssyncset.done $0x0  }
0x1b9: {  	[sflag:s10] =	ssyncadd.s32 $0xFFFFC000  }
0x1ba: {  	_ =	swait.ge [sflag:s14], $0x4000  }
0x1bb: {  	[sflag:s14] =	ssyncset.done $0x0  }
0x1bc: {  	[sflag:s14] =	ssyncadd.s32 $0xFFFFC000  }
0x1bd: {  	[tilespmem:s15], [sflag:$0x2] =	stream.indirect.gather [hbm4b:s4+s12], $0x80, s23, s12, $0xb8;
	[tilespmem:$0x1D000] =	vst v63  }
0x1be: {  	_ = 	snop  }
0x1bf: {  	[spmem:s2] =	stream.indirect.scatter.add.f32 [tilespmem:s13], [sflag:$0x3], $0x80, s24, s12, $0xb8;
	[tilespmem:$0x1D000] =	vst v63  }
0x1c0: {  	_ =	swait.ge [sflag:s10], $0x4000  }
0x1c1: {  	[sflag:s10] =	ssyncset.done $0x0  }
0x1c2: {  	[sflag:s10] =	ssyncadd.s32 $0xFFFFC000  }
0x1c3: {  	_ =	swait.ge [sflag:s16], $0x4000  }
0x1c4: {  	[sflag:s16] =	ssyncset.done $0x0  }
0x1c5: {  	[sflag:s16] =	ssyncadd.s32 $0xFFFFC000  }
0x1c6: {  	[tilespmem:s13], [sflag:$0x1] =	stream.indirect.gather [hbm4b:s4+s12], $0x80, s25, s12, $0xb8;
	[tilespmem:$0x1D000] =	vst v63  }
0x1c7: {  	_ = 	snop  }
0x1c8: {  	[spmem:s2] =	stream.indirect.scatter.add.f32 [tilespmem:s15], [sflag:$0x3], $0x80, s26, s12, $0xb8;
	[tilespmem:$0x1D000] =	vst v63  }
0x1c9: {  	_ =	swait.ge [sflag:s10], $0x4000  }
0x1ca: {  	[sflag:s10] =	ssyncset.done $0x0  }
0x1cb: {  	[sflag:s10] =	ssyncadd.s32 $0xFFFFC000  }
0x1cc: {  	_ =	swait.ge [sflag:s14], $0x4000  }
0x1cd: {  	[sflag:s14] =	ssyncset.done $0x0  }
0x1ce: {  	[sflag:s14] =	ssyncadd.s32 $0xFFFFC000  }
0x1cf: {  	[tilespmem:s15], [sflag:$0x2] =	stream.indirect.gather [hbm4b:s4+s12], $0x80, s28, s12, $0xb8;
	[tilespmem:$0x1D000] =	vst v63  }
0x1d0: {  	_ = 	snop  }
0x1d1: {  	[spmem:s2] =	stream.indirect.scatter.add.f32 [tilespmem:s13], [sflag:$0x3], $0x80, s29, s12, $0xb8;
	[tilespmem:$0x1D000] =	vst v63  }
0x1d2: {  	_ =	swait.ge [sflag:s10], $0x4000  }
0x1d3: {  	[sflag:s10] =	ssyncset.done $0x0  }
0x1d4: {  	[sflag:s10] =	ssyncadd.s32 $0xFFFFC000  }
0x1d5: {  	_ =	swait.ge [sflag:s16], $0x4000  }
0x1d6: {  	[sflag:s16] =	ssyncset.done $0x0  }
0x1d7: {  	[sflag:s16] =	ssyncadd.s32 $0xFFFFC000  }
0x1d8: {  	[tilespmem:s13], [sflag:$0x1] =	stream.indirect.gather [hbm4b:s4+s12], $0x80, s30, s12, $0xb8;
	[tilespmem:$0x1D000] =	vst v63  }
0x1d9: {  	_ = 	snop  }
0x1da: {  	[spmem:s2] =	stream.indirect.scatter.add.f32 [tilespmem:s15], [sflag:$0x3], $0x80, s31, s12, $0xb8;
	[tilespmem:$0x1D000] =	vst v63  }
0x1db: {  	_ =	swait.ge [sflag:s10], $0x4000  }
0x1dc: {  	[sflag:s10] =	ssyncset.done $0x0  }
0x1dd: {  	[sflag:s10] =	ssyncadd.s32 $0xFFFFC000  }
0x1de: {  	_ =	swait.ge [sflag:s14], $0x4000  }
0x1df: {  	[sflag:s14] =	ssyncset.done $0x0  }
0x1e0: {  	[sflag:s14] =	ssyncadd.s32 $0xFFFFC000  }
0x1e1: {  	[tilespmem:s15], [sflag:$0x2] =	stream.indirect.gather [hbm4b:s4+s12], $0x80, s1, s12, $0xb8;
	[tilespmem:$0x1D000] =	vst v63  }
0x1e2: {  	_ = 	snop  }
0x1e3: {  	[spmem:s2] =	stream.indirect.scatter.add.f32 [tilespmem:s13], [sflag:$0x3], $0x80, s0, s12, $0xb8;
	[tilespmem:$0x1D000] =	vst v63  }
0x1e4: {  	_ =	swait.ge [sflag:s10], $0x4000  }
0x1e5: {  	[sflag:s10] =	ssyncset.done $0x0  }
0x1e6: {  	[sflag:s10] =	ssyncadd.s32 $0xFFFFC000  }
0x1e7: {  	_ =	swait.ge [sflag:s16], $0x4000  }
0x1e8: {  	[sflag:s16] =	ssyncset.done $0x0  }
0x1e9: {  	[sflag:s16] =	ssyncadd.s32 $0xFFFFC000  }
0x1ea: {  	[spmem:s2] =	stream.indirect.scatter.add.f32 [tilespmem:s15], [sflag:$0x3], $0x80, s5, s12, $0xb8;
	[tilespmem:$0x1D000] =	vst v63  }
0x1eb: {  	_ =	swait.ge [sflag:s10], $0x4000  }
0x1ec: {  	[sflag:s10] =	ssyncset.done $0x0  }
0x1ed: {  	[sflag:s10] =	ssyncadd.s32 $0xFFFFC000  }
0x1ee: {  	[bflag:$0x0] =	sbarrier.arrive $0xFFFF  }
0x1ef: {  	s7 =	rddreg [dreg:$0x12]  }
0x1f0: {  	s9 =	rddreg [dreg:$0x13]  }
0x1f1: {  	s8 =	rddreg [dreg:$0x15]  }
0x1f2: {  	[hbm:s9], [sflag:s7] =	dma.local [spmem:s8], $0x2800  }
0x1f3: {  	_ =	swait.ge [sflag:s10], $0x2800  }
0x1f4: {  	s6 =	rddreg [dreg:$0x16]  }
0x1f5: {  	s9 =	sadd.s32 $0x1, s6;
	s6 =	rddreg [dreg:$0x14]  }
0x1f6: {  	p0 =	sne.s32 s9, s6  }
.Ltmp1:
0x1f7: {  	_ = 	snop;
	(pc) =	sbr.rel @p0 .LBB2_1-.Ltmp1, $3  }
0x1f8: {  	_ =	sdelay $0x1  }
0x1f9: {  	[sflag:s10] =	ssyncset.done $0x0  }
0x1fa: {  	[sflag:s10] =	ssyncadd.s32 $0xFFFFD800  }
0x1fb: {  	_ =	sfence.sel $0x180000  }
0x1fc: {  	[bflag:$0x0] =	sbarrier.arrive $0xFFFF  }
0x1fd: {  	_ =	strace $0x9000004A  }
0x1fe: {  	s0 =	stileid.u32;
	[bflag:$0x2] =	sbarrier.arrive $0xFFFF  }
0x1ff: {  	p0 =	sne.s32 s0, $0x0;
	s0 =	rddreg [dreg:$0x2]  }
0x200: {  	s0 =	sadd.s32 @!p0 $0x100000, s0  }
0x201: {  	[sflag:s0] =	ssyncadd.tile.s32 @!p0 $0x1;
	_ =	shalt  }
.Lfunc_end2:
_tile_overlayer_lowered:
.L_overlay_start_2:
0x202: {  	(tag) =	ssettag $0x2  }
0x203: {  	s0 =	rddreg [dreg:$0x0];
	s2 =	stileid.u32  }
0x204: {  	s1 =	rddreg [dreg:$0x1];
	p0 =	sne.s32 s2, $0x0  }
0x205: {  	s3 =	rddreg [dreg:$0x2];
	[bflag:$0x3] =	sbarrier.arrive $0xFFFF;
	s2 =	simm.s32 @!p0 $0x1C03  }
0x206: {  	[timem:s3], [sflag:s2] =	dma.local @!p0 [hbm:s0], s1  }
0x207: {  	s0 =	simm.s32 @!p0 $0x3  }
0x208: {  	_ =	swait.ge @!p0 [sflag:s0], s1  }
0x209: {  	s1 =	ssub.s32 @!p0 $0x0, s1;
	[sflag:s0] =	ssyncset.done @!p0 $0x0  }
0x20a: {  	[sflag:s0] =	ssyncadd.s32 @!p0 s1  }
0x20b: {  	[bflag:$0x3] =	sbarrier.arrive $0xFFFF  }
0x20c: {  	_ =	shalt  }

// kernel: _run.18.cloned.1.call-start
scs
__scs_entry_jumppad:
0x0: {  	(pc) =	sbr.rel $0x88, $3  }
0x1: {  	(tag) =	ssettag $0x0;
	lr =	simm.s32 $0x1  }
0x2: {  	[smem:$0x3F94] =	sst lr;
	_ =	strace $0xD0000000  }
0x3: {  	_ = 	snop  }
0x4: {  	_ = 	snop  }
0x5: {  	_ = 	snop  }
0x6: {  	_ = 	snop  }
0x7: {  	_ = 	snop  }
__scs_overlays_trampoline_lowered:
0x8: {  	[smem:$0x3FA3] =	sst s0  }
0x9: {  	[smem:$0x3FA4] =	sst s1  }
0xa: {  	[smem:$0x3FA5] =	sst s2  }
0xb: {  	[smem:$0x3FA6] =	sst s3  }
0xc: {  	[smem:$0x3FA7] =	sst s4  }
0xd: {  	[smem:$0x3FA8] =	sst s5  }
0xe: {  	[smem:$0x3FA9] =	sst s6  }
0xf: {  	[smem:$0x3FAA] =	sst s7  }
0x10: {  	[smem:$0x3FAB] =	sst s8  }
0x11: {  	[smem:$0x3FAC] =	sst s9;
	s0 =	simm.s32 @!p0 $0x0  }
0x12: {  	s1 =	sld [smem:$0x3F92];
	s0 =	simm.s32 @p0 $0x1  }
0x13: {  	[smem:$0x3FAD] =	sst s0;
	s0 =	simm.s32 @!p1 $0x0  }
0x14: {  	s2 =	sld [smem:$0x3F91];
	s0 =	simm.s32 @p1 $0x1  }
0x15: {  	[smem:$0x3FAE] =	sst s0;
	s0 =	simm.s32 @!p2 $0x0  }
0x16: {  	s3 =	sld [smem:$0x3FDB];
	s0 =	simm.s32 @p2 $0x1  }
0x17: {  	s4 =	simm.s32 $0x1BF5;
	[smem:$0x3FB0] =	sst s0  }
0x18: {  	s0 =	sld [smem:$0x3F93];
	_ =	swait.ge [sflag:s4], $0x0  }
0x19: {  	s7 =	sld [smem:$0x3F94]  }
0x1a: {  	s8 =	sadd.s32 $0xFFFFE003, lr  }
0x1b: {  	s9 =	sadd.s32 $0xFFFFFEF7, lr;
	s5 =	simm.s32 $0xFFFFFFFF;
	p2 =	slt.u32 s8, $0xFFFFF086  }
0x1c: {  	p1 =	slt.u32 s9, $0xF7A;
	s5 =	simm.s32 @!p2 $0x0  }
0x1d: {  	s5 =	simm.s32 @p1 $0x1;
	p0 =	seq.s32 s7, s2  }
0x1e: {  	s7 =	smul.u32 @!p0 $0xF7A, s2;
	p2 =	seq.s32 @!p0 s5, $0x0  }
0x1f: {  	s9 =	smul.u32 $0xF7A, s1;
	s8 =	simm.s32 @!p0 $0x1BF5;
	p2 =	por !p2, p0  }
0x20: {  	[sflag:s8] =	ssyncset.s32 @!p0 $0xFFFFF086;
	s6 =	sadd.s32 @!p0 s3, s7;
	s7 =	simm.s32 @!p0 $0x108  }
0x21: {  	s3 =	sadd.s32 s3, s9;
	s6 =	sadd.s32 @!p0 $0x88, s6;
	s7 =	simm.s32 @p2 $0x1082  }
0x22: {  	[simem:s7], [sflag:s8] =	dma.local @!p0 [hbm:s6], $0xF7A  }
0x23: {  	s9 =	sor.u32 $0xD0000000, s2;
	s6 =	simm.s32 $0x108;
	_ =	swait.ge @!p0 [sflag:s8], $0x0  }
0x24: {  	s3 =	sadd.s32 $0x88, s3;
	s6 =	simm.s32 @!p1 $0x1082;
	[sflag:s4] =	ssyncset.s32 $0xFFFFF086  }
0x25: {  	[simem:s6], [sflag:s4] =	dma.local [hbm:s3], $0xF7A  }
0x26: {  	[smem:$0x3F94] =	sst s1;
	(tag) =	ssettag s2;
	_ =	strace s9  }
0x27: {  	s1 =	sld [smem:$0x3FA4]  }
0x28: {  	s2 =	sld [smem:$0x3FA5]  }
0x29: {  	s4 =	sld [smem:$0x3FA7]  }
0x2a: {  	p0 =	seq.s32 s5, $0x0;
	s5 =	sld [smem:$0x3FA8]  }
0x2b: {  	s6 =	sld [smem:$0x3FA9]  }
0x2c: {  	s7 =	sld [smem:$0x3FAA]  }
0x2d: {  	s3 =	simm.s32 $0x108;
	s8 =	sld [smem:$0x3FAB]  }
0x2e: {  	s3 =	simm.s32 @!p0 $0x1082;
	s9 =	sld [smem:$0x3FAC]  }
0x2f: {  	lr =	sadd.s32 s0, s3;
	s0 =	sld [smem:$0x3FA3]  }
0x30: {  	s3 =	sld [smem:$0x3FA6]  }
0x31: {  	[smem:$0x3FAF] =	sst s10  }
0x32: {  	s10 =	sld [smem:$0x3FAD];
	_ =	sdelay $0x3  }
0x33: {  	p0 =	seq.s32 s10, $0x1;
	s10 =	sld [smem:$0x3FAF];
	_ =	sdelay $0x3  }
0x34: {  	[smem:$0x3FAF] =	sst s10  }
0x35: {  	s10 =	sld [smem:$0x3FAE];
	_ =	sdelay $0x3  }
0x36: {  	p1 =	seq.s32 s10, $0x1;
	s10 =	sld [smem:$0x3FAF];
	_ =	sdelay $0x3  }
0x37: {  	[smem:$0x3FAF] =	sst s10  }
0x38: {  	s10 =	sld [smem:$0x3FB0]  }
0x39: {  	_ = 	snop;
	(pc) =	sbr.ind lr, $3  }
0x3a: {  	_ = 	snop  }
0x3b: {  	_ = 	snop  }
0x3c: {  	p2 =	seq.s32 s10, $0x1;
	s10 =	sld [smem:$0x3FAF]  }
0x3d: {  	_ =	shalt  }
0x3e: {  	_ =	shalt  }
0x3f: {  	_ =	shalt  }
0x40: {  	_ =	shalt  }
0x41: {  	_ =	shalt  }
0x42: {  	_ =	shalt  }
0x43: {  	_ =	shalt  }
0x44: {  	_ =	shalt  }
0x45: {  	_ =	shalt  }
0x46: {  	_ =	shalt  }
0x47: {  	_ =	shalt  }
0x48: {  	_ =	shalt  }
0x49: {  	_ =	shalt  }
0x4a: {  	_ =	shalt  }
0x4b: {  	_ =	shalt  }
0x4c: {  	_ =	shalt  }
0x4d: {  	_ =	shalt  }
0x4e: {  	_ =	shalt  }
0x4f: {  	_ =	shalt  }
0x50: {  	_ =	shalt  }
0x51: {  	_ =	shalt  }
0x52: {  	_ =	shalt  }
0x53: {  	_ =	shalt  }
0x54: {  	_ =	shalt  }
0x55: {  	_ =	shalt  }
0x56: {  	_ =	shalt  }
0x57: {  	_ =	shalt  }
0x58: {  	_ =	shalt  }
0x59: {  	_ =	shalt  }
0x5a: {  	_ =	shalt  }
0x5b: {  	_ =	shalt  }
0x5c: {  	_ =	shalt  }
0x5d: {  	_ =	shalt  }
0x5e: {  	_ =	shalt  }
0x5f: {  	_ =	shalt  }
0x60: {  	_ =	shalt  }
0x61: {  	_ =	shalt  }
0x62: {  	_ =	shalt  }
0x63: {  	_ =	shalt  }
0x64: {  	_ =	shalt  }
0x65: {  	_ =	shalt  }
0x66: {  	_ =	shalt  }
0x67: {  	_ =	shalt  }
0x68: {  	_ =	shalt  }
0x69: {  	_ =	shalt  }
0x6a: {  	_ =	shalt  }
0x6b: {  	_ =	shalt  }
0x6c: {  	_ =	shalt  }
0x6d: {  	_ =	shalt  }
0x6e: {  	_ =	shalt  }
0x6f: {  	_ =	shalt  }
0x70: {  	_ =	shalt  }
0x71: {  	_ =	shalt  }
0x72: {  	_ =	shalt  }
0x73: {  	_ =	shalt  }
0x74: {  	_ =	shalt  }
0x75: {  	_ =	shalt  }
0x76: {  	_ =	shalt  }
0x77: {  	_ =	shalt  }
0x78: {  	_ =	shalt  }
0x79: {  	_ =	shalt  }
0x7a: {  	_ =	shalt  }
0x7b: {  	_ =	shalt  }
0x7c: {  	_ =	shalt  }
0x7d: {  	_ =	shalt  }
0x7e: {  	_ =	shalt  }
0x7f: {  	_ =	shalt  }
0x80: {  	_ =	shalt  }
0x81: {  	_ =	shalt  }
0x82: {  	_ =	shalt  }
0x83: {  	_ =	shalt  }
0x84: {  	_ =	shalt  }
0x85: {  	_ =	shalt  }
0x86: {  	_ =	shalt  }
0x87: {  	_ =	shalt  }
.Lfunc_end0:
.L_simem_size_0:
called_computation.2_lowered:
.L_overlay_start_0:
0x88: {  	s2 =	sld [smem:$0x3FD9]  }
0x89: {  	s3 =	sld [smem:$0x3FFE];
	_ =	sdelay $0x1  }
0x8a: {  	s1 =	srdreg.scid  }
0x8b: {  	s0 =	sand.u32 $0x1, s1  }
0x8c: {  	s16 =	sshll.u32 s0, $0xA;
	s2 =	sadd.s32 s3, s2  }
0x8d: {  	s2 =	sadd.s32 s2, s16  }
0x8e: {  	[smem:$0x3FBB] =	sst s2  }
0x8f: {  	_ = 	snop  }
0x90: {  	(tm) =	ssettm $0x1  }
0x91: {  	s17 =	sld [smem:$0x3FFB];
	_ =	sdelay $0x3  }
0x92: {  	_ =	strace s17  }
0x93: {  	s2 =	sld [smem:$0x3FFC];
	_ =	sdelay $0x3  }
0x94: {  	_ =	strace s2  }
0x95: {  	s2 =	sld [smem:$0x3FFD];
	_ =	sdelay $0x3  }
0x96: {  	_ =	strace s2  }
0x97: {  	_ =	strace $0x8FFFFFFF  }
0x98: {  	s18 =	sld [smem:$0x3FDB];
	_ =	sdelay $0x1  }
0x99: {  	s19 =	simm.s32 $_scs_section_size  }
0x9a: {  	s4 =	simm.s32 $_size__tile_overlayer_lowered;
	s5 =	simm.s32 $_tile_overlayer_lowered  }
0x9b: {  	s22 =	simm.s32 $0x1BFF;
	s21 =	sshll.u32 s5, $0x1;
	s2 =	sadd.s32 s19, s18  }
0x9c: {  	s6 =	simm.s32 $0x0;
	s20 =	sshll.u32 s4, $0x1;
	s4 =	sadd.s32 s21, s2  }
0x9d: {  	[timem:s6], [sflag:s22] =	dma.local [hbm:s4], s20  }
0x9e: {  	_ =	swait.ge [sflag:s22], s20  }
0x9f: {  	s3 =	ssub.s32 $0x0, s20;
	[sflag:s22] =	ssyncset.done $0x0  }
0xa0: {  	[sflag:s22] =	ssyncadd.s32 s3;
	_ =	sdelay $0x1  }
0xa1: {  	s23 =	simm.s32 $0x1B8B  }
0xa2: {  	_ =	swait.ge [sflag:s23], $0x1  }
0xa3: {  	[sflag:s23] =	ssyncset.done $0x0  }
0xa4: {  	s25 =	simm.s32 $0x1B8E;
	s24 =	sld [smem:$0x3FFE];
	[sflag:s23] =	ssyncadd.s32 $0xFFFFFFFF  }
0xa5: {  	s26 =	simm.s32 $execute0_lowered;
	[smem:$0x3FD2] =	sst s25  }
0xa6: {  	s4 =	sshll.u32 s26, $0x1;
	_ =	strace $0x8000004C;
	[dreg:$0x1] =	wrdreg $0xFFFFFFFF  }
0xa7: {  	s28 =	simm.s32 $_size_execute0_lowered;
	s2 =	sadd.s32 s2, s4;
	[dreg:$0x0] =	wrdreg $0x0  }
0xa8: {  	s4 =	sshll.u32 s28, $0x1;
	[dreg:$0x2] =	wrdreg s2  }
0xa9: {  	[dreg:$0x3] =	wrdreg s4  }
0xaa: {  	[dreg:$0x4] =	wrdreg $0xC0  }
0xab: {  	_ =	task [dreg:s6], $0x5FFFF  }
0xac: {  	[dreg:$0x1] =	wrdreg $0xFFFFFFFF  }
0xad: {  	[dreg:$0x0] =	wrdreg $0x60  }
0xae: {  	[dreg:$0x2] =	wrdreg s24  }
0xaf: {  	[dreg:$0x3] =	wrdreg $0x90000  }
0xb0: {  	[dreg:$0x4] =	wrdreg $0x9  }
0xb1: {  	_ =	task.clear_ibuf [dreg:s6], $0x5FFFF;
	_ =	strace $0x9000004C  }
0xb2: {  	s29 =	simm.s32 $0x9;
	_ =	strace $0x8000004E  }
0xb3: {  	_ =	swait.ge [sflag:s29], $0x1  }
0xb4: {  	[sflag:s29] =	ssyncadd.s32 $0xFFFFFFFF  }
0xb5: {  	_ =	strace $0x9000004E  }
0xb6: {  	_ =	sfence  }
0xb7: {  	s30 =	sld [smem:$0x0];
	_ =	sdelay $0x2  }
0xb8: {  	s31 =	sshll.u32 s1, $0xD;
	s1 =	sshrl.u32 s1, $0x2  }
0xb9: {  	s3 =	sand.u32 $0x4000, s31;
	s1 =	sadd.s32 s1, s30  }
0xba: {  	s0 =	sor.u32 s3, s0;
	s1 =	sshll.u32 s1, $0x11  }
0xbb: {  	s0 =	sor.u32 s1, s0  }
0xbc: {  	s0 =	sadd.s32 $0x8F2B, s0  }
0xbd: {  	[sflag:s0] =	ssyncadd.remote.s32 $0x1  }
0xbe: {  	_ =	sfence.sel $0xFFFF  }
0xbf: {  	[dreg:$0x0] =	wrdreg $0xFFFFFFFF;
	(pc) =	sbr.abs _section_cstart, $3  }
0xc0: {  	[dreg:$0x1] =	wrdreg $0xFFFFFFFF  }
0xc1: {  	_ =	task.clear_ibuf [dreg:s6], $0x2FFFF;
	_ =	strace $0x9FFFFFFF  }
0xc2: {  	(tm) =	ssettm $0x7FFFFFFF  }
0xc3: {  	_ =	shalt  }
tec
execute0_lowered:
.L_overlay_start_1:
0x0: {  	(tag) =	ssettag $0x1  }
0x1: {  	s0 =	srdreg.scid;
	s1 =	rddreg [dreg:$0x0]  }
0x2: {  	s10 =	stileid.u32;
	s2 =	rddreg [dreg:$0x1]  }
0x3: {  	s3 =	simm.s32 $0x0;
	s13 =	simm.s32 $0x100;
	s15 =	simm.s32 $0x880  }
0x4: {  	s17 =	simm.s32 $0x180;
	s18 =	simm.s32 $0x900;
	s19 =	simm.s32 $0x200  }
0x5: {  	s20 =	simm.s32 $0x980;
	s21 =	simm.s32 $0x280;
	[smem:$0x7FF] =	sst s3  }
0x6: {  	s22 =	simm.s32 $0xA00;
	_ =	strace $0x8000004D;
	[dreg:$0x5] =	wrdreg s13  }
0x7: {  	s23 =	simm.s32 $0x300;
	s24 =	simm.s32 $0xA80;
	[dreg:$0x6] =	wrdreg s15  }
0x8: {  	s28 =	simm.s32 $0x680;
	s29 =	simm.s32 $0xE00;
	[dreg:$0x7] =	wrdreg s17  }
0x9: {  	s30 =	simm.s32 $0x700;
	s4 =	smul.u32 $0x5000, s10;
	[dreg:$0x8] =	wrdreg s18  }
0xa: {  	s31 =	simm.s32 $0xE80;
	s25 =	smul.u32 $0x14000, s10;
	[dreg:$0x9] =	wrdreg s19  }
0xb: {  	s0 =	sand.u32 $0x1, s0;
	s9 =	smul.u32 $0x50000, s10;
	[dreg:$0xa] =	wrdreg s20  }
0xc: {  	s16 =	sshll.u32 s10, $0x6;
	s5 =	smul.u32 $0x2800, s0;
	[dreg:$0xb] =	wrdreg s21  }
0xd: {  	s10 =	simm.s32 $0x3;
	s7 =	smul.u32 $0x140000, s0;
	[dreg:$0xc] =	wrdreg s22  }
0xe: {  	s0 =	ssub.s32 $0x2, s0;
	[dreg:$0xd] =	wrdreg s23;
	s13 =	simm.s32 $0x1000  }
0xf: {  	[dreg:$0xe] =	wrdreg s24;
	s15 =	simm.s32 $0x5000;
	s17 =	simm.s32 $0x400  }
0x10: {  	s18 =	simm.s32 $0xB80;
	s19 =	simm.s32 $0x480;
	s20 =	simm.s32 $0xC00  }
0x11: {  	s21 =	simm.s32 $0x500;
	s22 =	simm.s32 $0xC80;
	s23 =	simm.s32 $0x580  }
0x12: {  	s24 =	simm.s32 $0xD00;
	s8 =	sshrl.u32 s25, $0x3;
	s26 =	sshrl.u32 s0, $0x1  }
0x13: {  	s9 =	sshrl.u32 s9, $0x2;
	s4 =	sadd.s32 s5, s4;
	s8 =	sadd.s32 s8, s1  }
0x14: {  	s5 =	sadd.s32 s25, s7;
	s0 =	ssub.s32 s0, s26;
	s12 =	sadd.s32 s9, s2  }
0x15: {  	s25 =	simm.s32 $0x380;
	s26 =	simm.s32 $0xB00;
	s9 =	simm.s32 $0x0  }
0x16: {  	s6 =	sshrl.u32 s4, $0x3;
	s4 =	sadd.s32 $0x41600, s1;
	s5 =	sshrl.u32 s5, $0x3  }
0x17: {  	s14 =	sadd.s32 $0x19600, s8;
	s0 =	smax.u32 s0, $0x1;
	[dreg:$0xf] =	wrdreg s25  }
0x18: {  	s8 =	sshrl.u32 s12, $0x3;
	s12 =	simm.s32 $0x80;
	[dreg:$0x10] =	wrdreg s26  }
0x19: {  	s25 =	simm.s32 $0x600;
	s26 =	simm.s32 $0xD80;
	[dreg:$0x11] =	wrdreg s14  }
0x1a: {  	s6 =	sadd.s32 s6, s1;
	s1 =	sadd.s32 s5, s1;
	[dreg:$0x14] =	wrdreg s0  }
0x1b: {  	s14 =	simm.s32 $0x1;
	[dreg:$0x15] =	wrdreg s8;
	s7 =	sadd.s32 $0xF600, s6  }
0x1c: {  	s0 =	simm.s32 $0xF00;
	s11 =	sadd.s32 $0x5600, s6;
	[dreg:$0x3] =	wrdreg s7  }
0x1d: {  	s5 =	simm.s32 $0xF80;
	s1 =	sadd.s32 $0x91600, s1;
	[dreg:$0x4] =	wrdreg s11  }
0x1e: {  	s7 =	sor.u32 $0x1C03, s16;
	[dreg:$0x13] =	wrdreg s1;
	s11 =	simm.s32 $0x800  }
0x1f: {  	s16 =	simm.s32 $0x2;
	s1 =	simm.s32 $0x780;
	[dreg:$0x12] =	wrdreg s7  }
.LBB2_1:
0x20: {  	[dreg:$0x16] =	wrdreg s9  }
0x21: {  	s6 =	rddreg [dreg:$0x11]  }
0x22: {  	[spmem:s8], [sflag:s7] =	dma.local [hbm:s6], $0x2800  }
0x23: {  	_ =	swait.ge [sflag:s10], $0x2800  }
0x24: {  	[sflag:s10] =	ssyncset.done $0x0  }
0x25: {  	[sflag:s10] =	ssyncadd.s32 $0xFFFFD800  }
0x26: {  	[bflag:$0x0] =	sbarrier.arrive $0xFFFF  }
0x27: {  	s7 =	rddreg [dreg:$0x4]  }
0x28: {  	s6 =	sadd.s32 $0x0, s7  }
0x29: {  	[tilespmem:s3], [sflag:$0x3] =	stream.linear.gather [hbm4b:s6+s3], $0x800, $0x38;
	[tilespmem:$0x1D000] =	vst v63  }
0x2a: {  	_ =	swait.ge [sflag:s10], $0x800  }
0x2b: {  	s8 =	rddreg [dreg:$0x3];
	[sflag:s10] =	ssyncset.done $0x0  }
0x2c: {  	[sflag:s10] =	ssyncadd.s32 $0xFFFFF800;
	s6 =	sadd.s32 $0x0, s8  }
0x2d: {  	[tilespmem:s11], [sflag:$0x3] =	stream.linear.gather [hbm4b:s6+s3], $0x800, $0x38;
	[tilespmem:$0x1D000] =	vst v63  }
0x2e: {  	_ =	swait.ge [sflag:s10], $0x800  }
0x2f: {  	[sflag:s10] =	ssyncset.done $0x0  }
0x30: {  	[sflag:s10] =	ssyncadd.s32 $0xFFFFF800  }
0x31: {  	[tilespmem:s13], [sflag:$0x1] =	stream.indirect.gather [hbm4b:s4+s12], $0x80, s3, s12, $0xb8;
	[tilespmem:$0x1D000] =	vst v63  }
0x32: {  	_ =	swait.ge [sflag:s14], $0x4000  }
0x33: {  	[sflag:s14] =	ssyncset.done $0x0  }
0x34: {  	[sflag:s14] =	ssyncadd.s32 $0xFFFFC000  }
0x35: {  	[tilespmem:s15], [sflag:$0x2] =	stream.indirect.gather [hbm4b:s4+s12], $0x80, s12, s12, $0xb8;
	[tilespmem:$0x1D000] =	vst v63  }
0x36: {  	_ = 	snop  }
0x37: {  	[spmem:s2] =	stream.indirect.scatter.add.f32 [tilespmem:s13], [sflag:$0x3], $0x80, s11, s12, $0xb8;
	[tilespmem:$0x1D000] =	vst v63  }
0x38: {  	_ =	swait.ge [sflag:s10], $0x4000  }
0x39: {  	[sflag:s10] =	ssyncset.done $0x0  }
0x3a: {  	[sflag:s10] =	ssyncadd.s32 $0xFFFFC000  }
0x3b: {  	_ =	swait.ge [sflag:s16], $0x4000  }
0x3c: {  	[sflag:s16] =	ssyncset.done $0x0  }
0x3d: {  	s9 =	rddreg [dreg:$0x5];
	[sflag:s16] =	ssyncadd.s32 $0xFFFFC000  }
0x3e: {  	[tilespmem:s13], [sflag:$0x1] =	stream.indirect.gather [hbm4b:s4+s12], $0x80, s9, s12, $0xb8;
	[tilespmem:$0x1D000] =	vst v63  }
0x3f: {  	s7 =	rddreg [dreg:$0x6]  }
0x40: {  	[spmem:s2] =	stream.indirect.scatter.add.f32 [tilespmem:s15], [sflag:$0x3], $0x80, s7, s12, $0xb8;
	[tilespmem:$0x1D000] =	vst v63  }
0x41: {  	_ =	swait.ge [sflag:s10], $0x4000  }
0x42: {  	[sflag:s10] =	ssyncset.done $0x0  }
0x43: {  	[sflag:s10] =	ssyncadd.s32 $0xFFFFC000  }
0x44: {  	_ =	swait.ge [sflag:s14], $0x4000  }
0x45: {  	[sflag:s14] =	ssyncset.done $0x0  }
0x46: {  	s9 =	rddreg [dreg:$0x7];
	[sflag:s14] =	ssyncadd.s32 $0xFFFFC000  }
0x47: {  	[tilespmem:s15], [sflag:$0x2] =	stream.indirect.gather [hbm4b:s4+s12], $0x80, s9, s12, $0xb8;
	[tilespmem:$0x1D000] =	vst v63  }
0x48: {  	s7 =	rddreg [dreg:$0x8]  }
0x49: {  	[spmem:s2] =	stream.indirect.scatter.add.f32 [tilespmem:s13], [sflag:$0x3], $0x80, s7, s12, $0xb8;
	[tilespmem:$0x1D000] =	vst v63  }
0x4a: {  	_ =	swait.ge [sflag:s10], $0x4000  }
0x4b: {  	[sflag:s10] =	ssyncset.done $0x0  }
0x4c: {  	[sflag:s10] =	ssyncadd.s32 $0xFFFFC000  }
0x4d: {  	_ =	swait.ge [sflag:s16], $0x4000  }
0x4e: {  	[sflag:s16] =	ssyncset.done $0x0  }
0x4f: {  	s9 =	rddreg [dreg:$0x9];
	[sflag:s16] =	ssyncadd.s32 $0xFFFFC000  }
0x50: {  	[tilespmem:s13], [sflag:$0x1] =	stream.indirect.gather [hbm4b:s4+s12], $0x80, s9, s12, $0xb8;
	[tilespmem:$0x1D000] =	vst v63  }
0x51: {  	s7 =	rddreg [dreg:$0xa]  }
0x52: {  	[spmem:s2] =	stream.indirect.scatter.add.f32 [tilespmem:s15], [sflag:$0x3], $0x80, s7, s12, $0xb8;
	[tilespmem:$0x1D000] =	vst v63  }
0x53: {  	_ =	swait.ge [sflag:s10], $0x4000  }
0x54: {  	[sflag:s10] =	ssyncset.done $0x0  }
0x55: {  	[sflag:s10] =	ssyncadd.s32 $0xFFFFC000  }
0x56: {  	_ =	swait.ge [sflag:s14], $0x4000  }
0x57: {  	[sflag:s14] =	ssyncset.done $0x0  }
0x58: {  	s9 =	rddreg [dreg:$0xb];
	[sflag:s14] =	ssyncadd.s32 $0xFFFFC000  }
0x59: {  	[tilespmem:s15], [sflag:$0x2] =	stream.indirect.gather [hbm4b:s4+s12], $0x80, s9, s12, $0xb8;
	[tilespmem:$0x1D000] =	vst v63  }
0x5a: {  	s7 =	rddreg [dreg:$0xc]  }
0x5b: {  	[spmem:s2] =	stream.indirect.scatter.add.f32 [tilespmem:s13], [sflag:$0x3], $0x80, s7, s12, $0xb8;
	[tilespmem:$0x1D000] =	vst v63  }
0x5c: {  	_ =	swait.ge [sflag:s10], $0x4000  }
0x5d: {  	[sflag:s10] =	ssyncset.done $0x0  }
0x5e: {  	[sflag:s10] =	ssyncadd.s32 $0xFFFFC000  }
0x5f: {  	_ =	swait.ge [sflag:s16], $0x4000  }
0x60: {  	[sflag:s16] =	ssyncset.done $0x0  }
0x61: {  	s9 =	rddreg [dreg:$0xd];
	[sflag:s16] =	ssyncadd.s32 $0xFFFFC000  }
0x62: {  	[tilespmem:s13], [sflag:$0x1] =	stream.indirect.gather [hbm4b:s4+s12], $0x80, s9, s12, $0xb8;
	[tilespmem:$0x1D000] =	vst v63  }
0x63: {  	s7 =	rddreg [dreg:$0xe]  }
0x64: {  	[spmem:s2] =	stream.indirect.scatter.add.f32 [tilespmem:s15], [sflag:$0x3], $0x80, s7, s12, $0xb8;
	[tilespmem:$0x1D000] =	vst v63  }
0x65: {  	_ =	swait.ge [sflag:s10], $0x4000  }
0x66: {  	[sflag:s10] =	ssyncset.done $0x0  }
0x67: {  	[sflag:s10] =	ssyncadd.s32 $0xFFFFC000  }
0x68: {  	_ =	swait.ge [sflag:s14], $0x4000  }
0x69: {  	[sflag:s14] =	ssyncset.done $0x0  }
0x6a: {  	s8 =	rddreg [dreg:$0xf];
	[sflag:s14] =	ssyncadd.s32 $0xFFFFC000  }
0x6b: {  	[tilespmem:s15], [sflag:$0x2] =	stream.indirect.gather [hbm4b:s4+s12], $0x80, s8, s12, $0xb8;
	[tilespmem:$0x1D000] =	vst v63  }
0x6c: {  	s9 =	rddreg [dreg:$0x10]  }
0x6d: {  	[spmem:s2] =	stream.indirect.scatter.add.f32 [tilespmem:s13], [sflag:$0x3], $0x80, s9, s12, $0xb8;
	[tilespmem:$0x1D000] =	vst v63  }
0x6e: {  	_ =	swait.ge [sflag:s10], $0x4000  }
0x6f: {  	[sflag:s10] =	ssyncset.done $0x0  }
0x70: {  	[sflag:s10] =	ssyncadd.s32 $0xFFFFC000  }
0x71: {  	_ =	swait.ge [sflag:s16], $0x4000  }
0x72: {  	[sflag:s16] =	ssyncset.done $0x0  }
0x73: {  	[sflag:s16] =	ssyncadd.s32 $0xFFFFC000  }
0x74: {  	[tilespmem:s13], [sflag:$0x1] =	stream.indirect.gather [hbm4b:s4+s12], $0x80, s17, s12, $0xb8;
	[tilespmem:$0x1D000] =	vst v63  }
0x75: {  	_ = 	snop  }
0x76: {  	[spmem:s2] =	stream.indirect.scatter.add.f32 [tilespmem:s15], [sflag:$0x3], $0x80, s18, s12, $0xb8;
	[tilespmem:$0x1D000] =	vst v63  }
0x77: {  	_ =	swait.ge [sflag:s10], $0x4000  }
0x78: {  	[sflag:s10] =	ssyncset.done $0x0  }
0x79: {  	[sflag:s10] =	ssyncadd.s32 $0xFFFFC000  }
0x7a: {  	_ =	swait.ge [sflag:s14], $0x4000  }
0x7b: {  	[sflag:s14] =	ssyncset.done $0x0  }
0x7c: {  	[sflag:s14] =	ssyncadd.s32 $0xFFFFC000  }
0x7d: {  	[tilespmem:s15], [sflag:$0x2] =	stream.indirect.gather [hbm4b:s4+s12], $0x80, s19, s12, $0xb8;
	[tilespmem:$0x1D000] =	vst v63  }
0x7e: {  	_ = 	snop  }
0x7f: {  	[spmem:s2] =	stream.indirect.scatter.add.f32 [tilespmem:s13], [sflag:$0x3], $0x80, s20, s12, $0xb8;
	[tilespmem:$0x1D000] =	vst v63  }
0x80: {  	_ =	swait.ge [sflag:s10], $0x4000  }
0x81: {  	[sflag:s10] =	ssyncset.done $0x0  }
0x82: {  	[sflag:s10] =	ssyncadd.s32 $0xFFFFC000  }
0x83: {  	_ =	swait.ge [sflag:s16], $0x4000  }
0x84: {  	[sflag:s16] =	ssyncset.done $0x0  }
0x85: {  	[sflag:s16] =	ssyncadd.s32 $0xFFFFC000  }
0x86: {  	[tilespmem:s13], [sflag:$0x1] =	stream.indirect.gather [hbm4b:s4+s12], $0x80, s21, s12, $0xb8;
	[tilespmem:$0x1D000] =	vst v63  }
0x87: {  	_ = 	snop  }
0x88: {  	[spmem:s2] =	stream.indirect.scatter.add.f32 [tilespmem:s15], [sflag:$0x3], $0x80, s22, s12, $0xb8;
	[tilespmem:$0x1D000] =	vst v63  }
0x89: {  	_ =	swait.ge [sflag:s10], $0x4000  }
0x8a: {  	[sflag:s10] =	ssyncset.done $0x0  }
0x8b: {  	[sflag:s10] =	ssyncadd.s32 $0xFFFFC000  }
0x8c: {  	_ =	swait.ge [sflag:s14], $0x4000  }
0x8d: {  	[sflag:s14] =	ssyncset.done $0x0  }
0x8e: {  	[sflag:s14] =	ssyncadd.s32 $0xFFFFC000  }
0x8f: {  	[tilespmem:s15], [sflag:$0x2] =	stream.indirect.gather [hbm4b:s4+s12], $0x80, s23, s12, $0xb8;
	[tilespmem:$0x1D000] =	vst v63  }
0x90: {  	_ = 	snop  }
0x91: {  	[spmem:s2] =	stream.indirect.scatter.add.f32 [tilespmem:s13], [sflag:$0x3], $0x80, s24, s12, $0xb8;
	[tilespmem:$0x1D000] =	vst v63  }
0x92: {  	_ =	swait.ge [sflag:s10], $0x4000  }
0x93: {  	[sflag:s10] =	ssyncset.done $0x0  }
0x94: {  	[sflag:s10] =	ssyncadd.s32 $0xFFFFC000  }
0x95: {  	_ =	swait.ge [sflag:s16], $0x4000  }
0x96: {  	[sflag:s16] =	ssyncset.done $0x0  }
0x97: {  	[sflag:s16] =	ssyncadd.s32 $0xFFFFC000  }
0x98: {  	[tilespmem:s13], [sflag:$0x1] =	stream.indirect.gather [hbm4b:s4+s12], $0x80, s25, s12, $0xb8;
	[tilespmem:$0x1D000] =	vst v63  }
0x99: {  	_ = 	snop  }
0x9a: {  	[spmem:s2] =	stream.indirect.scatter.add.f32 [tilespmem:s15], [sflag:$0x3], $0x80, s26, s12, $0xb8;
	[tilespmem:$0x1D000] =	vst v63  }
0x9b: {  	_ =	swait.ge [sflag:s10], $0x4000  }
0x9c: {  	[sflag:s10] =	ssyncset.done $0x0  }
0x9d: {  	[sflag:s10] =	ssyncadd.s32 $0xFFFFC000  }
0x9e: {  	_ =	swait.ge [sflag:s14], $0x4000  }
0x9f: {  	[sflag:s14] =	ssyncset.done $0x0  }
0xa0: {  	[sflag:s14] =	ssyncadd.s32 $0xFFFFC000  }
0xa1: {  	[tilespmem:s15], [sflag:$0x2] =	stream.indirect.gather [hbm4b:s4+s12], $0x80, s28, s12, $0xb8;
	[tilespmem:$0x1D000] =	vst v63  }
0xa2: {  	_ = 	snop  }
0xa3: {  	[spmem:s2] =	stream.indirect.scatter.add.f32 [tilespmem:s13], [sflag:$0x3], $0x80, s29, s12, $0xb8;
	[tilespmem:$0x1D000] =	vst v63  }
0xa4: {  	_ =	swait.ge [sflag:s10], $0x4000  }
0xa5: {  	[sflag:s10] =	ssyncset.done $0x0  }
0xa6: {  	[sflag:s10] =	ssyncadd.s32 $0xFFFFC000  }
0xa7: {  	_ =	swait.ge [sflag:s16], $0x4000  }
0xa8: {  	[sflag:s16] =	ssyncset.done $0x0  }
0xa9: {  	[sflag:s16] =	ssyncadd.s32 $0xFFFFC000  }
0xaa: {  	[tilespmem:s13], [sflag:$0x1] =	stream.indirect.gather [hbm4b:s4+s12], $0x80, s30, s12, $0xb8;
	[tilespmem:$0x1D000] =	vst v63  }
0xab: {  	_ = 	snop  }
0xac: {  	[spmem:s2] =	stream.indirect.scatter.add.f32 [tilespmem:s15], [sflag:$0x3], $0x80, s31, s12, $0xb8;
	[tilespmem:$0x1D000] =	vst v63  }
0xad: {  	_ =	swait.ge [sflag:s10], $0x4000  }
0xae: {  	[sflag:s10] =	ssyncset.done $0x0  }
0xaf: {  	[sflag:s10] =	ssyncadd.s32 $0xFFFFC000  }
0xb0: {  	_ =	swait.ge [sflag:s14], $0x4000  }
0xb1: {  	[sflag:s14] =	ssyncset.done $0x0  }
0xb2: {  	[sflag:s14] =	ssyncadd.s32 $0xFFFFC000  }
0xb3: {  	[tilespmem:s15], [sflag:$0x2] =	stream.indirect.gather [hbm4b:s4+s12], $0x80, s1, s12, $0xb8;
	[tilespmem:$0x1D000] =	vst v63  }
0xb4: {  	_ = 	snop  }
0xb5: {  	[spmem:s2] =	stream.indirect.scatter.add.f32 [tilespmem:s13], [sflag:$0x3], $0x80, s0, s12, $0xb8;
	[tilespmem:$0x1D000] =	vst v63  }
0xb6: {  	_ =	swait.ge [sflag:s10], $0x4000  }
0xb7: {  	[sflag:s10] =	ssyncset.done $0x0  }
0xb8: {  	[sflag:s10] =	ssyncadd.s32 $0xFFFFC000  }
0xb9: {  	_ =	swait.ge [sflag:s16], $0x4000  }
0xba: {  	[sflag:s16] =	ssyncset.done $0x0  }
0xbb: {  	[sflag:s16] =	ssyncadd.s32 $0xFFFFC000  }
0xbc: {  	[spmem:s2] =	stream.indirect.scatter.add.f32 [tilespmem:s15], [sflag:$0x3], $0x80, s5, s12, $0xb8;
	[tilespmem:$0x1D000] =	vst v63  }
0xbd: {  	s6 =	simm.s32 $0x200;
	_ =	swait.ge [sflag:s10], $0x4000  }
0xbe: {  	s8 =	simm.s32 $0x100;
	s9 =	rddreg [dreg:$0x4];
	[sflag:s10] =	ssyncset.done $0x0  }
.LBB2_2:
0xbf: {  	[sflag:s10] =	ssyncadd.s32 $0xFFFFC000;
	s9 =	sadd.s32 s8, s9  }
0xc0: {  	[tilespmem:s3], [sflag:$0x3] =	stream.linear.gather [hbm4b:s9+s3], $0x800, $0x38;
	[tilespmem:$0x1D000] =	vst v63  }
0xc1: {  	_ =	swait.ge [sflag:s10], $0x800  }
0xc2: {  	s9 =	rddreg [dreg:$0x3];
	[sflag:s10] =	ssyncset.done $0x0  }
0xc3: {  	[sflag:s10] =	ssyncadd.s32 $0xFFFFF800;
	s9 =	sadd.s32 s8, s9  }
0xc4: {  	[tilespmem:s11], [sflag:$0x3] =	stream.linear.gather [hbm4b:s9+s3], $0x800, $0x38;
	[tilespmem:$0x1D000] =	vst v63  }
0xc5: {  	_ =	swait.ge [sflag:s10], $0x800  }
0xc6: {  	[sflag:s10] =	ssyncset.done $0x0  }
0xc7: {  	[sflag:s10] =	ssyncadd.s32 $0xFFFFF800  }
0xc8: {  	[tilespmem:s13], [sflag:$0x1] =	stream.indirect.gather [hbm4b:s4+s12], $0x80, s3, s12, $0xb8;
	[tilespmem:$0x1D000] =	vst v63  }
0xc9: {  	_ =	swait.ge [sflag:s14], $0x4000  }
0xca: {  	[sflag:s14] =	ssyncset.done $0x0  }
0xcb: {  	[sflag:s14] =	ssyncadd.s32 $0xFFFFC000  }
0xcc: {  	[tilespmem:s15], [sflag:$0x2] =	stream.indirect.gather [hbm4b:s4+s12], $0x80, s12, s12, $0xb8;
	[tilespmem:$0x1D000] =	vst v63  }
0xcd: {  	_ = 	snop  }
0xce: {  	[spmem:s2] =	stream.indirect.scatter.add.f32 [tilespmem:s13], [sflag:$0x3], $0x80, s11, s12, $0xb8;
	[tilespmem:$0x1D000] =	vst v63  }
0xcf: {  	_ =	swait.ge [sflag:s10], $0x4000  }
0xd0: {  	[sflag:s10] =	ssyncset.done $0x0  }
0xd1: {  	[sflag:s10] =	ssyncadd.s32 $0xFFFFC000  }
0xd2: {  	_ =	swait.ge [sflag:s16], $0x4000  }
0xd3: {  	s7 =	smov.u32 s6;
	[sflag:s16] =	ssyncset.done $0x0  }
0xd4: {  	s8 =	smov.u32 s7;
	s7 =	rddreg [dreg:$0x5];
	[sflag:s16] =	ssyncadd.s32 $0xFFFFC000  }
0xd5: {  	[tilespmem:s13], [sflag:$0x1] =	stream.indirect.gather [hbm4b:s4+s12], $0x80, s7, s12, $0xb8;
	[tilespmem:$0x1D000] =	vst v63  }
0xd6: {  	s9 =	rddreg [dreg:$0x6]  }
0xd7: {  	[spmem:s2] =	stream.indirect.scatter.add.f32 [tilespmem:s15], [sflag:$0x3], $0x80, s9, s12, $0xb8;
	[tilespmem:$0x1D000] =	vst v63  }
0xd8: {  	_ =	swait.ge [sflag:s10], $0x4000  }
0xd9: {  	[sflag:s10] =	ssyncset.done $0x0  }
0xda: {  	[sflag:s10] =	ssyncadd.s32 $0xFFFFC000  }
0xdb: {  	_ =	swait.ge [sflag:s14], $0x4000  }
0xdc: {  	[sflag:s14] =	ssyncset.done $0x0  }
0xdd: {  	s7 =	rddreg [dreg:$0x7];
	[sflag:s14] =	ssyncadd.s32 $0xFFFFC000  }
0xde: {  	[tilespmem:s15], [sflag:$0x2] =	stream.indirect.gather [hbm4b:s4+s12], $0x80, s7, s12, $0xb8;
	[tilespmem:$0x1D000] =	vst v63  }
0xdf: {  	s9 =	rddreg [dreg:$0x8]  }
0xe0: {  	[spmem:s2] =	stream.indirect.scatter.add.f32 [tilespmem:s13], [sflag:$0x3], $0x80, s9, s12, $0xb8;
	[tilespmem:$0x1D000] =	vst v63  }
0xe1: {  	_ =	swait.ge [sflag:s10], $0x4000  }
0xe2: {  	[sflag:s10] =	ssyncset.done $0x0  }
0xe3: {  	[sflag:s10] =	ssyncadd.s32 $0xFFFFC000  }
0xe4: {  	_ =	swait.ge [sflag:s16], $0x4000  }
0xe5: {  	[sflag:s16] =	ssyncset.done $0x0  }
0xe6: {  	s7 =	rddreg [dreg:$0x9];
	[sflag:s16] =	ssyncadd.s32 $0xFFFFC000  }
0xe7: {  	[tilespmem:s13], [sflag:$0x1] =	stream.indirect.gather [hbm4b:s4+s12], $0x80, s7, s12, $0xb8;
	[tilespmem:$0x1D000] =	vst v63  }
0xe8: {  	s9 =	rddreg [dreg:$0xa]  }
0xe9: {  	[spmem:s2] =	stream.indirect.scatter.add.f32 [tilespmem:s15], [sflag:$0x3], $0x80, s9, s12, $0xb8;
	[tilespmem:$0x1D000] =	vst v63  }
0xea: {  	_ =	swait.ge [sflag:s10], $0x4000  }
0xeb: {  	[sflag:s10] =	ssyncset.done $0x0  }
0xec: {  	[sflag:s10] =	ssyncadd.s32 $0xFFFFC000  }
0xed: {  	_ =	swait.ge [sflag:s14], $0x4000  }
0xee: {  	[sflag:s14] =	ssyncset.done $0x0  }
0xef: {  	s7 =	rddreg [dreg:$0xb];
	[sflag:s14] =	ssyncadd.s32 $0xFFFFC000  }
0xf0: {  	[tilespmem:s15], [sflag:$0x2] =	stream.indirect.gather [hbm4b:s4+s12], $0x80, s7, s12, $0xb8;
	[tilespmem:$0x1D000] =	vst v63  }
0xf1: {  	s9 =	rddreg [dreg:$0xc]  }
0xf2: {  	[spmem:s2] =	stream.indirect.scatter.add.f32 [tilespmem:s13], [sflag:$0x3], $0x80, s9, s12, $0xb8;
	[tilespmem:$0x1D000] =	vst v63  }
0xf3: {  	_ =	swait.ge [sflag:s10], $0x4000  }
0xf4: {  	[sflag:s10] =	ssyncset.done $0x0  }
0xf5: {  	[sflag:s10] =	ssyncadd.s32 $0xFFFFC000  }
0xf6: {  	_ =	swait.ge [sflag:s16], $0x4000  }
0xf7: {  	[sflag:s16] =	ssyncset.done $0x0  }
0xf8: {  	s7 =	rddreg [dreg:$0xd];
	[sflag:s16] =	ssyncadd.s32 $0xFFFFC000  }
0xf9: {  	[tilespmem:s13], [sflag:$0x1] =	stream.indirect.gather [hbm4b:s4+s12], $0x80, s7, s12, $0xb8;
	[tilespmem:$0x1D000] =	vst v63  }
0xfa: {  	s9 =	rddreg [dreg:$0xe]  }
0xfb: {  	[spmem:s2] =	stream.indirect.scatter.add.f32 [tilespmem:s15], [sflag:$0x3], $0x80, s9, s12, $0xb8;
	[tilespmem:$0x1D000] =	vst v63  }
0xfc: {  	_ =	swait.ge [sflag:s10], $0x4000  }
0xfd: {  	[sflag:s10] =	ssyncset.done $0x0  }
0xfe: {  	[sflag:s10] =	ssyncadd.s32 $0xFFFFC000  }
0xff: {  	_ =	swait.ge [sflag:s14], $0x4000  }
0x100: {  	[sflag:s14] =	ssyncset.done $0x0  }
0x101: {  	s7 =	rddreg [dreg:$0xf];
	[sflag:s14] =	ssyncadd.s32 $0xFFFFC000  }
0x102: {  	[tilespmem:s15], [sflag:$0x2] =	stream.indirect.gather [hbm4b:s4+s12], $0x80, s7, s12, $0xb8;
	[tilespmem:$0x1D000] =	vst v63  }
0x103: {  	s9 =	rddreg [dreg:$0x10]  }
0x104: {  	[spmem:s2] =	stream.indirect.scatter.add.f32 [tilespmem:s13], [sflag:$0x3], $0x80, s9, s12, $0xb8;
	[tilespmem:$0x1D000] =	vst v63  }
0x105: {  	_ =	swait.ge [sflag:s10], $0x4000  }
0x106: {  	[sflag:s10] =	ssyncset.done $0x0  }
0x107: {  	[sflag:s10] =	ssyncadd.s32 $0xFFFFC000  }
0x108: {  	_ =	swait.ge [sflag:s16], $0x4000  }
0x109: {  	[sflag:s16] =	ssyncset.done $0x0  }
0x10a: {  	[sflag:s16] =	ssyncadd.s32 $0xFFFFC000  }
0x10b: {  	[tilespmem:s13], [sflag:$0x1] =	stream.indirect.gather [hbm4b:s4+s12], $0x80, s17, s12, $0xb8;
	[tilespmem:$0x1D000] =	vst v63  }
0x10c: {  	_ = 	snop  }
0x10d: {  	[spmem:s2] =	stream.indirect.scatter.add.f32 [tilespmem:s15], [sflag:$0x3], $0x80, s18, s12, $0xb8;
	[tilespmem:$0x1D000] =	vst v63  }
0x10e: {  	_ =	swait.ge [sflag:s10], $0x4000  }
0x10f: {  	[sflag:s10] =	ssyncset.done $0x0  }
0x110: {  	[sflag:s10] =	ssyncadd.s32 $0xFFFFC000  }
0x111: {  	_ =	swait.ge [sflag:s14], $0x4000  }
0x112: {  	[sflag:s14] =	ssyncset.done $0x0  }
0x113: {  	[sflag:s14] =	ssyncadd.s32 $0xFFFFC000  }
0x114: {  	[tilespmem:s15], [sflag:$0x2] =	stream.indirect.gather [hbm4b:s4+s12], $0x80, s19, s12, $0xb8;
	[tilespmem:$0x1D000] =	vst v63  }
0x115: {  	_ = 	snop  }
0x116: {  	[spmem:s2] =	stream.indirect.scatter.add.f32 [tilespmem:s13], [sflag:$0x3], $0x80, s20, s12, $0xb8;
	[tilespmem:$0x1D000] =	vst v63  }
0x117: {  	_ =	swait.ge [sflag:s10], $0x4000  }
0x118: {  	[sflag:s10] =	ssyncset.done $0x0  }
0x119: {  	[sflag:s10] =	ssyncadd.s32 $0xFFFFC000  }
0x11a: {  	_ =	swait.ge [sflag:s16], $0x4000  }
0x11b: {  	[sflag:s16] =	ssyncset.done $0x0  }
0x11c: {  	[sflag:s16] =	ssyncadd.s32 $0xFFFFC000  }
0x11d: {  	[tilespmem:s13], [sflag:$0x1] =	stream.indirect.gather [hbm4b:s4+s12], $0x80, s21, s12, $0xb8;
	[tilespmem:$0x1D000] =	vst v63  }
0x11e: {  	_ = 	snop  }
0x11f: {  	[spmem:s2] =	stream.indirect.scatter.add.f32 [tilespmem:s15], [sflag:$0x3], $0x80, s22, s12, $0xb8;
	[tilespmem:$0x1D000] =	vst v63  }
0x120: {  	_ =	swait.ge [sflag:s10], $0x4000  }
0x121: {  	[sflag:s10] =	ssyncset.done $0x0  }
0x122: {  	[sflag:s10] =	ssyncadd.s32 $0xFFFFC000  }
0x123: {  	_ =	swait.ge [sflag:s14], $0x4000  }
0x124: {  	[sflag:s14] =	ssyncset.done $0x0  }
0x125: {  	[sflag:s14] =	ssyncadd.s32 $0xFFFFC000  }
0x126: {  	[tilespmem:s15], [sflag:$0x2] =	stream.indirect.gather [hbm4b:s4+s12], $0x80, s23, s12, $0xb8;
	[tilespmem:$0x1D000] =	vst v63  }
0x127: {  	_ = 	snop  }
0x128: {  	[spmem:s2] =	stream.indirect.scatter.add.f32 [tilespmem:s13], [sflag:$0x3], $0x80, s24, s12, $0xb8;
	[tilespmem:$0x1D000] =	vst v63  }
0x129: {  	_ =	swait.ge [sflag:s10], $0x4000  }
0x12a: {  	[sflag:s10] =	ssyncset.done $0x0  }
0x12b: {  	[sflag:s10] =	ssyncadd.s32 $0xFFFFC000  }
0x12c: {  	_ =	swait.ge [sflag:s16], $0x4000  }
0x12d: {  	[sflag:s16] =	ssyncset.done $0x0  }
0x12e: {  	[sflag:s16] =	ssyncadd.s32 $0xFFFFC000  }
0x12f: {  	[tilespmem:s13], [sflag:$0x1] =	stream.indirect.gather [hbm4b:s4+s12], $0x80, s25, s12, $0xb8;
	[tilespmem:$0x1D000] =	vst v63  }
0x130: {  	_ = 	snop  }
0x131: {  	[spmem:s2] =	stream.indirect.scatter.add.f32 [tilespmem:s15], [sflag:$0x3], $0x80, s26, s12, $0xb8;
	[tilespmem:$0x1D000] =	vst v63  }
0x132: {  	_ =	swait.ge [sflag:s10], $0x4000  }
0x133: {  	[sflag:s10] =	ssyncset.done $0x0  }
0x134: {  	[sflag:s10] =	ssyncadd.s32 $0xFFFFC000  }
0x135: {  	_ =	swait.ge [sflag:s14], $0x4000  }
0x136: {  	[sflag:s14] =	ssyncset.done $0x0  }
0x137: {  	[sflag:s14] =	ssyncadd.s32 $0xFFFFC000  }
0x138: {  	[tilespmem:s15], [sflag:$0x2] =	stream.indirect.gather [hbm4b:s4+s12], $0x80, s28, s12, $0xb8;
	[tilespmem:$0x1D000] =	vst v63  }
0x139: {  	_ = 	snop  }
0x13a: {  	[spmem:s2] =	stream.indirect.scatter.add.f32 [tilespmem:s13], [sflag:$0x3], $0x80, s29, s12, $0xb8;
	[tilespmem:$0x1D000] =	vst v63  }
0x13b: {  	_ =	swait.ge [sflag:s10], $0x4000  }
0x13c: {  	[sflag:s10] =	ssyncset.done $0x0  }
0x13d: {  	[sflag:s10] =	ssyncadd.s32 $0xFFFFC000  }
0x13e: {  	_ =	swait.ge [sflag:s16], $0x4000  }
0x13f: {  	[sflag:s16] =	ssyncset.done $0x0  }
0x140: {  	[sflag:s16] =	ssyncadd.s32 $0xFFFFC000  }
0x141: {  	[tilespmem:s13], [sflag:$0x1] =	stream.indirect.gather [hbm4b:s4+s12], $0x80, s30, s12, $0xb8;
	[tilespmem:$0x1D000] =	vst v63  }
0x142: {  	_ = 	snop  }
0x143: {  	[spmem:s2] =	stream.indirect.scatter.add.f32 [tilespmem:s15], [sflag:$0x3], $0x80, s31, s12, $0xb8;
	[tilespmem:$0x1D000] =	vst v63  }
0x144: {  	_ =	swait.ge [sflag:s10], $0x4000  }
0x145: {  	[sflag:s10] =	ssyncset.done $0x0  }
0x146: {  	[sflag:s10] =	ssyncadd.s32 $0xFFFFC000  }
0x147: {  	_ =	swait.ge [sflag:s14], $0x4000  }
0x148: {  	[sflag:s14] =	ssyncset.done $0x0  }
0x149: {  	[sflag:s14] =	ssyncadd.s32 $0xFFFFC000  }
0x14a: {  	[tilespmem:s15], [sflag:$0x2] =	stream.indirect.gather [hbm4b:s4+s12], $0x80, s1, s12, $0xb8;
	[tilespmem:$0x1D000] =	vst v63  }
0x14b: {  	_ = 	snop  }
0x14c: {  	[spmem:s2] =	stream.indirect.scatter.add.f32 [tilespmem:s13], [sflag:$0x3], $0x80, s0, s12, $0xb8;
	[tilespmem:$0x1D000] =	vst v63  }
0x14d: {  	_ =	swait.ge [sflag:s10], $0x4000  }
0x14e: {  	[sflag:s10] =	ssyncset.done $0x0  }
0x14f: {  	[sflag:s10] =	ssyncadd.s32 $0xFFFFC000  }
0x150: {  	p0 =	sne.s32 s6, $0x400;
	_ =	swait.ge [sflag:s16], $0x4000  }
.Ltmp0:
0x151: {  	[sflag:s16] =	ssyncset.done $0x0;
	(pc) =	sbr.rel @p0 .LBB2_2-.Ltmp0, $4  }
0x152: {  	[sflag:s16] =	ssyncadd.s32 $0xFFFFC000  }
0x153: {  	[spmem:s2] =	stream.indirect.scatter.add.f32 [tilespmem:s15], [sflag:$0x3], $0x80, s5, s12, $0xb8;
	[tilespmem:$0x1D000] =	vst v63  }
0x154: {  	_ =	swait.ge [sflag:s10], $0x4000  }
0x155: {  	s6 =	sadd.s32 $0x100, s6;
	s9 =	rddreg [dreg:$0x4];
	[sflag:s10] =	ssyncset.done $0x0  }
0x156: {  	[sflag:s10] =	ssyncadd.s32 $0xFFFFC000;
	s6 =	sadd.s32 s8, s9  }
0x157: {  	[tilespmem:s3], [sflag:$0x3] =	stream.linear.gather [hbm4b:s6+s3], $0x800, $0x38;
	[tilespmem:$0x1D000] =	vst v63  }
0x158: {  	_ =	swait.ge [sflag:s10], $0x800  }
0x159: {  	s7 =	rddreg [dreg:$0x3];
	[sflag:s10] =	ssyncset.done $0x0  }
0x15a: {  	[sflag:s10] =	ssyncadd.s32 $0xFFFFF800;
	s6 =	sadd.s32 s8, s7  }
0x15b: {  	[tilespmem:s11], [sflag:$0x3] =	stream.linear.gather [hbm4b:s6+s3], $0x800, $0x38;
	[tilespmem:$0x1D000] =	vst v63  }
0x15c: {  	_ =	swait.ge [sflag:s10], $0x800  }
0x15d: {  	[sflag:s10] =	ssyncset.done $0x0  }
0x15e: {  	[sflag:s10] =	ssyncadd.s32 $0xFFFFF800  }
0x15f: {  	[tilespmem:s13], [sflag:$0x1] =	stream.indirect.gather [hbm4b:s4+s12], $0x80, s3, s12, $0xb8;
	[tilespmem:$0x1D000] =	vst v63  }
0x160: {  	_ =	swait.ge [sflag:s14], $0x4000  }
0x161: {  	[sflag:s14] =	ssyncset.done $0x0  }
0x162: {  	[sflag:s14] =	ssyncadd.s32 $0xFFFFC000  }
0x163: {  	[tilespmem:s15], [sflag:$0x2] =	stream.indirect.gather [hbm4b:s4+s12], $0x80, s12, s12, $0xb8;
	[tilespmem:$0x1D000] =	vst v63  }
0x164: {  	_ = 	snop  }
0x165: {  	[spmem:s2] =	stream.indirect.scatter.add.f32 [tilespmem:s13], [sflag:$0x3], $0x80, s11, s12, $0xb8;
	[tilespmem:$0x1D000] =	vst v63  }
0x166: {  	_ =	swait.ge [sflag:s10], $0x4000  }
0x167: {  	[sflag:s10] =	ssyncset.done $0x0  }
0x168: {  	[sflag:s10] =	ssyncadd.s32 $0xFFFFC000  }
0x169: {  	_ =	swait.ge [sflag:s16], $0x4000  }
0x16a: {  	[sflag:s16] =	ssyncset.done $0x0  }
0x16b: {  	s9 =	rddreg [dreg:$0x5];
	[sflag:s16] =	ssyncadd.s32 $0xFFFFC000  }
0x16c: {  	[tilespmem:s13], [sflag:$0x1] =	stream.indirect.gather [hbm4b:s4+s12], $0x80, s9, s12, $0xb8;
	[tilespmem:$0x1D000] =	vst v63  }
0x16d: {  	s7 =	rddreg [dreg:$0x6]  }
0x16e: {  	[spmem:s2] =	stream.indirect.scatter.add.f32 [tilespmem:s15], [sflag:$0x3], $0x80, s7, s12, $0xb8;
	[tilespmem:$0x1D000] =	vst v63  }
0x16f: {  	_ =	swait.ge [sflag:s10], $0x4000  }
0x170: {  	[sflag:s10] =	ssyncset.done $0x0  }
0x171: {  	[sflag:s10] =	ssyncadd.s32 $0xFFFFC000  }
0x172: {  	_ =	swait.ge [sflag:s14], $0x4000  }
0x173: {  	[sflag:s14] =	ssyncset.done $0x0  }
0x174: {  	s8 =	rddreg [dreg:$0x7];
	[sflag:s14] =	ssyncadd.s32 $0xFFFFC000  }
0x175: {  	[tilespmem:s15], [sflag:$0x2] =	stream.indirect.gather [hbm4b:s4+s12], $0x80, s8, s12, $0xb8;
	[tilespmem:$0x1D000] =	vst v63  }
0x176: {  	s9 =	rddreg [dreg:$0x8]  }
0x177: {  	[spmem:s2] =	stream.indirect.scatter.add.f32 [tilespmem:s13], [sflag:$0x3], $0x80, s9, s12, $0xb8;
	[tilespmem:$0x1D000] =	vst v63  }
0x178: {  	_ =	swait.ge [sflag:s10], $0x4000  }
0x179: {  	[sflag:s10] =	ssyncset.done $0x0  }
0x17a: {  	[sflag:s10] =	ssyncadd.s32 $0xFFFFC000  }
0x17b: {  	_ =	swait.ge [sflag:s16], $0x4000  }
0x17c: {  	[sflag:s16] =	ssyncset.done $0x0  }
0x17d: {  	s8 =	rddreg [dreg:$0x9];
	[sflag:s16] =	ssyncadd.s32 $0xFFFFC000  }
0x17e: {  	[tilespmem:s13], [sflag:$0x1] =	stream.indirect.gather [hbm4b:s4+s12], $0x80, s8, s12, $0xb8;
	[tilespmem:$0x1D000] =	vst v63  }
0x17f: {  	s9 =	rddreg [dreg:$0xa]  }
0x180: {  	[spmem:s2] =	stream.indirect.scatter.add.f32 [tilespmem:s15], [sflag:$0x3], $0x80, s9, s12, $0xb8;
	[tilespmem:$0x1D000] =	vst v63  }
0x181: {  	_ =	swait.ge [sflag:s10], $0x4000  }
0x182: {  	[sflag:s10] =	ssyncset.done $0x0  }
0x183: {  	[sflag:s10] =	ssyncadd.s32 $0xFFFFC000  }
0x184: {  	_ =	swait.ge [sflag:s14], $0x4000  }
0x185: {  	[sflag:s14] =	ssyncset.done $0x0  }
0x186: {  	s8 =	rddreg [dreg:$0xb];
	[sflag:s14] =	ssyncadd.s32 $0xFFFFC000  }
0x187: {  	[tilespmem:s15], [sflag:$0x2] =	stream.indirect.gather [hbm4b:s4+s12], $0x80, s8, s12, $0xb8;
	[tilespmem:$0x1D000] =	vst v63  }
0x188: {  	s9 =	rddreg [dreg:$0xc]  }
0x189: {  	[spmem:s2] =	stream.indirect.scatter.add.f32 [tilespmem:s13], [sflag:$0x3], $0x80, s9, s12, $0xb8;
	[tilespmem:$0x1D000] =	vst v63  }
0x18a: {  	_ =	swait.ge [sflag:s10], $0x4000  }
0x18b: {  	[sflag:s10] =	ssyncset.done $0x0  }
0x18c: {  	[sflag:s10] =	ssyncadd.s32 $0xFFFFC000  }
0x18d: {  	_ =	swait.ge [sflag:s16], $0x4000  }
0x18e: {  	[sflag:s16] =	ssyncset.done $0x0  }
0x18f: {  	s8 =	rddreg [dreg:$0xd];
	[sflag:s16] =	ssyncadd.s32 $0xFFFFC000  }
0x190: {  	[tilespmem:s13], [sflag:$0x1] =	stream.indirect.gather [hbm4b:s4+s12], $0x80, s8, s12, $0xb8;
	[tilespmem:$0x1D000] =	vst v63  }
0x191: {  	s9 =	rddreg [dreg:$0xe]  }
0x192: {  	[spmem:s2] =	stream.indirect.scatter.add.f32 [tilespmem:s15], [sflag:$0x3], $0x80, s9, s12, $0xb8;
	[tilespmem:$0x1D000] =	vst v63  }
0x193: {  	_ =	swait.ge [sflag:s10], $0x4000  }
0x194: {  	[sflag:s10] =	ssyncset.done $0x0  }
0x195: {  	[sflag:s10] =	ssyncadd.s32 $0xFFFFC000  }
0x196: {  	_ =	swait.ge [sflag:s14], $0x4000  }
0x197: {  	[sflag:s14] =	ssyncset.done $0x0  }
0x198: {  	s7 =	rddreg [dreg:$0xf];
	[sflag:s14] =	ssyncadd.s32 $0xFFFFC000  }
0x199: {  	[tilespmem:s15], [sflag:$0x2] =	stream.indirect.gather [hbm4b:s4+s12], $0x80, s7, s12, $0xb8;
	[tilespmem:$0x1D000] =	vst v63  }
0x19a: {  	s8 =	rddreg [dreg:$0x10]  }
0x19b: {  	[spmem:s2] =	stream.indirect.scatter.add.f32 [tilespmem:s13], [sflag:$0x3], $0x80, s8, s12, $0xb8;
	[tilespmem:$0x1D000] =	vst v63  }
0x19c: {  	_ =	swait.ge [sflag:s10], $0x4000  }
0x19d: {  	[sflag:s10] =	ssyncset.done $0x0  }
0x19e: {  	[sflag:s10] =	ssyncadd.s32 $0xFFFFC000  }
0x19f: {  	_ =	swait.ge [sflag:s16], $0x4000  }
0x1a0: {  	[sflag:s16] =	ssyncset.done $0x0  }
0x1a1: {  	[sflag:s16] =	ssyncadd.s32 $0xFFFFC000  }
0x1a2: {  	[tilespmem:s13], [sflag:$0x1] =	stream.indirect.gather [hbm4b:s4+s12], $0x80, s17, s12, $0xb8;
	[tilespmem:$0x1D000] =	vst v63  }
0x1a3: {  	_ = 	snop  }
0x1a4: {  	[spmem:s2] =	stream.indirect.scatter.add.f32 [tilespmem:s15], [sflag:$0x3], $0x80, s18, s12, $0xb8;
	[tilespmem:$0x1D000] =	vst v63  }
0x1a5: {  	_ =	swait.ge [sflag:s10], $0x4000  }
0x1a6: {  	[sflag:s10] =	ssyncset.done $0x0  }
0x1a7: {  	[sflag:s10] =	ssyncadd.s32 $0xFFFFC000  }
0x1a8: {  	_ =	swait.ge [sflag:s14], $0x4000  }
0x1a9: {  	[sflag:s14] =	ssyncset.done $0x0  }
0x1aa: {  	[sflag:s14] =	ssyncadd.s32 $0xFFFFC000  }
0x1ab: {  	[tilespmem:s15], [sflag:$0x2] =	stream.indirect.gather [hbm4b:s4+s12], $0x80, s19, s12, $0xb8;
	[tilespmem:$0x1D000] =	vst v63  }
0x1ac: {  	_ = 	snop  }
0x1ad: {  	[spmem:s2] =	stream.indirect.scatter.add.f32 [tilespmem:s13], [sflag:$0x3], $0x80, s20, s12, $0xb8;
	[tilespmem:$0x1D000] =	vst v63  }
0x1ae: {  	_ =	swait.ge [sflag:s10], $0x4000  }
0x1af: {  	[sflag:s10] =	ssyncset.done $0x0  }
0x1b0: {  	[sflag:s10] =	ssyncadd.s32 $0xFFFFC000  }
0x1b1: {  	_ =	swait.ge [sflag:s16], $0x4000  }
0x1b2: {  	[sflag:s16] =	ssyncset.done $0x0  }
0x1b3: {  	[sflag:s16] =	ssyncadd.s32 $0xFFFFC000  }
0x1b4: {  	[tilespmem:s13], [sflag:$0x1] =	stream.indirect.gather [hbm4b:s4+s12], $0x80, s21, s12, $0xb8;
	[tilespmem:$0x1D000] =	vst v63  }
0x1b5: {  	_ = 	snop  }
0x1b6: {  	[spmem:s2] =	stream.indirect.scatter.add.f32 [tilespmem:s15], [sflag:$0x3], $0x80, s22, s12, $0xb8;
	[tilespmem:$0x1D000] =	vst v63  }
0x1b7: {  	_ =	swait.ge [sflag:s10], $0x4000  }
0x1b8: {  	[sflag:s10] =	ssyncset.done $0x0  }
0x1b9: {  	[sflag:s10] =	ssyncadd.s32 $0xFFFFC000  }
0x1ba: {  	_ =	swait.ge [sflag:s14], $0x4000  }
0x1bb: {  	[sflag:s14] =	ssyncset.done $0x0  }
0x1bc: {  	[sflag:s14] =	ssyncadd.s32 $0xFFFFC000  }
0x1bd: {  	[tilespmem:s15], [sflag:$0x2] =	stream.indirect.gather [hbm4b:s4+s12], $0x80, s23, s12, $0xb8;
	[tilespmem:$0x1D000] =	vst v63  }
0x1be: {  	_ = 	snop  }
0x1bf: {  	[spmem:s2] =	stream.indirect.scatter.add.f32 [tilespmem:s13], [sflag:$0x3], $0x80, s24, s12, $0xb8;
	[tilespmem:$0x1D000] =	vst v63  }
0x1c0: {  	_ =	swait.ge [sflag:s10], $0x4000  }
0x1c1: {  	[sflag:s10] =	ssyncset.done $0x0  }
0x1c2: {  	[sflag:s10] =	ssyncadd.s32 $0xFFFFC000  }
0x1c3: {  	_ =	swait.ge [sflag:s16], $0x4000  }
0x1c4: {  	[sflag:s16] =	ssyncset.done $0x0  }
0x1c5: {  	[sflag:s16] =	ssyncadd.s32 $0xFFFFC000  }
0x1c6: {  	[tilespmem:s13], [sflag:$0x1] =	stream.indirect.gather [hbm4b:s4+s12], $0x80, s25, s12, $0xb8;
	[tilespmem:$0x1D000] =	vst v63  }
0x1c7: {  	_ = 	snop  }
0x1c8: {  	[spmem:s2] =	stream.indirect.scatter.add.f32 [tilespmem:s15], [sflag:$0x3], $0x80, s26, s12, $0xb8;
	[tilespmem:$0x1D000] =	vst v63  }
0x1c9: {  	_ =	swait.ge [sflag:s10], $0x4000  }
0x1ca: {  	[sflag:s10] =	ssyncset.done $0x0  }
0x1cb: {  	[sflag:s10] =	ssyncadd.s32 $0xFFFFC000  }
0x1cc: {  	_ =	swait.ge [sflag:s14], $0x4000  }
0x1cd: {  	[sflag:s14] =	ssyncset.done $0x0  }
0x1ce: {  	[sflag:s14] =	ssyncadd.s32 $0xFFFFC000  }
0x1cf: {  	[tilespmem:s15], [sflag:$0x2] =	stream.indirect.gather [hbm4b:s4+s12], $0x80, s28, s12, $0xb8;
	[tilespmem:$0x1D000] =	vst v63  }
0x1d0: {  	_ = 	snop  }
0x1d1: {  	[spmem:s2] =	stream.indirect.scatter.add.f32 [tilespmem:s13], [sflag:$0x3], $0x80, s29, s12, $0xb8;
	[tilespmem:$0x1D000] =	vst v63  }
0x1d2: {  	_ =	swait.ge [sflag:s10], $0x4000  }
0x1d3: {  	[sflag:s10] =	ssyncset.done $0x0  }
0x1d4: {  	[sflag:s10] =	ssyncadd.s32 $0xFFFFC000  }
0x1d5: {  	_ =	swait.ge [sflag:s16], $0x4000  }
0x1d6: {  	[sflag:s16] =	ssyncset.done $0x0  }
0x1d7: {  	[sflag:s16] =	ssyncadd.s32 $0xFFFFC000  }
0x1d8: {  	[tilespmem:s13], [sflag:$0x1] =	stream.indirect.gather [hbm4b:s4+s12], $0x80, s30, s12, $0xb8;
	[tilespmem:$0x1D000] =	vst v63  }
0x1d9: {  	_ = 	snop  }
0x1da: {  	[spmem:s2] =	stream.indirect.scatter.add.f32 [tilespmem:s15], [sflag:$0x3], $0x80, s31, s12, $0xb8;
	[tilespmem:$0x1D000] =	vst v63  }
0x1db: {  	_ =	swait.ge [sflag:s10], $0x4000  }
0x1dc: {  	[sflag:s10] =	ssyncset.done $0x0  }
0x1dd: {  	[sflag:s10] =	ssyncadd.s32 $0xFFFFC000  }
0x1de: {  	_ =	swait.ge [sflag:s14], $0x4000  }
0x1df: {  	[sflag:s14] =	ssyncset.done $0x0  }
0x1e0: {  	[sflag:s14] =	ssyncadd.s32 $0xFFFFC000  }
0x1e1: {  	[tilespmem:s15], [sflag:$0x2] =	stream.indirect.gather [hbm4b:s4+s12], $0x80, s1, s12, $0xb8;
	[tilespmem:$0x1D000] =	vst v63  }
0x1e2: {  	_ = 	snop  }
0x1e3: {  	[spmem:s2] =	stream.indirect.scatter.add.f32 [tilespmem:s13], [sflag:$0x3], $0x80, s0, s12, $0xb8;
	[tilespmem:$0x1D000] =	vst v63  }
0x1e4: {  	_ =	swait.ge [sflag:s10], $0x4000  }
0x1e5: {  	[sflag:s10] =	ssyncset.done $0x0  }
0x1e6: {  	[sflag:s10] =	ssyncadd.s32 $0xFFFFC000  }
0x1e7: {  	_ =	swait.ge [sflag:s16], $0x4000  }
0x1e8: {  	[sflag:s16] =	ssyncset.done $0x0  }
0x1e9: {  	[sflag:s16] =	ssyncadd.s32 $0xFFFFC000  }
0x1ea: {  	[spmem:s2] =	stream.indirect.scatter.add.f32 [tilespmem:s15], [sflag:$0x3], $0x80, s5, s12, $0xb8;
	[tilespmem:$0x1D000] =	vst v63  }
0x1eb: {  	_ =	swait.ge [sflag:s10], $0x4000  }
0x1ec: {  	[sflag:s10] =	ssyncset.done $0x0  }
0x1ed: {  	[sflag:s10] =	ssyncadd.s32 $0xFFFFC000  }
0x1ee: {  	[bflag:$0x0] =	sbarrier.arrive $0xFFFF  }
0x1ef: {  	s7 =	rddreg [dreg:$0x12]  }
0x1f0: {  	s9 =	rddreg [dreg:$0x13]  }
0x1f1: {  	s8 =	rddreg [dreg:$0x15]  }
0x1f2: {  	[hbm:s9], [sflag:s7] =	dma.local [spmem:s8], $0x2800  }
0x1f3: {  	_ =	swait.ge [sflag:s10], $0x2800  }
0x1f4: {  	s6 =	rddreg [dreg:$0x16]  }
0x1f5: {  	s9 =	sadd.s32 $0x1, s6;
	s6 =	rddreg [dreg:$0x14]  }
0x1f6: {  	p0 =	sne.s32 s9, s6  }
.Ltmp1:
0x1f7: {  	_ = 	snop;
	(pc) =	sbr.rel @p0 .LBB2_1-.Ltmp1, $3  }
0x1f8: {  	_ =	sdelay $0x1  }
0x1f9: {  	[sflag:s10] =	ssyncset.done $0x0  }
0x1fa: {  	[sflag:s10] =	ssyncadd.s32 $0xFFFFD800  }
0x1fb: {  	_ =	sfence.sel $0x180000  }
0x1fc: {  	[bflag:$0x0] =	sbarrier.arrive $0xFFFF  }
0x1fd: {  	_ =	strace $0x9000004D  }
0x1fe: {  	s0 =	stileid.u32;
	[bflag:$0x2] =	sbarrier.arrive $0xFFFF  }
0x1ff: {  	p0 =	sne.s32 s0, $0x0;
	s0 =	rddreg [dreg:$0x2]  }
0x200: {  	s0 =	sadd.s32 @!p0 $0x100000, s0  }
0x201: {  	[sflag:s0] =	ssyncadd.tile.s32 @!p0 $0x1;
	_ =	shalt  }
.Lfunc_end2:
_tile_overlayer_lowered:
.L_overlay_start_2:
0x202: {  	(tag) =	ssettag $0x2  }
0x203: {  	s0 =	rddreg [dreg:$0x0];
	s2 =	stileid.u32  }
0x204: {  	s1 =	rddreg [dreg:$0x1];
	p0 =	sne.s32 s2, $0x0  }
0x205: {  	s3 =	rddreg [dreg:$0x2];
	[bflag:$0x3] =	sbarrier.arrive $0xFFFF;
	s2 =	simm.s32 @!p0 $0x1C03  }
0x206: {  	[timem:s3], [sflag:s2] =	dma.local @!p0 [hbm:s0], s1  }
0x207: {  	s0 =	simm.s32 @!p0 $0x3  }
0x208: {  	_ =	swait.ge @!p0 [sflag:s0], s1  }
0x209: {  	s1 =	ssub.s32 @!p0 $0x0, s1;
	[sflag:s0] =	ssyncset.done @!p0 $0x0  }
0x20a: {  	[sflag:s0] =	ssyncadd.s32 @!p0 s1  }
0x20b: {  	[bflag:$0x3] =	sbarrier.arrive $0xFFFF  }
0x20c: {  	_ =	shalt  }

// kernel: _run.21.cloned.1.call-start
scs
__scs_entry_jumppad:
0x0: {  	(pc) =	sbr.rel $0x88, $3  }
0x1: {  	(tag) =	ssettag $0x0;
	lr =	simm.s32 $0x1  }
0x2: {  	[smem:$0x3F94] =	sst lr;
	_ =	strace $0xD0000000  }
0x3: {  	_ = 	snop  }
0x4: {  	_ = 	snop  }
0x5: {  	_ = 	snop  }
0x6: {  	_ = 	snop  }
0x7: {  	_ = 	snop  }
__scs_overlays_trampoline_lowered:
0x8: {  	[smem:$0x3FA3] =	sst s0  }
0x9: {  	[smem:$0x3FA4] =	sst s1  }
0xa: {  	[smem:$0x3FA5] =	sst s2  }
0xb: {  	[smem:$0x3FA6] =	sst s3  }
0xc: {  	[smem:$0x3FA7] =	sst s4  }
0xd: {  	[smem:$0x3FA8] =	sst s5  }
0xe: {  	[smem:$0x3FA9] =	sst s6  }
0xf: {  	[smem:$0x3FAA] =	sst s7  }
0x10: {  	[smem:$0x3FAB] =	sst s8  }
0x11: {  	[smem:$0x3FAC] =	sst s9;
	s0 =	simm.s32 @!p0 $0x0  }
0x12: {  	s1 =	sld [smem:$0x3F92];
	s0 =	simm.s32 @p0 $0x1  }
0x13: {  	[smem:$0x3FAD] =	sst s0;
	s0 =	simm.s32 @!p1 $0x0  }
0x14: {  	s2 =	sld [smem:$0x3F91];
	s0 =	simm.s32 @p1 $0x1  }
0x15: {  	[smem:$0x3FAE] =	sst s0;
	s0 =	simm.s32 @!p2 $0x0  }
0x16: {  	s3 =	sld [smem:$0x3FDB];
	s0 =	simm.s32 @p2 $0x1  }
0x17: {  	s4 =	simm.s32 $0x1BF5;
	[smem:$0x3FB0] =	sst s0  }
0x18: {  	s0 =	sld [smem:$0x3F93];
	_ =	swait.ge [sflag:s4], $0x0  }
0x19: {  	s7 =	sld [smem:$0x3F94]  }
0x1a: {  	s8 =	sadd.s32 $0xFFFFE003, lr  }
0x1b: {  	s9 =	sadd.s32 $0xFFFFFEF7, lr;
	s5 =	simm.s32 $0xFFFFFFFF;
	p2 =	slt.u32 s8, $0xFFFFF086  }
0x1c: {  	p1 =	slt.u32 s9, $0xF7A;
	s5 =	simm.s32 @!p2 $0x0  }
0x1d: {  	s5 =	simm.s32 @p1 $0x1;
	p0 =	seq.s32 s7, s2  }
0x1e: {  	s7 =	smul.u32 @!p0 $0xF7A, s2;
	p2 =	seq.s32 @!p0 s5, $0x0  }
0x1f: {  	s9 =	smul.u32 $0xF7A, s1;
	s8 =	simm.s32 @!p0 $0x1BF5;
	p2 =	por !p2, p0  }
0x20: {  	[sflag:s8] =	ssyncset.s32 @!p0 $0xFFFFF086;
	s6 =	sadd.s32 @!p0 s3, s7;
	s7 =	simm.s32 @!p0 $0x108  }
0x21: {  	s3 =	sadd.s32 s3, s9;
	s6 =	sadd.s32 @!p0 $0x88, s6;
	s7 =	simm.s32 @p2 $0x1082  }
0x22: {  	[simem:s7], [sflag:s8] =	dma.local @!p0 [hbm:s6], $0xF7A  }
0x23: {  	s9 =	sor.u32 $0xD0000000, s2;
	s6 =	simm.s32 $0x108;
	_ =	swait.ge @!p0 [sflag:s8], $0x0  }
0x24: {  	s3 =	sadd.s32 $0x88, s3;
	s6 =	simm.s32 @!p1 $0x1082;
	[sflag:s4] =	ssyncset.s32 $0xFFFFF086  }
0x25: {  	[simem:s6], [sflag:s4] =	dma.local [hbm:s3], $0xF7A  }
0x26: {  	[smem:$0x3F94] =	sst s1;
	(tag) =	ssettag s2;
	_ =	strace s9  }
0x27: {  	s1 =	sld [smem:$0x3FA4]  }
0x28: {  	s2 =	sld [smem:$0x3FA5]  }
0x29: {  	s4 =	sld [smem:$0x3FA7]  }
0x2a: {  	p0 =	seq.s32 s5, $0x0;
	s5 =	sld [smem:$0x3FA8]  }
0x2b: {  	s6 =	sld [smem:$0x3FA9]  }
0x2c: {  	s7 =	sld [smem:$0x3FAA]  }
0x2d: {  	s3 =	simm.s32 $0x108;
	s8 =	sld [smem:$0x3FAB]  }
0x2e: {  	s3 =	simm.s32 @!p0 $0x1082;
	s9 =	sld [smem:$0x3FAC]  }
0x2f: {  	lr =	sadd.s32 s0, s3;
	s0 =	sld [smem:$0x3FA3]  }
0x30: {  	s3 =	sld [smem:$0x3FA6]  }
0x31: {  	[smem:$0x3FAF] =	sst s10  }
0x32: {  	s10 =	sld [smem:$0x3FAD];
	_ =	sdelay $0x3  }
0x33: {  	p0 =	seq.s32 s10, $0x1;
	s10 =	sld [smem:$0x3FAF];
	_ =	sdelay $0x3  }
0x34: {  	[smem:$0x3FAF] =	sst s10  }
0x35: {  	s10 =	sld [smem:$0x3FAE];
	_ =	sdelay $0x3  }
0x36: {  	p1 =	seq.s32 s10, $0x1;
	s10 =	sld [smem:$0x3FAF];
	_ =	sdelay $0x3  }
0x37: {  	[smem:$0x3FAF] =	sst s10  }
0x38: {  	s10 =	sld [smem:$0x3FB0]  }
0x39: {  	_ = 	snop;
	(pc) =	sbr.ind lr, $3  }
0x3a: {  	_ = 	snop  }
0x3b: {  	_ = 	snop  }
0x3c: {  	p2 =	seq.s32 s10, $0x1;
	s10 =	sld [smem:$0x3FAF]  }
0x3d: {  	_ =	shalt  }
0x3e: {  	_ =	shalt  }
0x3f: {  	_ =	shalt  }
0x40: {  	_ =	shalt  }
0x41: {  	_ =	shalt  }
0x42: {  	_ =	shalt  }
0x43: {  	_ =	shalt  }
0x44: {  	_ =	shalt  }
0x45: {  	_ =	shalt  }
0x46: {  	_ =	shalt  }
0x47: {  	_ =	shalt  }
0x48: {  	_ =	shalt  }
0x49: {  	_ =	shalt  }
0x4a: {  	_ =	shalt  }
0x4b: {  	_ =	shalt  }
0x4c: {  	_ =	shalt  }
0x4d: {  	_ =	shalt  }
0x4e: {  	_ =	shalt  }
0x4f: {  	_ =	shalt  }
0x50: {  	_ =	shalt  }
0x51: {  	_ =	shalt  }
0x52: {  	_ =	shalt  }
0x53: {  	_ =	shalt  }
0x54: {  	_ =	shalt  }
0x55: {  	_ =	shalt  }
0x56: {  	_ =	shalt  }
0x57: {  	_ =	shalt  }
0x58: {  	_ =	shalt  }
0x59: {  	_ =	shalt  }
0x5a: {  	_ =	shalt  }
0x5b: {  	_ =	shalt  }
0x5c: {  	_ =	shalt  }
0x5d: {  	_ =	shalt  }
0x5e: {  	_ =	shalt  }
0x5f: {  	_ =	shalt  }
0x60: {  	_ =	shalt  }
0x61: {  	_ =	shalt  }
0x62: {  	_ =	shalt  }
0x63: {  	_ =	shalt  }
0x64: {  	_ =	shalt  }
0x65: {  	_ =	shalt  }
0x66: {  	_ =	shalt  }
0x67: {  	_ =	shalt  }
0x68: {  	_ =	shalt  }
0x69: {  	_ =	shalt  }
0x6a: {  	_ =	shalt  }
0x6b: {  	_ =	shalt  }
0x6c: {  	_ =	shalt  }
0x6d: {  	_ =	shalt  }
0x6e: {  	_ =	shalt  }
0x6f: {  	_ =	shalt  }
0x70: {  	_ =	shalt  }
0x71: {  	_ =	shalt  }
0x72: {  	_ =	shalt  }
0x73: {  	_ =	shalt  }
0x74: {  	_ =	shalt  }
0x75: {  	_ =	shalt  }
0x76: {  	_ =	shalt  }
0x77: {  	_ =	shalt  }
0x78: {  	_ =	shalt  }
0x79: {  	_ =	shalt  }
0x7a: {  	_ =	shalt  }
0x7b: {  	_ =	shalt  }
0x7c: {  	_ =	shalt  }
0x7d: {  	_ =	shalt  }
0x7e: {  	_ =	shalt  }
0x7f: {  	_ =	shalt  }
0x80: {  	_ =	shalt  }
0x81: {  	_ =	shalt  }
0x82: {  	_ =	shalt  }
0x83: {  	_ =	shalt  }
0x84: {  	_ =	shalt  }
0x85: {  	_ =	shalt  }
0x86: {  	_ =	shalt  }
0x87: {  	_ =	shalt  }
.Lfunc_end0:
.L_simem_size_0:
called_computation.3_lowered:
.L_overlay_start_0:
0x88: {  	s2 =	sld [smem:$0x3FD9]  }
0x89: {  	s3 =	sld [smem:$0x3FFE];
	_ =	sdelay $0x1  }
0x8a: {  	s1 =	srdreg.scid  }
0x8b: {  	s0 =	sand.u32 $0x1, s1  }
0x8c: {  	s16 =	sshll.u32 s0, $0xA;
	s2 =	sadd.s32 s3, s2  }
0x8d: {  	s2 =	sadd.s32 s2, s16  }
0x8e: {  	[smem:$0x3FBB] =	sst s2  }
0x8f: {  	_ = 	snop  }
0x90: {  	(tm) =	ssettm $0x1  }
0x91: {  	s17 =	sld [smem:$0x3FFB];
	_ =	sdelay $0x3  }
0x92: {  	_ =	strace s17  }
0x93: {  	s2 =	sld [smem:$0x3FFC];
	_ =	sdelay $0x3  }
0x94: {  	_ =	strace s2  }
0x95: {  	s2 =	sld [smem:$0x3FFD];
	_ =	sdelay $0x3  }
0x96: {  	_ =	strace s2  }
0x97: {  	_ =	strace $0x8FFFFFFF  }
0x98: {  	s18 =	sld [smem:$0x3FDB];
	_ =	sdelay $0x1  }
0x99: {  	s19 =	simm.s32 $_scs_section_size  }
0x9a: {  	s4 =	simm.s32 $_size__tile_overlayer_lowered;
	s5 =	simm.s32 $_tile_overlayer_lowered  }
0x9b: {  	s22 =	simm.s32 $0x1BFF;
	s21 =	sshll.u32 s5, $0x1;
	s2 =	sadd.s32 s19, s18  }
0x9c: {  	s6 =	simm.s32 $0x0;
	s20 =	sshll.u32 s4, $0x1;
	s4 =	sadd.s32 s21, s2  }
0x9d: {  	[timem:s6], [sflag:s22] =	dma.local [hbm:s4], s20  }
0x9e: {  	_ =	swait.ge [sflag:s22], s20  }
0x9f: {  	s3 =	ssub.s32 $0x0, s20;
	[sflag:s22] =	ssyncset.done $0x0  }
0xa0: {  	[sflag:s22] =	ssyncadd.s32 s3;
	_ =	sdelay $0x1  }
0xa1: {  	s23 =	simm.s32 $0x1B8B  }
0xa2: {  	_ =	swait.ge [sflag:s23], $0x1  }
0xa3: {  	[sflag:s23] =	ssyncset.done $0x0  }
0xa4: {  	s25 =	simm.s32 $0x1B8E;
	s24 =	sld [smem:$0x3FFE];
	[sflag:s23] =	ssyncadd.s32 $0xFFFFFFFF  }
0xa5: {  	s26 =	simm.s32 $execute0_lowered;
	[smem:$0x3FD2] =	sst s25  }
0xa6: {  	s4 =	sshll.u32 s26, $0x1;
	_ =	strace $0x8000004F;
	[dreg:$0x1] =	wrdreg $0xFFFFFFFF  }
0xa7: {  	s28 =	simm.s32 $_size_execute0_lowered;
	s2 =	sadd.s32 s2, s4;
	[dreg:$0x0] =	wrdreg $0x0  }
0xa8: {  	s4 =	sshll.u32 s28, $0x1;
	[dreg:$0x2] =	wrdreg s2  }
0xa9: {  	[dreg:$0x3] =	wrdreg s4  }
0xaa: {  	[dreg:$0x4] =	wrdreg $0xC0  }
0xab: {  	_ =	task [dreg:s6], $0x5FFFF  }
0xac: {  	[dreg:$0x1] =	wrdreg $0xFFFFFFFF  }
0xad: {  	[dreg:$0x0] =	wrdreg $0x60  }
0xae: {  	[dreg:$0x2] =	wrdreg s24  }
0xaf: {  	[dreg:$0x3] =	wrdreg $0x90000  }
0xb0: {  	[dreg:$0x4] =	wrdreg $0x9  }
0xb1: {  	_ =	task.clear_ibuf [dreg:s6], $0x5FFFF;
	_ =	strace $0x9000004F  }
0xb2: {  	s29 =	simm.s32 $0x9;
	_ =	strace $0x80000051  }
0xb3: {  	_ =	swait.ge [sflag:s29], $0x1  }
0xb4: {  	[sflag:s29] =	ssyncadd.s32 $0xFFFFFFFF  }
0xb5: {  	_ =	strace $0x90000051  }
0xb6: {  	_ =	sfence  }
0xb7: {  	s30 =	sld [smem:$0x0];
	_ =	sdelay $0x2  }
0xb8: {  	s31 =	sshll.u32 s1, $0xD;
	s1 =	sshrl.u32 s1, $0x2  }
0xb9: {  	s3 =	sand.u32 $0x4000, s31;
	s1 =	sadd.s32 s1, s30  }
0xba: {  	s0 =	sor.u32 s3, s0;
	s1 =	sshll.u32 s1, $0x11  }
0xbb: {  	s0 =	sor.u32 s1, s0  }
0xbc: {  	s0 =	sadd.s32 $0x8F2B, s0  }
0xbd: {  	[sflag:s0] =	ssyncadd.remote.s32 $0x1  }
0xbe: {  	_ =	sfence.sel $0xFFFF  }
0xbf: {  	[dreg:$0x0] =	wrdreg $0xFFFFFFFF;
	(pc) =	sbr.abs _section_cstart, $3  }
0xc0: {  	[dreg:$0x1] =	wrdreg $0xFFFFFFFF  }
0xc1: {  	_ =	task.clear_ibuf [dreg:s6], $0x2FFFF;
	_ =	strace $0x9FFFFFFF  }
0xc2: {  	(tm) =	ssettm $0x7FFFFFFF  }
0xc3: {  	_ =	shalt  }
tec
execute0_lowered:
.L_overlay_start_1:
0x0: {  	(tag) =	ssettag $0x1  }
0x1: {  	s0 =	srdreg.scid;
	s1 =	rddreg [dreg:$0x0]  }
0x2: {  	s10 =	stileid.u32;
	s2 =	rddreg [dreg:$0x1]  }
0x3: {  	s3 =	simm.s32 $0x0;
	s13 =	simm.s32 $0x100;
	s15 =	simm.s32 $0x880  }
0x4: {  	s17 =	simm.s32 $0x180;
	s18 =	simm.s32 $0x900;
	s19 =	simm.s32 $0x200  }
0x5: {  	s20 =	simm.s32 $0x980;
	s21 =	simm.s32 $0x280;
	[smem:$0x7FF] =	sst s3  }
0x6: {  	s22 =	simm.s32 $0xA00;
	_ =	strace $0x80000050;
	[dreg:$0x5] =	wrdreg s13  }
0x7: {  	s23 =	simm.s32 $0x300;
	s24 =	simm.s32 $0xA80;
	[dreg:$0x6] =	wrdreg s15  }
0x8: {  	s28 =	simm.s32 $0x680;
	s29 =	simm.s32 $0xE00;
	[dreg:$0x7] =	wrdreg s17  }
0x9: {  	s30 =	simm.s32 $0x700;
	s4 =	smul.u32 $0x5000, s10;
	[dreg:$0x8] =	wrdreg s18  }
0xa: {  	s31 =	simm.s32 $0xE80;
	s25 =	smul.u32 $0x14000, s10;
	[dreg:$0x9] =	wrdreg s19  }
0xb: {  	s0 =	sand.u32 $0x1, s0;
	s9 =	smul.u32 $0x50000, s10;
	[dreg:$0xa] =	wrdreg s20  }
0xc: {  	s16 =	sshll.u32 s10, $0x6;
	s5 =	smul.u32 $0x2800, s0;
	[dreg:$0xb] =	wrdreg s21  }
0xd: {  	s10 =	simm.s32 $0x3;
	s7 =	smul.u32 $0x140000, s0;
	[dreg:$0xc] =	wrdreg s22  }
0xe: {  	s0 =	ssub.s32 $0x2, s0;
	[dreg:$0xd] =	wrdreg s23;
	s13 =	simm.s32 $0x1000  }
0xf: {  	[dreg:$0xe] =	wrdreg s24;
	s15 =	simm.s32 $0x5000;
	s17 =	simm.s32 $0x400  }
0x10: {  	s18 =	simm.s32 $0xB80;
	s19 =	simm.s32 $0x480;
	s20 =	simm.s32 $0xC00  }
0x11: {  	s21 =	simm.s32 $0x500;
	s22 =	simm.s32 $0xC80;
	s23 =	simm.s32 $0x580  }
0x12: {  	s24 =	simm.s32 $0xD00;
	s8 =	sshrl.u32 s25, $0x3;
	s26 =	sshrl.u32 s0, $0x1  }
0x13: {  	s9 =	sshrl.u32 s9, $0x2;
	s4 =	sadd.s32 s5, s4;
	s8 =	sadd.s32 s8, s1  }
0x14: {  	s5 =	sadd.s32 s25, s7;
	s0 =	ssub.s32 s0, s26;
	s12 =	sadd.s32 s9, s2  }
0x15: {  	s25 =	simm.s32 $0x380;
	s26 =	simm.s32 $0xB00;
	s9 =	simm.s32 $0x0  }
0x16: {  	s6 =	sshrl.u32 s4, $0x3;
	s4 =	sadd.s32 $0x41600, s1;
	s5 =	sshrl.u32 s5, $0x3  }
0x17: {  	s14 =	sadd.s32 $0x19600, s8;
	s0 =	smax.u32 s0, $0x1;
	[dreg:$0xf] =	wrdreg s25  }
0x18: {  	s8 =	sshrl.u32 s12, $0x3;
	s12 =	simm.s32 $0x80;
	[dreg:$0x10] =	wrdreg s26  }
0x19: {  	s25 =	simm.s32 $0x600;
	s26 =	simm.s32 $0xD80;
	[dreg:$0x11] =	wrdreg s14  }
0x1a: {  	s6 =	sadd.s32 s6, s1;
	s1 =	sadd.s32 s5, s1;
	[dreg:$0x14] =	wrdreg s0  }
0x1b: {  	s14 =	simm.s32 $0x1;
	[dreg:$0x15] =	wrdreg s8;
	s7 =	sadd.s32 $0xF600, s6  }
0x1c: {  	s0 =	simm.s32 $0xF00;
	s11 =	sadd.s32 $0x5600, s6;
	[dreg:$0x3] =	wrdreg s7  }
0x1d: {  	s5 =	simm.s32 $0xF80;
	s1 =	sadd.s32 $0xB9600, s1;
	[dreg:$0x4] =	wrdreg s11  }
0x1e: {  	s7 =	sor.u32 $0x1C03, s16;
	[dreg:$0x13] =	wrdreg s1;
	s11 =	simm.s32 $0x800  }
0x1f: {  	s16 =	simm.s32 $0x2;
	s1 =	simm.s32 $0x780;
	[dreg:$0x12] =	wrdreg s7  }
.LBB2_1:
0x20: {  	[dreg:$0x16] =	wrdreg s9  }
0x21: {  	s6 =	rddreg [dreg:$0x11]  }
0x22: {  	[spmem:s8], [sflag:s7] =	dma.local [hbm:s6], $0x2800  }
0x23: {  	_ =	swait.ge [sflag:s10], $0x2800  }
0x24: {  	[sflag:s10] =	ssyncset.done $0x0  }
0x25: {  	[sflag:s10] =	ssyncadd.s32 $0xFFFFD800  }
0x26: {  	[bflag:$0x0] =	sbarrier.arrive $0xFFFF  }
0x27: {  	s7 =	rddreg [dreg:$0x4]  }
0x28: {  	s6 =	sadd.s32 $0x0, s7  }
0x29: {  	[tilespmem:s3], [sflag:$0x3] =	stream.linear.gather [hbm4b:s6+s3], $0x800, $0x38;
	[tilespmem:$0x1D000] =	vst v63  }
0x2a: {  	_ =	swait.ge [sflag:s10], $0x800  }
0x2b: {  	s8 =	rddreg [dreg:$0x3];
	[sflag:s10] =	ssyncset.done $0x0  }
0x2c: {  	[sflag:s10] =	ssyncadd.s32 $0xFFFFF800;
	s6 =	sadd.s32 $0x0, s8  }
0x2d: {  	[tilespmem:s11], [sflag:$0x3] =	stream.linear.gather [hbm4b:s6+s3], $0x800, $0x38;
	[tilespmem:$0x1D000] =	vst v63  }
0x2e: {  	_ =	swait.ge [sflag:s10], $0x800  }
0x2f: {  	[sflag:s10] =	ssyncset.done $0x0  }
0x30: {  	[sflag:s10] =	ssyncadd.s32 $0xFFFFF800  }
0x31: {  	[tilespmem:s13], [sflag:$0x1] =	stream.indirect.gather [hbm4b:s4+s12], $0x80, s3, s12, $0xb8;
	[tilespmem:$0x1D000] =	vst v63  }
0x32: {  	_ =	swait.ge [sflag:s14], $0x4000  }
0x33: {  	[sflag:s14] =	ssyncset.done $0x0  }
0x34: {  	[sflag:s14] =	ssyncadd.s32 $0xFFFFC000  }
0x35: {  	[tilespmem:s15], [sflag:$0x2] =	stream.indirect.gather [hbm4b:s4+s12], $0x80, s12, s12, $0xb8;
	[tilespmem:$0x1D000] =	vst v63  }
0x36: {  	_ = 	snop  }
0x37: {  	[spmem:s2] =	stream.indirect.scatter.add.f32 [tilespmem:s13], [sflag:$0x3], $0x80, s11, s12, $0xb8;
	[tilespmem:$0x1D000] =	vst v63  }
0x38: {  	_ =	swait.ge [sflag:s10], $0x4000  }
0x39: {  	[sflag:s10] =	ssyncset.done $0x0  }
0x3a: {  	[sflag:s10] =	ssyncadd.s32 $0xFFFFC000  }
0x3b: {  	_ =	swait.ge [sflag:s16], $0x4000  }
0x3c: {  	[sflag:s16] =	ssyncset.done $0x0  }
0x3d: {  	s9 =	rddreg [dreg:$0x5];
	[sflag:s16] =	ssyncadd.s32 $0xFFFFC000  }
0x3e: {  	[tilespmem:s13], [sflag:$0x1] =	stream.indirect.gather [hbm4b:s4+s12], $0x80, s9, s12, $0xb8;
	[tilespmem:$0x1D000] =	vst v63  }
0x3f: {  	s7 =	rddreg [dreg:$0x6]  }
0x40: {  	[spmem:s2] =	stream.indirect.scatter.add.f32 [tilespmem:s15], [sflag:$0x3], $0x80, s7, s12, $0xb8;
	[tilespmem:$0x1D000] =	vst v63  }
0x41: {  	_ =	swait.ge [sflag:s10], $0x4000  }
0x42: {  	[sflag:s10] =	ssyncset.done $0x0  }
0x43: {  	[sflag:s10] =	ssyncadd.s32 $0xFFFFC000  }
0x44: {  	_ =	swait.ge [sflag:s14], $0x4000  }
0x45: {  	[sflag:s14] =	ssyncset.done $0x0  }
0x46: {  	s9 =	rddreg [dreg:$0x7];
	[sflag:s14] =	ssyncadd.s32 $0xFFFFC000  }
0x47: {  	[tilespmem:s15], [sflag:$0x2] =	stream.indirect.gather [hbm4b:s4+s12], $0x80, s9, s12, $0xb8;
	[tilespmem:$0x1D000] =	vst v63  }
0x48: {  	s7 =	rddreg [dreg:$0x8]  }
0x49: {  	[spmem:s2] =	stream.indirect.scatter.add.f32 [tilespmem:s13], [sflag:$0x3], $0x80, s7, s12, $0xb8;
	[tilespmem:$0x1D000] =	vst v63  }
0x4a: {  	_ =	swait.ge [sflag:s10], $0x4000  }
0x4b: {  	[sflag:s10] =	ssyncset.done $0x0  }
0x4c: {  	[sflag:s10] =	ssyncadd.s32 $0xFFFFC000  }
0x4d: {  	_ =	swait.ge [sflag:s16], $0x4000  }
0x4e: {  	[sflag:s16] =	ssyncset.done $0x0  }
0x4f: {  	s9 =	rddreg [dreg:$0x9];
	[sflag:s16] =	ssyncadd.s32 $0xFFFFC000  }
0x50: {  	[tilespmem:s13], [sflag:$0x1] =	stream.indirect.gather [hbm4b:s4+s12], $0x80, s9, s12, $0xb8;
	[tilespmem:$0x1D000] =	vst v63  }
0x51: {  	s7 =	rddreg [dreg:$0xa]  }
0x52: {  	[spmem:s2] =	stream.indirect.scatter.add.f32 [tilespmem:s15], [sflag:$0x3], $0x80, s7, s12, $0xb8;
	[tilespmem:$0x1D000] =	vst v63  }
0x53: {  	_ =	swait.ge [sflag:s10], $0x4000  }
0x54: {  	[sflag:s10] =	ssyncset.done $0x0  }
0x55: {  	[sflag:s10] =	ssyncadd.s32 $0xFFFFC000  }
0x56: {  	_ =	swait.ge [sflag:s14], $0x4000  }
0x57: {  	[sflag:s14] =	ssyncset.done $0x0  }
0x58: {  	s9 =	rddreg [dreg:$0xb];
	[sflag:s14] =	ssyncadd.s32 $0xFFFFC000  }
0x59: {  	[tilespmem:s15], [sflag:$0x2] =	stream.indirect.gather [hbm4b:s4+s12], $0x80, s9, s12, $0xb8;
	[tilespmem:$0x1D000] =	vst v63  }
0x5a: {  	s7 =	rddreg [dreg:$0xc]  }
0x5b: {  	[spmem:s2] =	stream.indirect.scatter.add.f32 [tilespmem:s13], [sflag:$0x3], $0x80, s7, s12, $0xb8;
	[tilespmem:$0x1D000] =	vst v63  }
0x5c: {  	_ =	swait.ge [sflag:s10], $0x4000  }
0x5d: {  	[sflag:s10] =	ssyncset.done $0x0  }
0x5e: {  	[sflag:s10] =	ssyncadd.s32 $0xFFFFC000  }
0x5f: {  	_ =	swait.ge [sflag:s16], $0x4000  }
0x60: {  	[sflag:s16] =	ssyncset.done $0x0  }
0x61: {  	s9 =	rddreg [dreg:$0xd];
	[sflag:s16] =	ssyncadd.s32 $0xFFFFC000  }
0x62: {  	[tilespmem:s13], [sflag:$0x1] =	stream.indirect.gather [hbm4b:s4+s12], $0x80, s9, s12, $0xb8;
	[tilespmem:$0x1D000] =	vst v63  }
0x63: {  	s7 =	rddreg [dreg:$0xe]  }
0x64: {  	[spmem:s2] =	stream.indirect.scatter.add.f32 [tilespmem:s15], [sflag:$0x3], $0x80, s7, s12, $0xb8;
	[tilespmem:$0x1D000] =	vst v63  }
0x65: {  	_ =	swait.ge [sflag:s10], $0x4000  }
0x66: {  	[sflag:s10] =	ssyncset.done $0x0  }
0x67: {  	[sflag:s10] =	ssyncadd.s32 $0xFFFFC000  }
0x68: {  	_ =	swait.ge [sflag:s14], $0x4000  }
0x69: {  	[sflag:s14] =	ssyncset.done $0x0  }
0x6a: {  	s8 =	rddreg [dreg:$0xf];
	[sflag:s14] =	ssyncadd.s32 $0xFFFFC000  }
0x6b: {  	[tilespmem:s15], [sflag:$0x2] =	stream.indirect.gather [hbm4b:s4+s12], $0x80, s8, s12, $0xb8;
	[tilespmem:$0x1D000] =	vst v63  }
0x6c: {  	s9 =	rddreg [dreg:$0x10]  }
0x6d: {  	[spmem:s2] =	stream.indirect.scatter.add.f32 [tilespmem:s13], [sflag:$0x3], $0x80, s9, s12, $0xb8;
	[tilespmem:$0x1D000] =	vst v63  }
0x6e: {  	_ =	swait.ge [sflag:s10], $0x4000  }
0x6f: {  	[sflag:s10] =	ssyncset.done $0x0  }
0x70: {  	[sflag:s10] =	ssyncadd.s32 $0xFFFFC000  }
0x71: {  	_ =	swait.ge [sflag:s16], $0x4000  }
0x72: {  	[sflag:s16] =	ssyncset.done $0x0  }
0x73: {  	[sflag:s16] =	ssyncadd.s32 $0xFFFFC000  }
0x74: {  	[tilespmem:s13], [sflag:$0x1] =	stream.indirect.gather [hbm4b:s4+s12], $0x80, s17, s12, $0xb8;
	[tilespmem:$0x1D000] =	vst v63  }
0x75: {  	_ = 	snop  }
0x76: {  	[spmem:s2] =	stream.indirect.scatter.add.f32 [tilespmem:s15], [sflag:$0x3], $0x80, s18, s12, $0xb8;
	[tilespmem:$0x1D000] =	vst v63  }
0x77: {  	_ =	swait.ge [sflag:s10], $0x4000  }
0x78: {  	[sflag:s10] =	ssyncset.done $0x0  }
0x79: {  	[sflag:s10] =	ssyncadd.s32 $0xFFFFC000  }
0x7a: {  	_ =	swait.ge [sflag:s14], $0x4000  }
0x7b: {  	[sflag:s14] =	ssyncset.done $0x0  }
0x7c: {  	[sflag:s14] =	ssyncadd.s32 $0xFFFFC000  }
0x7d: {  	[tilespmem:s15], [sflag:$0x2] =	stream.indirect.gather [hbm4b:s4+s12], $0x80, s19, s12, $0xb8;
	[tilespmem:$0x1D000] =	vst v63  }
0x7e: {  	_ = 	snop  }
0x7f: {  	[spmem:s2] =	stream.indirect.scatter.add.f32 [tilespmem:s13], [sflag:$0x3], $0x80, s20, s12, $0xb8;
	[tilespmem:$0x1D000] =	vst v63  }
0x80: {  	_ =	swait.ge [sflag:s10], $0x4000  }
0x81: {  	[sflag:s10] =	ssyncset.done $0x0  }
0x82: {  	[sflag:s10] =	ssyncadd.s32 $0xFFFFC000  }
0x83: {  	_ =	swait.ge [sflag:s16], $0x4000  }
0x84: {  	[sflag:s16] =	ssyncset.done $0x0  }
0x85: {  	[sflag:s16] =	ssyncadd.s32 $0xFFFFC000  }
0x86: {  	[tilespmem:s13], [sflag:$0x1] =	stream.indirect.gather [hbm4b:s4+s12], $0x80, s21, s12, $0xb8;
	[tilespmem:$0x1D000] =	vst v63  }
0x87: {  	_ = 	snop  }
0x88: {  	[spmem:s2] =	stream.indirect.scatter.add.f32 [tilespmem:s15], [sflag:$0x3], $0x80, s22, s12, $0xb8;
	[tilespmem:$0x1D000] =	vst v63  }
0x89: {  	_ =	swait.ge [sflag:s10], $0x4000  }
0x8a: {  	[sflag:s10] =	ssyncset.done $0x0  }
0x8b: {  	[sflag:s10] =	ssyncadd.s32 $0xFFFFC000  }
0x8c: {  	_ =	swait.ge [sflag:s14], $0x4000  }
0x8d: {  	[sflag:s14] =	ssyncset.done $0x0  }
0x8e: {  	[sflag:s14] =	ssyncadd.s32 $0xFFFFC000  }
0x8f: {  	[tilespmem:s15], [sflag:$0x2] =	stream.indirect.gather [hbm4b:s4+s12], $0x80, s23, s12, $0xb8;
	[tilespmem:$0x1D000] =	vst v63  }
0x90: {  	_ = 	snop  }
0x91: {  	[spmem:s2] =	stream.indirect.scatter.add.f32 [tilespmem:s13], [sflag:$0x3], $0x80, s24, s12, $0xb8;
	[tilespmem:$0x1D000] =	vst v63  }
0x92: {  	_ =	swait.ge [sflag:s10], $0x4000  }
0x93: {  	[sflag:s10] =	ssyncset.done $0x0  }
0x94: {  	[sflag:s10] =	ssyncadd.s32 $0xFFFFC000  }
0x95: {  	_ =	swait.ge [sflag:s16], $0x4000  }
0x96: {  	[sflag:s16] =	ssyncset.done $0x0  }
0x97: {  	[sflag:s16] =	ssyncadd.s32 $0xFFFFC000  }
0x98: {  	[tilespmem:s13], [sflag:$0x1] =	stream.indirect.gather [hbm4b:s4+s12], $0x80, s25, s12, $0xb8;
	[tilespmem:$0x1D000] =	vst v63  }
0x99: {  	_ = 	snop  }
0x9a: {  	[spmem:s2] =	stream.indirect.scatter.add.f32 [tilespmem:s15], [sflag:$0x3], $0x80, s26, s12, $0xb8;
	[tilespmem:$0x1D000] =	vst v63  }
0x9b: {  	_ =	swait.ge [sflag:s10], $0x4000  }
0x9c: {  	[sflag:s10] =	ssyncset.done $0x0  }
0x9d: {  	[sflag:s10] =	ssyncadd.s32 $0xFFFFC000  }
0x9e: {  	_ =	swait.ge [sflag:s14], $0x4000  }
0x9f: {  	[sflag:s14] =	ssyncset.done $0x0  }
0xa0: {  	[sflag:s14] =	ssyncadd.s32 $0xFFFFC000  }
0xa1: {  	[tilespmem:s15], [sflag:$0x2] =	stream.indirect.gather [hbm4b:s4+s12], $0x80, s28, s12, $0xb8;
	[tilespmem:$0x1D000] =	vst v63  }
0xa2: {  	_ = 	snop  }
0xa3: {  	[spmem:s2] =	stream.indirect.scatter.add.f32 [tilespmem:s13], [sflag:$0x3], $0x80, s29, s12, $0xb8;
	[tilespmem:$0x1D000] =	vst v63  }
0xa4: {  	_ =	swait.ge [sflag:s10], $0x4000  }
0xa5: {  	[sflag:s10] =	ssyncset.done $0x0  }
0xa6: {  	[sflag:s10] =	ssyncadd.s32 $0xFFFFC000  }
0xa7: {  	_ =	swait.ge [sflag:s16], $0x4000  }
0xa8: {  	[sflag:s16] =	ssyncset.done $0x0  }
0xa9: {  	[sflag:s16] =	ssyncadd.s32 $0xFFFFC000  }
0xaa: {  	[tilespmem:s13], [sflag:$0x1] =	stream.indirect.gather [hbm4b:s4+s12], $0x80, s30, s12, $0xb8;
	[tilespmem:$0x1D000] =	vst v63  }
0xab: {  	_ = 	snop  }
0xac: {  	[spmem:s2] =	stream.indirect.scatter.add.f32 [tilespmem:s15], [sflag:$0x3], $0x80, s31, s12, $0xb8;
	[tilespmem:$0x1D000] =	vst v63  }
0xad: {  	_ =	swait.ge [sflag:s10], $0x4000  }
0xae: {  	[sflag:s10] =	ssyncset.done $0x0  }
0xaf: {  	[sflag:s10] =	ssyncadd.s32 $0xFFFFC000  }
0xb0: {  	_ =	swait.ge [sflag:s14], $0x4000  }
0xb1: {  	[sflag:s14] =	ssyncset.done $0x0  }
0xb2: {  	[sflag:s14] =	ssyncadd.s32 $0xFFFFC000  }
0xb3: {  	[tilespmem:s15], [sflag:$0x2] =	stream.indirect.gather [hbm4b:s4+s12], $0x80, s1, s12, $0xb8;
	[tilespmem:$0x1D000] =	vst v63  }
0xb4: {  	_ = 	snop  }
0xb5: {  	[spmem:s2] =	stream.indirect.scatter.add.f32 [tilespmem:s13], [sflag:$0x3], $0x80, s0, s12, $0xb8;
	[tilespmem:$0x1D000] =	vst v63  }
0xb6: {  	_ =	swait.ge [sflag:s10], $0x4000  }
0xb7: {  	[sflag:s10] =	ssyncset.done $0x0  }
0xb8: {  	[sflag:s10] =	ssyncadd.s32 $0xFFFFC000  }
0xb9: {  	_ =	swait.ge [sflag:s16], $0x4000  }
0xba: {  	[sflag:s16] =	ssyncset.done $0x0  }
0xbb: {  	[sflag:s16] =	ssyncadd.s32 $0xFFFFC000  }
0xbc: {  	[spmem:s2] =	stream.indirect.scatter.add.f32 [tilespmem:s15], [sflag:$0x3], $0x80, s5, s12, $0xb8;
	[tilespmem:$0x1D000] =	vst v63  }
0xbd: {  	s6 =	simm.s32 $0x200;
	_ =	swait.ge [sflag:s10], $0x4000  }
0xbe: {  	s8 =	simm.s32 $0x100;
	s9 =	rddreg [dreg:$0x4];
	[sflag:s10] =	ssyncset.done $0x0  }
.LBB2_2:
0xbf: {  	[sflag:s10] =	ssyncadd.s32 $0xFFFFC000;
	s9 =	sadd.s32 s8, s9  }
0xc0: {  	[tilespmem:s3], [sflag:$0x3] =	stream.linear.gather [hbm4b:s9+s3], $0x800, $0x38;
	[tilespmem:$0x1D000] =	vst v63  }
0xc1: {  	_ =	swait.ge [sflag:s10], $0x800  }
0xc2: {  	s9 =	rddreg [dreg:$0x3];
	[sflag:s10] =	ssyncset.done $0x0  }
0xc3: {  	[sflag:s10] =	ssyncadd.s32 $0xFFFFF800;
	s9 =	sadd.s32 s8, s9  }
0xc4: {  	[tilespmem:s11], [sflag:$0x3] =	stream.linear.gather [hbm4b:s9+s3], $0x800, $0x38;
	[tilespmem:$0x1D000] =	vst v63  }
0xc5: {  	_ =	swait.ge [sflag:s10], $0x800  }
0xc6: {  	[sflag:s10] =	ssyncset.done $0x0  }
0xc7: {  	[sflag:s10] =	ssyncadd.s32 $0xFFFFF800  }
0xc8: {  	[tilespmem:s13], [sflag:$0x1] =	stream.indirect.gather [hbm4b:s4+s12], $0x80, s3, s12, $0xb8;
	[tilespmem:$0x1D000] =	vst v63  }
0xc9: {  	_ =	swait.ge [sflag:s14], $0x4000  }
0xca: {  	[sflag:s14] =	ssyncset.done $0x0  }
0xcb: {  	[sflag:s14] =	ssyncadd.s32 $0xFFFFC000  }
0xcc: {  	[tilespmem:s15], [sflag:$0x2] =	stream.indirect.gather [hbm4b:s4+s12], $0x80, s12, s12, $0xb8;
	[tilespmem:$0x1D000] =	vst v63  }
0xcd: {  	_ = 	snop  }
0xce: {  	[spmem:s2] =	stream.indirect.scatter.add.f32 [tilespmem:s13], [sflag:$0x3], $0x80, s11, s12, $0xb8;
	[tilespmem:$0x1D000] =	vst v63  }
0xcf: {  	_ =	swait.ge [sflag:s10], $0x4000  }
0xd0: {  	[sflag:s10] =	ssyncset.done $0x0  }
0xd1: {  	[sflag:s10] =	ssyncadd.s32 $0xFFFFC000  }
0xd2: {  	_ =	swait.ge [sflag:s16], $0x4000  }
0xd3: {  	s7 =	smov.u32 s6;
	[sflag:s16] =	ssyncset.done $0x0  }
0xd4: {  	s8 =	smov.u32 s7;
	s7 =	rddreg [dreg:$0x5];
	[sflag:s16] =	ssyncadd.s32 $0xFFFFC000  }
0xd5: {  	[tilespmem:s13], [sflag:$0x1] =	stream.indirect.gather [hbm4b:s4+s12], $0x80, s7, s12, $0xb8;
	[tilespmem:$0x1D000] =	vst v63  }
0xd6: {  	s9 =	rddreg [dreg:$0x6]  }
0xd7: {  	[spmem:s2] =	stream.indirect.scatter.add.f32 [tilespmem:s15], [sflag:$0x3], $0x80, s9, s12, $0xb8;
	[tilespmem:$0x1D000] =	vst v63  }
0xd8: {  	_ =	swait.ge [sflag:s10], $0x4000  }
0xd9: {  	[sflag:s10] =	ssyncset.done $0x0  }
0xda: {  	[sflag:s10] =	ssyncadd.s32 $0xFFFFC000  }
0xdb: {  	_ =	swait.ge [sflag:s14], $0x4000  }
0xdc: {  	[sflag:s14] =	ssyncset.done $0x0  }
0xdd: {  	s7 =	rddreg [dreg:$0x7];
	[sflag:s14] =	ssyncadd.s32 $0xFFFFC000  }
0xde: {  	[tilespmem:s15], [sflag:$0x2] =	stream.indirect.gather [hbm4b:s4+s12], $0x80, s7, s12, $0xb8;
	[tilespmem:$0x1D000] =	vst v63  }
0xdf: {  	s9 =	rddreg [dreg:$0x8]  }
0xe0: {  	[spmem:s2] =	stream.indirect.scatter.add.f32 [tilespmem:s13], [sflag:$0x3], $0x80, s9, s12, $0xb8;
	[tilespmem:$0x1D000] =	vst v63  }
0xe1: {  	_ =	swait.ge [sflag:s10], $0x4000  }
0xe2: {  	[sflag:s10] =	ssyncset.done $0x0  }
0xe3: {  	[sflag:s10] =	ssyncadd.s32 $0xFFFFC000  }
0xe4: {  	_ =	swait.ge [sflag:s16], $0x4000  }
0xe5: {  	[sflag:s16] =	ssyncset.done $0x0  }
0xe6: {  	s7 =	rddreg [dreg:$0x9];
	[sflag:s16] =	ssyncadd.s32 $0xFFFFC000  }
0xe7: {  	[tilespmem:s13], [sflag:$0x1] =	stream.indirect.gather [hbm4b:s4+s12], $0x80, s7, s12, $0xb8;
	[tilespmem:$0x1D000] =	vst v63  }
0xe8: {  	s9 =	rddreg [dreg:$0xa]  }
0xe9: {  	[spmem:s2] =	stream.indirect.scatter.add.f32 [tilespmem:s15], [sflag:$0x3], $0x80, s9, s12, $0xb8;
	[tilespmem:$0x1D000] =	vst v63  }
0xea: {  	_ =	swait.ge [sflag:s10], $0x4000  }
0xeb: {  	[sflag:s10] =	ssyncset.done $0x0  }
0xec: {  	[sflag:s10] =	ssyncadd.s32 $0xFFFFC000  }
0xed: {  	_ =	swait.ge [sflag:s14], $0x4000  }
0xee: {  	[sflag:s14] =	ssyncset.done $0x0  }
0xef: {  	s7 =	rddreg [dreg:$0xb];
	[sflag:s14] =	ssyncadd.s32 $0xFFFFC000  }
0xf0: {  	[tilespmem:s15], [sflag:$0x2] =	stream.indirect.gather [hbm4b:s4+s12], $0x80, s7, s12, $0xb8;
	[tilespmem:$0x1D000] =	vst v63  }
0xf1: {  	s9 =	rddreg [dreg:$0xc]  }
0xf2: {  	[spmem:s2] =	stream.indirect.scatter.add.f32 [tilespmem:s13], [sflag:$0x3], $0x80, s9, s12, $0xb8;
	[tilespmem:$0x1D000] =	vst v63  }
0xf3: {  	_ =	swait.ge [sflag:s10], $0x4000  }
0xf4: {  	[sflag:s10] =	ssyncset.done $0x0  }
0xf5: {  	[sflag:s10] =	ssyncadd.s32 $0xFFFFC000  }
0xf6: {  	_ =	swait.ge [sflag:s16], $0x4000  }
0xf7: {  	[sflag:s16] =	ssyncset.done $0x0  }
0xf8: {  	s7 =	rddreg [dreg:$0xd];
	[sflag:s16] =	ssyncadd.s32 $0xFFFFC000  }
0xf9: {  	[tilespmem:s13], [sflag:$0x1] =	stream.indirect.gather [hbm4b:s4+s12], $0x80, s7, s12, $0xb8;
	[tilespmem:$0x1D000] =	vst v63  }
0xfa: {  	s9 =	rddreg [dreg:$0xe]  }
0xfb: {  	[spmem:s2] =	stream.indirect.scatter.add.f32 [tilespmem:s15], [sflag:$0x3], $0x80, s9, s12, $0xb8;
	[tilespmem:$0x1D000] =	vst v63  }
0xfc: {  	_ =	swait.ge [sflag:s10], $0x4000  }
0xfd: {  	[sflag:s10] =	ssyncset.done $0x0  }
0xfe: {  	[sflag:s10] =	ssyncadd.s32 $0xFFFFC000  }
0xff: {  	_ =	swait.ge [sflag:s14], $0x4000  }
0x100: {  	[sflag:s14] =	ssyncset.done $0x0  }
0x101: {  	s7 =	rddreg [dreg:$0xf];
	[sflag:s14] =	ssyncadd.s32 $0xFFFFC000  }
0x102: {  	[tilespmem:s15], [sflag:$0x2] =	stream.indirect.gather [hbm4b:s4+s12], $0x80, s7, s12, $0xb8;
	[tilespmem:$0x1D000] =	vst v63  }
0x103: {  	s9 =	rddreg [dreg:$0x10]  }
0x104: {  	[spmem:s2] =	stream.indirect.scatter.add.f32 [tilespmem:s13], [sflag:$0x3], $0x80, s9, s12, $0xb8;
	[tilespmem:$0x1D000] =	vst v63  }
0x105: {  	_ =	swait.ge [sflag:s10], $0x4000  }
0x106: {  	[sflag:s10] =	ssyncset.done $0x0  }
0x107: {  	[sflag:s10] =	ssyncadd.s32 $0xFFFFC000  }
0x108: {  	_ =	swait.ge [sflag:s16], $0x4000  }
0x109: {  	[sflag:s16] =	ssyncset.done $0x0  }
0x10a: {  	[sflag:s16] =	ssyncadd.s32 $0xFFFFC000  }
0x10b: {  	[tilespmem:s13], [sflag:$0x1] =	stream.indirect.gather [hbm4b:s4+s12], $0x80, s17, s12, $0xb8;
	[tilespmem:$0x1D000] =	vst v63  }
0x10c: {  	_ = 	snop  }
0x10d: {  	[spmem:s2] =	stream.indirect.scatter.add.f32 [tilespmem:s15], [sflag:$0x3], $0x80, s18, s12, $0xb8;
	[tilespmem:$0x1D000] =	vst v63  }
0x10e: {  	_ =	swait.ge [sflag:s10], $0x4000  }
0x10f: {  	[sflag:s10] =	ssyncset.done $0x0  }
0x110: {  	[sflag:s10] =	ssyncadd.s32 $0xFFFFC000  }
0x111: {  	_ =	swait.ge [sflag:s14], $0x4000  }
0x112: {  	[sflag:s14] =	ssyncset.done $0x0  }
0x113: {  	[sflag:s14] =	ssyncadd.s32 $0xFFFFC000  }
0x114: {  	[tilespmem:s15], [sflag:$0x2] =	stream.indirect.gather [hbm4b:s4+s12], $0x80, s19, s12, $0xb8;
	[tilespmem:$0x1D000] =	vst v63  }
0x115: {  	_ = 	snop  }
0x116: {  	[spmem:s2] =	stream.indirect.scatter.add.f32 [tilespmem:s13], [sflag:$0x3], $0x80, s20, s12, $0xb8;
	[tilespmem:$0x1D000] =	vst v63  }
0x117: {  	_ =	swait.ge [sflag:s10], $0x4000  }
0x118: {  	[sflag:s10] =	ssyncset.done $0x0  }
0x119: {  	[sflag:s10] =	ssyncadd.s32 $0xFFFFC000  }
0x11a: {  	_ =	swait.ge [sflag:s16], $0x4000  }
0x11b: {  	[sflag:s16] =	ssyncset.done $0x0  }
0x11c: {  	[sflag:s16] =	ssyncadd.s32 $0xFFFFC000  }
0x11d: {  	[tilespmem:s13], [sflag:$0x1] =	stream.indirect.gather [hbm4b:s4+s12], $0x80, s21, s12, $0xb8;
	[tilespmem:$0x1D000] =	vst v63  }
0x11e: {  	_ = 	snop  }
0x11f: {  	[spmem:s2] =	stream.indirect.scatter.add.f32 [tilespmem:s15], [sflag:$0x3], $0x80, s22, s12, $0xb8;
	[tilespmem:$0x1D000] =	vst v63  }
0x120: {  	_ =	swait.ge [sflag:s10], $0x4000  }
0x121: {  	[sflag:s10] =	ssyncset.done $0x0  }
0x122: {  	[sflag:s10] =	ssyncadd.s32 $0xFFFFC000  }
0x123: {  	_ =	swait.ge [sflag:s14], $0x4000  }
0x124: {  	[sflag:s14] =	ssyncset.done $0x0  }
0x125: {  	[sflag:s14] =	ssyncadd.s32 $0xFFFFC000  }
0x126: {  	[tilespmem:s15], [sflag:$0x2] =	stream.indirect.gather [hbm4b:s4+s12], $0x80, s23, s12, $0xb8;
	[tilespmem:$0x1D000] =	vst v63  }
0x127: {  	_ = 	snop  }
0x128: {  	[spmem:s2] =	stream.indirect.scatter.add.f32 [tilespmem:s13], [sflag:$0x3], $0x80, s24, s12, $0xb8;
	[tilespmem:$0x1D000] =	vst v63  }
0x129: {  	_ =	swait.ge [sflag:s10], $0x4000  }
0x12a: {  	[sflag:s10] =	ssyncset.done $0x0  }
0x12b: {  	[sflag:s10] =	ssyncadd.s32 $0xFFFFC000  }
0x12c: {  	_ =	swait.ge [sflag:s16], $0x4000  }
0x12d: {  	[sflag:s16] =	ssyncset.done $0x0  }
0x12e: {  	[sflag:s16] =	ssyncadd.s32 $0xFFFFC000  }
0x12f: {  	[tilespmem:s13], [sflag:$0x1] =	stream.indirect.gather [hbm4b:s4+s12], $0x80, s25, s12, $0xb8;
	[tilespmem:$0x1D000] =	vst v63  }
0x130: {  	_ = 	snop  }
0x131: {  	[spmem:s2] =	stream.indirect.scatter.add.f32 [tilespmem:s15], [sflag:$0x3], $0x80, s26, s12, $0xb8;
	[tilespmem:$0x1D000] =	vst v63  }
0x132: {  	_ =	swait.ge [sflag:s10], $0x4000  }
0x133: {  	[sflag:s10] =	ssyncset.done $0x0  }
0x134: {  	[sflag:s10] =	ssyncadd.s32 $0xFFFFC000  }
0x135: {  	_ =	swait.ge [sflag:s14], $0x4000  }
0x136: {  	[sflag:s14] =	ssyncset.done $0x0  }
0x137: {  	[sflag:s14] =	ssyncadd.s32 $0xFFFFC000  }
0x138: {  	[tilespmem:s15], [sflag:$0x2] =	stream.indirect.gather [hbm4b:s4+s12], $0x80, s28, s12, $0xb8;
	[tilespmem:$0x1D000] =	vst v63  }
0x139: {  	_ = 	snop  }
0x13a: {  	[spmem:s2] =	stream.indirect.scatter.add.f32 [tilespmem:s13], [sflag:$0x3], $0x80, s29, s12, $0xb8;
	[tilespmem:$0x1D000] =	vst v63  }
0x13b: {  	_ =	swait.ge [sflag:s10], $0x4000  }
0x13c: {  	[sflag:s10] =	ssyncset.done $0x0  }
0x13d: {  	[sflag:s10] =	ssyncadd.s32 $0xFFFFC000  }
0x13e: {  	_ =	swait.ge [sflag:s16], $0x4000  }
0x13f: {  	[sflag:s16] =	ssyncset.done $0x0  }
0x140: {  	[sflag:s16] =	ssyncadd.s32 $0xFFFFC000  }
0x141: {  	[tilespmem:s13], [sflag:$0x1] =	stream.indirect.gather [hbm4b:s4+s12], $0x80, s30, s12, $0xb8;
	[tilespmem:$0x1D000] =	vst v63  }
0x142: {  	_ = 	snop  }
0x143: {  	[spmem:s2] =	stream.indirect.scatter.add.f32 [tilespmem:s15], [sflag:$0x3], $0x80, s31, s12, $0xb8;
	[tilespmem:$0x1D000] =	vst v63  }
0x144: {  	_ =	swait.ge [sflag:s10], $0x4000  }
0x145: {  	[sflag:s10] =	ssyncset.done $0x0  }
0x146: {  	[sflag:s10] =	ssyncadd.s32 $0xFFFFC000  }
0x147: {  	_ =	swait.ge [sflag:s14], $0x4000  }
0x148: {  	[sflag:s14] =	ssyncset.done $0x0  }
0x149: {  	[sflag:s14] =	ssyncadd.s32 $0xFFFFC000  }
0x14a: {  	[tilespmem:s15], [sflag:$0x2] =	stream.indirect.gather [hbm4b:s4+s12], $0x80, s1, s12, $0xb8;
	[tilespmem:$0x1D000] =	vst v63  }
0x14b: {  	_ = 	snop  }
0x14c: {  	[spmem:s2] =	stream.indirect.scatter.add.f32 [tilespmem:s13], [sflag:$0x3], $0x80, s0, s12, $0xb8;
	[tilespmem:$0x1D000] =	vst v63  }
0x14d: {  	_ =	swait.ge [sflag:s10], $0x4000  }
0x14e: {  	[sflag:s10] =	ssyncset.done $0x0  }
0x14f: {  	[sflag:s10] =	ssyncadd.s32 $0xFFFFC000  }
0x150: {  	p0 =	sne.s32 s6, $0x400;
	_ =	swait.ge [sflag:s16], $0x4000  }
.Ltmp0:
0x151: {  	[sflag:s16] =	ssyncset.done $0x0;
	(pc) =	sbr.rel @p0 .LBB2_2-.Ltmp0, $4  }
0x152: {  	[sflag:s16] =	ssyncadd.s32 $0xFFFFC000  }
0x153: {  	[spmem:s2] =	stream.indirect.scatter.add.f32 [tilespmem:s15], [sflag:$0x3], $0x80, s5, s12, $0xb8;
	[tilespmem:$0x1D000] =	vst v63  }
0x154: {  	_ =	swait.ge [sflag:s10], $0x4000  }
0x155: {  	s6 =	sadd.s32 $0x100, s6;
	s9 =	rddreg [dreg:$0x4];
	[sflag:s10] =	ssyncset.done $0x0  }
0x156: {  	[sflag:s10] =	ssyncadd.s32 $0xFFFFC000;
	s6 =	sadd.s32 s8, s9  }
0x157: {  	[tilespmem:s3], [sflag:$0x3] =	stream.linear.gather [hbm4b:s6+s3], $0x800, $0x38;
	[tilespmem:$0x1D000] =	vst v63  }
0x158: {  	_ =	swait.ge [sflag:s10], $0x800  }
0x159: {  	s7 =	rddreg [dreg:$0x3];
	[sflag:s10] =	ssyncset.done $0x0  }
0x15a: {  	[sflag:s10] =	ssyncadd.s32 $0xFFFFF800;
	s6 =	sadd.s32 s8, s7  }
0x15b: {  	[tilespmem:s11], [sflag:$0x3] =	stream.linear.gather [hbm4b:s6+s3], $0x800, $0x38;
	[tilespmem:$0x1D000] =	vst v63  }
0x15c: {  	_ =	swait.ge [sflag:s10], $0x800  }
0x15d: {  	[sflag:s10] =	ssyncset.done $0x0  }
0x15e: {  	[sflag:s10] =	ssyncadd.s32 $0xFFFFF800  }
0x15f: {  	[tilespmem:s13], [sflag:$0x1] =	stream.indirect.gather [hbm4b:s4+s12], $0x80, s3, s12, $0xb8;
	[tilespmem:$0x1D000] =	vst v63  }
0x160: {  	_ =	swait.ge [sflag:s14], $0x4000  }
0x161: {  	[sflag:s14] =	ssyncset.done $0x0  }
0x162: {  	[sflag:s14] =	ssyncadd.s32 $0xFFFFC000  }
0x163: {  	[tilespmem:s15], [sflag:$0x2] =	stream.indirect.gather [hbm4b:s4+s12], $0x80, s12, s12, $0xb8;
	[tilespmem:$0x1D000] =	vst v63  }
0x164: {  	_ = 	snop  }
0x165: {  	[spmem:s2] =	stream.indirect.scatter.add.f32 [tilespmem:s13], [sflag:$0x3], $0x80, s11, s12, $0xb8;
	[tilespmem:$0x1D000] =	vst v63  }
0x166: {  	_ =	swait.ge [sflag:s10], $0x4000  }
0x167: {  	[sflag:s10] =	ssyncset.done $0x0  }
0x168: {  	[sflag:s10] =	ssyncadd.s32 $0xFFFFC000  }
0x169: {  	_ =	swait.ge [sflag:s16], $0x4000  }
0x16a: {  	[sflag:s16] =	ssyncset.done $0x0  }
0x16b: {  	s9 =	rddreg [dreg:$0x5];
	[sflag:s16] =	ssyncadd.s32 $0xFFFFC000  }
0x16c: {  	[tilespmem:s13], [sflag:$0x1] =	stream.indirect.gather [hbm4b:s4+s12], $0x80, s9, s12, $0xb8;
	[tilespmem:$0x1D000] =	vst v63  }
0x16d: {  	s7 =	rddreg [dreg:$0x6]  }
0x16e: {  	[spmem:s2] =	stream.indirect.scatter.add.f32 [tilespmem:s15], [sflag:$0x3], $0x80, s7, s12, $0xb8;
	[tilespmem:$0x1D000] =	vst v63  }
0x16f: {  	_ =	swait.ge [sflag:s10], $0x4000  }
0x170: {  	[sflag:s10] =	ssyncset.done $0x0  }
0x171: {  	[sflag:s10] =	ssyncadd.s32 $0xFFFFC000  }
0x172: {  	_ =	swait.ge [sflag:s14], $0x4000  }
0x173: {  	[sflag:s14] =	ssyncset.done $0x0  }
0x174: {  	s8 =	rddreg [dreg:$0x7];
	[sflag:s14] =	ssyncadd.s32 $0xFFFFC000  }
0x175: {  	[tilespmem:s15], [sflag:$0x2] =	stream.indirect.gather [hbm4b:s4+s12], $0x80, s8, s12, $0xb8;
	[tilespmem:$0x1D000] =	vst v63  }
0x176: {  	s9 =	rddreg [dreg:$0x8]  }
0x177: {  	[spmem:s2] =	stream.indirect.scatter.add.f32 [tilespmem:s13], [sflag:$0x3], $0x80, s9, s12, $0xb8;
	[tilespmem:$0x1D000] =	vst v63  }
0x178: {  	_ =	swait.ge [sflag:s10], $0x4000  }
0x179: {  	[sflag:s10] =	ssyncset.done $0x0  }
0x17a: {  	[sflag:s10] =	ssyncadd.s32 $0xFFFFC000  }
0x17b: {  	_ =	swait.ge [sflag:s16], $0x4000  }
0x17c: {  	[sflag:s16] =	ssyncset.done $0x0  }
0x17d: {  	s8 =	rddreg [dreg:$0x9];
	[sflag:s16] =	ssyncadd.s32 $0xFFFFC000  }
0x17e: {  	[tilespmem:s13], [sflag:$0x1] =	stream.indirect.gather [hbm4b:s4+s12], $0x80, s8, s12, $0xb8;
	[tilespmem:$0x1D000] =	vst v63  }
0x17f: {  	s9 =	rddreg [dreg:$0xa]  }
0x180: {  	[spmem:s2] =	stream.indirect.scatter.add.f32 [tilespmem:s15], [sflag:$0x3], $0x80, s9, s12, $0xb8;
	[tilespmem:$0x1D000] =	vst v63  }
0x181: {  	_ =	swait.ge [sflag:s10], $0x4000  }
0x182: {  	[sflag:s10] =	ssyncset.done $0x0  }
0x183: {  	[sflag:s10] =	ssyncadd.s32 $0xFFFFC000  }
0x184: {  	_ =	swait.ge [sflag:s14], $0x4000  }
0x185: {  	[sflag:s14] =	ssyncset.done $0x0  }
0x186: {  	s8 =	rddreg [dreg:$0xb];
	[sflag:s14] =	ssyncadd.s32 $0xFFFFC000  }
0x187: {  	[tilespmem:s15], [sflag:$0x2] =	stream.indirect.gather [hbm4b:s4+s12], $0x80, s8, s12, $0xb8;
	[tilespmem:$0x1D000] =	vst v63  }
0x188: {  	s9 =	rddreg [dreg:$0xc]  }
0x189: {  	[spmem:s2] =	stream.indirect.scatter.add.f32 [tilespmem:s13], [sflag:$0x3], $0x80, s9, s12, $0xb8;
	[tilespmem:$0x1D000] =	vst v63  }
0x18a: {  	_ =	swait.ge [sflag:s10], $0x4000  }
0x18b: {  	[sflag:s10] =	ssyncset.done $0x0  }
0x18c: {  	[sflag:s10] =	ssyncadd.s32 $0xFFFFC000  }
0x18d: {  	_ =	swait.ge [sflag:s16], $0x4000  }
0x18e: {  	[sflag:s16] =	ssyncset.done $0x0  }
0x18f: {  	s8 =	rddreg [dreg:$0xd];
	[sflag:s16] =	ssyncadd.s32 $0xFFFFC000  }
0x190: {  	[tilespmem:s13], [sflag:$0x1] =	stream.indirect.gather [hbm4b:s4+s12], $0x80, s8, s12, $0xb8;
	[tilespmem:$0x1D000] =	vst v63  }
0x191: {  	s9 =	rddreg [dreg:$0xe]  }
0x192: {  	[spmem:s2] =	stream.indirect.scatter.add.f32 [tilespmem:s15], [sflag:$0x3], $0x80, s9, s12, $0xb8;
	[tilespmem:$0x1D000] =	vst v63  }
0x193: {  	_ =	swait.ge [sflag:s10], $0x4000  }
0x194: {  	[sflag:s10] =	ssyncset.done $0x0  }
0x195: {  	[sflag:s10] =	ssyncadd.s32 $0xFFFFC000  }
0x196: {  	_ =	swait.ge [sflag:s14], $0x4000  }
0x197: {  	[sflag:s14] =	ssyncset.done $0x0  }
0x198: {  	s7 =	rddreg [dreg:$0xf];
	[sflag:s14] =	ssyncadd.s32 $0xFFFFC000  }
0x199: {  	[tilespmem:s15], [sflag:$0x2] =	stream.indirect.gather [hbm4b:s4+s12], $0x80, s7, s12, $0xb8;
	[tilespmem:$0x1D000] =	vst v63  }
0x19a: {  	s8 =	rddreg [dreg:$0x10]  }
0x19b: {  	[spmem:s2] =	stream.indirect.scatter.add.f32 [tilespmem:s13], [sflag:$0x3], $0x80, s8, s12, $0xb8;
	[tilespmem:$0x1D000] =	vst v63  }
0x19c: {  	_ =	swait.ge [sflag:s10], $0x4000  }
0x19d: {  	[sflag:s10] =	ssyncset.done $0x0  }
0x19e: {  	[sflag:s10] =	ssyncadd.s32 $0xFFFFC000  }
0x19f: {  	_ =	swait.ge [sflag:s16], $0x4000  }
0x1a0: {  	[sflag:s16] =	ssyncset.done $0x0  }
0x1a1: {  	[sflag:s16] =	ssyncadd.s32 $0xFFFFC000  }
0x1a2: {  	[tilespmem:s13], [sflag:$0x1] =	stream.indirect.gather [hbm4b:s4+s12], $0x80, s17, s12, $0xb8;
	[tilespmem:$0x1D000] =	vst v63  }
0x1a3: {  	_ = 	snop  }
0x1a4: {  	[spmem:s2] =	stream.indirect.scatter.add.f32 [tilespmem:s15], [sflag:$0x3], $0x80, s18, s12, $0xb8;
	[tilespmem:$0x1D000] =	vst v63  }
0x1a5: {  	_ =	swait.ge [sflag:s10], $0x4000  }
0x1a6: {  	[sflag:s10] =	ssyncset.done $0x0  }
0x1a7: {  	[sflag:s10] =	ssyncadd.s32 $0xFFFFC000  }
0x1a8: {  	_ =	swait.ge [sflag:s14], $0x4000  }
0x1a9: {  	[sflag:s14] =	ssyncset.done $0x0  }
0x1aa: {  	[sflag:s14] =	ssyncadd.s32 $0xFFFFC000  }
0x1ab: {  	[tilespmem:s15], [sflag:$0x2] =	stream.indirect.gather [hbm4b:s4+s12], $0x80, s19, s12, $0xb8;
	[tilespmem:$0x1D000] =	vst v63  }
0x1ac: {  	_ = 	snop  }
0x1ad: {  	[spmem:s2] =	stream.indirect.scatter.add.f32 [tilespmem:s13], [sflag:$0x3], $0x80, s20, s12, $0xb8;
	[tilespmem:$0x1D000] =	vst v63  }
0x1ae: {  	_ =	swait.ge [sflag:s10], $0x4000  }
0x1af: {  	[sflag:s10] =	ssyncset.done $0x0  }
0x1b0: {  	[sflag:s10] =	ssyncadd.s32 $0xFFFFC000  }
0x1b1: {  	_ =	swait.ge [sflag:s16], $0x4000  }
0x1b2: {  	[sflag:s16] =	ssyncset.done $0x0  }
0x1b3: {  	[sflag:s16] =	ssyncadd.s32 $0xFFFFC000  }
0x1b4: {  	[tilespmem:s13], [sflag:$0x1] =	stream.indirect.gather [hbm4b:s4+s12], $0x80, s21, s12, $0xb8;
	[tilespmem:$0x1D000] =	vst v63  }
0x1b5: {  	_ = 	snop  }
0x1b6: {  	[spmem:s2] =	stream.indirect.scatter.add.f32 [tilespmem:s15], [sflag:$0x3], $0x80, s22, s12, $0xb8;
	[tilespmem:$0x1D000] =	vst v63  }
0x1b7: {  	_ =	swait.ge [sflag:s10], $0x4000  }
0x1b8: {  	[sflag:s10] =	ssyncset.done $0x0  }
0x1b9: {  	[sflag:s10] =	ssyncadd.s32 $0xFFFFC000  }
0x1ba: {  	_ =	swait.ge [sflag:s14], $0x4000  }
0x1bb: {  	[sflag:s14] =	ssyncset.done $0x0  }
0x1bc: {  	[sflag:s14] =	ssyncadd.s32 $0xFFFFC000  }
0x1bd: {  	[tilespmem:s15], [sflag:$0x2] =	stream.indirect.gather [hbm4b:s4+s12], $0x80, s23, s12, $0xb8;
	[tilespmem:$0x1D000] =	vst v63  }
0x1be: {  	_ = 	snop  }
0x1bf: {  	[spmem:s2] =	stream.indirect.scatter.add.f32 [tilespmem:s13], [sflag:$0x3], $0x80, s24, s12, $0xb8;
	[tilespmem:$0x1D000] =	vst v63  }
0x1c0: {  	_ =	swait.ge [sflag:s10], $0x4000  }
0x1c1: {  	[sflag:s10] =	ssyncset.done $0x0  }
0x1c2: {  	[sflag:s10] =	ssyncadd.s32 $0xFFFFC000  }
0x1c3: {  	_ =	swait.ge [sflag:s16], $0x4000  }
0x1c4: {  	[sflag:s16] =	ssyncset.done $0x0  }
0x1c5: {  	[sflag:s16] =	ssyncadd.s32 $0xFFFFC000  }
0x1c6: {  	[tilespmem:s13], [sflag:$0x1] =	stream.indirect.gather [hbm4b:s4+s12], $0x80, s25, s12, $0xb8;
	[tilespmem:$0x1D000] =	vst v63  }
0x1c7: {  	_ = 	snop  }
0x1c8: {  	[spmem:s2] =	stream.indirect.scatter.add.f32 [tilespmem:s15], [sflag:$0x3], $0x80, s26, s12, $0xb8;
	[tilespmem:$0x1D000] =	vst v63  }
0x1c9: {  	_ =	swait.ge [sflag:s10], $0x4000  }
0x1ca: {  	[sflag:s10] =	ssyncset.done $0x0  }
0x1cb: {  	[sflag:s10] =	ssyncadd.s32 $0xFFFFC000  }
0x1cc: {  	_ =	swait.ge [sflag:s14], $0x4000  }
0x1cd: {  	[sflag:s14] =	ssyncset.done $0x0  }
0x1ce: {  	[sflag:s14] =	ssyncadd.s32 $0xFFFFC000  }
0x1cf: {  	[tilespmem:s15], [sflag:$0x2] =	stream.indirect.gather [hbm4b:s4+s12], $0x80, s28, s12, $0xb8;
	[tilespmem:$0x1D000] =	vst v63  }
0x1d0: {  	_ = 	snop  }
0x1d1: {  	[spmem:s2] =	stream.indirect.scatter.add.f32 [tilespmem:s13], [sflag:$0x3], $0x80, s29, s12, $0xb8;
	[tilespmem:$0x1D000] =	vst v63  }
0x1d2: {  	_ =	swait.ge [sflag:s10], $0x4000  }
0x1d3: {  	[sflag:s10] =	ssyncset.done $0x0  }
0x1d4: {  	[sflag:s10] =	ssyncadd.s32 $0xFFFFC000  }
0x1d5: {  	_ =	swait.ge [sflag:s16], $0x4000  }
0x1d6: {  	[sflag:s16] =	ssyncset.done $0x0  }
0x1d7: {  	[sflag:s16] =	ssyncadd.s32 $0xFFFFC000  }
0x1d8: {  	[tilespmem:s13], [sflag:$0x1] =	stream.indirect.gather [hbm4b:s4+s12], $0x80, s30, s12, $0xb8;
	[tilespmem:$0x1D000] =	vst v63  }
0x1d9: {  	_ = 	snop  }
0x1da: {  	[spmem:s2] =	stream.indirect.scatter.add.f32 [tilespmem:s15], [sflag:$0x3], $0x80, s31, s12, $0xb8;
	[tilespmem:$0x1D000] =	vst v63  }
0x1db: {  	_ =	swait.ge [sflag:s10], $0x4000  }
0x1dc: {  	[sflag:s10] =	ssyncset.done $0x0  }
0x1dd: {  	[sflag:s10] =	ssyncadd.s32 $0xFFFFC000  }
0x1de: {  	_ =	swait.ge [sflag:s14], $0x4000  }
0x1df: {  	[sflag:s14] =	ssyncset.done $0x0  }
0x1e0: {  	[sflag:s14] =	ssyncadd.s32 $0xFFFFC000  }
0x1e1: {  	[tilespmem:s15], [sflag:$0x2] =	stream.indirect.gather [hbm4b:s4+s12], $0x80, s1, s12, $0xb8;
	[tilespmem:$0x1D000] =	vst v63  }
0x1e2: {  	_ = 	snop  }
0x1e3: {  	[spmem:s2] =	stream.indirect.scatter.add.f32 [tilespmem:s13], [sflag:$0x3], $0x80, s0, s12, $0xb8;
	[tilespmem:$0x1D000] =	vst v63  }
0x1e4: {  	_ =	swait.ge [sflag:s10], $0x4000  }
0x1e5: {  	[sflag:s10] =	ssyncset.done $0x0  }
0x1e6: {  	[sflag:s10] =	ssyncadd.s32 $0xFFFFC000  }
0x1e7: {  	_ =	swait.ge [sflag:s16], $0x4000  }
0x1e8: {  	[sflag:s16] =	ssyncset.done $0x0  }
0x1e9: {  	[sflag:s16] =	ssyncadd.s32 $0xFFFFC000  }
0x1ea: {  	[spmem:s2] =	stream.indirect.scatter.add.f32 [tilespmem:s15], [sflag:$0x3], $0x80, s5, s12, $0xb8;
	[tilespmem:$0x1D000] =	vst v63  }
0x1eb: {  	_ =	swait.ge [sflag:s10], $0x4000  }
0x1ec: {  	[sflag:s10] =	ssyncset.done $0x0  }
0x1ed: {  	[sflag:s10] =	ssyncadd.s32 $0xFFFFC000  }
0x1ee: {  	[bflag:$0x0] =	sbarrier.arrive $0xFFFF  }
0x1ef: {  	s7 =	rddreg [dreg:$0x12]  }
0x1f0: {  	s9 =	rddreg [dreg:$0x13]  }
0x1f1: {  	s8 =	rddreg [dreg:$0x15]  }
0x1f2: {  	[hbm:s9], [sflag:s7] =	dma.local [spmem:s8], $0x2800  }
0x1f3: {  	_ =	swait.ge [sflag:s10], $0x2800  }
0x1f4: {  	s6 =	rddreg [dreg:$0x16]  }
0x1f5: {  	s9 =	sadd.s32 $0x1, s6;
	s6 =	rddreg [dreg:$0x14]  }
0x1f6: {  	p0 =	sne.s32 s9, s6  }
.Ltmp1:
0x1f7: {  	_ = 	snop;
	(pc) =	sbr.rel @p0 .LBB2_1-.Ltmp1, $3  }
0x1f8: {  	_ =	sdelay $0x1  }
0x1f9: {  	[sflag:s10] =	ssyncset.done $0x0  }
0x1fa: {  	[sflag:s10] =	ssyncadd.s32 $0xFFFFD800  }
0x1fb: {  	_ =	sfence.sel $0x180000  }
0x1fc: {  	[bflag:$0x0] =	sbarrier.arrive $0xFFFF  }
0x1fd: {  	_ =	strace $0x90000050  }
0x1fe: {  	s0 =	stileid.u32;
	[bflag:$0x2] =	sbarrier.arrive $0xFFFF  }
0x1ff: {  	p0 =	sne.s32 s0, $0x0;
	s0 =	rddreg [dreg:$0x2]  }
0x200: {  	s0 =	sadd.s32 @!p0 $0x100000, s0  }
0x201: {  	[sflag:s0] =	ssyncadd.tile.s32 @!p0 $0x1;
	_ =	shalt  }
.Lfunc_end2:
_tile_overlayer_lowered:
.L_overlay_start_2:
0x202: {  	(tag) =	ssettag $0x2  }
0x203: {  	s0 =	rddreg [dreg:$0x0];
	s2 =	stileid.u32  }
0x204: {  	s1 =	rddreg [dreg:$0x1];
	p0 =	sne.s32 s2, $0x0  }
0x205: {  	s3 =	rddreg [dreg:$0x2];
	[bflag:$0x3] =	sbarrier.arrive $0xFFFF;
	s2 =	simm.s32 @!p0 $0x1C03  }
0x206: {  	[timem:s3], [sflag:s2] =	dma.local @!p0 [hbm:s0], s1  }
0x207: {  	s0 =	simm.s32 @!p0 $0x3  }
0x208: {  	_ =	swait.ge @!p0 [sflag:s0], s1  }
0x209: {  	s1 =	ssub.s32 @!p0 $0x0, s1;
	[sflag:s0] =	ssyncset.done @!p0 $0x0  }
0x20a: {  	[sflag:s0] =	ssyncadd.s32 @!p0 s1  }
0x20b: {  	[bflag:$0x3] =	sbarrier.arrive $0xFFFF  }
0x20c: {  	_ =	shalt  }

</sc_bundles>
